<compile_context>
chip_gen: v7x
topology: tpu7x:2x2x1
jax: 0.10.2.dev20260603
libtpu: 0.0.44.dev20260713+nightly
codegen_flags: <defaults>
</compile_context>

<pallas_src>
import functools

import jax
import jax.numpy as jnp
from jax import lax
from jax.experimental import pallas as pl
from jax.experimental.pallas import tpu as pltpu
from jax.experimental.pallas import tpu_sc as plsc

_EPS = 1e-5
_L = 16
_GRP = 4


def _rsqrt16(a):
    i = plsc.bitcast(a, jnp.int32)
    i = jnp.int32(0x5F3759DF) - lax.shift_right_logical(i, 1)
    y = plsc.bitcast(i, jnp.float32)
    h = a * 0.5
    for _ in range(3):
        y = y * (1.5 - h * y * y)
    return y


def _build_sc_kernel(B, S, V, E, npw):
    mesh = plsc.VectorSubcoreMesh(core_axis_name="c", subcore_axis_name="s")
    N = B * S
    nk = E // _L
    tpi = 2 * _GRP
    cmax = ((V - 1) // 128) * 128

    @functools.partial(
        pl.kernel,
        out_type=jax.ShapeDtypeStruct((B, E, S), jnp.float32),
        mesh=mesh,
        scratch_types=[
            pltpu.VMEM((npw + 2 * tpi,), jnp.int32),
            [pltpu.VMEM((E, 128), jnp.float32) for _ in range(2 * _GRP)],
            pltpu.VMEM((E, 128), jnp.float32),
            pltpu.VMEM((E, 128), jnp.float32),
            pltpu.VMEM((E, 128), jnp.float32),
            pltpu.VMEM((E, 128), jnp.float32),
            pltpu.VMEM((E,), jnp.float32),
            pltpu.VMEM((E,), jnp.float32),
            pltpu.SemaphoreType.DMA,
            pltpu.SemaphoreType.DMA,
            pltpu.SemaphoreType.DMA,
        ],
        compiler_params=pltpu.CompilerParams(
            needs_layout_passes=False, use_tc_tiling_on_sc=True,
            disable_bounds_checks=True),
    )
    def emb_kernel(idx_hbm, tabT_hbm, posT_hbm, gamma_hbm, beta_hbm, out_hbm,
                   idx_v, bufs, outA, outB, posA, posB, g_v, b_v,
                   semA, semB, semp):
        wid = lax.axis_index("s") * 2 + lax.axis_index("c")
        base = pl.multiple_of(wid * npw, npw)
        b0 = lax.div(base, S)
        p0 = pl.multiple_of(lax.rem(base, S), 128)

        pltpu.sync_copy(idx_hbm.at[pl.ds(base, npw)], idx_v.at[pl.ds(0, npw)])
        cp1 = pltpu.async_copy(posT_hbm.at[:, pl.ds(p0, 128)], posA, semp)
        cp2 = pltpu.async_copy(posT_hbm.at[:, pl.ds(p0 + 128, 128)], posB, semp)
        pltpu.sync_copy(gamma_hbm, g_v)
        pltpu.sync_copy(beta_hbm, b_v)
        cp1.wait()
        cp2.wait()

        rows = [lax.iota(jnp.int32, _L) + k * _L for k in range(nk)]
        g = [g_v[pl.ds(k * _L, _L)] for k in range(nk)]
        b = [b_v[pl.ds(k * _L, _L)] for k in range(nk)]

        def fire(s, slot, sem):
            cc = pl.multiple_of(
                lax.max(0, lax.min(lax.div(s, 128) * 128, cmax)), 128)
            return pltpu.async_copy(
                tabT_hbm.at[:, pl.ds(cc, 128)], bufs[slot], sem)

        def drain(slot, sem):
            pltpu.make_async_copy(
                tabT_hbm.at[:, pl.ds(0, 128)], bufs[slot], sem).wait()

        def do_token(buf, t, s, pos_buf, out_buf):
            j = jnp.full((_L,), lax.rem(s, 128), jnp.int32)
            pcol = jnp.full((_L,), lax.rem(t, 128), jnp.int32)
            x = []
            for q in range(nk):
                tok = plsc.load_gather(buf, [rows[q], j])
                pv = plsc.load_gather(pos_buf, [rows[q], pcol])
                x.append(tok + pv)
            tot = x[0] + x[1] + x[2] + x[3]
            sq = x[0] * x[0] + x[1] * x[1] + x[2] * x[2] + x[3] * x[3]
            sm = jnp.sum(tot)
            sq = jnp.sum(sq)
            mean = sm * (1.0 / E)
            var = sq * (1.0 / E) - mean * mean
            meanv = jnp.full((_L,), mean, jnp.float32)
            rstd = _rsqrt16(jnp.full((_L,), var + _EPS, jnp.float32))
            for q in range(nk):
                val = (x[q] - meanv) * rstd * g[q] + b[q]
                plsc.store_scatter(out_buf, [rows[q], pcol], val)

        sv0 = idx_v[pl.ds(0, _L)]
        for k in range(_GRP):
            fire(sv0[k], k, semA)
        for k in range(_GRP):
            fire(sv0[_GRP + k], _GRP + k, semB)

        def make_chunk(pos_buf, out_buf):
            def chunk(c, carry):
                t0 = c * tpi
                sv = idx_v[pl.ds(t0, _L)]
                svn = idx_v[pl.ds(t0 + tpi, _L)]
                for k in range(_GRP):
                    drain(k, semA)
                for k in range(_GRP):
                    do_token(bufs[k], t0 + k, sv[k], pos_buf, out_buf)
                for k in range(_GRP):
                    fire(svn[k], k, semA)
                for k in range(_GRP):
                    drain(_GRP + k, semB)
                for k in range(_GRP):
                    do_token(bufs[_GRP + k], t0 + _GRP + k, sv[_GRP + k],
                             pos_buf, out_buf)
                for k in range(_GRP):
                    fire(svn[_GRP + k], _GRP + k, semB)
                return carry
            return chunk

        nhalf = (npw // 2) // tpi
        lax.fori_loop(0, nhalf, make_chunk(posA, outA), 0)
        out_cp = pltpu.async_copy(
            outA, out_hbm.at[b0, :, pl.ds(p0, 128)], semp)
        lax.fori_loop(nhalf, 2 * nhalf, make_chunk(posB, outB), 0)

        for k in range(_GRP):
            drain(k, semA)
        for k in range(_GRP):
            drain(_GRP + k, semB)

        out_cp.wait()
        pltpu.sync_copy(outB, out_hbm.at[b0, :, pl.ds(p0 + 128, 128)])

    return emb_kernel


def kernel(input_tensor, token_table, pos_table, gamma, beta):
    B, S = input_tensor.shape
    V, E = token_table.shape
    N = B * S
    npw = N // 32
    idx = input_tensor.reshape(N).astype(jnp.int32)
    f = _build_sc_kernel(B, S, V, E, npw)
    out = f(idx, token_table.T, pos_table.T, gamma, beta)
    return jnp.transpose(out, (0, 2, 1))

# --- scband reference (transcript-rebuilt; emitter-appended) ---
"""Pipeline reference for scband-joint-embedding-23871428231310 (READ-ONLY COPY).

The authoritative reference and input builder live on the scoring server;
editing this copy changes nothing except your own understanding.
"""

import jax, jax.numpy as jnp
import numpy as np

VOCAB = 1000000
MAX_SEQ = 2048
EMB = 64
PAD_IDX = 0
B = 4
S = 2048
EPS = 1e-5

def setup_inputs(seed: int = 0) -> dict:
    key = jax.random.key(seed)
    k1, k2, k3 = jax.random.split(key, 3)
    input_tensor = jax.random.randint(k1, (B, S), 0, VOCAB)
    token_table = jax.random.normal(k2, (VOCAB, EMB), dtype=jnp.float32) * 0.02
    token_table = token_table.at[PAD_IDX].set(0.0)  # padding_idx row zeroed
    pos_table = jax.random.normal(k3, (MAX_SEQ, EMB), dtype=jnp.float32) * 0.02
    gamma = jnp.ones((EMB,), dtype=jnp.float32)
    beta = jnp.zeros((EMB,), dtype=jnp.float32)
    return {"input_tensor": input_tensor, "token_table": token_table, "pos_table": pos_table, "gamma": gamma, "beta": beta}

def reference(input_tensor, token_table, pos_table, gamma, beta):
    seq_len = input_tensor.shape[-1]
    tok_emb = jnp.take(token_table, input_tensor, axis=0)  # [B, S, EMB] gather
    pos_ids = jnp.arange(seq_len, dtype=jnp.int32)
    pos_emb = jnp.take(pos_table, pos_ids, axis=0)[None, :, :]  # [1, S, EMB]
    emb = tok_emb + pos_emb
    mean = jnp.mean(emb, axis=-1, keepdims=True)
    var = jnp.var(emb, axis=-1, keepdims=True)
    emb = (emb - mean) / jnp.sqrt(var + EPS) * gamma + beta
    # dropout in eval mode is identity
    return emb

if __name__ == "__main__":
    import jax
    _d = setup_inputs()
    print(jax.jit(kernel)(*tuple(_d.values())))

</pallas_src>

<mosaic_0001>
#map = affine_map<(d0, d1) -> (0)>
#map1 = affine_map<(d0, d1) -> (0, 0)>
#map2 = affine_map<(d0, d1) -> (0, 0, 0)>
module attributes {stable_mosaic.version = 14 : i64} {
  func.func @emb_kernel(%arg0: i32, %arg1: i32, %arg2: memref<8192xi32, #tpu.memory_space<hbm>>, %arg3: memref<64x1000000xf32, #tpu.memory_space<hbm>>, %arg4: memref<64x2048xf32, #tpu.memory_space<hbm>>, %arg5: memref<64xf32, #tpu.memory_space<hbm>>, %arg6: memref<64xf32, #tpu.memory_space<hbm>>, %arg7: memref<4x64x2048xf32, #tpu.memory_space<hbm>>, %arg8: memref<272xi32, #tpu.memory_space<vmem>>, %arg9: memref<64x128xf32, #tpu.memory_space<vmem>>, %arg10: memref<64x128xf32, #tpu.memory_space<vmem>>, %arg11: memref<64x128xf32, #tpu.memory_space<vmem>>, %arg12: memref<64x128xf32, #tpu.memory_space<vmem>>, %arg13: memref<64x128xf32, #tpu.memory_space<vmem>>, %arg14: memref<64x128xf32, #tpu.memory_space<vmem>>, %arg15: memref<64x128xf32, #tpu.memory_space<vmem>>, %arg16: memref<64x128xf32, #tpu.memory_space<vmem>>, %arg17: memref<64x128xf32, #tpu.memory_space<vmem>>, %arg18: memref<64x128xf32, #tpu.memory_space<vmem>>, %arg19: memref<64x128xf32, #tpu.memory_space<vmem>>, %arg20: memref<64x128xf32, #tpu.memory_space<vmem>>, %arg21: memref<64xf32, #tpu.memory_space<vmem>>, %arg22: memref<64xf32, #tpu.memory_space<vmem>>, %arg23: memref<!tpu.dma_semaphore, #tpu.memory_space<semaphore_mem>>, %arg24: memref<!tpu.dma_semaphore, #tpu.memory_space<semaphore_mem>>, %arg25: memref<!tpu.dma_semaphore, #tpu.memory_space<semaphore_mem>>) attributes {dimension_semantics = [#tpu.dimension_semantics<core_parallel>, #tpu.dimension_semantics<subcore_parallel>], iteration_bounds = array<i64: 2, 16>, scalar_prefetch = 0 : i64, scratch_operands = 18 : i64, tpu.core_type = #tpu.core_type<sc_vector_subcore>, window_params = [{transform_indices = #map}, {transform_indices = #map1}, {transform_indices = #map1}, {transform_indices = #map}, {transform_indices = #map}, {transform_indices = #map2}]} {
    %mul3A = arith.constant 2 : i32
    %mul3A_0 = arith.muli %arg1, %mul3A : i32
    %add3A = arith.addi %mul3A_0, %arg0 : i32
    %mul3A_1 = arith.constant 256 : i32
    %mul3A_2 = arith.muli %add3A, %mul3A_1 : i32
    %multiple_of3A = tpu.assume_multiple %mul3A_2, 256 : i32
    %div3A = arith.constant 2048 : i32
    %div3A_3 = arith.divsi %multiple_of3A, %div3A : i32
    %rem3A = arith.constant 2048 : i32
    %rem3A_4 = arith.remsi %multiple_of3A, %rem3A : i32
    %multiple_of3A_5 = tpu.assume_multiple %rem3A_4, 128 : i32
    "tpu.region"() ({
      %run_scoped3A = tpu.sem_alloc : memref<!tpu.dma_semaphore, #tpu.memory_space<semaphore_mem>>
      %dma_start3A_243 = arith.constant 0 : i32
      %dma_start3A_244 = tpu.memref_slice %arg8[%dma_start3A_243] : memref<272xi32, #tpu.memory_space<vmem>> -> memref<256xi32, #tpu.memory_space<vmem>>
      %dma_start3A_245 = tpu.memref_slice %arg2[%multiple_of3A] : memref<8192xi32, #tpu.memory_space<hbm>> -> memref<256xi32, #tpu.memory_space<hbm>>
      %dma_start3A_246 = arith.constant 0 : i32
      %dma_start3A_247 = tpu.memref_slice %arg8[%dma_start3A_246] : memref<272xi32, #tpu.memory_space<vmem>> -> memref<256xi32, #tpu.memory_space<vmem>>
      %dma_start3A_248 = tpu.memref_slice %arg2[%multiple_of3A] : memref<8192xi32, #tpu.memory_space<hbm>> -> memref<256xi32, #tpu.memory_space<hbm>>
      tpu.enqueue_dma source(%dma_start3A_248 : memref<256xi32, #tpu.memory_space<hbm>>) target(%dma_start3A_247 : memref<256xi32, #tpu.memory_space<vmem>>) target_semaphore(%run_scoped3A : memref<!tpu.dma_semaphore, #tpu.memory_space<semaphore_mem>>)
      %dma_wait3A_249 = arith.constant 0 : i32
      %dma_wait3A_250 = tpu.memref_slice %arg8[%dma_wait3A_249] : memref<272xi32, #tpu.memory_space<vmem>> -> memref<256xi32, #tpu.memory_space<vmem>>
      %dma_wait3A_251 = tpu.memref_slice %arg2[%multiple_of3A] : memref<8192xi32, #tpu.memory_space<hbm>> -> memref<256xi32, #tpu.memory_space<hbm>>
      %dma_wait3A_252 = arith.constant 0 : i32
      %dma_wait3A_253 = tpu.memref_slice %arg8[%dma_wait3A_252] : memref<272xi32, #tpu.memory_space<vmem>> -> memref<256xi32, #tpu.memory_space<vmem>>
      %dma_wait3A_254 = tpu.memref_slice %arg2[%multiple_of3A] : memref<8192xi32, #tpu.memory_space<hbm>> -> memref<256xi32, #tpu.memory_space<hbm>>
      tpu.wait_dma2 semaphore(%run_scoped3A : memref<!tpu.dma_semaphore, #tpu.memory_space<semaphore_mem>>) src(%dma_wait3A_254 : memref<256xi32, #tpu.memory_space<hbm>>) dst(%dma_wait3A_253 : memref<256xi32, #tpu.memory_space<vmem>>)
      tpu.yield
    }) : () -> ()
    %dma_start3A = arith.constant 0 : i32
    %dma_start3A_6 = tpu.memref_slice %arg4[%dma_start3A, %multiple_of3A_5] : memref<64x2048xf32, #tpu.memory_space<hbm>> -> memref<64x128xf32, #tpu.memory_space<hbm>>
    %dma_start3A_7 = arith.constant 0 : i32
    %dma_start3A_8 = tpu.memref_slice %arg4[%dma_start3A_7, %multiple_of3A_5] : memref<64x2048xf32, #tpu.memory_space<hbm>> -> memref<64x128xf32, #tpu.memory_space<hbm>>
    tpu.enqueue_dma source(%dma_start3A_8 : memref<64x128xf32, #tpu.memory_space<hbm>>) target(%arg19 : memref<64x128xf32, #tpu.memory_space<vmem>>) target_semaphore(%arg25 : memref<!tpu.dma_semaphore, #tpu.memory_space<semaphore_mem>>)
    %add3A_9 = arith.constant 128 : i32
    %add3A_10 = arith.addi %multiple_of3A_5, %add3A_9 : i32
    %dma_start3A_11 = arith.constant 0 : i32
    %dma_start3A_12 = tpu.memref_slice %arg4[%dma_start3A_11, %add3A_10] : memref<64x2048xf32, #tpu.memory_space<hbm>> -> memref<64x128xf32, #tpu.memory_space<hbm>>
    %dma_start3A_13 = arith.constant 0 : i32
    %dma_start3A_14 = tpu.memref_slice %arg4[%dma_start3A_13, %add3A_10] : memref<64x2048xf32, #tpu.memory_space<hbm>> -> memref<64x128xf32, #tpu.memory_space<hbm>>
    tpu.enqueue_dma source(%dma_start3A_14 : memref<64x128xf32, #tpu.memory_space<hbm>>) target(%arg20 : memref<64x128xf32, #tpu.memory_space<vmem>>) target_semaphore(%arg25 : memref<!tpu.dma_semaphore, #tpu.memory_space<semaphore_mem>>)
    "tpu.region"() ({
      %run_scoped3A = tpu.sem_alloc : memref<!tpu.dma_semaphore, #tpu.memory_space<semaphore_mem>>
      tpu.enqueue_dma source(%arg5 : memref<64xf32, #tpu.memory_space<hbm>>) target(%arg21 : memref<64xf32, #tpu.memory_space<vmem>>) target_semaphore(%run_scoped3A : memref<!tpu.dma_semaphore, #tpu.memory_space<semaphore_mem>>)
      tpu.wait_dma2 semaphore(%run_scoped3A : memref<!tpu.dma_semaphore, #tpu.memory_space<semaphore_mem>>) src(%arg5 : memref<64xf32, #tpu.memory_space<hbm>>) dst(%arg21 : memref<64xf32, #tpu.memory_space<vmem>>)
      tpu.yield
    }) : () -> ()
    "tpu.region"() ({
      %run_scoped3A = tpu.sem_alloc : memref<!tpu.dma_semaphore, #tpu.memory_space<semaphore_mem>>
      tpu.enqueue_dma source(%arg6 : memref<64xf32, #tpu.memory_space<hbm>>) target(%arg22 : memref<64xf32, #tpu.memory_space<vmem>>) target_semaphore(%run_scoped3A : memref<!tpu.dma_semaphore, #tpu.memory_space<semaphore_mem>>)
      tpu.wait_dma2 semaphore(%run_scoped3A : memref<!tpu.dma_semaphore, #tpu.memory_space<semaphore_mem>>) src(%arg6 : memref<64xf32, #tpu.memory_space<hbm>>) dst(%arg22 : memref<64xf32, #tpu.memory_space<vmem>>)
      tpu.yield
    }) : () -> ()
    %dma_wait3A = arith.constant 0 : i32
    %dma_wait3A_15 = tpu.memref_slice %arg4[%dma_wait3A, %multiple_of3A_5] : memref<64x2048xf32, #tpu.memory_space<hbm>> -> memref<64x128xf32, #tpu.memory_space<hbm>>
    %dma_wait3A_16 = arith.constant 0 : i32
    %dma_wait3A_17 = tpu.memref_slice %arg4[%dma_wait3A_16, %multiple_of3A_5] : memref<64x2048xf32, #tpu.memory_space<hbm>> -> memref<64x128xf32, #tpu.memory_space<hbm>>
    tpu.wait_dma2 semaphore(%arg25 : memref<!tpu.dma_semaphore, #tpu.memory_space<semaphore_mem>>) src(%dma_wait3A_17 : memref<64x128xf32, #tpu.memory_space<hbm>>) dst(%arg19 : memref<64x128xf32, #tpu.memory_space<vmem>>)
    %dma_wait3A_18 = arith.constant 0 : i32
    %dma_wait3A_19 = tpu.memref_slice %arg4[%dma_wait3A_18, %add3A_10] : memref<64x2048xf32, #tpu.memory_space<hbm>> -> memref<64x128xf32, #tpu.memory_space<hbm>>
    %dma_wait3A_20 = arith.constant 0 : i32
    %dma_wait3A_21 = tpu.memref_slice %arg4[%dma_wait3A_20, %add3A_10] : memref<64x2048xf32, #tpu.memory_space<hbm>> -> memref<64x128xf32, #tpu.memory_space<hbm>>
    tpu.wait_dma2 semaphore(%arg25 : memref<!tpu.dma_semaphore, #tpu.memory_space<semaphore_mem>>) src(%dma_wait3A_21 : memref<64x128xf32, #tpu.memory_space<hbm>>) dst(%arg20 : memref<64x128xf32, #tpu.memory_space<vmem>>)
    %iota3A = tpu.iota {dimensions = array<i32: 0>} : vector<16xi32>
    %add3A_22 = arith.constant 0 : i32
    %add3A_23 = vector.broadcast %add3A_22 : i32 to vector<16xi32>
    %add3A_24 = arith.addi %iota3A, %add3A_23 : vector<16xi32>
    %iota3A_25 = tpu.iota {dimensions = array<i32: 0>} : vector<16xi32>
    %add3A_26 = arith.constant 16 : i32
    %add3A_27 = vector.broadcast %add3A_26 : i32 to vector<16xi32>
    %add3A_28 = arith.addi %iota3A_25, %add3A_27 : vector<16xi32>
    %iota3A_29 = tpu.iota {dimensions = array<i32: 0>} : vector<16xi32>
    %add3A_30 = arith.constant 32 : i32
    %add3A_31 = vector.broadcast %add3A_30 : i32 to vector<16xi32>
    %add3A_32 = arith.addi %iota3A_29, %add3A_31 : vector<16xi32>
    %iota3A_33 = tpu.iota {dimensions = array<i32: 0>} : vector<16xi32>
    %add3A_34 = arith.constant 48 : i32
    %add3A_35 = vector.broadcast %add3A_34 : i32 to vector<16xi32>
    %add3A_36 = arith.addi %iota3A_33, %add3A_35 : vector<16xi32>
    %get3A = arith.constant 0 : index
    %get3A_37 = tpu.vector_load %arg21[%get3A] {strides = array<i32>} : memref<64xf32, #tpu.memory_space<vmem>>, vector<16xf32>,
    %get3A_38 = arith.constant 16 : index
    %get3A_39 = tpu.vector_load %arg21[%get3A_38] {strides = array<i32>} : memref<64xf32, #tpu.memory_space<vmem>>, vector<16xf32>,
    %get3A_40 = arith.constant 32 : index
    %get3A_41 = tpu.vector_load %arg21[%get3A_40] {strides = array<i32>} : memref<64xf32, #tpu.memory_space<vmem>>, vector<16xf32>,
    %get3A_42 = arith.constant 48 : index
    %get3A_43 = tpu.vector_load %arg21[%get3A_42] {strides = array<i32>} : memref<64xf32, #tpu.memory_space<vmem>>, vector<16xf32>,
    %get3A_44 = arith.constant 0 : index
    %get3A_45 = tpu.vector_load %arg22[%get3A_44] {strides = array<i32>} : memref<64xf32, #tpu.memory_space<vmem>>, vector<16xf32>,
    %get3A_46 = arith.constant 16 : index
    %get3A_47 = tpu.vector_load %arg22[%get3A_46] {strides = array<i32>} : memref<64xf32, #tpu.memory_space<vmem>>, vector<16xf32>,
    %get3A_48 = arith.constant 32 : index
    %get3A_49 = tpu.vector_load %arg22[%get3A_48] {strides = array<i32>} : memref<64xf32, #tpu.memory_space<vmem>>, vector<16xf32>,
    %get3A_50 = arith.constant 48 : index
    %get3A_51 = tpu.vector_load %arg22[%get3A_50] {strides = array<i32>} : memref<64xf32, #tpu.memory_space<vmem>>, vector<16xf32>,
    %get3A_52 = arith.constant 0 : index
    %get3A_53 = tpu.vector_load %arg8[%get3A_52] {strides = array<i32>} : memref<272xi32, #tpu.memory_space<vmem>>, vector<16xi32>,
    %slice3A = vector.extract_strided_slice %get3A_53 {offsets = [0], sizes = [1], strides = [1]} : vector<16xi32> to vector<1xi32>
    %squeeze3A = vector.extract %slice3A[0] : i32 from vector<1xi32>
    %div3A_54 = arith.constant 128 : i32
    %div3A_55 = arith.divsi %squeeze3A, %div3A_54 : i32
    %mul3A_56 = arith.constant 128 : i32
    %mul3A_57 = arith.muli %div3A_55, %mul3A_56 : i32
    %min3A = arith.constant 999936 : i32
    %min3A_58 = arith.minsi %mul3A_57, %min3A : i32
    %max3A = arith.constant 0 : i32
    %max3A_59 = arith.maxsi %max3A, %min3A_58 : i32
    %multiple_of3A_60 = tpu.assume_multiple %max3A_59, 128 : i32
    %dma_start3A_61 = arith.constant 0 : i32
    %dma_start3A_62 = tpu.memref_slice %arg3[%dma_start3A_61, %multiple_of3A_60] : memref<64x1000000xf32, #tpu.memory_space<hbm>> -> memref<64x128xf32, #tpu.memory_space<hbm>>
    %dma_start3A_63 = arith.constant 0 : i32
    %dma_start3A_64 = tpu.memref_slice %arg3[%dma_start3A_63, %multiple_of3A_60] : memref<64x1000000xf32, #tpu.memory_space<hbm>> -> memref<64x128xf32, #tpu.memory_space<hbm>>
    tpu.enqueue_dma source(%dma_start3A_64 : memref<64x128xf32, #tpu.memory_space<hbm>>) target(%arg9 : memref<64x128xf32, #tpu.memory_space<vmem>>) target_semaphore(%arg23 : memref<!tpu.dma_semaphore, #tpu.memory_space<semaphore_mem>>)
    %slice3A_65 = vector.extract_strided_slice %get3A_53 {offsets = [1], sizes = [1], strides = [1]} : vector<16xi32> to vector<1xi32>
    %squeeze3A_66 = vector.extract %slice3A_65[0] : i32 from vector<1xi32>
    %div3A_67 = arith.constant 128 : i32
    %div3A_68 = arith.divsi %squeeze3A_66, %div3A_67 : i32
    %mul3A_69 = arith.constant 128 : i32
    %mul3A_70 = arith.muli %div3A_68, %mul3A_69 : i32
    %min3A_71 = arith.constant 999936 : i32
    %min3A_72 = arith.minsi %mul3A_70, %min3A_71 : i32
    %max3A_73 = arith.constant 0 : i32
    %max3A_74 = arith.maxsi %max3A_73, %min3A_72 : i32
    %multiple_of3A_75 = tpu.assume_multiple %max3A_74, 128 : i32
    %dma_start3A_76 = arith.constant 0 : i32
    %dma_start3A_77 = tpu.memref_slice %arg3[%dma_start3A_76, %multiple_of3A_75] : memref<64x1000000xf32, #tpu.memory_space<hbm>> -> memref<64x128xf32, #tpu.memory_space<hbm>>
    %dma_start3A_78 = arith.constant 0 : i32
    %dma_start3A_79 = tpu.memref_slice %arg3[%dma_start3A_78, %multiple_of3A_75] : memref<64x1000000xf32, #tpu.memory_space<hbm>> -> memref<64x128xf32, #tpu.memory_space<hbm>>
    tpu.enqueue_dma source(%dma_start3A_79 : memref<64x128xf32, #tpu.memory_space<hbm>>) target(%arg10 : memref<64x128xf32, #tpu.memory_space<vmem>>) target_semaphore(%arg23 : memref<!tpu.dma_semaphore, #tpu.memory_space<semaphore_mem>>)
    %slice3A_80 = vector.extract_strided_slice %get3A_53 {offsets = [2], sizes = [1], strides = [1]} : vector<16xi32> to vector<1xi32>
    %squeeze3A_81 = vector.extract %slice3A_80[0] : i32 from vector<1xi32>
    %div3A_82 = arith.constant 128 : i32
    %div3A_83 = arith.divsi %squeeze3A_81, %div3A_82 : i32
    %mul3A_84 = arith.constant 128 : i32
    %mul3A_85 = arith.muli %div3A_83, %mul3A_84 : i32
    %min3A_86 = arith.constant 999936 : i32
    %min3A_87 = arith.minsi %mul3A_85, %min3A_86 : i32
    %max3A_88 = arith.constant 0 : i32
    %max3A_89 = arith.maxsi %max3A_88, %min3A_87 : i32
    %multiple_of3A_90 = tpu.assume_multiple %max3A_89, 128 : i32
    %dma_start3A_91 = arith.constant 0 : i32
    %dma_start3A_92 = tpu.memref_slice %arg3[%dma_start3A_91, %multiple_of3A_90] : memref<64x1000000xf32, #tpu.memory_space<hbm>> -> memref<64x128xf32, #tpu.memory_space<hbm>>
    %dma_start3A_93 = arith.constant 0 : i32
    %dma_start3A_94 = tpu.memref_slice %arg3[%dma_start3A_93, %multiple_of3A_90] : memref<64x1000000xf32, #tpu.memory_space<hbm>> -> memref<64x128xf32, #tpu.memory_space<hbm>>
    tpu.enqueue_dma source(%dma_start3A_94 : memref<64x128xf32, #tpu.memory_space<hbm>>) target(%arg11 : memref<64x128xf32, #tpu.memory_space<vmem>>) target_semaphore(%arg23 : memref<!tpu.dma_semaphore, #tpu.memory_space<semaphore_mem>>)
    %slice3A_95 = vector.extract_strided_slice %get3A_53 {offsets = [3], sizes = [1], strides = [1]} : vector<16xi32> to vector<1xi32>
    %squeeze3A_96 = vector.extract %slice3A_95[0] : i32 from vector<1xi32>
    %div3A_97 = arith.constant 128 : i32
    %div3A_98 = arith.divsi %squeeze3A_96, %div3A_97 : i32
    %mul3A_99 = arith.constant 128 : i32
    %mul3A_100 = arith.muli %div3A_98, %mul3A_99 : i32
    %min3A_101 = arith.constant 999936 : i32
    %min3A_102 = arith.minsi %mul3A_100, %min3A_101 : i32
    %max3A_103 = arith.constant 0 : i32
    %max3A_104 = arith.maxsi %max3A_103, %min3A_102 : i32
    %multiple_of3A_105 = tpu.assume_multiple %max3A_104, 128 : i32
    %dma_start3A_106 = arith.constant 0 : i32
    %dma_start3A_107 = tpu.memref_slice %arg3[%dma_start3A_106, %multiple_of3A_105] : memref<64x1000000xf32, #tpu.memory_space<hbm>> -> memref<64x128xf32, #tpu.memory_space<hbm>>
    %dma_start3A_108 = arith.constant 0 : i32
    %dma_start3A_109 = tpu.memref_slice %arg3[%dma_start3A_108, %multiple_of3A_105] : memref<64x1000000xf32, #tpu.memory_space<hbm>> -> memref<64x128xf32, #tpu.memory_space<hbm>>
    tpu.enqueue_dma source(%dma_start3A_109 : memref<64x128xf32, #tpu.memory_space<hbm>>) target(%arg12 : memref<64x128xf32, #tpu.memory_space<vmem>>) target_semaphore(%arg23 : memref<!tpu.dma_semaphore, #tpu.memory_space<semaphore_mem>>)
    %slice3A_110 = vector.extract_strided_slice %get3A_53 {offsets = [4], sizes = [1], strides = [1]} : vector<16xi32> to vector<1xi32>
    %squeeze3A_111 = vector.extract %slice3A_110[0] : i32 from vector<1xi32>
    %div3A_112 = arith.constant 128 : i32
    %div3A_113 = arith.divsi %squeeze3A_111, %div3A_112 : i32
    %mul3A_114 = arith.constant 128 : i32
    %mul3A_115 = arith.muli %div3A_113, %mul3A_114 : i32
    %min3A_116 = arith.constant 999936 : i32
    %min3A_117 = arith.minsi %mul3A_115, %min3A_116 : i32
    %max3A_118 = arith.constant 0 : i32
    %max3A_119 = arith.maxsi %max3A_118, %min3A_117 : i32
    %multiple_of3A_120 = tpu.assume_multiple %max3A_119, 128 : i32
    %dma_start3A_121 = arith.constant 0 : i32
    %dma_start3A_122 = tpu.memref_slice %arg3[%dma_start3A_121, %multiple_of3A_120] : memref<64x1000000xf32, #tpu.memory_space<hbm>> -> memref<64x128xf32, #tpu.memory_space<hbm>>
    %dma_start3A_123 = arith.constant 0 : i32
    %dma_start3A_124 = tpu.memref_slice %arg3[%dma_start3A_123, %multiple_of3A_120] : memref<64x1000000xf32, #tpu.memory_space<hbm>> -> memref<64x128xf32, #tpu.memory_space<hbm>>
    tpu.enqueue_dma source(%dma_start3A_124 : memref<64x128xf32, #tpu.memory_space<hbm>>) target(%arg13 : memref<64x128xf32, #tpu.memory_space<vmem>>) target_semaphore(%arg24 : memref<!tpu.dma_semaphore, #tpu.memory_space<semaphore_mem>>)
    %slice3A_125 = vector.extract_strided_slice %get3A_53 {offsets = [5], sizes = [1], strides = [1]} : vector<16xi32> to vector<1xi32>
    %squeeze3A_126 = vector.extract %slice3A_125[0] : i32 from vector<1xi32>
    %div3A_127 = arith.constant 128 : i32
    %div3A_128 = arith.divsi %squeeze3A_126, %div3A_127 : i32
    %mul3A_129 = arith.constant 128 : i32
    %mul3A_130 = arith.muli %div3A_128, %mul3A_129 : i32
    %min3A_131 = arith.constant 999936 : i32
    %min3A_132 = arith.minsi %mul3A_130, %min3A_131 : i32
    %max3A_133 = arith.constant 0 : i32
    %max3A_134 = arith.maxsi %max3A_133, %min3A_132 : i32
    %multiple_of3A_135 = tpu.assume_multiple %max3A_134, 128 : i32
    %dma_start3A_136 = arith.constant 0 : i32
    %dma_start3A_137 = tpu.memref_slice %arg3[%dma_start3A_136, %multiple_of3A_135] : memref<64x1000000xf32, #tpu.memory_space<hbm>> -> memref<64x128xf32, #tpu.memory_space<hbm>>
    %dma_start3A_138 = arith.constant 0 : i32
    %dma_start3A_139 = tpu.memref_slice %arg3[%dma_start3A_138, %multiple_of3A_135] : memref<64x1000000xf32, #tpu.memory_space<hbm>> -> memref<64x128xf32, #tpu.memory_space<hbm>>
    tpu.enqueue_dma source(%dma_start3A_139 : memref<64x128xf32, #tpu.memory_space<hbm>>) target(%arg14 : memref<64x128xf32, #tpu.memory_space<vmem>>) target_semaphore(%arg24 : memref<!tpu.dma_semaphore, #tpu.memory_space<semaphore_mem>>)
    %slice3A_140 = vector.extract_strided_slice %get3A_53 {offsets = [6], sizes = [1], strides = [1]} : vector<16xi32> to vector<1xi32>
    %squeeze3A_141 = vector.extract %slice3A_140[0] : i32 from vector<1xi32>
    %div3A_142 = arith.constant 128 : i32
    %div3A_143 = arith.divsi %squeeze3A_141, %div3A_142 : i32
    %mul3A_144 = arith.constant 128 : i32
    %mul3A_145 = arith.muli %div3A_143, %mul3A_144 : i32
    %min3A_146 = arith.constant 999936 : i32
    %min3A_147 = arith.minsi %mul3A_145, %min3A_146 : i32
    %max3A_148 = arith.constant 0 : i32
    %max3A_149 = arith.maxsi %max3A_148, %min3A_147 : i32
    %multiple_of3A_150 = tpu.assume_multiple %max3A_149, 128 : i32
    %dma_start3A_151 = arith.constant 0 : i32
    %dma_start3A_152 = tpu.memref_slice %arg3[%dma_start3A_151, %multiple_of3A_150] : memref<64x1000000xf32, #tpu.memory_space<hbm>> -> memref<64x128xf32, #tpu.memory_space<hbm>>
    %dma_start3A_153 = arith.constant 0 : i32
    %dma_start3A_154 = tpu.memref_slice %arg3[%dma_start3A_153, %multiple_of3A_150] : memref<64x1000000xf32, #tpu.memory_space<hbm>> -> memref<64x128xf32, #tpu.memory_space<hbm>>
    tpu.enqueue_dma source(%dma_start3A_154 : memref<64x128xf32, #tpu.memory_space<hbm>>) target(%arg15 : memref<64x128xf32, #tpu.memory_space<vmem>>) target_semaphore(%arg24 : memref<!tpu.dma_semaphore, #tpu.memory_space<semaphore_mem>>)
    %slice3A_155 = vector.extract_strided_slice %get3A_53 {offsets = [7], sizes = [1], strides = [1]} : vector<16xi32> to vector<1xi32>
    %squeeze3A_156 = vector.extract %slice3A_155[0] : i32 from vector<1xi32>
    %div3A_157 = arith.constant 128 : i32
    %div3A_158 = arith.divsi %squeeze3A_156, %div3A_157 : i32
    %mul3A_159 = arith.constant 128 : i32
    %mul3A_160 = arith.muli %div3A_158, %mul3A_159 : i32
    %min3A_161 = arith.constant 999936 : i32
    %min3A_162 = arith.minsi %mul3A_160, %min3A_161 : i32
    %max3A_163 = arith.constant 0 : i32
    %max3A_164 = arith.maxsi %max3A_163, %min3A_162 : i32
    %multiple_of3A_165 = tpu.assume_multiple %max3A_164, 128 : i32
    %dma_start3A_166 = arith.constant 0 : i32
    %dma_start3A_167 = tpu.memref_slice %arg3[%dma_start3A_166, %multiple_of3A_165] : memref<64x1000000xf32, #tpu.memory_space<hbm>> -> memref<64x128xf32, #tpu.memory_space<hbm>>
    %dma_start3A_168 = arith.constant 0 : i32
    %dma_start3A_169 = tpu.memref_slice %arg3[%dma_start3A_168, %multiple_of3A_165] : memref<64x1000000xf32, #tpu.memory_space<hbm>> -> memref<64x128xf32, #tpu.memory_space<hbm>>
    tpu.enqueue_dma source(%dma_start3A_169 : memref<64x128xf32, #tpu.memory_space<hbm>>) target(%arg16 : memref<64x128xf32, #tpu.memory_space<vmem>>) target_semaphore(%arg24 : memref<!tpu.dma_semaphore, #tpu.memory_space<semaphore_mem>>)
    %scan3A = arith.constant 0 : i32
    %scan3A_170 = arith.constant 0 : i32
    %scan3A_171 = arith.constant 16 : i32
    %scan3A_172 = arith.addi %scan3A_170, %scan3A_171 : i32
    %scan3A_173 = arith.constant 1 : i32
    scf.for %scan3A_243 = %scan3A_170 to %scan3A_172 step %scan3A_173  : i32 {
      %mul3A_244 = arith.constant 8 : i32
      %mul3A_245 = arith.muli %scan3A_243, %mul3A_244 : i32
      %get3A_246 = arith.index_cast %mul3A_245 : i32 to index
      %get3A_247 = tpu.vector_load %arg8[%get3A_246] {strides = array<i32>} : memref<272xi32, #tpu.memory_space<vmem>>, vector<16xi32>,
      %add3A_248 = arith.constant 8 : i32
      %add3A_249 = arith.addi %mul3A_245, %add3A_248 : i32
      %get3A_250 = arith.index_cast %add3A_249 : i32 to index
      %get3A_251 = tpu.vector_load %arg8[%get3A_250] {strides = array<i32>} : memref<272xi32, #tpu.memory_space<vmem>>, vector<16xi32>,
      %dma_wait3A_252 = arith.constant 0 : i32
      %dma_wait3A_253 = arith.constant 0 : i32
      %dma_wait3A_254 = tpu.memref_slice %arg3[%dma_wait3A_252, %dma_wait3A_253] : memref<64x1000000xf32, #tpu.memory_space<hbm>> -> memref<64x128xf32, #tpu.memory_space<hbm>>
      %dma_wait3A_255 = arith.constant 0 : i32
      %dma_wait3A_256 = arith.constant 0 : i32
      %dma_wait3A_257 = tpu.memref_slice %arg3[%dma_wait3A_255, %dma_wait3A_256] : memref<64x1000000xf32, #tpu.memory_space<hbm>> -> memref<64x128xf32, #tpu.memory_space<hbm>>
      tpu.wait_dma2 semaphore(%arg23 : memref<!tpu.dma_semaphore, #tpu.memory_space<semaphore_mem>>) src(%dma_wait3A_257 : memref<64x128xf32, #tpu.memory_space<hbm>>) dst(%arg9 : memref<64x128xf32, #tpu.memory_space<vmem>>)
      %dma_wait3A_258 = arith.constant 0 : i32
      %dma_wait3A_259 = arith.constant 0 : i32
      %dma_wait3A_260 = tpu.memref_slice %arg3[%dma_wait3A_258, %dma_wait3A_259] : memref<64x1000000xf32, #tpu.memory_space<hbm>> -> memref<64x128xf32, #tpu.memory_space<hbm>>
      %dma_wait3A_261 = arith.constant 0 : i32
      %dma_wait3A_262 = arith.constant 0 : i32
      %dma_wait3A_263 = tpu.memref_slice %arg3[%dma_wait3A_261, %dma_wait3A_262] : memref<64x1000000xf32, #tpu.memory_space<hbm>> -> memref<64x128xf32, #tpu.memory_space<hbm>>
      tpu.wait_dma2 semaphore(%arg23 : memref<!tpu.dma_semaphore, #tpu.memory_space<semaphore_mem>>) src(%dma_wait3A_263 : memref<64x128xf32, #tpu.memory_space<hbm>>) dst(%arg10 : memref<64x128xf32, #tpu.memory_space<vmem>>)
      %dma_wait3A_264 = arith.constant 0 : i32
      %dma_wait3A_265 = arith.constant 0 : i32
      %dma_wait3A_266 = tpu.memref_slice %arg3[%dma_wait3A_264, %dma_wait3A_265] : memref<64x1000000xf32, #tpu.memory_space<hbm>> -> memref<64x128xf32, #tpu.memory_space<hbm>>
      %dma_wait3A_267 = arith.constant 0 : i32
      %dma_wait3A_268 = arith.constant 0 : i32
      %dma_wait3A_269 = tpu.memref_slice %arg3[%dma_wait3A_267, %dma_wait3A_268] : memref<64x1000000xf32, #tpu.memory_space<hbm>> -> memref<64x128xf32, #tpu.memory_space<hbm>>
      tpu.wait_dma2 semaphore(%arg23 : memref<!tpu.dma_semaphore, #tpu.memory_space<semaphore_mem>>) src(%dma_wait3A_269 : memref<64x128xf32, #tpu.memory_space<hbm>>) dst(%arg11 : memref<64x128xf32, #tpu.memory_space<vmem>>)
      %dma_wait3A_270 = arith.constant 0 : i32
      %dma_wait3A_271 = arith.constant 0 : i32
      %dma_wait3A_272 = tpu.memref_slice %arg3[%dma_wait3A_270, %dma_wait3A_271] : memref<64x1000000xf32, #tpu.memory_space<hbm>> -> memref<64x128xf32, #tpu.memory_space<hbm>>
      %dma_wait3A_273 = arith.constant 0 : i32
      %dma_wait3A_274 = arith.constant 0 : i32
      %dma_wait3A_275 = tpu.memref_slice %arg3[%dma_wait3A_273, %dma_wait3A_274] : memref<64x1000000xf32, #tpu.memory_space<hbm>> -> memref<64x128xf32, #tpu.memory_space<hbm>>
      tpu.wait_dma2 semaphore(%arg23 : memref<!tpu.dma_semaphore, #tpu.memory_space<semaphore_mem>>) src(%dma_wait3A_275 : memref<64x128xf32, #tpu.memory_space<hbm>>) dst(%arg12 : memref<64x128xf32, #tpu.memory_space<vmem>>)
      %add3A_276 = arith.constant 0 : i32
      %add3A_277 = arith.addi %mul3A_245, %add3A_276 : i32
      %slice3A_278 = vector.extract_strided_slice %get3A_247 {offsets = [0], sizes = [1], strides = [1]} : vector<16xi32> to vector<1xi32>
      %squeeze3A_279 = vector.extract %slice3A_278[0] : i32 from vector<1xi32>
      %rem3A_280 = arith.constant 128 : i32
      %rem3A_281 = arith.remsi %squeeze3A_279, %rem3A_280 : i32
      %broadcast_in_dim3A = vector.broadcast %rem3A_281 : i32 to vector<16xi32>
      %rem3A_282 = arith.constant 128 : i32
      %rem3A_283 = arith.remsi %add3A_277, %rem3A_282 : i32
      %broadcast_in_dim3A_284 = vector.broadcast %rem3A_283 : i32 to vector<16xi32>
      %gather3A = tpu.vector_load_idx %arg9[%add3A_24, %broadcast_in_dim3A] : memref<64x128xf32, #tpu.memory_space<vmem>>[vector<16xi32>, vector<16xi32>], vector<16xf32>,
      %gather3A_285 = tpu.vector_load_idx %arg19[%add3A_24, %broadcast_in_dim3A_284] : memref<64x128xf32, #tpu.memory_space<vmem>>[vector<16xi32>, vector<16xi32>], vector<16xf32>,
      %add3A_286 = arith.addf %gather3A, %gather3A_285 : vector<16xf32>
      %gather3A_287 = tpu.vector_load_idx %arg9[%add3A_28, %broadcast_in_dim3A] : memref<64x128xf32, #tpu.memory_space<vmem>>[vector<16xi32>, vector<16xi32>], vector<16xf32>,
      %gather3A_288 = tpu.vector_load_idx %arg19[%add3A_28, %broadcast_in_dim3A_284] : memref<64x128xf32, #tpu.memory_space<vmem>>[vector<16xi32>, vector<16xi32>], vector<16xf32>,
      %add3A_289 = arith.addf %gather3A_287, %gather3A_288 : vector<16xf32>
      %gather3A_290 = tpu.vector_load_idx %arg9[%add3A_32, %broadcast_in_dim3A] : memref<64x128xf32, #tpu.memory_space<vmem>>[vector<16xi32>, vector<16xi32>], vector<16xf32>,
      %gather3A_291 = tpu.vector_load_idx %arg19[%add3A_32, %broadcast_in_dim3A_284] : memref<64x128xf32, #tpu.memory_space<vmem>>[vector<16xi32>, vector<16xi32>], vector<16xf32>,
      %add3A_292 = arith.addf %gather3A_290, %gather3A_291 : vector<16xf32>
      %gather3A_293 = tpu.vector_load_idx %arg9[%add3A_36, %broadcast_in_dim3A] : memref<64x128xf32, #tpu.memory_space<vmem>>[vector<16xi32>, vector<16xi32>], vector<16xf32>,
      %gather3A_294 = tpu.vector_load_idx %arg19[%add3A_36, %broadcast_in_dim3A_284] : memref<64x128xf32, #tpu.memory_space<vmem>>[vector<16xi32>, vector<16xi32>], vector<16xf32>,
      %add3A_295 = arith.addf %gather3A_293, %gather3A_294 : vector<16xf32>
      %add3A_296 = arith.addf %add3A_286, %add3A_289 : vector<16xf32>
      %add3A_297 = arith.addf %add3A_296, %add3A_292 : vector<16xf32>
      %add3A_298 = arith.addf %add3A_297, %add3A_295 : vector<16xf32>
      %mul3A_299 = arith.mulf %add3A_286, %add3A_286 : vector<16xf32>
      %mul3A_300 = arith.mulf %add3A_289, %add3A_289 : vector<16xf32>
      %add3A_301 = arith.addf %mul3A_299, %mul3A_300 : vector<16xf32>
      %mul3A_302 = arith.mulf %add3A_292, %add3A_292 : vector<16xf32>
      %add3A_303 = arith.addf %add3A_301, %mul3A_302 : vector<16xf32>
      %mul3A_304 = arith.mulf %add3A_295, %add3A_295 : vector<16xf32>
      %add3A_305 = arith.addf %add3A_303, %mul3A_304 : vector<16xf32>
      %reduce_sum3A = arith.constant true
      %reduce_sum3A_306 = vector.broadcast %reduce_sum3A : i1 to vector<16xi1>
      %reduce_sum3A_307 = tpu.scan <sum>, %add3A_298 masked %reduce_sum3A_306 : vector<16xf32>, vector<16xi1> -> vector<16xf32>
      %reduce_sum3A_308 = vector.extract %reduce_sum3A_307[15] : f32 from vector<16xf32>
      %reduce_sum3A_309 = arith.constant true
      %reduce_sum3A_310 = vector.broadcast %reduce_sum3A_309 : i1 to vector<16xi1>
      %reduce_sum3A_311 = tpu.scan <sum>, %add3A_305 masked %reduce_sum3A_310 : vector<16xf32>, vector<16xi1> -> vector<16xf32>
      %reduce_sum3A_312 = vector.extract %reduce_sum3A_311[15] : f32 from vector<16xf32>
      %mul3A_313 = arith.constant 1.562500e-02 : f32
      %mul3A_314 = arith.mulf %reduce_sum3A_308, %mul3A_313 : f32
      %mul3A_315 = arith.constant 1.562500e-02 : f32
      %mul3A_316 = arith.mulf %reduce_sum3A_312, %mul3A_315 : f32
      %mul3A_317 = arith.mulf %mul3A_314, %mul3A_314 : f32
      %sub3A = arith.subf %mul3A_316, %mul3A_317 : f32
      %broadcast_in_dim3A_318 = vector.broadcast %mul3A_314 : f32 to vector<16xf32>
      %add3A_319 = arith.constant 9.99999974E-6 : f32
      %add3A_320 = arith.addf %sub3A, %add3A_319 : f32
      %broadcast_in_dim3A_321 = vector.broadcast %add3A_320 : f32 to vector<16xf32>
      %bitcast3A = vector.bitcast %broadcast_in_dim3A_321 : vector<16xf32> to vector<16xi32>
      %shift_right_logical3A = arith.constant 1 : i32
      %shift_right_logical3A_322 = vector.broadcast %shift_right_logical3A : i32 to vector<16xi32>
      %shift_right_logical3A_323 = arith.shrui %bitcast3A, %shift_right_logical3A_322 : vector<16xi32>
      %sub3A_324 = arith.constant 1597463007 : i32
      %sub3A_325 = vector.broadcast %sub3A_324 : i32 to vector<16xi32>
      %sub3A_326 = arith.subi %sub3A_325, %shift_right_logical3A_323 : vector<16xi32>
      %bitcast3A_327 = vector.bitcast %sub3A_326 : vector<16xi32> to vector<16xf32>
      %mul3A_328 = arith.constant 5.000000e-01 : f32
      %mul3A_329 = vector.broadcast %mul3A_328 : f32 to vector<16xf32>
      %mul3A_330 = arith.mulf %broadcast_in_dim3A_321, %mul3A_329 : vector<16xf32>
      %mul3A_331 = arith.mulf %mul3A_330, %bitcast3A_327 : vector<16xf32>
      %mul3A_332 = arith.mulf %mul3A_331, %bitcast3A_327 : vector<16xf32>
      %sub3A_333 = arith.constant 1.500000e+00 : f32
      %sub3A_334 = vector.broadcast %sub3A_333 : f32 to vector<16xf32>
      %sub3A_335 = arith.subf %sub3A_334, %mul3A_332 : vector<16xf32>
      %mul3A_336 = arith.mulf %bitcast3A_327, %sub3A_335 : vector<16xf32>
      %mul3A_337 = arith.mulf %mul3A_330, %mul3A_336 : vector<16xf32>
      %mul3A_338 = arith.mulf %mul3A_337, %mul3A_336 : vector<16xf32>
      %sub3A_339 = arith.constant 1.500000e+00 : f32
      %sub3A_340 = vector.broadcast %sub3A_339 : f32 to vector<16xf32>
      %sub3A_341 = arith.subf %sub3A_340, %mul3A_338 : vector<16xf32>
      %mul3A_342 = arith.mulf %mul3A_336, %sub3A_341 : vector<16xf32>
      %mul3A_343 = arith.mulf %mul3A_330, %mul3A_342 : vector<16xf32>
      %mul3A_344 = arith.mulf %mul3A_343, %mul3A_342 : vector<16xf32>
      %sub3A_345 = arith.constant 1.500000e+00 : f32
      %sub3A_346 = vector.broadcast %sub3A_345 : f32 to vector<16xf32>
      %sub3A_347 = arith.subf %sub3A_346, %mul3A_344 : vector<16xf32>
      %mul3A_348 = arith.mulf %mul3A_342, %sub3A_347 : vector<16xf32>
      %sub3A_349 = arith.subf %add3A_286, %broadcast_in_dim3A_318 : vector<16xf32>
      %mul3A_350 = arith.mulf %sub3A_349, %mul3A_348 : vector<16xf32>
      %mul3A_351 = arith.mulf %mul3A_350, %get3A_37 : vector<16xf32>
      %add3A_352 = arith.addf %mul3A_351, %get3A_45 : vector<16xf32>
      tpu.vector_store_idx %arg17[%add3A_24, %broadcast_in_dim3A_284], %add3A_352 : memref<64x128xf32, #tpu.memory_space<vmem>>[vector<16xi32>, vector<16xi32>], vector<16xf32>,
      %sub3A_353 = arith.subf %add3A_289, %broadcast_in_dim3A_318 : vector<16xf32>
      %mul3A_354 = arith.mulf %sub3A_353, %mul3A_348 : vector<16xf32>
      %mul3A_355 = arith.mulf %mul3A_354, %get3A_39 : vector<16xf32>
      %add3A_356 = arith.addf %mul3A_355, %get3A_47 : vector<16xf32>
      tpu.vector_store_idx %arg17[%add3A_28, %broadcast_in_dim3A_284], %add3A_356 : memref<64x128xf32, #tpu.memory_space<vmem>>[vector<16xi32>, vector<16xi32>], vector<16xf32>,
      %sub3A_357 = arith.subf %add3A_292, %broadcast_in_dim3A_318 : vector<16xf32>
      %mul3A_358 = arith.mulf %sub3A_357, %mul3A_348 : vector<16xf32>
      %mul3A_359 = arith.mulf %mul3A_358, %get3A_41 : vector<16xf32>
      %add3A_360 = arith.addf %mul3A_359, %get3A_49 : vector<16xf32>
      tpu.vector_store_idx %arg17[%add3A_32, %broadcast_in_dim3A_284], %add3A_360 : memref<64x128xf32, #tpu.memory_space<vmem>>[vector<16xi32>, vector<16xi32>], vector<16xf32>,
      %sub3A_361 = arith.subf %add3A_295, %broadcast_in_dim3A_318 : vector<16xf32>
      %mul3A_362 = arith.mulf %sub3A_361, %mul3A_348 : vector<16xf32>
      %mul3A_363 = arith.mulf %mul3A_362, %get3A_43 : vector<16xf32>
      %add3A_364 = arith.addf %mul3A_363, %get3A_51 : vector<16xf32>
      tpu.vector_store_idx %arg17[%add3A_36, %broadcast_in_dim3A_284], %add3A_364 : memref<64x128xf32, #tpu.memory_space<vmem>>[vector<16xi32>, vector<16xi32>], vector<16xf32>,
      %add3A_365 = arith.constant 1 : i32
      %add3A_366 = arith.addi %mul3A_245, %add3A_365 : i32
      %slice3A_367 = vector.extract_strided_slice %get3A_247 {offsets = [1], sizes = [1], strides = [1]} : vector<16xi32> to vector<1xi32>
      %squeeze3A_368 = vector.extract %slice3A_367[0] : i32 from vector<1xi32>
      %rem3A_369 = arith.constant 128 : i32
      %rem3A_370 = arith.remsi %squeeze3A_368, %rem3A_369 : i32
      %broadcast_in_dim3A_371 = vector.broadcast %rem3A_370 : i32 to vector<16xi32>
      %rem3A_372 = arith.constant 128 : i32
      %rem3A_373 = arith.remsi %add3A_366, %rem3A_372 : i32
      %broadcast_in_dim3A_374 = vector.broadcast %rem3A_373 : i32 to vector<16xi32>
      %gather3A_375 = tpu.vector_load_idx %arg10[%add3A_24, %broadcast_in_dim3A_371] : memref<64x128xf32, #tpu.memory_space<vmem>>[vector<16xi32>, vector<16xi32>], vector<16xf32>,
      %gather3A_376 = tpu.vector_load_idx %arg19[%add3A_24, %broadcast_in_dim3A_374] : memref<64x128xf32, #tpu.memory_space<vmem>>[vector<16xi32>, vector<16xi32>], vector<16xf32>,
      %add3A_377 = arith.addf %gather3A_375, %gather3A_376 : vector<16xf32>
      %gather3A_378 = tpu.vector_load_idx %arg10[%add3A_28, %broadcast_in_dim3A_371] : memref<64x128xf32, #tpu.memory_space<vmem>>[vector<16xi32>, vector<16xi32>], vector<16xf32>,
      %gather3A_379 = tpu.vector_load_idx %arg19[%add3A_28, %broadcast_in_dim3A_374] : memref<64x128xf32, #tpu.memory_space<vmem>>[vector<16xi32>, vector<16xi32>], vector<16xf32>,
      %add3A_380 = arith.addf %gather3A_378, %gather3A_379 : vector<16xf32>
      %gather3A_381 = tpu.vector_load_idx %arg10[%add3A_32, %broadcast_in_dim3A_371] : memref<64x128xf32, #tpu.memory_space<vmem>>[vector<16xi32>, vector<16xi32>], vector<16xf32>,
      %gather3A_382 = tpu.vector_load_idx %arg19[%add3A_32, %broadcast_in_dim3A_374] : memref<64x128xf32, #tpu.memory_space<vmem>>[vector<16xi32>, vector<16xi32>], vector<16xf32>,
      %add3A_383 = arith.addf %gather3A_381, %gather3A_382 : vector<16xf32>
      %gather3A_384 = tpu.vector_load_idx %arg10[%add3A_36, %broadcast_in_dim3A_371] : memref<64x128xf32, #tpu.memory_space<vmem>>[vector<16xi32>, vector<16xi32>], vector<16xf32>,
      %gather3A_385 = tpu.vector_load_idx %arg19[%add3A_36, %broadcast_in_dim3A_374] : memref<64x128xf32, #tpu.memory_space<vmem>>[vector<16xi32>, vector<16xi32>], vector<16xf32>,
      %add3A_386 = arith.addf %gather3A_384, %gather3A_385 : vector<16xf32>
      %add3A_387 = arith.addf %add3A_377, %add3A_380 : vector<16xf32>
      %add3A_388 = arith.addf %add3A_387, %add3A_383 : vector<16xf32>
      %add3A_389 = arith.addf %add3A_388, %add3A_386 : vector<16xf32>
      %mul3A_390 = arith.mulf %add3A_377, %add3A_377 : vector<16xf32>
      %mul3A_391 = arith.mulf %add3A_380, %add3A_380 : vector<16xf32>
      %add3A_392 = arith.addf %mul3A_390, %mul3A_391 : vector<16xf32>
      %mul3A_393 = arith.mulf %add3A_383, %add3A_383 : vector<16xf32>
      %add3A_394 = arith.addf %add3A_392, %mul3A_393 : vector<16xf32>
      %mul3A_395 = arith.mulf %add3A_386, %add3A_386 : vector<16xf32>
      %add3A_396 = arith.addf %add3A_394, %mul3A_395 : vector<16xf32>
      %reduce_sum3A_397 = arith.constant true
      %reduce_sum3A_398 = vector.broadcast %reduce_sum3A_397 : i1 to vector<16xi1>
      %reduce_sum3A_399 = tpu.scan <sum>, %add3A_389 masked %reduce_sum3A_398 : vector<16xf32>, vector<16xi1> -> vector<16xf32>
      %reduce_sum3A_400 = vector.extract %reduce_sum3A_399[15] : f32 from vector<16xf32>
      %reduce_sum3A_401 = arith.constant true
      %reduce_sum3A_402 = vector.broadcast %reduce_sum3A_401 : i1 to vector<16xi1>
      %reduce_sum3A_403 = tpu.scan <sum>, %add3A_396 masked %reduce_sum3A_402 : vector<16xf32>, vector<16xi1> -> vector<16xf32>
      %reduce_sum3A_404 = vector.extract %reduce_sum3A_403[15] : f32 from vector<16xf32>
      %mul3A_405 = arith.constant 1.562500e-02 : f32
      %mul3A_406 = arith.mulf %reduce_sum3A_400, %mul3A_405 : f32
      %mul3A_407 = arith.constant 1.562500e-02 : f32
      %mul3A_408 = arith.mulf %reduce_sum3A_404, %mul3A_407 : f32
      %mul3A_409 = arith.mulf %mul3A_406, %mul3A_406 : f32
      %sub3A_410 = arith.subf %mul3A_408, %mul3A_409 : f32
      %broadcast_in_dim3A_411 = vector.broadcast %mul3A_406 : f32 to vector<16xf32>
      %add3A_412 = arith.constant 9.99999974E-6 : f32
      %add3A_413 = arith.addf %sub3A_410, %add3A_412 : f32
      %broadcast_in_dim3A_414 = vector.broadcast %add3A_413 : f32 to vector<16xf32>
      %bitcast3A_415 = vector.bitcast %broadcast_in_dim3A_414 : vector<16xf32> to vector<16xi32>
      %shift_right_logical3A_416 = arith.constant 1 : i32
      %shift_right_logical3A_417 = vector.broadcast %shift_right_logical3A_416 : i32 to vector<16xi32>
      %shift_right_logical3A_418 = arith.shrui %bitcast3A_415, %shift_right_logical3A_417 : vector<16xi32>
      %sub3A_419 = arith.constant 1597463007 : i32
      %sub3A_420 = vector.broadcast %sub3A_419 : i32 to vector<16xi32>
      %sub3A_421 = arith.subi %sub3A_420, %shift_right_logical3A_418 : vector<16xi32>
      %bitcast3A_422 = vector.bitcast %sub3A_421 : vector<16xi32> to vector<16xf32>
      %mul3A_423 = arith.constant 5.000000e-01 : f32
      %mul3A_424 = vector.broadcast %mul3A_423 : f32 to vector<16xf32>
      %mul3A_425 = arith.mulf %broadcast_in_dim3A_414, %mul3A_424 : vector<16xf32>
      %mul3A_426 = arith.mulf %mul3A_425, %bitcast3A_422 : vector<16xf32>
      %mul3A_427 = arith.mulf %mul3A_426, %bitcast3A_422 : vector<16xf32>
      %sub3A_428 = arith.constant 1.500000e+00 : f32
      %sub3A_429 = vector.broadcast %sub3A_428 : f32 to vector<16xf32>
      %sub3A_430 = arith.subf %sub3A_429, %mul3A_427 : vector<16xf32>
      %mul3A_431 = arith.mulf %bitcast3A_422, %sub3A_430 : vector<16xf32>
      %mul3A_432 = arith.mulf %mul3A_425, %mul3A_431 : vector<16xf32>
      %mul3A_433 = arith.mulf %mul3A_432, %mul3A_431 : vector<16xf32>
      %sub3A_434 = arith.constant 1.500000e+00 : f32
      %sub3A_435 = vector.broadcast %sub3A_434 : f32 to vector<16xf32>
      %sub3A_436 = arith.subf %sub3A_435, %mul3A_433 : vector<16xf32>
      %mul3A_437 = arith.mulf %mul3A_431, %sub3A_436 : vector<16xf32>
      %mul3A_438 = arith.mulf %mul3A_425, %mul3A_437 : vector<16xf32>
      %mul3A_439 = arith.mulf %mul3A_438, %mul3A_437 : vector<16xf32>
      %sub3A_440 = arith.constant 1.500000e+00 : f32
      %sub3A_441 = vector.broadcast %sub3A_440 : f32 to vector<16xf32>
      %sub3A_442 = arith.subf %sub3A_441, %mul3A_439 : vector<16xf32>
      %mul3A_443 = arith.mulf %mul3A_437, %sub3A_442 : vector<16xf32>
      %sub3A_444 = arith.subf %add3A_377, %broadcast_in_dim3A_411 : vector<16xf32>
      %mul3A_445 = arith.mulf %sub3A_444, %mul3A_443 : vector<16xf32>
      %mul3A_446 = arith.mulf %mul3A_445, %get3A_37 : vector<16xf32>
      %add3A_447 = arith.addf %mul3A_446, %get3A_45 : vector<16xf32>
      tpu.vector_store_idx %arg17[%add3A_24, %broadcast_in_dim3A_374], %add3A_447 : memref<64x128xf32, #tpu.memory_space<vmem>>[vector<16xi32>, vector<16xi32>], vector<16xf32>,
      %sub3A_448 = arith.subf %add3A_380, %broadcast_in_dim3A_411 : vector<16xf32>
      %mul3A_449 = arith.mulf %sub3A_448, %mul3A_443 : vector<16xf32>
      %mul3A_450 = arith.mulf %mul3A_449, %get3A_39 : vector<16xf32>
      %add3A_451 = arith.addf %mul3A_450, %get3A_47 : vector<16xf32>
      tpu.vector_store_idx %arg17[%add3A_28, %broadcast_in_dim3A_374], %add3A_451 : memref<64x128xf32, #tpu.memory_space<vmem>>[vector<16xi32>, vector<16xi32>], vector<16xf32>,
      %sub3A_452 = arith.subf %add3A_383, %broadcast_in_dim3A_411 : vector<16xf32>
      %mul3A_453 = arith.mulf %sub3A_452, %mul3A_443 : vector<16xf32>
      %mul3A_454 = arith.mulf %mul3A_453, %get3A_41 : vector<16xf32>
      %add3A_455 = arith.addf %mul3A_454, %get3A_49 : vector<16xf32>
      tpu.vector_store_idx %arg17[%add3A_32, %broadcast_in_dim3A_374], %add3A_455 : memref<64x128xf32, #tpu.memory_space<vmem>>[vector<16xi32>, vector<16xi32>], vector<16xf32>,
      %sub3A_456 = arith.subf %add3A_386, %broadcast_in_dim3A_411 : vector<16xf32>
      %mul3A_457 = arith.mulf %sub3A_456, %mul3A_443 : vector<16xf32>
      %mul3A_458 = arith.mulf %mul3A_457, %get3A_43 : vector<16xf32>
      %add3A_459 = arith.addf %mul3A_458, %get3A_51 : vector<16xf32>
      tpu.vector_store_idx %arg17[%add3A_36, %broadcast_in_dim3A_374], %add3A_459 : memref<64x128xf32, #tpu.memory_space<vmem>>[vector<16xi32>, vector<16xi32>], vector<16xf32>,
      %add3A_460 = arith.constant 2 : i32
      %add3A_461 = arith.addi %mul3A_245, %add3A_460 : i32
      %slice3A_462 = vector.extract_strided_slice %get3A_247 {offsets = [2], sizes = [1], strides = [1]} : vector<16xi32> to vector<1xi32>
      %squeeze3A_463 = vector.extract %slice3A_462[0] : i32 from vector<1xi32>
      %rem3A_464 = arith.constant 128 : i32
      %rem3A_465 = arith.remsi %squeeze3A_463, %rem3A_464 : i32
      %broadcast_in_dim3A_466 = vector.broadcast %rem3A_465 : i32 to vector<16xi32>
      %rem3A_467 = arith.constant 128 : i32
      %rem3A_468 = arith.remsi %add3A_461, %rem3A_467 : i32
      %broadcast_in_dim3A_469 = vector.broadcast %rem3A_468 : i32 to vector<16xi32>
      %gather3A_470 = tpu.vector_load_idx %arg11[%add3A_24, %broadcast_in_dim3A_466] : memref<64x128xf32, #tpu.memory_space<vmem>>[vector<16xi32>, vector<16xi32>], vector<16xf32>,
      %gather3A_471 = tpu.vector_load_idx %arg19[%add3A_24, %broadcast_in_dim3A_469] : memref<64x128xf32, #tpu.memory_space<vmem>>[vector<16xi32>, vector<16xi32>], vector<16xf32>,
      %add3A_472 = arith.addf %gather3A_470, %gather3A_471 : vector<16xf32>
      %gather3A_473 = tpu.vector_load_idx %arg11[%add3A_28, %broadcast_in_dim3A_466] : memref<64x128xf32, #tpu.memory_space<vmem>>[vector<16xi32>, vector<16xi32>], vector<16xf32>,
      %gather3A_474 = tpu.vector_load_idx %arg19[%add3A_28, %broadcast_in_dim3A_469] : memref<64x128xf32, #tpu.memory_space<vmem>>[vector<16xi32>, vector<16xi32>], vector<16xf32>,
      %add3A_475 = arith.addf %gather3A_473, %gather3A_474 : vector<16xf32>
      %gather3A_476 = tpu.vector_load_idx %arg11[%add3A_32, %broadcast_in_dim3A_466] : memref<64x128xf32, #tpu.memory_space<vmem>>[vector<16xi32>, vector<16xi32>], vector<16xf32>,
      %gather3A_477 = tpu.vector_load_idx %arg19[%add3A_32, %broadcast_in_dim3A_469] : memref<64x128xf32, #tpu.memory_space<vmem>>[vector<16xi32>, vector<16xi32>], vector<16xf32>,
      %add3A_478 = arith.addf %gather3A_476, %gather3A_477 : vector<16xf32>
      %gather3A_479 = tpu.vector_load_idx %arg11[%add3A_36, %broadcast_in_dim3A_466] : memref<64x128xf32, #tpu.memory_space<vmem>>[vector<16xi32>, vector<16xi32>], vector<16xf32>,
      %gather3A_480 = tpu.vector_load_idx %arg19[%add3A_36, %broadcast_in_dim3A_469] : memref<64x128xf32, #tpu.memory_space<vmem>>[vector<16xi32>, vector<16xi32>], vector<16xf32>,
      %add3A_481 = arith.addf %gather3A_479, %gather3A_480 : vector<16xf32>
      %add3A_482 = arith.addf %add3A_472, %add3A_475 : vector<16xf32>
      %add3A_483 = arith.addf %add3A_482, %add3A_478 : vector<16xf32>
      %add3A_484 = arith.addf %add3A_483, %add3A_481 : vector<16xf32>
      %mul3A_485 = arith.mulf %add3A_472, %add3A_472 : vector<16xf32>
      %mul3A_486 = arith.mulf %add3A_475, %add3A_475 : vector<16xf32>
      %add3A_487 = arith.addf %mul3A_485, %mul3A_486 : vector<16xf32>
      %mul3A_488 = arith.mulf %add3A_478, %add3A_478 : vector<16xf32>
      %add3A_489 = arith.addf %add3A_487, %mul3A_488 : vector<16xf32>
      %mul3A_490 = arith.mulf %add3A_481, %add3A_481 : vector<16xf32>
      %add3A_491 = arith.addf %add3A_489, %mul3A_490 : vector<16xf32>
      %reduce_sum3A_492 = arith.constant true
      %reduce_sum3A_493 = vector.broadcast %reduce_sum3A_492 : i1 to vector<16xi1>
      %reduce_sum3A_494 = tpu.scan <sum>, %add3A_484 masked %reduce_sum3A_493 : vector<16xf32>, vector<16xi1> -> vector<16xf32>
      %reduce_sum3A_495 = vector.extract %reduce_sum3A_494[15] : f32 from vector<16xf32>
      %reduce_sum3A_496 = arith.constant true
      %reduce_sum3A_497 = vector.broadcast %reduce_sum3A_496 : i1 to vector<16xi1>
      %reduce_sum3A_498 = tpu.scan <sum>, %add3A_491 masked %reduce_sum3A_497 : vector<16xf32>, vector<16xi1> -> vector<16xf32>
      %reduce_sum3A_499 = vector.extract %reduce_sum3A_498[15] : f32 from vector<16xf32>
      %mul3A_500 = arith.constant 1.562500e-02 : f32
      %mul3A_501 = arith.mulf %reduce_sum3A_495, %mul3A_500 : f32
      %mul3A_502 = arith.constant 1.562500e-02 : f32
      %mul3A_503 = arith.mulf %reduce_sum3A_499, %mul3A_502 : f32
      %mul3A_504 = arith.mulf %mul3A_501, %mul3A_501 : f32
      %sub3A_505 = arith.subf %mul3A_503, %mul3A_504 : f32
      %broadcast_in_dim3A_506 = vector.broadcast %mul3A_501 : f32 to vector<16xf32>
      %add3A_507 = arith.constant 9.99999974E-6 : f32
      %add3A_508 = arith.addf %sub3A_505, %add3A_507 : f32
      %broadcast_in_dim3A_509 = vector.broadcast %add3A_508 : f32 to vector<16xf32>
      %bitcast3A_510 = vector.bitcast %broadcast_in_dim3A_509 : vector<16xf32> to vector<16xi32>
      %shift_right_logical3A_511 = arith.constant 1 : i32
      %shift_right_logical3A_512 = vector.broadcast %shift_right_logical3A_511 : i32 to vector<16xi32>
      %shift_right_logical3A_513 = arith.shrui %bitcast3A_510, %shift_right_logical3A_512 : vector<16xi32>
      %sub3A_514 = arith.constant 1597463007 : i32
      %sub3A_515 = vector.broadcast %sub3A_514 : i32 to vector<16xi32>
      %sub3A_516 = arith.subi %sub3A_515, %shift_right_logical3A_513 : vector<16xi32>
      %bitcast3A_517 = vector.bitcast %sub3A_516 : vector<16xi32> to vector<16xf32>
      %mul3A_518 = arith.constant 5.000000e-01 : f32
      %mul3A_519 = vector.broadcast %mul3A_518 : f32 to vector<16xf32>
      %mul3A_520 = arith.mulf %broadcast_in_dim3A_509, %mul3A_519 : vector<16xf32>
      %mul3A_521 = arith.mulf %mul3A_520, %bitcast3A_517 : vector<16xf32>
      %mul3A_522 = arith.mulf %mul3A_521, %bitcast3A_517 : vector<16xf32>
      %sub3A_523 = arith.constant 1.500000e+00 : f32
      %sub3A_524 = vector.broadcast %sub3A_523 : f32 to vector<16xf32>
      %sub3A_525 = arith.subf %sub3A_524, %mul3A_522 : vector<16xf32>
      %mul3A_526 = arith.mulf %bitcast3A_517, %sub3A_525 : vector<16xf32>
      %mul3A_527 = arith.mulf %mul3A_520, %mul3A_526 : vector<16xf32>
      %mul3A_528 = arith.mulf %mul3A_527, %mul3A_526 : vector<16xf32>
      %sub3A_529 = arith.constant 1.500000e+00 : f32
      %sub3A_530 = vector.broadcast %sub3A_529 : f32 to vector<16xf32>
      %sub3A_531 = arith.subf %sub3A_530, %mul3A_528 : vector<16xf32>
      %mul3A_532 = arith.mulf %mul3A_526, %sub3A_531 : vector<16xf32>
      %mul3A_533 = arith.mulf %mul3A_520, %mul3A_532 : vector<16xf32>
      %mul3A_534 = arith.mulf %mul3A_533, %mul3A_532 : vector<16xf32>
      %sub3A_535 = arith.constant 1.500000e+00 : f32
      %sub3A_536 = vector.broadcast %sub3A_535 : f32 to vector<16xf32>
      %sub3A_537 = arith.subf %sub3A_536, %mul3A_534 : vector<16xf32>
      %mul3A_538 = arith.mulf %mul3A_532, %sub3A_537 : vector<16xf32>
      %sub3A_539 = arith.subf %add3A_472, %broadcast_in_dim3A_506 : vector<16xf32>
      %mul3A_540 = arith.mulf %sub3A_539, %mul3A_538 : vector<16xf32>
      %mul3A_541 = arith.mulf %mul3A_540, %get3A_37 : vector<16xf32>
      %add3A_542 = arith.addf %mul3A_541, %get3A_45 : vector<16xf32>
      tpu.vector_store_idx %arg17[%add3A_24, %broadcast_in_dim3A_469], %add3A_542 : memref<64x128xf32, #tpu.memory_space<vmem>>[vector<16xi32>, vector<16xi32>], vector<16xf32>,
      %sub3A_543 = arith.subf %add3A_475, %broadcast_in_dim3A_506 : vector<16xf32>
      %mul3A_544 = arith.mulf %sub3A_543, %mul3A_538 : vector<16xf32>
      %mul3A_545 = arith.mulf %mul3A_544, %get3A_39 : vector<16xf32>
      %add3A_546 = arith.addf %mul3A_545, %get3A_47 : vector<16xf32>
      tpu.vector_store_idx %arg17[%add3A_28, %broadcast_in_dim3A_469], %add3A_546 : memref<64x128xf32, #tpu.memory_space<vmem>>[vector<16xi32>, vector<16xi32>], vector<16xf32>,
      %sub3A_547 = arith.subf %add3A_478, %broadcast_in_dim3A_506 : vector<16xf32>
      %mul3A_548 = arith.mulf %sub3A_547, %mul3A_538 : vector<16xf32>
      %mul3A_549 = arith.mulf %mul3A_548, %get3A_41 : vector<16xf32>
      %add3A_550 = arith.addf %mul3A_549, %get3A_49 : vector<16xf32>
      tpu.vector_store_idx %arg17[%add3A_32, %broadcast_in_dim3A_469], %add3A_550 : memref<64x128xf32, #tpu.memory_space<vmem>>[vector<16xi32>, vector<16xi32>], vector<16xf32>,
      %sub3A_551 = arith.subf %add3A_481, %broadcast_in_dim3A_506 : vector<16xf32>
      %mul3A_552 = arith.mulf %sub3A_551, %mul3A_538 : vector<16xf32>
      %mul3A_553 = arith.mulf %mul3A_552, %get3A_43 : vector<16xf32>
      %add3A_554 = arith.addf %mul3A_553, %get3A_51 : vector<16xf32>
      tpu.vector_store_idx %arg17[%add3A_36, %broadcast_in_dim3A_469], %add3A_554 : memref<64x128xf32, #tpu.memory_space<vmem>>[vector<16xi32>, vector<16xi32>], vector<16xf32>,
      %add3A_555 = arith.constant 3 : i32
      %add3A_556 = arith.addi %mul3A_245, %add3A_555 : i32
      %slice3A_557 = vector.extract_strided_slice %get3A_247 {offsets = [3], sizes = [1], strides = [1]} : vector<16xi32> to vector<1xi32>
      %squeeze3A_558 = vector.extract %slice3A_557[0] : i32 from vector<1xi32>
      %rem3A_559 = arith.constant 128 : i32
      %rem3A_560 = arith.remsi %squeeze3A_558, %rem3A_559 : i32
      %broadcast_in_dim3A_561 = vector.broadcast %rem3A_560 : i32 to vector<16xi32>
      %rem3A_562 = arith.constant 128 : i32
      %rem3A_563 = arith.remsi %add3A_556, %rem3A_562 : i32
      %broadcast_in_dim3A_564 = vector.broadcast %rem3A_563 : i32 to vector<16xi32>
      %gather3A_565 = tpu.vector_load_idx %arg12[%add3A_24, %broadcast_in_dim3A_561] : memref<64x128xf32, #tpu.memory_space<vmem>>[vector<16xi32>, vector<16xi32>], vector<16xf32>,
      %gather3A_566 = tpu.vector_load_idx %arg19[%add3A_24, %broadcast_in_dim3A_564] : memref<64x128xf32, #tpu.memory_space<vmem>>[vector<16xi32>, vector<16xi32>], vector<16xf32>,
      %add3A_567 = arith.addf %gather3A_565, %gather3A_566 : vector<16xf32>
      %gather3A_568 = tpu.vector_load_idx %arg12[%add3A_28, %broadcast_in_dim3A_561] : memref<64x128xf32, #tpu.memory_space<vmem>>[vector<16xi32>, vector<16xi32>], vector<16xf32>,
      %gather3A_569 = tpu.vector_load_idx %arg19[%add3A_28, %broadcast_in_dim3A_564] : memref<64x128xf32, #tpu.memory_space<vmem>>[vector<16xi32>, vector<16xi32>], vector<16xf32>,
      %add3A_570 = arith.addf %gather3A_568, %gather3A_569 : vector<16xf32>
      %gather3A_571 = tpu.vector_load_idx %arg12[%add3A_32, %broadcast_in_dim3A_561] : memref<64x128xf32, #tpu.memory_space<vmem>>[vector<16xi32>, vector<16xi32>], vector<16xf32>,
      %gather3A_572 = tpu.vector_load_idx %arg19[%add3A_32, %broadcast_in_dim3A_564] : memref<64x128xf32, #tpu.memory_space<vmem>>[vector<16xi32>, vector<16xi32>], vector<16xf32>,
      %add3A_573 = arith.addf %gather3A_571, %gather3A_572 : vector<16xf32>
      %gather3A_574 = tpu.vector_load_idx %arg12[%add3A_36, %broadcast_in_dim3A_561] : memref<64x128xf32, #tpu.memory_space<vmem>>[vector<16xi32>, vector<16xi32>], vector<16xf32>,
      %gather3A_575 = tpu.vector_load_idx %arg19[%add3A_36, %broadcast_in_dim3A_564] : memref<64x128xf32, #tpu.memory_space<vmem>>[vector<16xi32>, vector<16xi32>], vector<16xf32>,
      %add3A_576 = arith.addf %gather3A_574, %gather3A_575 : vector<16xf32>
      %add3A_577 = arith.addf %add3A_567, %add3A_570 : vector<16xf32>
      %add3A_578 = arith.addf %add3A_577, %add3A_573 : vector<16xf32>
      %add3A_579 = arith.addf %add3A_578, %add3A_576 : vector<16xf32>
      %mul3A_580 = arith.mulf %add3A_567, %add3A_567 : vector<16xf32>
      %mul3A_581 = arith.mulf %add3A_570, %add3A_570 : vector<16xf32>
      %add3A_582 = arith.addf %mul3A_580, %mul3A_581 : vector<16xf32>
      %mul3A_583 = arith.mulf %add3A_573, %add3A_573 : vector<16xf32>
      %add3A_584 = arith.addf %add3A_582, %mul3A_583 : vector<16xf32>
      %mul3A_585 = arith.mulf %add3A_576, %add3A_576 : vector<16xf32>
      %add3A_586 = arith.addf %add3A_584, %mul3A_585 : vector<16xf32>
      %reduce_sum3A_587 = arith.constant true
      %reduce_sum3A_588 = vector.broadcast %reduce_sum3A_587 : i1 to vector<16xi1>
      %reduce_sum3A_589 = tpu.scan <sum>, %add3A_579 masked %reduce_sum3A_588 : vector<16xf32>, vector<16xi1> -> vector<16xf32>
      %reduce_sum3A_590 = vector.extract %reduce_sum3A_589[15] : f32 from vector<16xf32>
      %reduce_sum3A_591 = arith.constant true
      %reduce_sum3A_592 = vector.broadcast %reduce_sum3A_591 : i1 to vector<16xi1>
      %reduce_sum3A_593 = tpu.scan <sum>, %add3A_586 masked %reduce_sum3A_592 : vector<16xf32>, vector<16xi1> -> vector<16xf32>
      %reduce_sum3A_594 = vector.extract %reduce_sum3A_593[15] : f32 from vector<16xf32>
      %mul3A_595 = arith.constant 1.562500e-02 : f32
      %mul3A_596 = arith.mulf %reduce_sum3A_590, %mul3A_595 : f32
      %mul3A_597 = arith.constant 1.562500e-02 : f32
      %mul3A_598 = arith.mulf %reduce_sum3A_594, %mul3A_597 : f32
      %mul3A_599 = arith.mulf %mul3A_596, %mul3A_596 : f32
      %sub3A_600 = arith.subf %mul3A_598, %mul3A_599 : f32
      %broadcast_in_dim3A_601 = vector.broadcast %mul3A_596 : f32 to vector<16xf32>
      %add3A_602 = arith.constant 9.99999974E-6 : f32
      %add3A_603 = arith.addf %sub3A_600, %add3A_602 : f32
      %broadcast_in_dim3A_604 = vector.broadcast %add3A_603 : f32 to vector<16xf32>
      %bitcast3A_605 = vector.bitcast %broadcast_in_dim3A_604 : vector<16xf32> to vector<16xi32>
      %shift_right_logical3A_606 = arith.constant 1 : i32
      %shift_right_logical3A_607 = vector.broadcast %shift_right_logical3A_606 : i32 to vector<16xi32>
      %shift_right_logical3A_608 = arith.shrui %bitcast3A_605, %shift_right_logical3A_607 : vector<16xi32>
      %sub3A_609 = arith.constant 1597463007 : i32
      %sub3A_610 = vector.broadcast %sub3A_609 : i32 to vector<16xi32>
      %sub3A_611 = arith.subi %sub3A_610, %shift_right_logical3A_608 : vector<16xi32>
      %bitcast3A_612 = vector.bitcast %sub3A_611 : vector<16xi32> to vector<16xf32>
      %mul3A_613 = arith.constant 5.000000e-01 : f32
      %mul3A_614 = vector.broadcast %mul3A_613 : f32 to vector<16xf32>
      %mul3A_615 = arith.mulf %broadcast_in_dim3A_604, %mul3A_614 : vector<16xf32>
      %mul3A_616 = arith.mulf %mul3A_615, %bitcast3A_612 : vector<16xf32>
      %mul3A_617 = arith.mulf %mul3A_616, %bitcast3A_612 : vector<16xf32>
      %sub3A_618 = arith.constant 1.500000e+00 : f32
      %sub3A_619 = vector.broadcast %sub3A_618 : f32 to vector<16xf32>
      %sub3A_620 = arith.subf %sub3A_619, %mul3A_617 : vector<16xf32>
      %mul3A_621 = arith.mulf %bitcast3A_612, %sub3A_620 : vector<16xf32>
      %mul3A_622 = arith.mulf %mul3A_615, %mul3A_621 : vector<16xf32>
      %mul3A_623 = arith.mulf %mul3A_622, %mul3A_621 : vector<16xf32>
      %sub3A_624 = arith.constant 1.500000e+00 : f32
      %sub3A_625 = vector.broadcast %sub3A_624 : f32 to vector<16xf32>
      %sub3A_626 = arith.subf %sub3A_625, %mul3A_623 : vector<16xf32>
      %mul3A_627 = arith.mulf %mul3A_621, %sub3A_626 : vector<16xf32>
      %mul3A_628 = arith.mulf %mul3A_615, %mul3A_627 : vector<16xf32>
      %mul3A_629 = arith.mulf %mul3A_628, %mul3A_627 : vector<16xf32>
      %sub3A_630 = arith.constant 1.500000e+00 : f32
      %sub3A_631 = vector.broadcast %sub3A_630 : f32 to vector<16xf32>
      %sub3A_632 = arith.subf %sub3A_631, %mul3A_629 : vector<16xf32>
      %mul3A_633 = arith.mulf %mul3A_627, %sub3A_632 : vector<16xf32>
      %sub3A_634 = arith.subf %add3A_567, %broadcast_in_dim3A_601 : vector<16xf32>
      %mul3A_635 = arith.mulf %sub3A_634, %mul3A_633 : vector<16xf32>
      %mul3A_636 = arith.mulf %mul3A_635, %get3A_37 : vector<16xf32>
      %add3A_637 = arith.addf %mul3A_636, %get3A_45 : vector<16xf32>
      tpu.vector_store_idx %arg17[%add3A_24, %broadcast_in_dim3A_564], %add3A_637 : memref<64x128xf32, #tpu.memory_space<vmem>>[vector<16xi32>, vector<16xi32>], vector<16xf32>,
      %sub3A_638 = arith.subf %add3A_570, %broadcast_in_dim3A_601 : vector<16xf32>
      %mul3A_639 = arith.mulf %sub3A_638, %mul3A_633 : vector<16xf32>
      %mul3A_640 = arith.mulf %mul3A_639, %get3A_39 : vector<16xf32>
      %add3A_641 = arith.addf %mul3A_640, %get3A_47 : vector<16xf32>
      tpu.vector_store_idx %arg17[%add3A_28, %broadcast_in_dim3A_564], %add3A_641 : memref<64x128xf32, #tpu.memory_space<vmem>>[vector<16xi32>, vector<16xi32>], vector<16xf32>,
      %sub3A_642 = arith.subf %add3A_573, %broadcast_in_dim3A_601 : vector<16xf32>
      %mul3A_643 = arith.mulf %sub3A_642, %mul3A_633 : vector<16xf32>
      %mul3A_644 = arith.mulf %mul3A_643, %get3A_41 : vector<16xf32>
      %add3A_645 = arith.addf %mul3A_644, %get3A_49 : vector<16xf32>
      tpu.vector_store_idx %arg17[%add3A_32, %broadcast_in_dim3A_564], %add3A_645 : memref<64x128xf32, #tpu.memory_space<vmem>>[vector<16xi32>, vector<16xi32>], vector<16xf32>,
      %sub3A_646 = arith.subf %add3A_576, %broadcast_in_dim3A_601 : vector<16xf32>
      %mul3A_647 = arith.mulf %sub3A_646, %mul3A_633 : vector<16xf32>
      %mul3A_648 = arith.mulf %mul3A_647, %get3A_43 : vector<16xf32>
      %add3A_649 = arith.addf %mul3A_648, %get3A_51 : vector<16xf32>
      tpu.vector_store_idx %arg17[%add3A_36, %broadcast_in_dim3A_564], %add3A_649 : memref<64x128xf32, #tpu.memory_space<vmem>>[vector<16xi32>, vector<16xi32>], vector<16xf32>,
      %slice3A_650 = vector.extract_strided_slice %get3A_251 {offsets = [0], sizes = [1], strides = [1]} : vector<16xi32> to vector<1xi32>
      %squeeze3A_651 = vector.extract %slice3A_650[0] : i32 from vector<1xi32>
      %div3A_652 = arith.constant 128 : i32
      %div3A_653 = arith.divsi %squeeze3A_651, %div3A_652 : i32
      %mul3A_654 = arith.constant 128 : i32
      %mul3A_655 = arith.muli %div3A_653, %mul3A_654 : i32
      %min3A_656 = arith.constant 999936 : i32
      %min3A_657 = arith.minsi %mul3A_655, %min3A_656 : i32
      %max3A_658 = arith.constant 0 : i32
      %max3A_659 = arith.maxsi %max3A_658, %min3A_657 : i32
      %multiple_of3A_660 = tpu.assume_multiple %max3A_659, 128 : i32
      %dma_start3A_661 = arith.constant 0 : i32
      %dma_start3A_662 = tpu.memref_slice %arg3[%dma_start3A_661, %multiple_of3A_660] : memref<64x1000000xf32, #tpu.memory_space<hbm>> -> memref<64x128xf32, #tpu.memory_space<hbm>>
      %dma_start3A_663 = arith.constant 0 : i32
      %dma_start3A_664 = tpu.memref_slice %arg3[%dma_start3A_663, %multiple_of3A_660] : memref<64x1000000xf32, #tpu.memory_space<hbm>> -> memref<64x128xf32, #tpu.memory_space<hbm>>
      tpu.enqueue_dma source(%dma_start3A_664 : memref<64x128xf32, #tpu.memory_space<hbm>>) target(%arg9 : memref<64x128xf32, #tpu.memory_space<vmem>>) target_semaphore(%arg23 : memref<!tpu.dma_semaphore, #tpu.memory_space<semaphore_mem>>)
      %slice3A_665 = vector.extract_strided_slice %get3A_251 {offsets = [1], sizes = [1], strides = [1]} : vector<16xi32> to vector<1xi32>
      %squeeze3A_666 = vector.extract %slice3A_665[0] : i32 from vector<1xi32>
      %div3A_667 = arith.constant 128 : i32
      %div3A_668 = arith.divsi %squeeze3A_666, %div3A_667 : i32
      %mul3A_669 = arith.constant 128 : i32
      %mul3A_670 = arith.muli %div3A_668, %mul3A_669 : i32
      %min3A_671 = arith.constant 999936 : i32
      %min3A_672 = arith.minsi %mul3A_670, %min3A_671 : i32
      %max3A_673 = arith.constant 0 : i32
      %max3A_674 = arith.maxsi %max3A_673, %min3A_672 : i32
      %multiple_of3A_675 = tpu.assume_multiple %max3A_674, 128 : i32
      %dma_start3A_676 = arith.constant 0 : i32
      %dma_start3A_677 = tpu.memref_slice %arg3[%dma_start3A_676, %multiple_of3A_675] : memref<64x1000000xf32, #tpu.memory_space<hbm>> -> memref<64x128xf32, #tpu.memory_space<hbm>>
      %dma_start3A_678 = arith.constant 0 : i32
      %dma_start3A_679 = tpu.memref_slice %arg3[%dma_start3A_678, %multiple_of3A_675] : memref<64x1000000xf32, #tpu.memory_space<hbm>> -> memref<64x128xf32, #tpu.memory_space<hbm>>
      tpu.enqueue_dma source(%dma_start3A_679 : memref<64x128xf32, #tpu.memory_space<hbm>>) target(%arg10 : memref<64x128xf32, #tpu.memory_space<vmem>>) target_semaphore(%arg23 : memref<!tpu.dma_semaphore, #tpu.memory_space<semaphore_mem>>)
      %slice3A_680 = vector.extract_strided_slice %get3A_251 {offsets = [2], sizes = [1], strides = [1]} : vector<16xi32> to vector<1xi32>
      %squeeze3A_681 = vector.extract %slice3A_680[0] : i32 from vector<1xi32>
      %div3A_682 = arith.constant 128 : i32
      %div3A_683 = arith.divsi %squeeze3A_681, %div3A_682 : i32
      %mul3A_684 = arith.constant 128 : i32
      %mul3A_685 = arith.muli %div3A_683, %mul3A_684 : i32
      %min3A_686 = arith.constant 999936 : i32
      %min3A_687 = arith.minsi %mul3A_685, %min3A_686 : i32
      %max3A_688 = arith.constant 0 : i32
      %max3A_689 = arith.maxsi %max3A_688, %min3A_687 : i32
      %multiple_of3A_690 = tpu.assume_multiple %max3A_689, 128 : i32
      %dma_start3A_691 = arith.constant 0 : i32
      %dma_start3A_692 = tpu.memref_slice %arg3[%dma_start3A_691, %multiple_of3A_690] : memref<64x1000000xf32, #tpu.memory_space<hbm>> -> memref<64x128xf32, #tpu.memory_space<hbm>>
      %dma_start3A_693 = arith.constant 0 : i32
      %dma_start3A_694 = tpu.memref_slice %arg3[%dma_start3A_693, %multiple_of3A_690] : memref<64x1000000xf32, #tpu.memory_space<hbm>> -> memref<64x128xf32, #tpu.memory_space<hbm>>
      tpu.enqueue_dma source(%dma_start3A_694 : memref<64x128xf32, #tpu.memory_space<hbm>>) target(%arg11 : memref<64x128xf32, #tpu.memory_space<vmem>>) target_semaphore(%arg23 : memref<!tpu.dma_semaphore, #tpu.memory_space<semaphore_mem>>)
      %slice3A_695 = vector.extract_strided_slice %get3A_251 {offsets = [3], sizes = [1], strides = [1]} : vector<16xi32> to vector<1xi32>
      %squeeze3A_696 = vector.extract %slice3A_695[0] : i32 from vector<1xi32>
      %div3A_697 = arith.constant 128 : i32
      %div3A_698 = arith.divsi %squeeze3A_696, %div3A_697 : i32
      %mul3A_699 = arith.constant 128 : i32
      %mul3A_700 = arith.muli %div3A_698, %mul3A_699 : i32
      %min3A_701 = arith.constant 999936 : i32
      %min3A_702 = arith.minsi %mul3A_700, %min3A_701 : i32
      %max3A_703 = arith.constant 0 : i32
      %max3A_704 = arith.maxsi %max3A_703, %min3A_702 : i32
      %multiple_of3A_705 = tpu.assume_multiple %max3A_704, 128 : i32
      %dma_start3A_706 = arith.constant 0 : i32
      %dma_start3A_707 = tpu.memref_slice %arg3[%dma_start3A_706, %multiple_of3A_705] : memref<64x1000000xf32, #tpu.memory_space<hbm>> -> memref<64x128xf32, #tpu.memory_space<hbm>>
      %dma_start3A_708 = arith.constant 0 : i32
      %dma_start3A_709 = tpu.memref_slice %arg3[%dma_start3A_708, %multiple_of3A_705] : memref<64x1000000xf32, #tpu.memory_space<hbm>> -> memref<64x128xf32, #tpu.memory_space<hbm>>
      tpu.enqueue_dma source(%dma_start3A_709 : memref<64x128xf32, #tpu.memory_space<hbm>>) target(%arg12 : memref<64x128xf32, #tpu.memory_space<vmem>>) target_semaphore(%arg23 : memref<!tpu.dma_semaphore, #tpu.memory_space<semaphore_mem>>)
      %dma_wait3A_710 = arith.constant 0 : i32
      %dma_wait3A_711 = arith.constant 0 : i32
      %dma_wait3A_712 = tpu.memref_slice %arg3[%dma_wait3A_710, %dma_wait3A_711] : memref<64x1000000xf32, #tpu.memory_space<hbm>> -> memref<64x128xf32, #tpu.memory_space<hbm>>
      %dma_wait3A_713 = arith.constant 0 : i32
      %dma_wait3A_714 = arith.constant 0 : i32
      %dma_wait3A_715 = tpu.memref_slice %arg3[%dma_wait3A_713, %dma_wait3A_714] : memref<64x1000000xf32, #tpu.memory_space<hbm>> -> memref<64x128xf32, #tpu.memory_space<hbm>>
      tpu.wait_dma2 semaphore(%arg24 : memref<!tpu.dma_semaphore, #tpu.memory_space<semaphore_mem>>) src(%dma_wait3A_715 : memref<64x128xf32, #tpu.memory_space<hbm>>) dst(%arg13 : memref<64x128xf32, #tpu.memory_space<vmem>>)
      %dma_wait3A_716 = arith.constant 0 : i32
      %dma_wait3A_717 = arith.constant 0 : i32
      %dma_wait3A_718 = tpu.memref_slice %arg3[%dma_wait3A_716, %dma_wait3A_717] : memref<64x1000000xf32, #tpu.memory_space<hbm>> -> memref<64x128xf32, #tpu.memory_space<hbm>>
      %dma_wait3A_719 = arith.constant 0 : i32
      %dma_wait3A_720 = arith.constant 0 : i32
      %dma_wait3A_721 = tpu.memref_slice %arg3[%dma_wait3A_719, %dma_wait3A_720] : memref<64x1000000xf32, #tpu.memory_space<hbm>> -> memref<64x128xf32, #tpu.memory_space<hbm>>
      tpu.wait_dma2 semaphore(%arg24 : memref<!tpu.dma_semaphore, #tpu.memory_space<semaphore_mem>>) src(%dma_wait3A_721 : memref<64x128xf32, #tpu.memory_space<hbm>>) dst(%arg14 : memref<64x128xf32, #tpu.memory_space<vmem>>)
      %dma_wait3A_722 = arith.constant 0 : i32
      %dma_wait3A_723 = arith.constant 0 : i32
      %dma_wait3A_724 = tpu.memref_slice %arg3[%dma_wait3A_722, %dma_wait3A_723] : memref<64x1000000xf32, #tpu.memory_space<hbm>> -> memref<64x128xf32, #tpu.memory_space<hbm>>
      %dma_wait3A_725 = arith.constant 0 : i32
      %dma_wait3A_726 = arith.constant 0 : i32
      %dma_wait3A_727 = tpu.memref_slice %arg3[%dma_wait3A_725, %dma_wait3A_726] : memref<64x1000000xf32, #tpu.memory_space<hbm>> -> memref<64x128xf32, #tpu.memory_space<hbm>>
      tpu.wait_dma2 semaphore(%arg24 : memref<!tpu.dma_semaphore, #tpu.memory_space<semaphore_mem>>) src(%dma_wait3A_727 : memref<64x128xf32, #tpu.memory_space<hbm>>) dst(%arg15 : memref<64x128xf32, #tpu.memory_space<vmem>>)
      %dma_wait3A_728 = arith.constant 0 : i32
      %dma_wait3A_729 = arith.constant 0 : i32
      %dma_wait3A_730 = tpu.memref_slice %arg3[%dma_wait3A_728, %dma_wait3A_729] : memref<64x1000000xf32, #tpu.memory_space<hbm>> -> memref<64x128xf32, #tpu.memory_space<hbm>>
      %dma_wait3A_731 = arith.constant 0 : i32
      %dma_wait3A_732 = arith.constant 0 : i32
      %dma_wait3A_733 = tpu.memref_slice %arg3[%dma_wait3A_731, %dma_wait3A_732] : memref<64x1000000xf32, #tpu.memory_space<hbm>> -> memref<64x128xf32, #tpu.memory_space<hbm>>
      tpu.wait_dma2 semaphore(%arg24 : memref<!tpu.dma_semaphore, #tpu.memory_space<semaphore_mem>>) src(%dma_wait3A_733 : memref<64x128xf32, #tpu.memory_space<hbm>>) dst(%arg16 : memref<64x128xf32, #tpu.memory_space<vmem>>)
      %add3A_734 = arith.constant 4 : i32
      %add3A_735 = arith.addi %mul3A_245, %add3A_734 : i32
      %add3A_736 = arith.constant 0 : i32
      %add3A_737 = arith.addi %add3A_735, %add3A_736 : i32
      %slice3A_738 = vector.extract_strided_slice %get3A_247 {offsets = [4], sizes = [1], strides = [1]} : vector<16xi32> to vector<1xi32>
      %squeeze3A_739 = vector.extract %slice3A_738[0] : i32 from vector<1xi32>
      %rem3A_740 = arith.constant 128 : i32
      %rem3A_741 = arith.remsi %squeeze3A_739, %rem3A_740 : i32
      %broadcast_in_dim3A_742 = vector.broadcast %rem3A_741 : i32 to vector<16xi32>
      %rem3A_743 = arith.constant 128 : i32
      %rem3A_744 = arith.remsi %add3A_737, %rem3A_743 : i32
      %broadcast_in_dim3A_745 = vector.broadcast %rem3A_744 : i32 to vector<16xi32>
      %gather3A_746 = tpu.vector_load_idx %arg13[%add3A_24, %broadcast_in_dim3A_742] : memref<64x128xf32, #tpu.memory_space<vmem>>[vector<16xi32>, vector<16xi32>], vector<16xf32>,
      %gather3A_747 = tpu.vector_load_idx %arg19[%add3A_24, %broadcast_in_dim3A_745] : memref<64x128xf32, #tpu.memory_space<vmem>>[vector<16xi32>, vector<16xi32>], vector<16xf32>,
      %add3A_748 = arith.addf %gather3A_746, %gather3A_747 : vector<16xf32>
      %gather3A_749 = tpu.vector_load_idx %arg13[%add3A_28, %broadcast_in_dim3A_742] : memref<64x128xf32, #tpu.memory_space<vmem>>[vector<16xi32>, vector<16xi32>], vector<16xf32>,
      %gather3A_750 = tpu.vector_load_idx %arg19[%add3A_28, %broadcast_in_dim3A_745] : memref<64x128xf32, #tpu.memory_space<vmem>>[vector<16xi32>, vector<16xi32>], vector<16xf32>,
      %add3A_751 = arith.addf %gather3A_749, %gather3A_750 : vector<16xf32>
      %gather3A_752 = tpu.vector_load_idx %arg13[%add3A_32, %broadcast_in_dim3A_742] : memref<64x128xf32, #tpu.memory_space<vmem>>[vector<16xi32>, vector<16xi32>], vector<16xf32>,
      %gather3A_753 = tpu.vector_load_idx %arg19[%add3A_32, %broadcast_in_dim3A_745] : memref<64x128xf32, #tpu.memory_space<vmem>>[vector<16xi32>, vector<16xi32>], vector<16xf32>,
      %add3A_754 = arith.addf %gather3A_752, %gather3A_753 : vector<16xf32>
      %gather3A_755 = tpu.vector_load_idx %arg13[%add3A_36, %broadcast_in_dim3A_742] : memref<64x128xf32, #tpu.memory_space<vmem>>[vector<16xi32>, vector<16xi32>], vector<16xf32>,
      %gather3A_756 = tpu.vector_load_idx %arg19[%add3A_36, %broadcast_in_dim3A_745] : memref<64x128xf32, #tpu.memory_space<vmem>>[vector<16xi32>, vector<16xi32>], vector<16xf32>,
      %add3A_757 = arith.addf %gather3A_755, %gather3A_756 : vector<16xf32>
      %add3A_758 = arith.addf %add3A_748, %add3A_751 : vector<16xf32>
      %add3A_759 = arith.addf %add3A_758, %add3A_754 : vector<16xf32>
      %add3A_760 = arith.addf %add3A_759, %add3A_757 : vector<16xf32>
      %mul3A_761 = arith.mulf %add3A_748, %add3A_748 : vector<16xf32>
      %mul3A_762 = arith.mulf %add3A_751, %add3A_751 : vector<16xf32>
      %add3A_763 = arith.addf %mul3A_761, %mul3A_762 : vector<16xf32>
      %mul3A_764 = arith.mulf %add3A_754, %add3A_754 : vector<16xf32>
      %add3A_765 = arith.addf %add3A_763, %mul3A_764 : vector<16xf32>
      %mul3A_766 = arith.mulf %add3A_757, %add3A_757 : vector<16xf32>
      %add3A_767 = arith.addf %add3A_765, %mul3A_766 : vector<16xf32>
      %reduce_sum3A_768 = arith.constant true
      %reduce_sum3A_769 = vector.broadcast %reduce_sum3A_768 : i1 to vector<16xi1>
      %reduce_sum3A_770 = tpu.scan <sum>, %add3A_760 masked %reduce_sum3A_769 : vector<16xf32>, vector<16xi1> -> vector<16xf32>
      %reduce_sum3A_771 = vector.extract %reduce_sum3A_770[15] : f32 from vector<16xf32>
      %reduce_sum3A_772 = arith.constant true
      %reduce_sum3A_773 = vector.broadcast %reduce_sum3A_772 : i1 to vector<16xi1>
      %reduce_sum3A_774 = tpu.scan <sum>, %add3A_767 masked %reduce_sum3A_773 : vector<16xf32>, vector<16xi1> -> vector<16xf32>
      %reduce_sum3A_775 = vector.extract %reduce_sum3A_774[15] : f32 from vector<16xf32>
      %mul3A_776 = arith.constant 1.562500e-02 : f32
      %mul3A_777 = arith.mulf %reduce_sum3A_771, %mul3A_776 : f32
      %mul3A_778 = arith.constant 1.562500e-02 : f32
      %mul3A_779 = arith.mulf %reduce_sum3A_775, %mul3A_778 : f32
      %mul3A_780 = arith.mulf %mul3A_777, %mul3A_777 : f32
      %sub3A_781 = arith.subf %mul3A_779, %mul3A_780 : f32
      %broadcast_in_dim3A_782 = vector.broadcast %mul3A_777 : f32 to vector<16xf32>
      %add3A_783 = arith.constant 9.99999974E-6 : f32
      %add3A_784 = arith.addf %sub3A_781, %add3A_783 : f32
      %broadcast_in_dim3A_785 = vector.broadcast %add3A_784 : f32 to vector<16xf32>
      %bitcast3A_786 = vector.bitcast %broadcast_in_dim3A_785 : vector<16xf32> to vector<16xi32>
      %shift_right_logical3A_787 = arith.constant 1 : i32
      %shift_right_logical3A_788 = vector.broadcast %shift_right_logical3A_787 : i32 to vector<16xi32>
      %shift_right_logical3A_789 = arith.shrui %bitcast3A_786, %shift_right_logical3A_788 : vector<16xi32>
      %sub3A_790 = arith.constant 1597463007 : i32
      %sub3A_791 = vector.broadcast %sub3A_790 : i32 to vector<16xi32>
      %sub3A_792 = arith.subi %sub3A_791, %shift_right_logical3A_789 : vector<16xi32>
      %bitcast3A_793 = vector.bitcast %sub3A_792 : vector<16xi32> to vector<16xf32>
      %mul3A_794 = arith.constant 5.000000e-01 : f32
      %mul3A_795 = vector.broadcast %mul3A_794 : f32 to vector<16xf32>
      %mul3A_796 = arith.mulf %broadcast_in_dim3A_785, %mul3A_795 : vector<16xf32>
      %mul3A_797 = arith.mulf %mul3A_796, %bitcast3A_793 : vector<16xf32>
      %mul3A_798 = arith.mulf %mul3A_797, %bitcast3A_793 : vector<16xf32>
      %sub3A_799 = arith.constant 1.500000e+00 : f32
      %sub3A_800 = vector.broadcast %sub3A_799 : f32 to vector<16xf32>
      %sub3A_801 = arith.subf %sub3A_800, %mul3A_798 : vector<16xf32>
      %mul3A_802 = arith.mulf %bitcast3A_793, %sub3A_801 : vector<16xf32>
      %mul3A_803 = arith.mulf %mul3A_796, %mul3A_802 : vector<16xf32>
      %mul3A_804 = arith.mulf %mul3A_803, %mul3A_802 : vector<16xf32>
      %sub3A_805 = arith.constant 1.500000e+00 : f32
      %sub3A_806 = vector.broadcast %sub3A_805 : f32 to vector<16xf32>
      %sub3A_807 = arith.subf %sub3A_806, %mul3A_804 : vector<16xf32>
      %mul3A_808 = arith.mulf %mul3A_802, %sub3A_807 : vector<16xf32>
      %mul3A_809 = arith.mulf %mul3A_796, %mul3A_808 : vector<16xf32>
      %mul3A_810 = arith.mulf %mul3A_809, %mul3A_808 : vector<16xf32>
      %sub3A_811 = arith.constant 1.500000e+00 : f32
      %sub3A_812 = vector.broadcast %sub3A_811 : f32 to vector<16xf32>
      %sub3A_813 = arith.subf %sub3A_812, %mul3A_810 : vector<16xf32>
      %mul3A_814 = arith.mulf %mul3A_808, %sub3A_813 : vector<16xf32>
      %sub3A_815 = arith.subf %add3A_748, %broadcast_in_dim3A_782 : vector<16xf32>
      %mul3A_816 = arith.mulf %sub3A_815, %mul3A_814 : vector<16xf32>
      %mul3A_817 = arith.mulf %mul3A_816, %get3A_37 : vector<16xf32>
      %add3A_818 = arith.addf %mul3A_817, %get3A_45 : vector<16xf32>
      tpu.vector_store_idx %arg17[%add3A_24, %broadcast_in_dim3A_745], %add3A_818 : memref<64x128xf32, #tpu.memory_space<vmem>>[vector<16xi32>, vector<16xi32>], vector<16xf32>,
      %sub3A_819 = arith.subf %add3A_751, %broadcast_in_dim3A_782 : vector<16xf32>
      %mul3A_820 = arith.mulf %sub3A_819, %mul3A_814 : vector<16xf32>
      %mul3A_821 = arith.mulf %mul3A_820, %get3A_39 : vector<16xf32>
      %add3A_822 = arith.addf %mul3A_821, %get3A_47 : vector<16xf32>
      tpu.vector_store_idx %arg17[%add3A_28, %broadcast_in_dim3A_745], %add3A_822 : memref<64x128xf32, #tpu.memory_space<vmem>>[vector<16xi32>, vector<16xi32>], vector<16xf32>,
      %sub3A_823 = arith.subf %add3A_754, %broadcast_in_dim3A_782 : vector<16xf32>
      %mul3A_824 = arith.mulf %sub3A_823, %mul3A_814 : vector<16xf32>
      %mul3A_825 = arith.mulf %mul3A_824, %get3A_41 : vector<16xf32>
      %add3A_826 = arith.addf %mul3A_825, %get3A_49 : vector<16xf32>
      tpu.vector_store_idx %arg17[%add3A_32, %broadcast_in_dim3A_745], %add3A_826 : memref<64x128xf32, #tpu.memory_space<vmem>>[vector<16xi32>, vector<16xi32>], vector<16xf32>,
      %sub3A_827 = arith.subf %add3A_757, %broadcast_in_dim3A_782 : vector<16xf32>
      %mul3A_828 = arith.mulf %sub3A_827, %mul3A_814 : vector<16xf32>
      %mul3A_829 = arith.mulf %mul3A_828, %get3A_43 : vector<16xf32>
      %add3A_830 = arith.addf %mul3A_829, %get3A_51 : vector<16xf32>
      tpu.vector_store_idx %arg17[%add3A_36, %broadcast_in_dim3A_745], %add3A_830 : memref<64x128xf32, #tpu.memory_space<vmem>>[vector<16xi32>, vector<16xi32>], vector<16xf32>,
      %add3A_831 = arith.constant 4 : i32
      %add3A_832 = arith.addi %mul3A_245, %add3A_831 : i32
      %add3A_833 = arith.constant 1 : i32
      %add3A_834 = arith.addi %add3A_832, %add3A_833 : i32
      %slice3A_835 = vector.extract_strided_slice %get3A_247 {offsets = [5], sizes = [1], strides = [1]} : vector<16xi32> to vector<1xi32>
      %squeeze3A_836 = vector.extract %slice3A_835[0] : i32 from vector<1xi32>
      %rem3A_837 = arith.constant 128 : i32
      %rem3A_838 = arith.remsi %squeeze3A_836, %rem3A_837 : i32
      %broadcast_in_dim3A_839 = vector.broadcast %rem3A_838 : i32 to vector<16xi32>
      %rem3A_840 = arith.constant 128 : i32
      %rem3A_841 = arith.remsi %add3A_834, %rem3A_840 : i32
      %broadcast_in_dim3A_842 = vector.broadcast %rem3A_841 : i32 to vector<16xi32>
      %gather3A_843 = tpu.vector_load_idx %arg14[%add3A_24, %broadcast_in_dim3A_839] : memref<64x128xf32, #tpu.memory_space<vmem>>[vector<16xi32>, vector<16xi32>], vector<16xf32>,
      %gather3A_844 = tpu.vector_load_idx %arg19[%add3A_24, %broadcast_in_dim3A_842] : memref<64x128xf32, #tpu.memory_space<vmem>>[vector<16xi32>, vector<16xi32>], vector<16xf32>,
      %add3A_845 = arith.addf %gather3A_843, %gather3A_844 : vector<16xf32>
      %gather3A_846 = tpu.vector_load_idx %arg14[%add3A_28, %broadcast_in_dim3A_839] : memref<64x128xf32, #tpu.memory_space<vmem>>[vector<16xi32>, vector<16xi32>], vector<16xf32>,
      %gather3A_847 = tpu.vector_load_idx %arg19[%add3A_28, %broadcast_in_dim3A_842] : memref<64x128xf32, #tpu.memory_space<vmem>>[vector<16xi32>, vector<16xi32>], vector<16xf32>,
      %add3A_848 = arith.addf %gather3A_846, %gather3A_847 : vector<16xf32>
      %gather3A_849 = tpu.vector_load_idx %arg14[%add3A_32, %broadcast_in_dim3A_839] : memref<64x128xf32, #tpu.memory_space<vmem>>[vector<16xi32>, vector<16xi32>], vector<16xf32>,
      %gather3A_850 = tpu.vector_load_idx %arg19[%add3A_32, %broadcast_in_dim3A_842] : memref<64x128xf32, #tpu.memory_space<vmem>>[vector<16xi32>, vector<16xi32>], vector<16xf32>,
      %add3A_851 = arith.addf %gather3A_849, %gather3A_850 : vector<16xf32>
      %gather3A_852 = tpu.vector_load_idx %arg14[%add3A_36, %broadcast_in_dim3A_839] : memref<64x128xf32, #tpu.memory_space<vmem>>[vector<16xi32>, vector<16xi32>], vector<16xf32>,
      %gather3A_853 = tpu.vector_load_idx %arg19[%add3A_36, %broadcast_in_dim3A_842] : memref<64x128xf32, #tpu.memory_space<vmem>>[vector<16xi32>, vector<16xi32>], vector<16xf32>,
      %add3A_854 = arith.addf %gather3A_852, %gather3A_853 : vector<16xf32>
      %add3A_855 = arith.addf %add3A_845, %add3A_848 : vector<16xf32>
      %add3A_856 = arith.addf %add3A_855, %add3A_851 : vector<16xf32>
      %add3A_857 = arith.addf %add3A_856, %add3A_854 : vector<16xf32>
      %mul3A_858 = arith.mulf %add3A_845, %add3A_845 : vector<16xf32>
      %mul3A_859 = arith.mulf %add3A_848, %add3A_848 : vector<16xf32>
      %add3A_860 = arith.addf %mul3A_858, %mul3A_859 : vector<16xf32>
      %mul3A_861 = arith.mulf %add3A_851, %add3A_851 : vector<16xf32>
      %add3A_862 = arith.addf %add3A_860, %mul3A_861 : vector<16xf32>
      %mul3A_863 = arith.mulf %add3A_854, %add3A_854 : vector<16xf32>
      %add3A_864 = arith.addf %add3A_862, %mul3A_863 : vector<16xf32>
      %reduce_sum3A_865 = arith.constant true
      %reduce_sum3A_866 = vector.broadcast %reduce_sum3A_865 : i1 to vector<16xi1>
      %reduce_sum3A_867 = tpu.scan <sum>, %add3A_857 masked %reduce_sum3A_866 : vector<16xf32>, vector<16xi1> -> vector<16xf32>
      %reduce_sum3A_868 = vector.extract %reduce_sum3A_867[15] : f32 from vector<16xf32>
      %reduce_sum3A_869 = arith.constant true
      %reduce_sum3A_870 = vector.broadcast %reduce_sum3A_869 : i1 to vector<16xi1>
      %reduce_sum3A_871 = tpu.scan <sum>, %add3A_864 masked %reduce_sum3A_870 : vector<16xf32>, vector<16xi1> -> vector<16xf32>
      %reduce_sum3A_872 = vector.extract %reduce_sum3A_871[15] : f32 from vector<16xf32>
      %mul3A_873 = arith.constant 1.562500e-02 : f32
      %mul3A_874 = arith.mulf %reduce_sum3A_868, %mul3A_873 : f32
      %mul3A_875 = arith.constant 1.562500e-02 : f32
      %mul3A_876 = arith.mulf %reduce_sum3A_872, %mul3A_875 : f32
      %mul3A_877 = arith.mulf %mul3A_874, %mul3A_874 : f32
      %sub3A_878 = arith.subf %mul3A_876, %mul3A_877 : f32
      %broadcast_in_dim3A_879 = vector.broadcast %mul3A_874 : f32 to vector<16xf32>
      %add3A_880 = arith.constant 9.99999974E-6 : f32
      %add3A_881 = arith.addf %sub3A_878, %add3A_880 : f32
      %broadcast_in_dim3A_882 = vector.broadcast %add3A_881 : f32 to vector<16xf32>
      %bitcast3A_883 = vector.bitcast %broadcast_in_dim3A_882 : vector<16xf32> to vector<16xi32>
      %shift_right_logical3A_884 = arith.constant 1 : i32
      %shift_right_logical3A_885 = vector.broadcast %shift_right_logical3A_884 : i32 to vector<16xi32>
      %shift_right_logical3A_886 = arith.shrui %bitcast3A_883, %shift_right_logical3A_885 : vector<16xi32>
      %sub3A_887 = arith.constant 1597463007 : i32
      %sub3A_888 = vector.broadcast %sub3A_887 : i32 to vector<16xi32>
      %sub3A_889 = arith.subi %sub3A_888, %shift_right_logical3A_886 : vector<16xi32>
      %bitcast3A_890 = vector.bitcast %sub3A_889 : vector<16xi32> to vector<16xf32>
      %mul3A_891 = arith.constant 5.000000e-01 : f32
      %mul3A_892 = vector.broadcast %mul3A_891 : f32 to vector<16xf32>
      %mul3A_893 = arith.mulf %broadcast_in_dim3A_882, %mul3A_892 : vector<16xf32>
      %mul3A_894 = arith.mulf %mul3A_893, %bitcast3A_890 : vector<16xf32>
      %mul3A_895 = arith.mulf %mul3A_894, %bitcast3A_890 : vector<16xf32>
      %sub3A_896 = arith.constant 1.500000e+00 : f32
      %sub3A_897 = vector.broadcast %sub3A_896 : f32 to vector<16xf32>
      %sub3A_898 = arith.subf %sub3A_897, %mul3A_895 : vector<16xf32>
      %mul3A_899 = arith.mulf %bitcast3A_890, %sub3A_898 : vector<16xf32>
      %mul3A_900 = arith.mulf %mul3A_893, %mul3A_899 : vector<16xf32>
      %mul3A_901 = arith.mulf %mul3A_900, %mul3A_899 : vector<16xf32>
      %sub3A_902 = arith.constant 1.500000e+00 : f32
      %sub3A_903 = vector.broadcast %sub3A_902 : f32 to vector<16xf32>
      %sub3A_904 = arith.subf %sub3A_903, %mul3A_901 : vector<16xf32>
      %mul3A_905 = arith.mulf %mul3A_899, %sub3A_904 : vector<16xf32>
      %mul3A_906 = arith.mulf %mul3A_893, %mul3A_905 : vector<16xf32>
      %mul3A_907 = arith.mulf %mul3A_906, %mul3A_905 : vector<16xf32>
      %sub3A_908 = arith.constant 1.500000e+00 : f32
      %sub3A_909 = vector.broadcast %sub3A_908 : f32 to vector<16xf32>
      %sub3A_910 = arith.subf %sub3A_909, %mul3A_907 : vector<16xf32>
      %mul3A_911 = arith.mulf %mul3A_905, %sub3A_910 : vector<16xf32>
      %sub3A_912 = arith.subf %add3A_845, %broadcast_in_dim3A_879 : vector<16xf32>
      %mul3A_913 = arith.mulf %sub3A_912, %mul3A_911 : vector<16xf32>
      %mul3A_914 = arith.mulf %mul3A_913, %get3A_37 : vector<16xf32>
      %add3A_915 = arith.addf %mul3A_914, %get3A_45 : vector<16xf32>
      tpu.vector_store_idx %arg17[%add3A_24, %broadcast_in_dim3A_842], %add3A_915 : memref<64x128xf32, #tpu.memory_space<vmem>>[vector<16xi32>, vector<16xi32>], vector<16xf32>,
      %sub3A_916 = arith.subf %add3A_848, %broadcast_in_dim3A_879 : vector<16xf32>
      %mul3A_917 = arith.mulf %sub3A_916, %mul3A_911 : vector<16xf32>
      %mul3A_918 = arith.mulf %mul3A_917, %get3A_39 : vector<16xf32>
      %add3A_919 = arith.addf %mul3A_918, %get3A_47 : vector<16xf32>
      tpu.vector_store_idx %arg17[%add3A_28, %broadcast_in_dim3A_842], %add3A_919 : memref<64x128xf32, #tpu.memory_space<vmem>>[vector<16xi32>, vector<16xi32>], vector<16xf32>,
      %sub3A_920 = arith.subf %add3A_851, %broadcast_in_dim3A_879 : vector<16xf32>
      %mul3A_921 = arith.mulf %sub3A_920, %mul3A_911 : vector<16xf32>
      %mul3A_922 = arith.mulf %mul3A_921, %get3A_41 : vector<16xf32>
      %add3A_923 = arith.addf %mul3A_922, %get3A_49 : vector<16xf32>
      tpu.vector_store_idx %arg17[%add3A_32, %broadcast_in_dim3A_842], %add3A_923 : memref<64x128xf32, #tpu.memory_space<vmem>>[vector<16xi32>, vector<16xi32>], vector<16xf32>,
      %sub3A_924 = arith.subf %add3A_854, %broadcast_in_dim3A_879 : vector<16xf32>
      %mul3A_925 = arith.mulf %sub3A_924, %mul3A_911 : vector<16xf32>
      %mul3A_926 = arith.mulf %mul3A_925, %get3A_43 : vector<16xf32>
      %add3A_927 = arith.addf %mul3A_926, %get3A_51 : vector<16xf32>
      tpu.vector_store_idx %arg17[%add3A_36, %broadcast_in_dim3A_842], %add3A_927 : memref<64x128xf32, #tpu.memory_space<vmem>>[vector<16xi32>, vector<16xi32>], vector<16xf32>,
      %add3A_928 = arith.constant 4 : i32
      %add3A_929 = arith.addi %mul3A_245, %add3A_928 : i32
      %add3A_930 = arith.constant 2 : i32
      %add3A_931 = arith.addi %add3A_929, %add3A_930 : i32
      %slice3A_932 = vector.extract_strided_slice %get3A_247 {offsets = [6], sizes = [1], strides = [1]} : vector<16xi32> to vector<1xi32>
      %squeeze3A_933 = vector.extract %slice3A_932[0] : i32 from vector<1xi32>
      %rem3A_934 = arith.constant 128 : i32
      %rem3A_935 = arith.remsi %squeeze3A_933, %rem3A_934 : i32
      %broadcast_in_dim3A_936 = vector.broadcast %rem3A_935 : i32 to vector<16xi32>
      %rem3A_937 = arith.constant 128 : i32
      %rem3A_938 = arith.remsi %add3A_931, %rem3A_937 : i32
      %broadcast_in_dim3A_939 = vector.broadcast %rem3A_938 : i32 to vector<16xi32>
      %gather3A_940 = tpu.vector_load_idx %arg15[%add3A_24, %broadcast_in_dim3A_936] : memref<64x128xf32, #tpu.memory_space<vmem>>[vector<16xi32>, vector<16xi32>], vector<16xf32>,
      %gather3A_941 = tpu.vector_load_idx %arg19[%add3A_24, %broadcast_in_dim3A_939] : memref<64x128xf32, #tpu.memory_space<vmem>>[vector<16xi32>, vector<16xi32>], vector<16xf32>,
      %add3A_942 = arith.addf %gather3A_940, %gather3A_941 : vector<16xf32>
      %gather3A_943 = tpu.vector_load_idx %arg15[%add3A_28, %broadcast_in_dim3A_936] : memref<64x128xf32, #tpu.memory_space<vmem>>[vector<16xi32>, vector<16xi32>], vector<16xf32>,
      %gather3A_944 = tpu.vector_load_idx %arg19[%add3A_28, %broadcast_in_dim3A_939] : memref<64x128xf32, #tpu.memory_space<vmem>>[vector<16xi32>, vector<16xi32>], vector<16xf32>,
      %add3A_945 = arith.addf %gather3A_943, %gather3A_944 : vector<16xf32>
      %gather3A_946 = tpu.vector_load_idx %arg15[%add3A_32, %broadcast_in_dim3A_936] : memref<64x128xf32, #tpu.memory_space<vmem>>[vector<16xi32>, vector<16xi32>], vector<16xf32>,
      %gather3A_947 = tpu.vector_load_idx %arg19[%add3A_32, %broadcast_in_dim3A_939] : memref<64x128xf32, #tpu.memory_space<vmem>>[vector<16xi32>, vector<16xi32>], vector<16xf32>,
      %add3A_948 = arith.addf %gather3A_946, %gather3A_947 : vector<16xf32>
      %gather3A_949 = tpu.vector_load_idx %arg15[%add3A_36, %broadcast_in_dim3A_936] : memref<64x128xf32, #tpu.memory_space<vmem>>[vector<16xi32>, vector<16xi32>], vector<16xf32>,
      %gather3A_950 = tpu.vector_load_idx %arg19[%add3A_36, %broadcast_in_dim3A_939] : memref<64x128xf32, #tpu.memory_space<vmem>>[vector<16xi32>, vector<16xi32>], vector<16xf32>,
      %add3A_951 = arith.addf %gather3A_949, %gather3A_950 : vector<16xf32>
      %add3A_952 = arith.addf %add3A_942, %add3A_945 : vector<16xf32>
      %add3A_953 = arith.addf %add3A_952, %add3A_948 : vector<16xf32>
      %add3A_954 = arith.addf %add3A_953, %add3A_951 : vector<16xf32>
      %mul3A_955 = arith.mulf %add3A_942, %add3A_942 : vector<16xf32>
      %mul3A_956 = arith.mulf %add3A_945, %add3A_945 : vector<16xf32>
      %add3A_957 = arith.addf %mul3A_955, %mul3A_956 : vector<16xf32>
      %mul3A_958 = arith.mulf %add3A_948, %add3A_948 : vector<16xf32>
      %add3A_959 = arith.addf %add3A_957, %mul3A_958 : vector<16xf32>
      %mul3A_960 = arith.mulf %add3A_951, %add3A_951 : vector<16xf32>
      %add3A_961 = arith.addf %add3A_959, %mul3A_960 : vector<16xf32>
      %reduce_sum3A_962 = arith.constant true
      %reduce_sum3A_963 = vector.broadcast %reduce_sum3A_962 : i1 to vector<16xi1>
      %reduce_sum3A_964 = tpu.scan <sum>, %add3A_954 masked %reduce_sum3A_963 : vector<16xf32>, vector<16xi1> -> vector<16xf32>
      %reduce_sum3A_965 = vector.extract %reduce_sum3A_964[15] : f32 from vector<16xf32>
      %reduce_sum3A_966 = arith.constant true
      %reduce_sum3A_967 = vector.broadcast %reduce_sum3A_966 : i1 to vector<16xi1>
      %reduce_sum3A_968 = tpu.scan <sum>, %add3A_961 masked %reduce_sum3A_967 : vector<16xf32>, vector<16xi1> -> vector<16xf32>
      %reduce_sum3A_969 = vector.extract %reduce_sum3A_968[15] : f32 from vector<16xf32>
      %mul3A_970 = arith.constant 1.562500e-02 : f32
      %mul3A_971 = arith.mulf %reduce_sum3A_965, %mul3A_970 : f32
      %mul3A_972 = arith.constant 1.562500e-02 : f32
      %mul3A_973 = arith.mulf %reduce_sum3A_969, %mul3A_972 : f32
      %mul3A_974 = arith.mulf %mul3A_971, %mul3A_971 : f32
      %sub3A_975 = arith.subf %mul3A_973, %mul3A_974 : f32
      %broadcast_in_dim3A_976 = vector.broadcast %mul3A_971 : f32 to vector<16xf32>
      %add3A_977 = arith.constant 9.99999974E-6 : f32
      %add3A_978 = arith.addf %sub3A_975, %add3A_977 : f32
      %broadcast_in_dim3A_979 = vector.broadcast %add3A_978 : f32 to vector<16xf32>
      %bitcast3A_980 = vector.bitcast %broadcast_in_dim3A_979 : vector<16xf32> to vector<16xi32>
      %shift_right_logical3A_981 = arith.constant 1 : i32
      %shift_right_logical3A_982 = vector.broadcast %shift_right_logical3A_981 : i32 to vector<16xi32>
      %shift_right_logical3A_983 = arith.shrui %bitcast3A_980, %shift_right_logical3A_982 : vector<16xi32>
      %sub3A_984 = arith.constant 1597463007 : i32
      %sub3A_985 = vector.broadcast %sub3A_984 : i32 to vector<16xi32>
      %sub3A_986 = arith.subi %sub3A_985, %shift_right_logical3A_983 : vector<16xi32>
      %bitcast3A_987 = vector.bitcast %sub3A_986 : vector<16xi32> to vector<16xf32>
      %mul3A_988 = arith.constant 5.000000e-01 : f32
      %mul3A_989 = vector.broadcast %mul3A_988 : f32 to vector<16xf32>
      %mul3A_990 = arith.mulf %broadcast_in_dim3A_979, %mul3A_989 : vector<16xf32>
      %mul3A_991 = arith.mulf %mul3A_990, %bitcast3A_987 : vector<16xf32>
      %mul3A_992 = arith.mulf %mul3A_991, %bitcast3A_987 : vector<16xf32>
      %sub3A_993 = arith.constant 1.500000e+00 : f32
      %sub3A_994 = vector.broadcast %sub3A_993 : f32 to vector<16xf32>
      %sub3A_995 = arith.subf %sub3A_994, %mul3A_992 : vector<16xf32>
      %mul3A_996 = arith.mulf %bitcast3A_987, %sub3A_995 : vector<16xf32>
      %mul3A_997 = arith.mulf %mul3A_990, %mul3A_996 : vector<16xf32>
      %mul3A_998 = arith.mulf %mul3A_997, %mul3A_996 : vector<16xf32>
      %sub3A_999 = arith.constant 1.500000e+00 : f32
      %sub3A_1000 = vector.broadcast %sub3A_999 : f32 to vector<16xf32>
      %sub3A_1001 = arith.subf %sub3A_1000, %mul3A_998 : vector<16xf32>
      %mul3A_1002 = arith.mulf %mul3A_996, %sub3A_1001 : vector<16xf32>
      %mul3A_1003 = arith.mulf %mul3A_990, %mul3A_1002 : vector<16xf32>
      %mul3A_1004 = arith.mulf %mul3A_1003, %mul3A_1002 : vector<16xf32>
      %sub3A_1005 = arith.constant 1.500000e+00 : f32
      %sub3A_1006 = vector.broadcast %sub3A_1005 : f32 to vector<16xf32>
      %sub3A_1007 = arith.subf %sub3A_1006, %mul3A_1004 : vector<16xf32>
      %mul3A_1008 = arith.mulf %mul3A_1002, %sub3A_1007 : vector<16xf32>
      %sub3A_1009 = arith.subf %add3A_942, %broadcast_in_dim3A_976 : vector<16xf32>
      %mul3A_1010 = arith.mulf %sub3A_1009, %mul3A_1008 : vector<16xf32>
      %mul3A_1011 = arith.mulf %mul3A_1010, %get3A_37 : vector<16xf32>
      %add3A_1012 = arith.addf %mul3A_1011, %get3A_45 : vector<16xf32>
      tpu.vector_store_idx %arg17[%add3A_24, %broadcast_in_dim3A_939], %add3A_1012 : memref<64x128xf32, #tpu.memory_space<vmem>>[vector<16xi32>, vector<16xi32>], vector<16xf32>,
      %sub3A_1013 = arith.subf %add3A_945, %broadcast_in_dim3A_976 : vector<16xf32>
      %mul3A_1014 = arith.mulf %sub3A_1013, %mul3A_1008 : vector<16xf32>
      %mul3A_1015 = arith.mulf %mul3A_1014, %get3A_39 : vector<16xf32>
      %add3A_1016 = arith.addf %mul3A_1015, %get3A_47 : vector<16xf32>
      tpu.vector_store_idx %arg17[%add3A_28, %broadcast_in_dim3A_939], %add3A_1016 : memref<64x128xf32, #tpu.memory_space<vmem>>[vector<16xi32>, vector<16xi32>], vector<16xf32>,
      %sub3A_1017 = arith.subf %add3A_948, %broadcast_in_dim3A_976 : vector<16xf32>
      %mul3A_1018 = arith.mulf %sub3A_1017, %mul3A_1008 : vector<16xf32>
      %mul3A_1019 = arith.mulf %mul3A_1018, %get3A_41 : vector<16xf32>
      %add3A_1020 = arith.addf %mul3A_1019, %get3A_49 : vector<16xf32>
      tpu.vector_store_idx %arg17[%add3A_32, %broadcast_in_dim3A_939], %add3A_1020 : memref<64x128xf32, #tpu.memory_space<vmem>>[vector<16xi32>, vector<16xi32>], vector<16xf32>,
      %sub3A_1021 = arith.subf %add3A_951, %broadcast_in_dim3A_976 : vector<16xf32>
      %mul3A_1022 = arith.mulf %sub3A_1021, %mul3A_1008 : vector<16xf32>
      %mul3A_1023 = arith.mulf %mul3A_1022, %get3A_43 : vector<16xf32>
      %add3A_1024 = arith.addf %mul3A_1023, %get3A_51 : vector<16xf32>
      tpu.vector_store_idx %arg17[%add3A_36, %broadcast_in_dim3A_939], %add3A_1024 : memref<64x128xf32, #tpu.memory_space<vmem>>[vector<16xi32>, vector<16xi32>], vector<16xf32>,
      %add3A_1025 = arith.constant 4 : i32
      %add3A_1026 = arith.addi %mul3A_245, %add3A_1025 : i32
      %add3A_1027 = arith.constant 3 : i32
      %add3A_1028 = arith.addi %add3A_1026, %add3A_1027 : i32
      %slice3A_1029 = vector.extract_strided_slice %get3A_247 {offsets = [7], sizes = [1], strides = [1]} : vector<16xi32> to vector<1xi32>
      %squeeze3A_1030 = vector.extract %slice3A_1029[0] : i32 from vector<1xi32>
      %rem3A_1031 = arith.constant 128 : i32
      %rem3A_1032 = arith.remsi %squeeze3A_1030, %rem3A_1031 : i32
      %broadcast_in_dim3A_1033 = vector.broadcast %rem3A_1032 : i32 to vector<16xi32>
      %rem3A_1034 = arith.constant 128 : i32
      %rem3A_1035 = arith.remsi %add3A_1028, %rem3A_1034 : i32
      %broadcast_in_dim3A_1036 = vector.broadcast %rem3A_1035 : i32 to vector<16xi32>
      %gather3A_1037 = tpu.vector_load_idx %arg16[%add3A_24, %broadcast_in_dim3A_1033] : memref<64x128xf32, #tpu.memory_space<vmem>>[vector<16xi32>, vector<16xi32>], vector<16xf32>,
      %gather3A_1038 = tpu.vector_load_idx %arg19[%add3A_24, %broadcast_in_dim3A_1036] : memref<64x128xf32, #tpu.memory_space<vmem>>[vector<16xi32>, vector<16xi32>], vector<16xf32>,
      %add3A_1039 = arith.addf %gather3A_1037, %gather3A_1038 : vector<16xf32>
      %gather3A_1040 = tpu.vector_load_idx %arg16[%add3A_28, %broadcast_in_dim3A_1033] : memref<64x128xf32, #tpu.memory_space<vmem>>[vector<16xi32>, vector<16xi32>], vector<16xf32>,
      %gather3A_1041 = tpu.vector_load_idx %arg19[%add3A_28, %broadcast_in_dim3A_1036] : memref<64x128xf32, #tpu.memory_space<vmem>>[vector<16xi32>, vector<16xi32>], vector<16xf32>,
      %add3A_1042 = arith.addf %gather3A_1040, %gather3A_1041 : vector<16xf32>
      %gather3A_1043 = tpu.vector_load_idx %arg16[%add3A_32, %broadcast_in_dim3A_1033] : memref<64x128xf32, #tpu.memory_space<vmem>>[vector<16xi32>, vector<16xi32>], vector<16xf32>,
      %gather3A_1044 = tpu.vector_load_idx %arg19[%add3A_32, %broadcast_in_dim3A_1036] : memref<64x128xf32, #tpu.memory_space<vmem>>[vector<16xi32>, vector<16xi32>], vector<16xf32>,
      %add3A_1045 = arith.addf %gather3A_1043, %gather3A_1044 : vector<16xf32>
      %gather3A_1046 = tpu.vector_load_idx %arg16[%add3A_36, %broadcast_in_dim3A_1033] : memref<64x128xf32, #tpu.memory_space<vmem>>[vector<16xi32>, vector<16xi32>], vector<16xf32>,
      %gather3A_1047 = tpu.vector_load_idx %arg19[%add3A_36, %broadcast_in_dim3A_1036] : memref<64x128xf32, #tpu.memory_space<vmem>>[vector<16xi32>, vector<16xi32>], vector<16xf32>,
      %add3A_1048 = arith.addf %gather3A_1046, %gather3A_1047 : vector<16xf32>
      %add3A_1049 = arith.addf %add3A_1039, %add3A_1042 : vector<16xf32>
      %add3A_1050 = arith.addf %add3A_1049, %add3A_1045 : vector<16xf32>
      %add3A_1051 = arith.addf %add3A_1050, %add3A_1048 : vector<16xf32>
      %mul3A_1052 = arith.mulf %add3A_1039, %add3A_1039 : vector<16xf32>
      %mul3A_1053 = arith.mulf %add3A_1042, %add3A_1042 : vector<16xf32>
      %add3A_1054 = arith.addf %mul3A_1052, %mul3A_1053 : vector<16xf32>
      %mul3A_1055 = arith.mulf %add3A_1045, %add3A_1045 : vector<16xf32>
      %add3A_1056 = arith.addf %add3A_1054, %mul3A_1055 : vector<16xf32>
      %mul3A_1057 = arith.mulf %add3A_1048, %add3A_1048 : vector<16xf32>
      %add3A_1058 = arith.addf %add3A_1056, %mul3A_1057 : vector<16xf32>
      %reduce_sum3A_1059 = arith.constant true
      %reduce_sum3A_1060 = vector.broadcast %reduce_sum3A_1059 : i1 to vector<16xi1>
      %reduce_sum3A_1061 = tpu.scan <sum>, %add3A_1051 masked %reduce_sum3A_1060 : vector<16xf32>, vector<16xi1> -> vector<16xf32>
      %reduce_sum3A_1062 = vector.extract %reduce_sum3A_1061[15] : f32 from vector<16xf32>
      %reduce_sum3A_1063 = arith.constant true
      %reduce_sum3A_1064 = vector.broadcast %reduce_sum3A_1063 : i1 to vector<16xi1>
      %reduce_sum3A_1065 = tpu.scan <sum>, %add3A_1058 masked %reduce_sum3A_1064 : vector<16xf32>, vector<16xi1> -> vector<16xf32>
      %reduce_sum3A_1066 = vector.extract %reduce_sum3A_1065[15] : f32 from vector<16xf32>
      %mul3A_1067 = arith.constant 1.562500e-02 : f32
      %mul3A_1068 = arith.mulf %reduce_sum3A_1062, %mul3A_1067 : f32
      %mul3A_1069 = arith.constant 1.562500e-02 : f32
      %mul3A_1070 = arith.mulf %reduce_sum3A_1066, %mul3A_1069 : f32
      %mul3A_1071 = arith.mulf %mul3A_1068, %mul3A_1068 : f32
      %sub3A_1072 = arith.subf %mul3A_1070, %mul3A_1071 : f32
      %broadcast_in_dim3A_1073 = vector.broadcast %mul3A_1068 : f32 to vector<16xf32>
      %add3A_1074 = arith.constant 9.99999974E-6 : f32
      %add3A_1075 = arith.addf %sub3A_1072, %add3A_1074 : f32
      %broadcast_in_dim3A_1076 = vector.broadcast %add3A_1075 : f32 to vector<16xf32>
      %bitcast3A_1077 = vector.bitcast %broadcast_in_dim3A_1076 : vector<16xf32> to vector<16xi32>
      %shift_right_logical3A_1078 = arith.constant 1 : i32
      %shift_right_logical3A_1079 = vector.broadcast %shift_right_logical3A_1078 : i32 to vector<16xi32>
      %shift_right_logical3A_1080 = arith.shrui %bitcast3A_1077, %shift_right_logical3A_1079 : vector<16xi32>
      %sub3A_1081 = arith.constant 1597463007 : i32
      %sub3A_1082 = vector.broadcast %sub3A_1081 : i32 to vector<16xi32>
      %sub3A_1083 = arith.subi %sub3A_1082, %shift_right_logical3A_1080 : vector<16xi32>
      %bitcast3A_1084 = vector.bitcast %sub3A_1083 : vector<16xi32> to vector<16xf32>
      %mul3A_1085 = arith.constant 5.000000e-01 : f32
      %mul3A_1086 = vector.broadcast %mul3A_1085 : f32 to vector<16xf32>
      %mul3A_1087 = arith.mulf %broadcast_in_dim3A_1076, %mul3A_1086 : vector<16xf32>
      %mul3A_1088 = arith.mulf %mul3A_1087, %bitcast3A_1084 : vector<16xf32>
      %mul3A_1089 = arith.mulf %mul3A_1088, %bitcast3A_1084 : vector<16xf32>
      %sub3A_1090 = arith.constant 1.500000e+00 : f32
      %sub3A_1091 = vector.broadcast %sub3A_1090 : f32 to vector<16xf32>
      %sub3A_1092 = arith.subf %sub3A_1091, %mul3A_1089 : vector<16xf32>
      %mul3A_1093 = arith.mulf %bitcast3A_1084, %sub3A_1092 : vector<16xf32>
      %mul3A_1094 = arith.mulf %mul3A_1087, %mul3A_1093 : vector<16xf32>
      %mul3A_1095 = arith.mulf %mul3A_1094, %mul3A_1093 : vector<16xf32>
      %sub3A_1096 = arith.constant 1.500000e+00 : f32
      %sub3A_1097 = vector.broadcast %sub3A_1096 : f32 to vector<16xf32>
      %sub3A_1098 = arith.subf %sub3A_1097, %mul3A_1095 : vector<16xf32>
      %mul3A_1099 = arith.mulf %mul3A_1093, %sub3A_1098 : vector<16xf32>
      %mul3A_1100 = arith.mulf %mul3A_1087, %mul3A_1099 : vector<16xf32>
      %mul3A_1101 = arith.mulf %mul3A_1100, %mul3A_1099 : vector<16xf32>
      %sub3A_1102 = arith.constant 1.500000e+00 : f32
      %sub3A_1103 = vector.broadcast %sub3A_1102 : f32 to vector<16xf32>
      %sub3A_1104 = arith.subf %sub3A_1103, %mul3A_1101 : vector<16xf32>
      %mul3A_1105 = arith.mulf %mul3A_1099, %sub3A_1104 : vector<16xf32>
      %sub3A_1106 = arith.subf %add3A_1039, %broadcast_in_dim3A_1073 : vector<16xf32>
      %mul3A_1107 = arith.mulf %sub3A_1106, %mul3A_1105 : vector<16xf32>
      %mul3A_1108 = arith.mulf %mul3A_1107, %get3A_37 : vector<16xf32>
      %add3A_1109 = arith.addf %mul3A_1108, %get3A_45 : vector<16xf32>
      tpu.vector_store_idx %arg17[%add3A_24, %broadcast_in_dim3A_1036], %add3A_1109 : memref<64x128xf32, #tpu.memory_space<vmem>>[vector<16xi32>, vector<16xi32>], vector<16xf32>,
      %sub3A_1110 = arith.subf %add3A_1042, %broadcast_in_dim3A_1073 : vector<16xf32>
      %mul3A_1111 = arith.mulf %sub3A_1110, %mul3A_1105 : vector<16xf32>
      %mul3A_1112 = arith.mulf %mul3A_1111, %get3A_39 : vector<16xf32>
      %add3A_1113 = arith.addf %mul3A_1112, %get3A_47 : vector<16xf32>
      tpu.vector_store_idx %arg17[%add3A_28, %broadcast_in_dim3A_1036], %add3A_1113 : memref<64x128xf32, #tpu.memory_space<vmem>>[vector<16xi32>, vector<16xi32>], vector<16xf32>,
      %sub3A_1114 = arith.subf %add3A_1045, %broadcast_in_dim3A_1073 : vector<16xf32>
      %mul3A_1115 = arith.mulf %sub3A_1114, %mul3A_1105 : vector<16xf32>
      %mul3A_1116 = arith.mulf %mul3A_1115, %get3A_41 : vector<16xf32>
      %add3A_1117 = arith.addf %mul3A_1116, %get3A_49 : vector<16xf32>
      tpu.vector_store_idx %arg17[%add3A_32, %broadcast_in_dim3A_1036], %add3A_1117 : memref<64x128xf32, #tpu.memory_space<vmem>>[vector<16xi32>, vector<16xi32>], vector<16xf32>,
      %sub3A_1118 = arith.subf %add3A_1048, %broadcast_in_dim3A_1073 : vector<16xf32>
      %mul3A_1119 = arith.mulf %sub3A_1118, %mul3A_1105 : vector<16xf32>
      %mul3A_1120 = arith.mulf %mul3A_1119, %get3A_43 : vector<16xf32>
      %add3A_1121 = arith.addf %mul3A_1120, %get3A_51 : vector<16xf32>
      tpu.vector_store_idx %arg17[%add3A_36, %broadcast_in_dim3A_1036], %add3A_1121 : memref<64x128xf32, #tpu.memory_space<vmem>>[vector<16xi32>, vector<16xi32>], vector<16xf32>,
      %slice3A_1122 = vector.extract_strided_slice %get3A_251 {offsets = [4], sizes = [1], strides = [1]} : vector<16xi32> to vector<1xi32>
      %squeeze3A_1123 = vector.extract %slice3A_1122[0] : i32 from vector<1xi32>
      %div3A_1124 = arith.constant 128 : i32
      %div3A_1125 = arith.divsi %squeeze3A_1123, %div3A_1124 : i32
      %mul3A_1126 = arith.constant 128 : i32
      %mul3A_1127 = arith.muli %div3A_1125, %mul3A_1126 : i32
      %min3A_1128 = arith.constant 999936 : i32
      %min3A_1129 = arith.minsi %mul3A_1127, %min3A_1128 : i32
      %max3A_1130 = arith.constant 0 : i32
      %max3A_1131 = arith.maxsi %max3A_1130, %min3A_1129 : i32
      %multiple_of3A_1132 = tpu.assume_multiple %max3A_1131, 128 : i32
      %dma_start3A_1133 = arith.constant 0 : i32
      %dma_start3A_1134 = tpu.memref_slice %arg3[%dma_start3A_1133, %multiple_of3A_1132] : memref<64x1000000xf32, #tpu.memory_space<hbm>> -> memref<64x128xf32, #tpu.memory_space<hbm>>
      %dma_start3A_1135 = arith.constant 0 : i32
      %dma_start3A_1136 = tpu.memref_slice %arg3[%dma_start3A_1135, %multiple_of3A_1132] : memref<64x1000000xf32, #tpu.memory_space<hbm>> -> memref<64x128xf32, #tpu.memory_space<hbm>>
      tpu.enqueue_dma source(%dma_start3A_1136 : memref<64x128xf32, #tpu.memory_space<hbm>>) target(%arg13 : memref<64x128xf32, #tpu.memory_space<vmem>>) target_semaphore(%arg24 : memref<!tpu.dma_semaphore, #tpu.memory_space<semaphore_mem>>)
      %slice3A_1137 = vector.extract_strided_slice %get3A_251 {offsets = [5], sizes = [1], strides = [1]} : vector<16xi32> to vector<1xi32>
      %squeeze3A_1138 = vector.extract %slice3A_1137[0] : i32 from vector<1xi32>
      %div3A_1139 = arith.constant 128 : i32
      %div3A_1140 = arith.divsi %squeeze3A_1138, %div3A_1139 : i32
      %mul3A_1141 = arith.constant 128 : i32
      %mul3A_1142 = arith.muli %div3A_1140, %mul3A_1141 : i32
      %min3A_1143 = arith.constant 999936 : i32
      %min3A_1144 = arith.minsi %mul3A_1142, %min3A_1143 : i32
      %max3A_1145 = arith.constant 0 : i32
      %max3A_1146 = arith.maxsi %max3A_1145, %min3A_1144 : i32
      %multiple_of3A_1147 = tpu.assume_multiple %max3A_1146, 128 : i32
      %dma_start3A_1148 = arith.constant 0 : i32
      %dma_start3A_1149 = tpu.memref_slice %arg3[%dma_start3A_1148, %multiple_of3A_1147] : memref<64x1000000xf32, #tpu.memory_space<hbm>> -> memref<64x128xf32, #tpu.memory_space<hbm>>
      %dma_start3A_1150 = arith.constant 0 : i32
      %dma_start3A_1151 = tpu.memref_slice %arg3[%dma_start3A_1150, %multiple_of3A_1147] : memref<64x1000000xf32, #tpu.memory_space<hbm>> -> memref<64x128xf32, #tpu.memory_space<hbm>>
      tpu.enqueue_dma source(%dma_start3A_1151 : memref<64x128xf32, #tpu.memory_space<hbm>>) target(%arg14 : memref<64x128xf32, #tpu.memory_space<vmem>>) target_semaphore(%arg24 : memref<!tpu.dma_semaphore, #tpu.memory_space<semaphore_mem>>)
      %slice3A_1152 = vector.extract_strided_slice %get3A_251 {offsets = [6], sizes = [1], strides = [1]} : vector<16xi32> to vector<1xi32>
      %squeeze3A_1153 = vector.extract %slice3A_1152[0] : i32 from vector<1xi32>
      %div3A_1154 = arith.constant 128 : i32
      %div3A_1155 = arith.divsi %squeeze3A_1153, %div3A_1154 : i32
      %mul3A_1156 = arith.constant 128 : i32
      %mul3A_1157 = arith.muli %div3A_1155, %mul3A_1156 : i32
      %min3A_1158 = arith.constant 999936 : i32
      %min3A_1159 = arith.minsi %mul3A_1157, %min3A_1158 : i32
      %max3A_1160 = arith.constant 0 : i32
      %max3A_1161 = arith.maxsi %max3A_1160, %min3A_1159 : i32
      %multiple_of3A_1162 = tpu.assume_multiple %max3A_1161, 128 : i32
      %dma_start3A_1163 = arith.constant 0 : i32
      %dma_start3A_1164 = tpu.memref_slice %arg3[%dma_start3A_1163, %multiple_of3A_1162] : memref<64x1000000xf32, #tpu.memory_space<hbm>> -> memref<64x128xf32, #tpu.memory_space<hbm>>
      %dma_start3A_1165 = arith.constant 0 : i32
      %dma_start3A_1166 = tpu.memref_slice %arg3[%dma_start3A_1165, %multiple_of3A_1162] : memref<64x1000000xf32, #tpu.memory_space<hbm>> -> memref<64x128xf32, #tpu.memory_space<hbm>>
      tpu.enqueue_dma source(%dma_start3A_1166 : memref<64x128xf32, #tpu.memory_space<hbm>>) target(%arg15 : memref<64x128xf32, #tpu.memory_space<vmem>>) target_semaphore(%arg24 : memref<!tpu.dma_semaphore, #tpu.memory_space<semaphore_mem>>)
      %slice3A_1167 = vector.extract_strided_slice %get3A_251 {offsets = [7], sizes = [1], strides = [1]} : vector<16xi32> to vector<1xi32>
      %squeeze3A_1168 = vector.extract %slice3A_1167[0] : i32 from vector<1xi32>
      %div3A_1169 = arith.constant 128 : i32
      %div3A_1170 = arith.divsi %squeeze3A_1168, %div3A_1169 : i32
      %mul3A_1171 = arith.constant 128 : i32
      %mul3A_1172 = arith.muli %div3A_1170, %mul3A_1171 : i32
      %min3A_1173 = arith.constant 999936 : i32
      %min3A_1174 = arith.minsi %mul3A_1172, %min3A_1173 : i32
      %max3A_1175 = arith.constant 0 : i32
      %max3A_1176 = arith.maxsi %max3A_1175, %min3A_1174 : i32
      %multiple_of3A_1177 = tpu.assume_multiple %max3A_1176, 128 : i32
      %dma_start3A_1178 = arith.constant 0 : i32
      %dma_start3A_1179 = tpu.memref_slice %arg3[%dma_start3A_1178, %multiple_of3A_1177] : memref<64x1000000xf32, #tpu.memory_space<hbm>> -> memref<64x128xf32, #tpu.memory_space<hbm>>
      %dma_start3A_1180 = arith.constant 0 : i32
      %dma_start3A_1181 = tpu.memref_slice %arg3[%dma_start3A_1180, %multiple_of3A_1177] : memref<64x1000000xf32, #tpu.memory_space<hbm>> -> memref<64x128xf32, #tpu.memory_space<hbm>>
      tpu.enqueue_dma source(%dma_start3A_1181 : memref<64x128xf32, #tpu.memory_space<hbm>>) target(%arg16 : memref<64x128xf32, #tpu.memory_space<vmem>>) target_semaphore(%arg24 : memref<!tpu.dma_semaphore, #tpu.memory_space<semaphore_mem>>)
    }
    %scan3A_174 = arith.constant 16 : i32
    %dma_start3A_175 = arith.constant 0 : i32
    %dma_start3A_176 = tpu.memref_slice %arg7[%div3A_3, %dma_start3A_175, %multiple_of3A_5] : memref<4x64x2048xf32, #tpu.memory_space<hbm>> -> memref<1x64x128xf32, #tpu.memory_space<hbm>>
    %dma_start3A_177 = tpu.memref_squeeze %dma_start3A_176 : memref<1x64x128xf32, #tpu.memory_space<hbm>> -> memref<64x128xf32, #tpu.memory_space<hbm>>
    %dma_start3A_178 = arith.constant 0 : i32
    %dma_start3A_179 = tpu.memref_slice %arg7[%div3A_3, %dma_start3A_178, %multiple_of3A_5] : memref<4x64x2048xf32, #tpu.memory_space<hbm>> -> memref<1x64x128xf32, #tpu.memory_space<hbm>>
    %dma_start3A_180 = tpu.memref_squeeze %dma_start3A_179 : memref<1x64x128xf32, #tpu.memory_space<hbm>> -> memref<64x128xf32, #tpu.memory_space<hbm>>
    tpu.enqueue_dma source(%arg17 : memref<64x128xf32, #tpu.memory_space<vmem>>) target(%dma_start3A_180 : memref<64x128xf32, #tpu.memory_space<hbm>>) target_semaphore(%arg25 : memref<!tpu.dma_semaphore, #tpu.memory_space<semaphore_mem>>)
    %scan3A_181 = arith.constant 0 : i32
    %scan3A_182 = arith.constant 16 : i32
    %scan3A_183 = arith.constant 16 : i32
    %scan3A_184 = arith.addi %scan3A_182, %scan3A_183 : i32
    %scan3A_185 = arith.constant 1 : i32
    scf.for %scan3A_243 = %scan3A_182 to %scan3A_184 step %scan3A_185  : i32 {
      %mul3A_244 = arith.constant 8 : i32
      %mul3A_245 = arith.muli %scan3A_243, %mul3A_244 : i32
      %get3A_246 = arith.index_cast %mul3A_245 : i32 to index
      %get3A_247 = tpu.vector_load %arg8[%get3A_246] {strides = array<i32>} : memref<272xi32, #tpu.memory_space<vmem>>, vector<16xi32>,
      %add3A_248 = arith.constant 8 : i32
      %add3A_249 = arith.addi %mul3A_245, %add3A_248 : i32
      %get3A_250 = arith.index_cast %add3A_249 : i32 to index
      %get3A_251 = tpu.vector_load %arg8[%get3A_250] {strides = array<i32>} : memref<272xi32, #tpu.memory_space<vmem>>, vector<16xi32>,
      %dma_wait3A_252 = arith.constant 0 : i32
      %dma_wait3A_253 = arith.constant 0 : i32
      %dma_wait3A_254 = tpu.memref_slice %arg3[%dma_wait3A_252, %dma_wait3A_253] : memref<64x1000000xf32, #tpu.memory_space<hbm>> -> memref<64x128xf32, #tpu.memory_space<hbm>>
      %dma_wait3A_255 = arith.constant 0 : i32
      %dma_wait3A_256 = arith.constant 0 : i32
      %dma_wait3A_257 = tpu.memref_slice %arg3[%dma_wait3A_255, %dma_wait3A_256] : memref<64x1000000xf32, #tpu.memory_space<hbm>> -> memref<64x128xf32, #tpu.memory_space<hbm>>
      tpu.wait_dma2 semaphore(%arg23 : memref<!tpu.dma_semaphore, #tpu.memory_space<semaphore_mem>>) src(%dma_wait3A_257 : memref<64x128xf32, #tpu.memory_space<hbm>>) dst(%arg9 : memref<64x128xf32, #tpu.memory_space<vmem>>)
      %dma_wait3A_258 = arith.constant 0 : i32
      %dma_wait3A_259 = arith.constant 0 : i32
      %dma_wait3A_260 = tpu.memref_slice %arg3[%dma_wait3A_258, %dma_wait3A_259] : memref<64x1000000xf32, #tpu.memory_space<hbm>> -> memref<64x128xf32, #tpu.memory_space<hbm>>
      %dma_wait3A_261 = arith.constant 0 : i32
      %dma_wait3A_262 = arith.constant 0 : i32
      %dma_wait3A_263 = tpu.memref_slice %arg3[%dma_wait3A_261, %dma_wait3A_262] : memref<64x1000000xf32, #tpu.memory_space<hbm>> -> memref<64x128xf32, #tpu.memory_space<hbm>>
      tpu.wait_dma2 semaphore(%arg23 : memref<!tpu.dma_semaphore, #tpu.memory_space<semaphore_mem>>) src(%dma_wait3A_263 : memref<64x128xf32, #tpu.memory_space<hbm>>) dst(%arg10 : memref<64x128xf32, #tpu.memory_space<vmem>>)
      %dma_wait3A_264 = arith.constant 0 : i32
      %dma_wait3A_265 = arith.constant 0 : i32
      %dma_wait3A_266 = tpu.memref_slice %arg3[%dma_wait3A_264, %dma_wait3A_265] : memref<64x1000000xf32, #tpu.memory_space<hbm>> -> memref<64x128xf32, #tpu.memory_space<hbm>>
      %dma_wait3A_267 = arith.constant 0 : i32
      %dma_wait3A_268 = arith.constant 0 : i32
      %dma_wait3A_269 = tpu.memref_slice %arg3[%dma_wait3A_267, %dma_wait3A_268] : memref<64x1000000xf32, #tpu.memory_space<hbm>> -> memref<64x128xf32, #tpu.memory_space<hbm>>
      tpu.wait_dma2 semaphore(%arg23 : memref<!tpu.dma_semaphore, #tpu.memory_space<semaphore_mem>>) src(%dma_wait3A_269 : memref<64x128xf32, #tpu.memory_space<hbm>>) dst(%arg11 : memref<64x128xf32, #tpu.memory_space<vmem>>)
      %dma_wait3A_270 = arith.constant 0 : i32
      %dma_wait3A_271 = arith.constant 0 : i32
      %dma_wait3A_272 = tpu.memref_slice %arg3[%dma_wait3A_270, %dma_wait3A_271] : memref<64x1000000xf32, #tpu.memory_space<hbm>> -> memref<64x128xf32, #tpu.memory_space<hbm>>
      %dma_wait3A_273 = arith.constant 0 : i32
      %dma_wait3A_274 = arith.constant 0 : i32
      %dma_wait3A_275 = tpu.memref_slice %arg3[%dma_wait3A_273, %dma_wait3A_274] : memref<64x1000000xf32, #tpu.memory_space<hbm>> -> memref<64x128xf32, #tpu.memory_space<hbm>>
      tpu.wait_dma2 semaphore(%arg23 : memref<!tpu.dma_semaphore, #tpu.memory_space<semaphore_mem>>) src(%dma_wait3A_275 : memref<64x128xf32, #tpu.memory_space<hbm>>) dst(%arg12 : memref<64x128xf32, #tpu.memory_space<vmem>>)
      %add3A_276 = arith.constant 0 : i32
      %add3A_277 = arith.addi %mul3A_245, %add3A_276 : i32
      %slice3A_278 = vector.extract_strided_slice %get3A_247 {offsets = [0], sizes = [1], strides = [1]} : vector<16xi32> to vector<1xi32>
      %squeeze3A_279 = vector.extract %slice3A_278[0] : i32 from vector<1xi32>
      %rem3A_280 = arith.constant 128 : i32
      %rem3A_281 = arith.remsi %squeeze3A_279, %rem3A_280 : i32
      %broadcast_in_dim3A = vector.broadcast %rem3A_281 : i32 to vector<16xi32>
      %rem3A_282 = arith.constant 128 : i32
      %rem3A_283 = arith.remsi %add3A_277, %rem3A_282 : i32
      %broadcast_in_dim3A_284 = vector.broadcast %rem3A_283 : i32 to vector<16xi32>
      %gather3A = tpu.vector_load_idx %arg9[%add3A_24, %broadcast_in_dim3A] : memref<64x128xf32, #tpu.memory_space<vmem>>[vector<16xi32>, vector<16xi32>], vector<16xf32>,
      %gather3A_285 = tpu.vector_load_idx %arg20[%add3A_24, %broadcast_in_dim3A_284] : memref<64x128xf32, #tpu.memory_space<vmem>>[vector<16xi32>, vector<16xi32>], vector<16xf32>,
      %add3A_286 = arith.addf %gather3A, %gather3A_285 : vector<16xf32>
      %gather3A_287 = tpu.vector_load_idx %arg9[%add3A_28, %broadcast_in_dim3A] : memref<64x128xf32, #tpu.memory_space<vmem>>[vector<16xi32>, vector<16xi32>], vector<16xf32>,
      %gather3A_288 = tpu.vector_load_idx %arg20[%add3A_28, %broadcast_in_dim3A_284] : memref<64x128xf32, #tpu.memory_space<vmem>>[vector<16xi32>, vector<16xi32>], vector<16xf32>,
      %add3A_289 = arith.addf %gather3A_287, %gather3A_288 : vector<16xf32>
      %gather3A_290 = tpu.vector_load_idx %arg9[%add3A_32, %broadcast_in_dim3A] : memref<64x128xf32, #tpu.memory_space<vmem>>[vector<16xi32>, vector<16xi32>], vector<16xf32>,
      %gather3A_291 = tpu.vector_load_idx %arg20[%add3A_32, %broadcast_in_dim3A_284] : memref<64x128xf32, #tpu.memory_space<vmem>>[vector<16xi32>, vector<16xi32>], vector<16xf32>,
      %add3A_292 = arith.addf %gather3A_290, %gather3A_291 : vector<16xf32>
      %gather3A_293 = tpu.vector_load_idx %arg9[%add3A_36, %broadcast_in_dim3A] : memref<64x128xf32, #tpu.memory_space<vmem>>[vector<16xi32>, vector<16xi32>], vector<16xf32>,
      %gather3A_294 = tpu.vector_load_idx %arg20[%add3A_36, %broadcast_in_dim3A_284] : memref<64x128xf32, #tpu.memory_space<vmem>>[vector<16xi32>, vector<16xi32>], vector<16xf32>,
      %add3A_295 = arith.addf %gather3A_293, %gather3A_294 : vector<16xf32>
      %add3A_296 = arith.addf %add3A_286, %add3A_289 : vector<16xf32>
      %add3A_297 = arith.addf %add3A_296, %add3A_292 : vector<16xf32>
      %add3A_298 = arith.addf %add3A_297, %add3A_295 : vector<16xf32>
      %mul3A_299 = arith.mulf %add3A_286, %add3A_286 : vector<16xf32>
      %mul3A_300 = arith.mulf %add3A_289, %add3A_289 : vector<16xf32>
      %add3A_301 = arith.addf %mul3A_299, %mul3A_300 : vector<16xf32>
      %mul3A_302 = arith.mulf %add3A_292, %add3A_292 : vector<16xf32>
      %add3A_303 = arith.addf %add3A_301, %mul3A_302 : vector<16xf32>
      %mul3A_304 = arith.mulf %add3A_295, %add3A_295 : vector<16xf32>
      %add3A_305 = arith.addf %add3A_303, %mul3A_304 : vector<16xf32>
      %reduce_sum3A = arith.constant true
      %reduce_sum3A_306 = vector.broadcast %reduce_sum3A : i1 to vector<16xi1>
      %reduce_sum3A_307 = tpu.scan <sum>, %add3A_298 masked %reduce_sum3A_306 : vector<16xf32>, vector<16xi1> -> vector<16xf32>
      %reduce_sum3A_308 = vector.extract %reduce_sum3A_307[15] : f32 from vector<16xf32>
      %reduce_sum3A_309 = arith.constant true
      %reduce_sum3A_310 = vector.broadcast %reduce_sum3A_309 : i1 to vector<16xi1>
      %reduce_sum3A_311 = tpu.scan <sum>, %add3A_305 masked %reduce_sum3A_310 : vector<16xf32>, vector<16xi1> -> vector<16xf32>
      %reduce_sum3A_312 = vector.extract %reduce_sum3A_311[15] : f32 from vector<16xf32>
      %mul3A_313 = arith.constant 1.562500e-02 : f32
      %mul3A_314 = arith.mulf %reduce_sum3A_308, %mul3A_313 : f32
      %mul3A_315 = arith.constant 1.562500e-02 : f32
      %mul3A_316 = arith.mulf %reduce_sum3A_312, %mul3A_315 : f32
      %mul3A_317 = arith.mulf %mul3A_314, %mul3A_314 : f32
      %sub3A = arith.subf %mul3A_316, %mul3A_317 : f32
      %broadcast_in_dim3A_318 = vector.broadcast %mul3A_314 : f32 to vector<16xf32>
      %add3A_319 = arith.constant 9.99999974E-6 : f32
      %add3A_320 = arith.addf %sub3A, %add3A_319 : f32
      %broadcast_in_dim3A_321 = vector.broadcast %add3A_320 : f32 to vector<16xf32>
      %bitcast3A = vector.bitcast %broadcast_in_dim3A_321 : vector<16xf32> to vector<16xi32>
      %shift_right_logical3A = arith.constant 1 : i32
      %shift_right_logical3A_322 = vector.broadcast %shift_right_logical3A : i32 to vector<16xi32>
      %shift_right_logical3A_323 = arith.shrui %bitcast3A, %shift_right_logical3A_322 : vector<16xi32>
      %sub3A_324 = arith.constant 1597463007 : i32
      %sub3A_325 = vector.broadcast %sub3A_324 : i32 to vector<16xi32>
      %sub3A_326 = arith.subi %sub3A_325, %shift_right_logical3A_323 : vector<16xi32>
      %bitcast3A_327 = vector.bitcast %sub3A_326 : vector<16xi32> to vector<16xf32>
      %mul3A_328 = arith.constant 5.000000e-01 : f32
      %mul3A_329 = vector.broadcast %mul3A_328 : f32 to vector<16xf32>
      %mul3A_330 = arith.mulf %broadcast_in_dim3A_321, %mul3A_329 : vector<16xf32>
      %mul3A_331 = arith.mulf %mul3A_330, %bitcast3A_327 : vector<16xf32>
      %mul3A_332 = arith.mulf %mul3A_331, %bitcast3A_327 : vector<16xf32>
      %sub3A_333 = arith.constant 1.500000e+00 : f32
      %sub3A_334 = vector.broadcast %sub3A_333 : f32 to vector<16xf32>
      %sub3A_335 = arith.subf %sub3A_334, %mul3A_332 : vector<16xf32>
      %mul3A_336 = arith.mulf %bitcast3A_327, %sub3A_335 : vector<16xf32>
      %mul3A_337 = arith.mulf %mul3A_330, %mul3A_336 : vector<16xf32>
      %mul3A_338 = arith.mulf %mul3A_337, %mul3A_336 : vector<16xf32>
      %sub3A_339 = arith.constant 1.500000e+00 : f32
      %sub3A_340 = vector.broadcast %sub3A_339 : f32 to vector<16xf32>
      %sub3A_341 = arith.subf %sub3A_340, %mul3A_338 : vector<16xf32>
      %mul3A_342 = arith.mulf %mul3A_336, %sub3A_341 : vector<16xf32>
      %mul3A_343 = arith.mulf %mul3A_330, %mul3A_342 : vector<16xf32>
      %mul3A_344 = arith.mulf %mul3A_343, %mul3A_342 : vector<16xf32>
      %sub3A_345 = arith.constant 1.500000e+00 : f32
      %sub3A_346 = vector.broadcast %sub3A_345 : f32 to vector<16xf32>
      %sub3A_347 = arith.subf %sub3A_346, %mul3A_344 : vector<16xf32>
      %mul3A_348 = arith.mulf %mul3A_342, %sub3A_347 : vector<16xf32>
      %sub3A_349 = arith.subf %add3A_286, %broadcast_in_dim3A_318 : vector<16xf32>
      %mul3A_350 = arith.mulf %sub3A_349, %mul3A_348 : vector<16xf32>
      %mul3A_351 = arith.mulf %mul3A_350, %get3A_37 : vector<16xf32>
      %add3A_352 = arith.addf %mul3A_351, %get3A_45 : vector<16xf32>
      tpu.vector_store_idx %arg18[%add3A_24, %broadcast_in_dim3A_284], %add3A_352 : memref<64x128xf32, #tpu.memory_space<vmem>>[vector<16xi32>, vector<16xi32>], vector<16xf32>,
      %sub3A_353 = arith.subf %add3A_289, %broadcast_in_dim3A_318 : vector<16xf32>
      %mul3A_354 = arith.mulf %sub3A_353, %mul3A_348 : vector<16xf32>
      %mul3A_355 = arith.mulf %mul3A_354, %get3A_39 : vector<16xf32>
      %add3A_356 = arith.addf %mul3A_355, %get3A_47 : vector<16xf32>
      tpu.vector_store_idx %arg18[%add3A_28, %broadcast_in_dim3A_284], %add3A_356 : memref<64x128xf32, #tpu.memory_space<vmem>>[vector<16xi32>, vector<16xi32>], vector<16xf32>,
      %sub3A_357 = arith.subf %add3A_292, %broadcast_in_dim3A_318 : vector<16xf32>
      %mul3A_358 = arith.mulf %sub3A_357, %mul3A_348 : vector<16xf32>
      %mul3A_359 = arith.mulf %mul3A_358, %get3A_41 : vector<16xf32>
      %add3A_360 = arith.addf %mul3A_359, %get3A_49 : vector<16xf32>
      tpu.vector_store_idx %arg18[%add3A_32, %broadcast_in_dim3A_284], %add3A_360 : memref<64x128xf32, #tpu.memory_space<vmem>>[vector<16xi32>, vector<16xi32>], vector<16xf32>,
      %sub3A_361 = arith.subf %add3A_295, %broadcast_in_dim3A_318 : vector<16xf32>
      %mul3A_362 = arith.mulf %sub3A_361, %mul3A_348 : vector<16xf32>
      %mul3A_363 = arith.mulf %mul3A_362, %get3A_43 : vector<16xf32>
      %add3A_364 = arith.addf %mul3A_363, %get3A_51 : vector<16xf32>
      tpu.vector_store_idx %arg18[%add3A_36, %broadcast_in_dim3A_284], %add3A_364 : memref<64x128xf32, #tpu.memory_space<vmem>>[vector<16xi32>, vector<16xi32>], vector<16xf32>,
      %add3A_365 = arith.constant 1 : i32
      %add3A_366 = arith.addi %mul3A_245, %add3A_365 : i32
      %slice3A_367 = vector.extract_strided_slice %get3A_247 {offsets = [1], sizes = [1], strides = [1]} : vector<16xi32> to vector<1xi32>
      %squeeze3A_368 = vector.extract %slice3A_367[0] : i32 from vector<1xi32>
      %rem3A_369 = arith.constant 128 : i32
      %rem3A_370 = arith.remsi %squeeze3A_368, %rem3A_369 : i32
      %broadcast_in_dim3A_371 = vector.broadcast %rem3A_370 : i32 to vector<16xi32>
      %rem3A_372 = arith.constant 128 : i32
      %rem3A_373 = arith.remsi %add3A_366, %rem3A_372 : i32
      %broadcast_in_dim3A_374 = vector.broadcast %rem3A_373 : i32 to vector<16xi32>
      %gather3A_375 = tpu.vector_load_idx %arg10[%add3A_24, %broadcast_in_dim3A_371] : memref<64x128xf32, #tpu.memory_space<vmem>>[vector<16xi32>, vector<16xi32>], vector<16xf32>,
      %gather3A_376 = tpu.vector_load_idx %arg20[%add3A_24, %broadcast_in_dim3A_374] : memref<64x128xf32, #tpu.memory_space<vmem>>[vector<16xi32>, vector<16xi32>], vector<16xf32>,
      %add3A_377 = arith.addf %gather3A_375, %gather3A_376 : vector<16xf32>
      %gather3A_378 = tpu.vector_load_idx %arg10[%add3A_28, %broadcast_in_dim3A_371] : memref<64x128xf32, #tpu.memory_space<vmem>>[vector<16xi32>, vector<16xi32>], vector<16xf32>,
      %gather3A_379 = tpu.vector_load_idx %arg20[%add3A_28, %broadcast_in_dim3A_374] : memref<64x128xf32, #tpu.memory_space<vmem>>[vector<16xi32>, vector<16xi32>], vector<16xf32>,
      %add3A_380 = arith.addf %gather3A_378, %gather3A_379 : vector<16xf32>
      %gather3A_381 = tpu.vector_load_idx %arg10[%add3A_32, %broadcast_in_dim3A_371] : memref<64x128xf32, #tpu.memory_space<vmem>>[vector<16xi32>, vector<16xi32>], vector<16xf32>,
      %gather3A_382 = tpu.vector_load_idx %arg20[%add3A_32, %broadcast_in_dim3A_374] : memref<64x128xf32, #tpu.memory_space<vmem>>[vector<16xi32>, vector<16xi32>], vector<16xf32>,
      %add3A_383 = arith.addf %gather3A_381, %gather3A_382 : vector<16xf32>
      %gather3A_384 = tpu.vector_load_idx %arg10[%add3A_36, %broadcast_in_dim3A_371] : memref<64x128xf32, #tpu.memory_space<vmem>>[vector<16xi32>, vector<16xi32>], vector<16xf32>,
      %gather3A_385 = tpu.vector_load_idx %arg20[%add3A_36, %broadcast_in_dim3A_374] : memref<64x128xf32, #tpu.memory_space<vmem>>[vector<16xi32>, vector<16xi32>], vector<16xf32>,
      %add3A_386 = arith.addf %gather3A_384, %gather3A_385 : vector<16xf32>
      %add3A_387 = arith.addf %add3A_377, %add3A_380 : vector<16xf32>
      %add3A_388 = arith.addf %add3A_387, %add3A_383 : vector<16xf32>
      %add3A_389 = arith.addf %add3A_388, %add3A_386 : vector<16xf32>
      %mul3A_390 = arith.mulf %add3A_377, %add3A_377 : vector<16xf32>
      %mul3A_391 = arith.mulf %add3A_380, %add3A_380 : vector<16xf32>
      %add3A_392 = arith.addf %mul3A_390, %mul3A_391 : vector<16xf32>
      %mul3A_393 = arith.mulf %add3A_383, %add3A_383 : vector<16xf32>
      %add3A_394 = arith.addf %add3A_392, %mul3A_393 : vector<16xf32>
      %mul3A_395 = arith.mulf %add3A_386, %add3A_386 : vector<16xf32>
      %add3A_396 = arith.addf %add3A_394, %mul3A_395 : vector<16xf32>
      %reduce_sum3A_397 = arith.constant true
      %reduce_sum3A_398 = vector.broadcast %reduce_sum3A_397 : i1 to vector<16xi1>
      %reduce_sum3A_399 = tpu.scan <sum>, %add3A_389 masked %reduce_sum3A_398 : vector<16xf32>, vector<16xi1> -> vector<16xf32>
      %reduce_sum3A_400 = vector.extract %reduce_sum3A_399[15] : f32 from vector<16xf32>
      %reduce_sum3A_401 = arith.constant true
      %reduce_sum3A_402 = vector.broadcast %reduce_sum3A_401 : i1 to vector<16xi1>
      %reduce_sum3A_403 = tpu.scan <sum>, %add3A_396 masked %reduce_sum3A_402 : vector<16xf32>, vector<16xi1> -> vector<16xf32>
      %reduce_sum3A_404 = vector.extract %reduce_sum3A_403[15] : f32 from vector<16xf32>
      %mul3A_405 = arith.constant 1.562500e-02 : f32
      %mul3A_406 = arith.mulf %reduce_sum3A_400, %mul3A_405 : f32
      %mul3A_407 = arith.constant 1.562500e-02 : f32
      %mul3A_408 = arith.mulf %reduce_sum3A_404, %mul3A_407 : f32
      %mul3A_409 = arith.mulf %mul3A_406, %mul3A_406 : f32
      %sub3A_410 = arith.subf %mul3A_408, %mul3A_409 : f32
      %broadcast_in_dim3A_411 = vector.broadcast %mul3A_406 : f32 to vector<16xf32>
      %add3A_412 = arith.constant 9.99999974E-6 : f32
      %add3A_413 = arith.addf %sub3A_410, %add3A_412 : f32
      %broadcast_in_dim3A_414 = vector.broadcast %add3A_413 : f32 to vector<16xf32>
      %bitcast3A_415 = vector.bitcast %broadcast_in_dim3A_414 : vector<16xf32> to vector<16xi32>
      %shift_right_logical3A_416 = arith.constant 1 : i32
      %shift_right_logical3A_417 = vector.broadcast %shift_right_logical3A_416 : i32 to vector<16xi32>
      %shift_right_logical3A_418 = arith.shrui %bitcast3A_415, %shift_right_logical3A_417 : vector<16xi32>
      %sub3A_419 = arith.constant 1597463007 : i32
      %sub3A_420 = vector.broadcast %sub3A_419 : i32 to vector<16xi32>
      %sub3A_421 = arith.subi %sub3A_420, %shift_right_logical3A_418 : vector<16xi32>
      %bitcast3A_422 = vector.bitcast %sub3A_421 : vector<16xi32> to vector<16xf32>
      %mul3A_423 = arith.constant 5.000000e-01 : f32
      %mul3A_424 = vector.broadcast %mul3A_423 : f32 to vector<16xf32>
      %mul3A_425 = arith.mulf %broadcast_in_dim3A_414, %mul3A_424 : vector<16xf32>
      %mul3A_426 = arith.mulf %mul3A_425, %bitcast3A_422 : vector<16xf32>
      %mul3A_427 = arith.mulf %mul3A_426, %bitcast3A_422 : vector<16xf32>
      %sub3A_428 = arith.constant 1.500000e+00 : f32
      %sub3A_429 = vector.broadcast %sub3A_428 : f32 to vector<16xf32>
      %sub3A_430 = arith.subf %sub3A_429, %mul3A_427 : vector<16xf32>
      %mul3A_431 = arith.mulf %bitcast3A_422, %sub3A_430 : vector<16xf32>
      %mul3A_432 = arith.mulf %mul3A_425, %mul3A_431 : vector<16xf32>
      %mul3A_433 = arith.mulf %mul3A_432, %mul3A_431 : vector<16xf32>
      %sub3A_434 = arith.constant 1.500000e+00 : f32
      %sub3A_435 = vector.broadcast %sub3A_434 : f32 to vector<16xf32>
      %sub3A_436 = arith.subf %sub3A_435, %mul3A_433 : vector<16xf32>
      %mul3A_437 = arith.mulf %mul3A_431, %sub3A_436 : vector<16xf32>
      %mul3A_438 = arith.mulf %mul3A_425, %mul3A_437 : vector<16xf32>
      %mul3A_439 = arith.mulf %mul3A_438, %mul3A_437 : vector<16xf32>
      %sub3A_440 = arith.constant 1.500000e+00 : f32
      %sub3A_441 = vector.broadcast %sub3A_440 : f32 to vector<16xf32>
      %sub3A_442 = arith.subf %sub3A_441, %mul3A_439 : vector<16xf32>
      %mul3A_443 = arith.mulf %mul3A_437, %sub3A_442 : vector<16xf32>
      %sub3A_444 = arith.subf %add3A_377, %broadcast_in_dim3A_411 : vector<16xf32>
      %mul3A_445 = arith.mulf %sub3A_444, %mul3A_443 : vector<16xf32>
      %mul3A_446 = arith.mulf %mul3A_445, %get3A_37 : vector<16xf32>
      %add3A_447 = arith.addf %mul3A_446, %get3A_45 : vector<16xf32>
      tpu.vector_store_idx %arg18[%add3A_24, %broadcast_in_dim3A_374], %add3A_447 : memref<64x128xf32, #tpu.memory_space<vmem>>[vector<16xi32>, vector<16xi32>], vector<16xf32>,
      %sub3A_448 = arith.subf %add3A_380, %broadcast_in_dim3A_411 : vector<16xf32>
      %mul3A_449 = arith.mulf %sub3A_448, %mul3A_443 : vector<16xf32>
      %mul3A_450 = arith.mulf %mul3A_449, %get3A_39 : vector<16xf32>
      %add3A_451 = arith.addf %mul3A_450, %get3A_47 : vector<16xf32>
      tpu.vector_store_idx %arg18[%add3A_28, %broadcast_in_dim3A_374], %add3A_451 : memref<64x128xf32, #tpu.memory_space<vmem>>[vector<16xi32>, vector<16xi32>], vector<16xf32>,
      %sub3A_452 = arith.subf %add3A_383, %broadcast_in_dim3A_411 : vector<16xf32>
      %mul3A_453 = arith.mulf %sub3A_452, %mul3A_443 : vector<16xf32>
      %mul3A_454 = arith.mulf %mul3A_453, %get3A_41 : vector<16xf32>
      %add3A_455 = arith.addf %mul3A_454, %get3A_49 : vector<16xf32>
      tpu.vector_store_idx %arg18[%add3A_32, %broadcast_in_dim3A_374], %add3A_455 : memref<64x128xf32, #tpu.memory_space<vmem>>[vector<16xi32>, vector<16xi32>], vector<16xf32>,
      %sub3A_456 = arith.subf %add3A_386, %broadcast_in_dim3A_411 : vector<16xf32>
      %mul3A_457 = arith.mulf %sub3A_456, %mul3A_443 : vector<16xf32>
      %mul3A_458 = arith.mulf %mul3A_457, %get3A_43 : vector<16xf32>
      %add3A_459 = arith.addf %mul3A_458, %get3A_51 : vector<16xf32>
      tpu.vector_store_idx %arg18[%add3A_36, %broadcast_in_dim3A_374], %add3A_459 : memref<64x128xf32, #tpu.memory_space<vmem>>[vector<16xi32>, vector<16xi32>], vector<16xf32>,
      %add3A_460 = arith.constant 2 : i32
      %add3A_461 = arith.addi %mul3A_245, %add3A_460 : i32
      %slice3A_462 = vector.extract_strided_slice %get3A_247 {offsets = [2], sizes = [1], strides = [1]} : vector<16xi32> to vector<1xi32>
      %squeeze3A_463 = vector.extract %slice3A_462[0] : i32 from vector<1xi32>
      %rem3A_464 = arith.constant 128 : i32
      %rem3A_465 = arith.remsi %squeeze3A_463, %rem3A_464 : i32
      %broadcast_in_dim3A_466 = vector.broadcast %rem3A_465 : i32 to vector<16xi32>
      %rem3A_467 = arith.constant 128 : i32
      %rem3A_468 = arith.remsi %add3A_461, %rem3A_467 : i32
      %broadcast_in_dim3A_469 = vector.broadcast %rem3A_468 : i32 to vector<16xi32>
      %gather3A_470 = tpu.vector_load_idx %arg11[%add3A_24, %broadcast_in_dim3A_466] : memref<64x128xf32, #tpu.memory_space<vmem>>[vector<16xi32>, vector<16xi32>], vector<16xf32>,
      %gather3A_471 = tpu.vector_load_idx %arg20[%add3A_24, %broadcast_in_dim3A_469] : memref<64x128xf32, #tpu.memory_space<vmem>>[vector<16xi32>, vector<16xi32>], vector<16xf32>,
      %add3A_472 = arith.addf %gather3A_470, %gather3A_471 : vector<16xf32>
      %gather3A_473 = tpu.vector_load_idx %arg11[%add3A_28, %broadcast_in_dim3A_466] : memref<64x128xf32, #tpu.memory_space<vmem>>[vector<16xi32>, vector<16xi32>], vector<16xf32>,
      %gather3A_474 = tpu.vector_load_idx %arg20[%add3A_28, %broadcast_in_dim3A_469] : memref<64x128xf32, #tpu.memory_space<vmem>>[vector<16xi32>, vector<16xi32>], vector<16xf32>,
      %add3A_475 = arith.addf %gather3A_473, %gather3A_474 : vector<16xf32>
      %gather3A_476 = tpu.vector_load_idx %arg11[%add3A_32, %broadcast_in_dim3A_466] : memref<64x128xf32, #tpu.memory_space<vmem>>[vector<16xi32>, vector<16xi32>], vector<16xf32>,
      %gather3A_477 = tpu.vector_load_idx %arg20[%add3A_32, %broadcast_in_dim3A_469] : memref<64x128xf32, #tpu.memory_space<vmem>>[vector<16xi32>, vector<16xi32>], vector<16xf32>,
      %add3A_478 = arith.addf %gather3A_476, %gather3A_477 : vector<16xf32>
      %gather3A_479 = tpu.vector_load_idx %arg11[%add3A_36, %broadcast_in_dim3A_466] : memref<64x128xf32, #tpu.memory_space<vmem>>[vector<16xi32>, vector<16xi32>], vector<16xf32>,
      %gather3A_480 = tpu.vector_load_idx %arg20[%add3A_36, %broadcast_in_dim3A_469] : memref<64x128xf32, #tpu.memory_space<vmem>>[vector<16xi32>, vector<16xi32>], vector<16xf32>,
      %add3A_481 = arith.addf %gather3A_479, %gather3A_480 : vector<16xf32>
      %add3A_482 = arith.addf %add3A_472, %add3A_475 : vector<16xf32>
      %add3A_483 = arith.addf %add3A_482, %add3A_478 : vector<16xf32>
      %add3A_484 = arith.addf %add3A_483, %add3A_481 : vector<16xf32>
      %mul3A_485 = arith.mulf %add3A_472, %add3A_472 : vector<16xf32>
      %mul3A_486 = arith.mulf %add3A_475, %add3A_475 : vector<16xf32>
      %add3A_487 = arith.addf %mul3A_485, %mul3A_486 : vector<16xf32>
      %mul3A_488 = arith.mulf %add3A_478, %add3A_478 : vector<16xf32>
      %add3A_489 = arith.addf %add3A_487, %mul3A_488 : vector<16xf32>
      %mul3A_490 = arith.mulf %add3A_481, %add3A_481 : vector<16xf32>
      %add3A_491 = arith.addf %add3A_489, %mul3A_490 : vector<16xf32>
      %reduce_sum3A_492 = arith.constant true
      %reduce_sum3A_493 = vector.broadcast %reduce_sum3A_492 : i1 to vector<16xi1>
      %reduce_sum3A_494 = tpu.scan <sum>, %add3A_484 masked %reduce_sum3A_493 : vector<16xf32>, vector<16xi1> -> vector<16xf32>
      %reduce_sum3A_495 = vector.extract %reduce_sum3A_494[15] : f32 from vector<16xf32>
      %reduce_sum3A_496 = arith.constant true
      %reduce_sum3A_497 = vector.broadcast %reduce_sum3A_496 : i1 to vector<16xi1>
      %reduce_sum3A_498 = tpu.scan <sum>, %add3A_491 masked %reduce_sum3A_497 : vector<16xf32>, vector<16xi1> -> vector<16xf32>
      %reduce_sum3A_499 = vector.extract %reduce_sum3A_498[15] : f32 from vector<16xf32>
      %mul3A_500 = arith.constant 1.562500e-02 : f32
      %mul3A_501 = arith.mulf %reduce_sum3A_495, %mul3A_500 : f32
      %mul3A_502 = arith.constant 1.562500e-02 : f32
      %mul3A_503 = arith.mulf %reduce_sum3A_499, %mul3A_502 : f32
      %mul3A_504 = arith.mulf %mul3A_501, %mul3A_501 : f32
      %sub3A_505 = arith.subf %mul3A_503, %mul3A_504 : f32
      %broadcast_in_dim3A_506 = vector.broadcast %mul3A_501 : f32 to vector<16xf32>
      %add3A_507 = arith.constant 9.99999974E-6 : f32
      %add3A_508 = arith.addf %sub3A_505, %add3A_507 : f32
      %broadcast_in_dim3A_509 = vector.broadcast %add3A_508 : f32 to vector<16xf32>
      %bitcast3A_510 = vector.bitcast %broadcast_in_dim3A_509 : vector<16xf32> to vector<16xi32>
      %shift_right_logical3A_511 = arith.constant 1 : i32
      %shift_right_logical3A_512 = vector.broadcast %shift_right_logical3A_511 : i32 to vector<16xi32>
      %shift_right_logical3A_513 = arith.shrui %bitcast3A_510, %shift_right_logical3A_512 : vector<16xi32>
      %sub3A_514 = arith.constant 1597463007 : i32
      %sub3A_515 = vector.broadcast %sub3A_514 : i32 to vector<16xi32>
      %sub3A_516 = arith.subi %sub3A_515, %shift_right_logical3A_513 : vector<16xi32>
      %bitcast3A_517 = vector.bitcast %sub3A_516 : vector<16xi32> to vector<16xf32>
      %mul3A_518 = arith.constant 5.000000e-01 : f32
      %mul3A_519 = vector.broadcast %mul3A_518 : f32 to vector<16xf32>
      %mul3A_520 = arith.mulf %broadcast_in_dim3A_509, %mul3A_519 : vector<16xf32>
      %mul3A_521 = arith.mulf %mul3A_520, %bitcast3A_517 : vector<16xf32>
      %mul3A_522 = arith.mulf %mul3A_521, %bitcast3A_517 : vector<16xf32>
      %sub3A_523 = arith.constant 1.500000e+00 : f32
      %sub3A_524 = vector.broadcast %sub3A_523 : f32 to vector<16xf32>
      %sub3A_525 = arith.subf %sub3A_524, %mul3A_522 : vector<16xf32>
      %mul3A_526 = arith.mulf %bitcast3A_517, %sub3A_525 : vector<16xf32>
      %mul3A_527 = arith.mulf %mul3A_520, %mul3A_526 : vector<16xf32>
      %mul3A_528 = arith.mulf %mul3A_527, %mul3A_526 : vector<16xf32>
      %sub3A_529 = arith.constant 1.500000e+00 : f32
      %sub3A_530 = vector.broadcast %sub3A_529 : f32 to vector<16xf32>
      %sub3A_531 = arith.subf %sub3A_530, %mul3A_528 : vector<16xf32>
      %mul3A_532 = arith.mulf %mul3A_526, %sub3A_531 : vector<16xf32>
      %mul3A_533 = arith.mulf %mul3A_520, %mul3A_532 : vector<16xf32>
      %mul3A_534 = arith.mulf %mul3A_533, %mul3A_532 : vector<16xf32>
      %sub3A_535 = arith.constant 1.500000e+00 : f32
      %sub3A_536 = vector.broadcast %sub3A_535 : f32 to vector<16xf32>
      %sub3A_537 = arith.subf %sub3A_536, %mul3A_534 : vector<16xf32>
      %mul3A_538 = arith.mulf %mul3A_532, %sub3A_537 : vector<16xf32>
      %sub3A_539 = arith.subf %add3A_472, %broadcast_in_dim3A_506 : vector<16xf32>
      %mul3A_540 = arith.mulf %sub3A_539, %mul3A_538 : vector<16xf32>
      %mul3A_541 = arith.mulf %mul3A_540, %get3A_37 : vector<16xf32>
      %add3A_542 = arith.addf %mul3A_541, %get3A_45 : vector<16xf32>
      tpu.vector_store_idx %arg18[%add3A_24, %broadcast_in_dim3A_469], %add3A_542 : memref<64x128xf32, #tpu.memory_space<vmem>>[vector<16xi32>, vector<16xi32>], vector<16xf32>,
      %sub3A_543 = arith.subf %add3A_475, %broadcast_in_dim3A_506 : vector<16xf32>
      %mul3A_544 = arith.mulf %sub3A_543, %mul3A_538 : vector<16xf32>
      %mul3A_545 = arith.mulf %mul3A_544, %get3A_39 : vector<16xf32>
      %add3A_546 = arith.addf %mul3A_545, %get3A_47 : vector<16xf32>
      tpu.vector_store_idx %arg18[%add3A_28, %broadcast_in_dim3A_469], %add3A_546 : memref<64x128xf32, #tpu.memory_space<vmem>>[vector<16xi32>, vector<16xi32>], vector<16xf32>,
      %sub3A_547 = arith.subf %add3A_478, %broadcast_in_dim3A_506 : vector<16xf32>
      %mul3A_548 = arith.mulf %sub3A_547, %mul3A_538 : vector<16xf32>
      %mul3A_549 = arith.mulf %mul3A_548, %get3A_41 : vector<16xf32>
      %add3A_550 = arith.addf %mul3A_549, %get3A_49 : vector<16xf32>
      tpu.vector_store_idx %arg18[%add3A_32, %broadcast_in_dim3A_469], %add3A_550 : memref<64x128xf32, #tpu.memory_space<vmem>>[vector<16xi32>, vector<16xi32>], vector<16xf32>,
      %sub3A_551 = arith.subf %add3A_481, %broadcast_in_dim3A_506 : vector<16xf32>
      %mul3A_552 = arith.mulf %sub3A_551, %mul3A_538 : vector<16xf32>
      %mul3A_553 = arith.mulf %mul3A_552, %get3A_43 : vector<16xf32>
      %add3A_554 = arith.addf %mul3A_553, %get3A_51 : vector<16xf32>
      tpu.vector_store_idx %arg18[%add3A_36, %broadcast_in_dim3A_469], %add3A_554 : memref<64x128xf32, #tpu.memory_space<vmem>>[vector<16xi32>, vector<16xi32>], vector<16xf32>,
      %add3A_555 = arith.constant 3 : i32
      %add3A_556 = arith.addi %mul3A_245, %add3A_555 : i32
      %slice3A_557 = vector.extract_strided_slice %get3A_247 {offsets = [3], sizes = [1], strides = [1]} : vector<16xi32> to vector<1xi32>
      %squeeze3A_558 = vector.extract %slice3A_557[0] : i32 from vector<1xi32>
      %rem3A_559 = arith.constant 128 : i32
      %rem3A_560 = arith.remsi %squeeze3A_558, %rem3A_559 : i32
      %broadcast_in_dim3A_561 = vector.broadcast %rem3A_560 : i32 to vector<16xi32>
      %rem3A_562 = arith.constant 128 : i32
      %rem3A_563 = arith.remsi %add3A_556, %rem3A_562 : i32
      %broadcast_in_dim3A_564 = vector.broadcast %rem3A_563 : i32 to vector<16xi32>
      %gather3A_565 = tpu.vector_load_idx %arg12[%add3A_24, %broadcast_in_dim3A_561] : memref<64x128xf32, #tpu.memory_space<vmem>>[vector<16xi32>, vector<16xi32>], vector<16xf32>,
      %gather3A_566 = tpu.vector_load_idx %arg20[%add3A_24, %broadcast_in_dim3A_564] : memref<64x128xf32, #tpu.memory_space<vmem>>[vector<16xi32>, vector<16xi32>], vector<16xf32>,
      %add3A_567 = arith.addf %gather3A_565, %gather3A_566 : vector<16xf32>
      %gather3A_568 = tpu.vector_load_idx %arg12[%add3A_28, %broadcast_in_dim3A_561] : memref<64x128xf32, #tpu.memory_space<vmem>>[vector<16xi32>, vector<16xi32>], vector<16xf32>,
      %gather3A_569 = tpu.vector_load_idx %arg20[%add3A_28, %broadcast_in_dim3A_564] : memref<64x128xf32, #tpu.memory_space<vmem>>[vector<16xi32>, vector<16xi32>], vector<16xf32>,
      %add3A_570 = arith.addf %gather3A_568, %gather3A_569 : vector<16xf32>
      %gather3A_571 = tpu.vector_load_idx %arg12[%add3A_32, %broadcast_in_dim3A_561] : memref<64x128xf32, #tpu.memory_space<vmem>>[vector<16xi32>, vector<16xi32>], vector<16xf32>,
      %gather3A_572 = tpu.vector_load_idx %arg20[%add3A_32, %broadcast_in_dim3A_564] : memref<64x128xf32, #tpu.memory_space<vmem>>[vector<16xi32>, vector<16xi32>], vector<16xf32>,
      %add3A_573 = arith.addf %gather3A_571, %gather3A_572 : vector<16xf32>
      %gather3A_574 = tpu.vector_load_idx %arg12[%add3A_36, %broadcast_in_dim3A_561] : memref<64x128xf32, #tpu.memory_space<vmem>>[vector<16xi32>, vector<16xi32>], vector<16xf32>,
      %gather3A_575 = tpu.vector_load_idx %arg20[%add3A_36, %broadcast_in_dim3A_564] : memref<64x128xf32, #tpu.memory_space<vmem>>[vector<16xi32>, vector<16xi32>], vector<16xf32>,
      %add3A_576 = arith.addf %gather3A_574, %gather3A_575 : vector<16xf32>
      %add3A_577 = arith.addf %add3A_567, %add3A_570 : vector<16xf32>
      %add3A_578 = arith.addf %add3A_577, %add3A_573 : vector<16xf32>
      %add3A_579 = arith.addf %add3A_578, %add3A_576 : vector<16xf32>
      %mul3A_580 = arith.mulf %add3A_567, %add3A_567 : vector<16xf32>
      %mul3A_581 = arith.mulf %add3A_570, %add3A_570 : vector<16xf32>
      %add3A_582 = arith.addf %mul3A_580, %mul3A_581 : vector<16xf32>
      %mul3A_583 = arith.mulf %add3A_573, %add3A_573 : vector<16xf32>
      %add3A_584 = arith.addf %add3A_582, %mul3A_583 : vector<16xf32>
      %mul3A_585 = arith.mulf %add3A_576, %add3A_576 : vector<16xf32>
      %add3A_586 = arith.addf %add3A_584, %mul3A_585 : vector<16xf32>
      %reduce_sum3A_587 = arith.constant true
      %reduce_sum3A_588 = vector.broadcast %reduce_sum3A_587 : i1 to vector<16xi1>
      %reduce_sum3A_589 = tpu.scan <sum>, %add3A_579 masked %reduce_sum3A_588 : vector<16xf32>, vector<16xi1> -> vector<16xf32>
      %reduce_sum3A_590 = vector.extract %reduce_sum3A_589[15] : f32 from vector<16xf32>
      %reduce_sum3A_591 = arith.constant true
      %reduce_sum3A_592 = vector.broadcast %reduce_sum3A_591 : i1 to vector<16xi1>
      %reduce_sum3A_593 = tpu.scan <sum>, %add3A_586 masked %reduce_sum3A_592 : vector<16xf32>, vector<16xi1> -> vector<16xf32>
      %reduce_sum3A_594 = vector.extract %reduce_sum3A_593[15] : f32 from vector<16xf32>
      %mul3A_595 = arith.constant 1.562500e-02 : f32
      %mul3A_596 = arith.mulf %reduce_sum3A_590, %mul3A_595 : f32
      %mul3A_597 = arith.constant 1.562500e-02 : f32
      %mul3A_598 = arith.mulf %reduce_sum3A_594, %mul3A_597 : f32
      %mul3A_599 = arith.mulf %mul3A_596, %mul3A_596 : f32
      %sub3A_600 = arith.subf %mul3A_598, %mul3A_599 : f32
      %broadcast_in_dim3A_601 = vector.broadcast %mul3A_596 : f32 to vector<16xf32>
      %add3A_602 = arith.constant 9.99999974E-6 : f32
      %add3A_603 = arith.addf %sub3A_600, %add3A_602 : f32
      %broadcast_in_dim3A_604 = vector.broadcast %add3A_603 : f32 to vector<16xf32>
      %bitcast3A_605 = vector.bitcast %broadcast_in_dim3A_604 : vector<16xf32> to vector<16xi32>
      %shift_right_logical3A_606 = arith.constant 1 : i32
      %shift_right_logical3A_607 = vector.broadcast %shift_right_logical3A_606 : i32 to vector<16xi32>
      %shift_right_logical3A_608 = arith.shrui %bitcast3A_605, %shift_right_logical3A_607 : vector<16xi32>
      %sub3A_609 = arith.constant 1597463007 : i32
      %sub3A_610 = vector.broadcast %sub3A_609 : i32 to vector<16xi32>
      %sub3A_611 = arith.subi %sub3A_610, %shift_right_logical3A_608 : vector<16xi32>
      %bitcast3A_612 = vector.bitcast %sub3A_611 : vector<16xi32> to vector<16xf32>
      %mul3A_613 = arith.constant 5.000000e-01 : f32
      %mul3A_614 = vector.broadcast %mul3A_613 : f32 to vector<16xf32>
      %mul3A_615 = arith.mulf %broadcast_in_dim3A_604, %mul3A_614 : vector<16xf32>
      %mul3A_616 = arith.mulf %mul3A_615, %bitcast3A_612 : vector<16xf32>
      %mul3A_617 = arith.mulf %mul3A_616, %bitcast3A_612 : vector<16xf32>
      %sub3A_618 = arith.constant 1.500000e+00 : f32
      %sub3A_619 = vector.broadcast %sub3A_618 : f32 to vector<16xf32>
      %sub3A_620 = arith.subf %sub3A_619, %mul3A_617 : vector<16xf32>
      %mul3A_621 = arith.mulf %bitcast3A_612, %sub3A_620 : vector<16xf32>
      %mul3A_622 = arith.mulf %mul3A_615, %mul3A_621 : vector<16xf32>
      %mul3A_623 = arith.mulf %mul3A_622, %mul3A_621 : vector<16xf32>
      %sub3A_624 = arith.constant 1.500000e+00 : f32
      %sub3A_625 = vector.broadcast %sub3A_624 : f32 to vector<16xf32>
      %sub3A_626 = arith.subf %sub3A_625, %mul3A_623 : vector<16xf32>
      %mul3A_627 = arith.mulf %mul3A_621, %sub3A_626 : vector<16xf32>
      %mul3A_628 = arith.mulf %mul3A_615, %mul3A_627 : vector<16xf32>
      %mul3A_629 = arith.mulf %mul3A_628, %mul3A_627 : vector<16xf32>
      %sub3A_630 = arith.constant 1.500000e+00 : f32
      %sub3A_631 = vector.broadcast %sub3A_630 : f32 to vector<16xf32>
      %sub3A_632 = arith.subf %sub3A_631, %mul3A_629 : vector<16xf32>
      %mul3A_633 = arith.mulf %mul3A_627, %sub3A_632 : vector<16xf32>
      %sub3A_634 = arith.subf %add3A_567, %broadcast_in_dim3A_601 : vector<16xf32>
      %mul3A_635 = arith.mulf %sub3A_634, %mul3A_633 : vector<16xf32>
      %mul3A_636 = arith.mulf %mul3A_635, %get3A_37 : vector<16xf32>
      %add3A_637 = arith.addf %mul3A_636, %get3A_45 : vector<16xf32>
      tpu.vector_store_idx %arg18[%add3A_24, %broadcast_in_dim3A_564], %add3A_637 : memref<64x128xf32, #tpu.memory_space<vmem>>[vector<16xi32>, vector<16xi32>], vector<16xf32>,
      %sub3A_638 = arith.subf %add3A_570, %broadcast_in_dim3A_601 : vector<16xf32>
      %mul3A_639 = arith.mulf %sub3A_638, %mul3A_633 : vector<16xf32>
      %mul3A_640 = arith.mulf %mul3A_639, %get3A_39 : vector<16xf32>
      %add3A_641 = arith.addf %mul3A_640, %get3A_47 : vector<16xf32>
      tpu.vector_store_idx %arg18[%add3A_28, %broadcast_in_dim3A_564], %add3A_641 : memref<64x128xf32, #tpu.memory_space<vmem>>[vector<16xi32>, vector<16xi32>], vector<16xf32>,
      %sub3A_642 = arith.subf %add3A_573, %broadcast_in_dim3A_601 : vector<16xf32>
      %mul3A_643 = arith.mulf %sub3A_642, %mul3A_633 : vector<16xf32>
      %mul3A_644 = arith.mulf %mul3A_643, %get3A_41 : vector<16xf32>
      %add3A_645 = arith.addf %mul3A_644, %get3A_49 : vector<16xf32>
      tpu.vector_store_idx %arg18[%add3A_32, %broadcast_in_dim3A_564], %add3A_645 : memref<64x128xf32, #tpu.memory_space<vmem>>[vector<16xi32>, vector<16xi32>], vector<16xf32>,
      %sub3A_646 = arith.subf %add3A_576, %broadcast_in_dim3A_601 : vector<16xf32>
      %mul3A_647 = arith.mulf %sub3A_646, %mul3A_633 : vector<16xf32>
      %mul3A_648 = arith.mulf %mul3A_647, %get3A_43 : vector<16xf32>
      %add3A_649 = arith.addf %mul3A_648, %get3A_51 : vector<16xf32>
      tpu.vector_store_idx %arg18[%add3A_36, %broadcast_in_dim3A_564], %add3A_649 : memref<64x128xf32, #tpu.memory_space<vmem>>[vector<16xi32>, vector<16xi32>], vector<16xf32>,
      %slice3A_650 = vector.extract_strided_slice %get3A_251 {offsets = [0], sizes = [1], strides = [1]} : vector<16xi32> to vector<1xi32>
      %squeeze3A_651 = vector.extract %slice3A_650[0] : i32 from vector<1xi32>
      %div3A_652 = arith.constant 128 : i32
      %div3A_653 = arith.divsi %squeeze3A_651, %div3A_652 : i32
      %mul3A_654 = arith.constant 128 : i32
      %mul3A_655 = arith.muli %div3A_653, %mul3A_654 : i32
      %min3A_656 = arith.constant 999936 : i32
      %min3A_657 = arith.minsi %mul3A_655, %min3A_656 : i32
      %max3A_658 = arith.constant 0 : i32
      %max3A_659 = arith.maxsi %max3A_658, %min3A_657 : i32
      %multiple_of3A_660 = tpu.assume_multiple %max3A_659, 128 : i32
      %dma_start3A_661 = arith.constant 0 : i32
      %dma_start3A_662 = tpu.memref_slice %arg3[%dma_start3A_661, %multiple_of3A_660] : memref<64x1000000xf32, #tpu.memory_space<hbm>> -> memref<64x128xf32, #tpu.memory_space<hbm>>
      %dma_start3A_663 = arith.constant 0 : i32
      %dma_start3A_664 = tpu.memref_slice %arg3[%dma_start3A_663, %multiple_of3A_660] : memref<64x1000000xf32, #tpu.memory_space<hbm>> -> memref<64x128xf32, #tpu.memory_space<hbm>>
      tpu.enqueue_dma source(%dma_start3A_664 : memref<64x128xf32, #tpu.memory_space<hbm>>) target(%arg9 : memref<64x128xf32, #tpu.memory_space<vmem>>) target_semaphore(%arg23 : memref<!tpu.dma_semaphore, #tpu.memory_space<semaphore_mem>>)
      %slice3A_665 = vector.extract_strided_slice %get3A_251 {offsets = [1], sizes = [1], strides = [1]} : vector<16xi32> to vector<1xi32>
      %squeeze3A_666 = vector.extract %slice3A_665[0] : i32 from vector<1xi32>
      %div3A_667 = arith.constant 128 : i32
      %div3A_668 = arith.divsi %squeeze3A_666, %div3A_667 : i32
      %mul3A_669 = arith.constant 128 : i32
      %mul3A_670 = arith.muli %div3A_668, %mul3A_669 : i32
      %min3A_671 = arith.constant 999936 : i32
      %min3A_672 = arith.minsi %mul3A_670, %min3A_671 : i32
      %max3A_673 = arith.constant 0 : i32
      %max3A_674 = arith.maxsi %max3A_673, %min3A_672 : i32
      %multiple_of3A_675 = tpu.assume_multiple %max3A_674, 128 : i32
      %dma_start3A_676 = arith.constant 0 : i32
      %dma_start3A_677 = tpu.memref_slice %arg3[%dma_start3A_676, %multiple_of3A_675] : memref<64x1000000xf32, #tpu.memory_space<hbm>> -> memref<64x128xf32, #tpu.memory_space<hbm>>
      %dma_start3A_678 = arith.constant 0 : i32
      %dma_start3A_679 = tpu.memref_slice %arg3[%dma_start3A_678, %multiple_of3A_675] : memref<64x1000000xf32, #tpu.memory_space<hbm>> -> memref<64x128xf32, #tpu.memory_space<hbm>>
      tpu.enqueue_dma source(%dma_start3A_679 : memref<64x128xf32, #tpu.memory_space<hbm>>) target(%arg10 : memref<64x128xf32, #tpu.memory_space<vmem>>) target_semaphore(%arg23 : memref<!tpu.dma_semaphore, #tpu.memory_space<semaphore_mem>>)
      %slice3A_680 = vector.extract_strided_slice %get3A_251 {offsets = [2], sizes = [1], strides = [1]} : vector<16xi32> to vector<1xi32>
      %squeeze3A_681 = vector.extract %slice3A_680[0] : i32 from vector<1xi32>
      %div3A_682 = arith.constant 128 : i32
      %div3A_683 = arith.divsi %squeeze3A_681, %div3A_682 : i32
      %mul3A_684 = arith.constant 128 : i32
      %mul3A_685 = arith.muli %div3A_683, %mul3A_684 : i32
      %min3A_686 = arith.constant 999936 : i32
      %min3A_687 = arith.minsi %mul3A_685, %min3A_686 : i32
      %max3A_688 = arith.constant 0 : i32
      %max3A_689 = arith.maxsi %max3A_688, %min3A_687 : i32
      %multiple_of3A_690 = tpu.assume_multiple %max3A_689, 128 : i32
      %dma_start3A_691 = arith.constant 0 : i32
      %dma_start3A_692 = tpu.memref_slice %arg3[%dma_start3A_691, %multiple_of3A_690] : memref<64x1000000xf32, #tpu.memory_space<hbm>> -> memref<64x128xf32, #tpu.memory_space<hbm>>
      %dma_start3A_693 = arith.constant 0 : i32
      %dma_start3A_694 = tpu.memref_slice %arg3[%dma_start3A_693, %multiple_of3A_690] : memref<64x1000000xf32, #tpu.memory_space<hbm>> -> memref<64x128xf32, #tpu.memory_space<hbm>>
      tpu.enqueue_dma source(%dma_start3A_694 : memref<64x128xf32, #tpu.memory_space<hbm>>) target(%arg11 : memref<64x128xf32, #tpu.memory_space<vmem>>) target_semaphore(%arg23 : memref<!tpu.dma_semaphore, #tpu.memory_space<semaphore_mem>>)
      %slice3A_695 = vector.extract_strided_slice %get3A_251 {offsets = [3], sizes = [1], strides = [1]} : vector<16xi32> to vector<1xi32>
      %squeeze3A_696 = vector.extract %slice3A_695[0] : i32 from vector<1xi32>
      %div3A_697 = arith.constant 128 : i32
      %div3A_698 = arith.divsi %squeeze3A_696, %div3A_697 : i32
      %mul3A_699 = arith.constant 128 : i32
      %mul3A_700 = arith.muli %div3A_698, %mul3A_699 : i32
      %min3A_701 = arith.constant 999936 : i32
      %min3A_702 = arith.minsi %mul3A_700, %min3A_701 : i32
      %max3A_703 = arith.constant 0 : i32
      %max3A_704 = arith.maxsi %max3A_703, %min3A_702 : i32
      %multiple_of3A_705 = tpu.assume_multiple %max3A_704, 128 : i32
      %dma_start3A_706 = arith.constant 0 : i32
      %dma_start3A_707 = tpu.memref_slice %arg3[%dma_start3A_706, %multiple_of3A_705] : memref<64x1000000xf32, #tpu.memory_space<hbm>> -> memref<64x128xf32, #tpu.memory_space<hbm>>
      %dma_start3A_708 = arith.constant 0 : i32
      %dma_start3A_709 = tpu.memref_slice %arg3[%dma_start3A_708, %multiple_of3A_705] : memref<64x1000000xf32, #tpu.memory_space<hbm>> -> memref<64x128xf32, #tpu.memory_space<hbm>>
      tpu.enqueue_dma source(%dma_start3A_709 : memref<64x128xf32, #tpu.memory_space<hbm>>) target(%arg12 : memref<64x128xf32, #tpu.memory_space<vmem>>) target_semaphore(%arg23 : memref<!tpu.dma_semaphore, #tpu.memory_space<semaphore_mem>>)
      %dma_wait3A_710 = arith.constant 0 : i32
      %dma_wait3A_711 = arith.constant 0 : i32
      %dma_wait3A_712 = tpu.memref_slice %arg3[%dma_wait3A_710, %dma_wait3A_711] : memref<64x1000000xf32, #tpu.memory_space<hbm>> -> memref<64x128xf32, #tpu.memory_space<hbm>>
      %dma_wait3A_713 = arith.constant 0 : i32
      %dma_wait3A_714 = arith.constant 0 : i32
      %dma_wait3A_715 = tpu.memref_slice %arg3[%dma_wait3A_713, %dma_wait3A_714] : memref<64x1000000xf32, #tpu.memory_space<hbm>> -> memref<64x128xf32, #tpu.memory_space<hbm>>
      tpu.wait_dma2 semaphore(%arg24 : memref<!tpu.dma_semaphore, #tpu.memory_space<semaphore_mem>>) src(%dma_wait3A_715 : memref<64x128xf32, #tpu.memory_space<hbm>>) dst(%arg13 : memref<64x128xf32, #tpu.memory_space<vmem>>)
      %dma_wait3A_716 = arith.constant 0 : i32
      %dma_wait3A_717 = arith.constant 0 : i32
      %dma_wait3A_718 = tpu.memref_slice %arg3[%dma_wait3A_716, %dma_wait3A_717] : memref<64x1000000xf32, #tpu.memory_space<hbm>> -> memref<64x128xf32, #tpu.memory_space<hbm>>
      %dma_wait3A_719 = arith.constant 0 : i32
      %dma_wait3A_720 = arith.constant 0 : i32
      %dma_wait3A_721 = tpu.memref_slice %arg3[%dma_wait3A_719, %dma_wait3A_720] : memref<64x1000000xf32, #tpu.memory_space<hbm>> -> memref<64x128xf32, #tpu.memory_space<hbm>>
      tpu.wait_dma2 semaphore(%arg24 : memref<!tpu.dma_semaphore, #tpu.memory_space<semaphore_mem>>) src(%dma_wait3A_721 : memref<64x128xf32, #tpu.memory_space<hbm>>) dst(%arg14 : memref<64x128xf32, #tpu.memory_space<vmem>>)
      %dma_wait3A_722 = arith.constant 0 : i32
      %dma_wait3A_723 = arith.constant 0 : i32
      %dma_wait3A_724 = tpu.memref_slice %arg3[%dma_wait3A_722, %dma_wait3A_723] : memref<64x1000000xf32, #tpu.memory_space<hbm>> -> memref<64x128xf32, #tpu.memory_space<hbm>>
      %dma_wait3A_725 = arith.constant 0 : i32
      %dma_wait3A_726 = arith.constant 0 : i32
      %dma_wait3A_727 = tpu.memref_slice %arg3[%dma_wait3A_725, %dma_wait3A_726] : memref<64x1000000xf32, #tpu.memory_space<hbm>> -> memref<64x128xf32, #tpu.memory_space<hbm>>
      tpu.wait_dma2 semaphore(%arg24 : memref<!tpu.dma_semaphore, #tpu.memory_space<semaphore_mem>>) src(%dma_wait3A_727 : memref<64x128xf32, #tpu.memory_space<hbm>>) dst(%arg15 : memref<64x128xf32, #tpu.memory_space<vmem>>)
      %dma_wait3A_728 = arith.constant 0 : i32
      %dma_wait3A_729 = arith.constant 0 : i32
      %dma_wait3A_730 = tpu.memref_slice %arg3[%dma_wait3A_728, %dma_wait3A_729] : memref<64x1000000xf32, #tpu.memory_space<hbm>> -> memref<64x128xf32, #tpu.memory_space<hbm>>
      %dma_wait3A_731 = arith.constant 0 : i32
      %dma_wait3A_732 = arith.constant 0 : i32
      %dma_wait3A_733 = tpu.memref_slice %arg3[%dma_wait3A_731, %dma_wait3A_732] : memref<64x1000000xf32, #tpu.memory_space<hbm>> -> memref<64x128xf32, #tpu.memory_space<hbm>>
      tpu.wait_dma2 semaphore(%arg24 : memref<!tpu.dma_semaphore, #tpu.memory_space<semaphore_mem>>) src(%dma_wait3A_733 : memref<64x128xf32, #tpu.memory_space<hbm>>) dst(%arg16 : memref<64x128xf32, #tpu.memory_space<vmem>>)
      %add3A_734 = arith.constant 4 : i32
      %add3A_735 = arith.addi %mul3A_245, %add3A_734 : i32
      %add3A_736 = arith.constant 0 : i32
      %add3A_737 = arith.addi %add3A_735, %add3A_736 : i32
      %slice3A_738 = vector.extract_strided_slice %get3A_247 {offsets = [4], sizes = [1], strides = [1]} : vector<16xi32> to vector<1xi32>
      %squeeze3A_739 = vector.extract %slice3A_738[0] : i32 from vector<1xi32>
      %rem3A_740 = arith.constant 128 : i32
      %rem3A_741 = arith.remsi %squeeze3A_739, %rem3A_740 : i32
      %broadcast_in_dim3A_742 = vector.broadcast %rem3A_741 : i32 to vector<16xi32>
      %rem3A_743 = arith.constant 128 : i32
      %rem3A_744 = arith.remsi %add3A_737, %rem3A_743 : i32
      %broadcast_in_dim3A_745 = vector.broadcast %rem3A_744 : i32 to vector<16xi32>
      %gather3A_746 = tpu.vector_load_idx %arg13[%add3A_24, %broadcast_in_dim3A_742] : memref<64x128xf32, #tpu.memory_space<vmem>>[vector<16xi32>, vector<16xi32>], vector<16xf32>,
      %gather3A_747 = tpu.vector_load_idx %arg20[%add3A_24, %broadcast_in_dim3A_745] : memref<64x128xf32, #tpu.memory_space<vmem>>[vector<16xi32>, vector<16xi32>], vector<16xf32>,
      %add3A_748 = arith.addf %gather3A_746, %gather3A_747 : vector<16xf32>
      %gather3A_749 = tpu.vector_load_idx %arg13[%add3A_28, %broadcast_in_dim3A_742] : memref<64x128xf32, #tpu.memory_space<vmem>>[vector<16xi32>, vector<16xi32>], vector<16xf32>,
      %gather3A_750 = tpu.vector_load_idx %arg20[%add3A_28, %broadcast_in_dim3A_745] : memref<64x128xf32, #tpu.memory_space<vmem>>[vector<16xi32>, vector<16xi32>], vector<16xf32>,
      %add3A_751 = arith.addf %gather3A_749, %gather3A_750 : vector<16xf32>
      %gather3A_752 = tpu.vector_load_idx %arg13[%add3A_32, %broadcast_in_dim3A_742] : memref<64x128xf32, #tpu.memory_space<vmem>>[vector<16xi32>, vector<16xi32>], vector<16xf32>,
      %gather3A_753 = tpu.vector_load_idx %arg20[%add3A_32, %broadcast_in_dim3A_745] : memref<64x128xf32, #tpu.memory_space<vmem>>[vector<16xi32>, vector<16xi32>], vector<16xf32>,
      %add3A_754 = arith.addf %gather3A_752, %gather3A_753 : vector<16xf32>
      %gather3A_755 = tpu.vector_load_idx %arg13[%add3A_36, %broadcast_in_dim3A_742] : memref<64x128xf32, #tpu.memory_space<vmem>>[vector<16xi32>, vector<16xi32>], vector<16xf32>,
      %gather3A_756 = tpu.vector_load_idx %arg20[%add3A_36, %broadcast_in_dim3A_745] : memref<64x128xf32, #tpu.memory_space<vmem>>[vector<16xi32>, vector<16xi32>], vector<16xf32>,
      %add3A_757 = arith.addf %gather3A_755, %gather3A_756 : vector<16xf32>
      %add3A_758 = arith.addf %add3A_748, %add3A_751 : vector<16xf32>
      %add3A_759 = arith.addf %add3A_758, %add3A_754 : vector<16xf32>
      %add3A_760 = arith.addf %add3A_759, %add3A_757 : vector<16xf32>
      %mul3A_761 = arith.mulf %add3A_748, %add3A_748 : vector<16xf32>
      %mul3A_762 = arith.mulf %add3A_751, %add3A_751 : vector<16xf32>
      %add3A_763 = arith.addf %mul3A_761, %mul3A_762 : vector<16xf32>
      %mul3A_764 = arith.mulf %add3A_754, %add3A_754 : vector<16xf32>
      %add3A_765 = arith.addf %add3A_763, %mul3A_764 : vector<16xf32>
      %mul3A_766 = arith.mulf %add3A_757, %add3A_757 : vector<16xf32>
      %add3A_767 = arith.addf %add3A_765, %mul3A_766 : vector<16xf32>
      %reduce_sum3A_768 = arith.constant true
      %reduce_sum3A_769 = vector.broadcast %reduce_sum3A_768 : i1 to vector<16xi1>
      %reduce_sum3A_770 = tpu.scan <sum>, %add3A_760 masked %reduce_sum3A_769 : vector<16xf32>, vector<16xi1> -> vector<16xf32>
      %reduce_sum3A_771 = vector.extract %reduce_sum3A_770[15] : f32 from vector<16xf32>
      %reduce_sum3A_772 = arith.constant true
      %reduce_sum3A_773 = vector.broadcast %reduce_sum3A_772 : i1 to vector<16xi1>
      %reduce_sum3A_774 = tpu.scan <sum>, %add3A_767 masked %reduce_sum3A_773 : vector<16xf32>, vector<16xi1> -> vector<16xf32>
      %reduce_sum3A_775 = vector.extract %reduce_sum3A_774[15] : f32 from vector<16xf32>
      %mul3A_776 = arith.constant 1.562500e-02 : f32
      %mul3A_777 = arith.mulf %reduce_sum3A_771, %mul3A_776 : f32
      %mul3A_778 = arith.constant 1.562500e-02 : f32
      %mul3A_779 = arith.mulf %reduce_sum3A_775, %mul3A_778 : f32
      %mul3A_780 = arith.mulf %mul3A_777, %mul3A_777 : f32
      %sub3A_781 = arith.subf %mul3A_779, %mul3A_780 : f32
      %broadcast_in_dim3A_782 = vector.broadcast %mul3A_777 : f32 to vector<16xf32>
      %add3A_783 = arith.constant 9.99999974E-6 : f32
      %add3A_784 = arith.addf %sub3A_781, %add3A_783 : f32
      %broadcast_in_dim3A_785 = vector.broadcast %add3A_784 : f32 to vector<16xf32>
      %bitcast3A_786 = vector.bitcast %broadcast_in_dim3A_785 : vector<16xf32> to vector<16xi32>
      %shift_right_logical3A_787 = arith.constant 1 : i32
      %shift_right_logical3A_788 = vector.broadcast %shift_right_logical3A_787 : i32 to vector<16xi32>
      %shift_right_logical3A_789 = arith.shrui %bitcast3A_786, %shift_right_logical3A_788 : vector<16xi32>
      %sub3A_790 = arith.constant 1597463007 : i32
      %sub3A_791 = vector.broadcast %sub3A_790 : i32 to vector<16xi32>
      %sub3A_792 = arith.subi %sub3A_791, %shift_right_logical3A_789 : vector<16xi32>
      %bitcast3A_793 = vector.bitcast %sub3A_792 : vector<16xi32> to vector<16xf32>
      %mul3A_794 = arith.constant 5.000000e-01 : f32
      %mul3A_795 = vector.broadcast %mul3A_794 : f32 to vector<16xf32>
      %mul3A_796 = arith.mulf %broadcast_in_dim3A_785, %mul3A_795 : vector<16xf32>
      %mul3A_797 = arith.mulf %mul3A_796, %bitcast3A_793 : vector<16xf32>
      %mul3A_798 = arith.mulf %mul3A_797, %bitcast3A_793 : vector<16xf32>
      %sub3A_799 = arith.constant 1.500000e+00 : f32
      %sub3A_800 = vector.broadcast %sub3A_799 : f32 to vector<16xf32>
      %sub3A_801 = arith.subf %sub3A_800, %mul3A_798 : vector<16xf32>
      %mul3A_802 = arith.mulf %bitcast3A_793, %sub3A_801 : vector<16xf32>
      %mul3A_803 = arith.mulf %mul3A_796, %mul3A_802 : vector<16xf32>
      %mul3A_804 = arith.mulf %mul3A_803, %mul3A_802 : vector<16xf32>
      %sub3A_805 = arith.constant 1.500000e+00 : f32
      %sub3A_806 = vector.broadcast %sub3A_805 : f32 to vector<16xf32>
      %sub3A_807 = arith.subf %sub3A_806, %mul3A_804 : vector<16xf32>
      %mul3A_808 = arith.mulf %mul3A_802, %sub3A_807 : vector<16xf32>
      %mul3A_809 = arith.mulf %mul3A_796, %mul3A_808 : vector<16xf32>
      %mul3A_810 = arith.mulf %mul3A_809, %mul3A_808 : vector<16xf32>
      %sub3A_811 = arith.constant 1.500000e+00 : f32
      %sub3A_812 = vector.broadcast %sub3A_811 : f32 to vector<16xf32>
      %sub3A_813 = arith.subf %sub3A_812, %mul3A_810 : vector<16xf32>
      %mul3A_814 = arith.mulf %mul3A_808, %sub3A_813 : vector<16xf32>
      %sub3A_815 = arith.subf %add3A_748, %broadcast_in_dim3A_782 : vector<16xf32>
      %mul3A_816 = arith.mulf %sub3A_815, %mul3A_814 : vector<16xf32>
      %mul3A_817 = arith.mulf %mul3A_816, %get3A_37 : vector<16xf32>
      %add3A_818 = arith.addf %mul3A_817, %get3A_45 : vector<16xf32>
      tpu.vector_store_idx %arg18[%add3A_24, %broadcast_in_dim3A_745], %add3A_818 : memref<64x128xf32, #tpu.memory_space<vmem>>[vector<16xi32>, vector<16xi32>], vector<16xf32>,
      %sub3A_819 = arith.subf %add3A_751, %broadcast_in_dim3A_782 : vector<16xf32>
      %mul3A_820 = arith.mulf %sub3A_819, %mul3A_814 : vector<16xf32>
      %mul3A_821 = arith.mulf %mul3A_820, %get3A_39 : vector<16xf32>
      %add3A_822 = arith.addf %mul3A_821, %get3A_47 : vector<16xf32>
      tpu.vector_store_idx %arg18[%add3A_28, %broadcast_in_dim3A_745], %add3A_822 : memref<64x128xf32, #tpu.memory_space<vmem>>[vector<16xi32>, vector<16xi32>], vector<16xf32>,
      %sub3A_823 = arith.subf %add3A_754, %broadcast_in_dim3A_782 : vector<16xf32>
      %mul3A_824 = arith.mulf %sub3A_823, %mul3A_814 : vector<16xf32>
      %mul3A_825 = arith.mulf %mul3A_824, %get3A_41 : vector<16xf32>
      %add3A_826 = arith.addf %mul3A_825, %get3A_49 : vector<16xf32>
      tpu.vector_store_idx %arg18[%add3A_32, %broadcast_in_dim3A_745], %add3A_826 : memref<64x128xf32, #tpu.memory_space<vmem>>[vector<16xi32>, vector<16xi32>], vector<16xf32>,
      %sub3A_827 = arith.subf %add3A_757, %broadcast_in_dim3A_782 : vector<16xf32>
      %mul3A_828 = arith.mulf %sub3A_827, %mul3A_814 : vector<16xf32>
      %mul3A_829 = arith.mulf %mul3A_828, %get3A_43 : vector<16xf32>
      %add3A_830 = arith.addf %mul3A_829, %get3A_51 : vector<16xf32>
      tpu.vector_store_idx %arg18[%add3A_36, %broadcast_in_dim3A_745], %add3A_830 : memref<64x128xf32, #tpu.memory_space<vmem>>[vector<16xi32>, vector<16xi32>], vector<16xf32>,
      %add3A_831 = arith.constant 4 : i32
      %add3A_832 = arith.addi %mul3A_245, %add3A_831 : i32
      %add3A_833 = arith.constant 1 : i32
      %add3A_834 = arith.addi %add3A_832, %add3A_833 : i32
      %slice3A_835 = vector.extract_strided_slice %get3A_247 {offsets = [5], sizes = [1], strides = [1]} : vector<16xi32> to vector<1xi32>
      %squeeze3A_836 = vector.extract %slice3A_835[0] : i32 from vector<1xi32>
      %rem3A_837 = arith.constant 128 : i32
      %rem3A_838 = arith.remsi %squeeze3A_836, %rem3A_837 : i32
      %broadcast_in_dim3A_839 = vector.broadcast %rem3A_838 : i32 to vector<16xi32>
      %rem3A_840 = arith.constant 128 : i32
      %rem3A_841 = arith.remsi %add3A_834, %rem3A_840 : i32
      %broadcast_in_dim3A_842 = vector.broadcast %rem3A_841 : i32 to vector<16xi32>
      %gather3A_843 = tpu.vector_load_idx %arg14[%add3A_24, %broadcast_in_dim3A_839] : memref<64x128xf32, #tpu.memory_space<vmem>>[vector<16xi32>, vector<16xi32>], vector<16xf32>,
      %gather3A_844 = tpu.vector_load_idx %arg20[%add3A_24, %broadcast_in_dim3A_842] : memref<64x128xf32, #tpu.memory_space<vmem>>[vector<16xi32>, vector<16xi32>], vector<16xf32>,
      %add3A_845 = arith.addf %gather3A_843, %gather3A_844 : vector<16xf32>
      %gather3A_846 = tpu.vector_load_idx %arg14[%add3A_28, %broadcast_in_dim3A_839] : memref<64x128xf32, #tpu.memory_space<vmem>>[vector<16xi32>, vector<16xi32>], vector<16xf32>,
      %gather3A_847 = tpu.vector_load_idx %arg20[%add3A_28, %broadcast_in_dim3A_842] : memref<64x128xf32, #tpu.memory_space<vmem>>[vector<16xi32>, vector<16xi32>], vector<16xf32>,
      %add3A_848 = arith.addf %gather3A_846, %gather3A_847 : vector<16xf32>
      %gather3A_849 = tpu.vector_load_idx %arg14[%add3A_32, %broadcast_in_dim3A_839] : memref<64x128xf32, #tpu.memory_space<vmem>>[vector<16xi32>, vector<16xi32>], vector<16xf32>,
      %gather3A_850 = tpu.vector_load_idx %arg20[%add3A_32, %broadcast_in_dim3A_842] : memref<64x128xf32, #tpu.memory_space<vmem>>[vector<16xi32>, vector<16xi32>], vector<16xf32>,
      %add3A_851 = arith.addf %gather3A_849, %gather3A_850 : vector<16xf32>
      %gather3A_852 = tpu.vector_load_idx %arg14[%add3A_36, %broadcast_in_dim3A_839] : memref<64x128xf32, #tpu.memory_space<vmem>>[vector<16xi32>, vector<16xi32>], vector<16xf32>,
      %gather3A_853 = tpu.vector_load_idx %arg20[%add3A_36, %broadcast_in_dim3A_842] : memref<64x128xf32, #tpu.memory_space<vmem>>[vector<16xi32>, vector<16xi32>], vector<16xf32>,
      %add3A_854 = arith.addf %gather3A_852, %gather3A_853 : vector<16xf32>
      %add3A_855 = arith.addf %add3A_845, %add3A_848 : vector<16xf32>
      %add3A_856 = arith.addf %add3A_855, %add3A_851 : vector<16xf32>
      %add3A_857 = arith.addf %add3A_856, %add3A_854 : vector<16xf32>
      %mul3A_858 = arith.mulf %add3A_845, %add3A_845 : vector<16xf32>
      %mul3A_859 = arith.mulf %add3A_848, %add3A_848 : vector<16xf32>
      %add3A_860 = arith.addf %mul3A_858, %mul3A_859 : vector<16xf32>
      %mul3A_861 = arith.mulf %add3A_851, %add3A_851 : vector<16xf32>
      %add3A_862 = arith.addf %add3A_860, %mul3A_861 : vector<16xf32>
      %mul3A_863 = arith.mulf %add3A_854, %add3A_854 : vector<16xf32>
      %add3A_864 = arith.addf %add3A_862, %mul3A_863 : vector<16xf32>
      %reduce_sum3A_865 = arith.constant true
      %reduce_sum3A_866 = vector.broadcast %reduce_sum3A_865 : i1 to vector<16xi1>
      %reduce_sum3A_867 = tpu.scan <sum>, %add3A_857 masked %reduce_sum3A_866 : vector<16xf32>, vector<16xi1> -> vector<16xf32>
      %reduce_sum3A_868 = vector.extract %reduce_sum3A_867[15] : f32 from vector<16xf32>
      %reduce_sum3A_869 = arith.constant true
      %reduce_sum3A_870 = vector.broadcast %reduce_sum3A_869 : i1 to vector<16xi1>
      %reduce_sum3A_871 = tpu.scan <sum>, %add3A_864 masked %reduce_sum3A_870 : vector<16xf32>, vector<16xi1> -> vector<16xf32>
      %reduce_sum3A_872 = vector.extract %reduce_sum3A_871[15] : f32 from vector<16xf32>
      %mul3A_873 = arith.constant 1.562500e-02 : f32
      %mul3A_874 = arith.mulf %reduce_sum3A_868, %mul3A_873 : f32
      %mul3A_875 = arith.constant 1.562500e-02 : f32
      %mul3A_876 = arith.mulf %reduce_sum3A_872, %mul3A_875 : f32
      %mul3A_877 = arith.mulf %mul3A_874, %mul3A_874 : f32
      %sub3A_878 = arith.subf %mul3A_876, %mul3A_877 : f32
      %broadcast_in_dim3A_879 = vector.broadcast %mul3A_874 : f32 to vector<16xf32>
      %add3A_880 = arith.constant 9.99999974E-6 : f32
      %add3A_881 = arith.addf %sub3A_878, %add3A_880 : f32
      %broadcast_in_dim3A_882 = vector.broadcast %add3A_881 : f32 to vector<16xf32>
      %bitcast3A_883 = vector.bitcast %broadcast_in_dim3A_882 : vector<16xf32> to vector<16xi32>
      %shift_right_logical3A_884 = arith.constant 1 : i32
      %shift_right_logical3A_885 = vector.broadcast %shift_right_logical3A_884 : i32 to vector<16xi32>
      %shift_right_logical3A_886 = arith.shrui %bitcast3A_883, %shift_right_logical3A_885 : vector<16xi32>
      %sub3A_887 = arith.constant 1597463007 : i32
      %sub3A_888 = vector.broadcast %sub3A_887 : i32 to vector<16xi32>
      %sub3A_889 = arith.subi %sub3A_888, %shift_right_logical3A_886 : vector<16xi32>
      %bitcast3A_890 = vector.bitcast %sub3A_889 : vector<16xi32> to vector<16xf32>
      %mul3A_891 = arith.constant 5.000000e-01 : f32
      %mul3A_892 = vector.broadcast %mul3A_891 : f32 to vector<16xf32>
      %mul3A_893 = arith.mulf %broadcast_in_dim3A_882, %mul3A_892 : vector<16xf32>
      %mul3A_894 = arith.mulf %mul3A_893, %bitcast3A_890 : vector<16xf32>
      %mul3A_895 = arith.mulf %mul3A_894, %bitcast3A_890 : vector<16xf32>
      %sub3A_896 = arith.constant 1.500000e+00 : f32
      %sub3A_897 = vector.broadcast %sub3A_896 : f32 to vector<16xf32>
      %sub3A_898 = arith.subf %sub3A_897, %mul3A_895 : vector<16xf32>
      %mul3A_899 = arith.mulf %bitcast3A_890, %sub3A_898 : vector<16xf32>
      %mul3A_900 = arith.mulf %mul3A_893, %mul3A_899 : vector<16xf32>
      %mul3A_901 = arith.mulf %mul3A_900, %mul3A_899 : vector<16xf32>
      %sub3A_902 = arith.constant 1.500000e+00 : f32
      %sub3A_903 = vector.broadcast %sub3A_902 : f32 to vector<16xf32>
      %sub3A_904 = arith.subf %sub3A_903, %mul3A_901 : vector<16xf32>
      %mul3A_905 = arith.mulf %mul3A_899, %sub3A_904 : vector<16xf32>
      %mul3A_906 = arith.mulf %mul3A_893, %mul3A_905 : vector<16xf32>
      %mul3A_907 = arith.mulf %mul3A_906, %mul3A_905 : vector<16xf32>
      %sub3A_908 = arith.constant 1.500000e+00 : f32
      %sub3A_909 = vector.broadcast %sub3A_908 : f32 to vector<16xf32>
      %sub3A_910 = arith.subf %sub3A_909, %mul3A_907 : vector<16xf32>
      %mul3A_911 = arith.mulf %mul3A_905, %sub3A_910 : vector<16xf32>
      %sub3A_912 = arith.subf %add3A_845, %broadcast_in_dim3A_879 : vector<16xf32>
      %mul3A_913 = arith.mulf %sub3A_912, %mul3A_911 : vector<16xf32>
      %mul3A_914 = arith.mulf %mul3A_913, %get3A_37 : vector<16xf32>
      %add3A_915 = arith.addf %mul3A_914, %get3A_45 : vector<16xf32>
      tpu.vector_store_idx %arg18[%add3A_24, %broadcast_in_dim3A_842], %add3A_915 : memref<64x128xf32, #tpu.memory_space<vmem>>[vector<16xi32>, vector<16xi32>], vector<16xf32>,
      %sub3A_916 = arith.subf %add3A_848, %broadcast_in_dim3A_879 : vector<16xf32>
      %mul3A_917 = arith.mulf %sub3A_916, %mul3A_911 : vector<16xf32>
      %mul3A_918 = arith.mulf %mul3A_917, %get3A_39 : vector<16xf32>
      %add3A_919 = arith.addf %mul3A_918, %get3A_47 : vector<16xf32>
      tpu.vector_store_idx %arg18[%add3A_28, %broadcast_in_dim3A_842], %add3A_919 : memref<64x128xf32, #tpu.memory_space<vmem>>[vector<16xi32>, vector<16xi32>], vector<16xf32>,
      %sub3A_920 = arith.subf %add3A_851, %broadcast_in_dim3A_879 : vector<16xf32>
      %mul3A_921 = arith.mulf %sub3A_920, %mul3A_911 : vector<16xf32>
      %mul3A_922 = arith.mulf %mul3A_921, %get3A_41 : vector<16xf32>
      %add3A_923 = arith.addf %mul3A_922, %get3A_49 : vector<16xf32>
      tpu.vector_store_idx %arg18[%add3A_32, %broadcast_in_dim3A_842], %add3A_923 : memref<64x128xf32, #tpu.memory_space<vmem>>[vector<16xi32>, vector<16xi32>], vector<16xf32>,
      %sub3A_924 = arith.subf %add3A_854, %broadcast_in_dim3A_879 : vector<16xf32>
      %mul3A_925 = arith.mulf %sub3A_924, %mul3A_911 : vector<16xf32>
      %mul3A_926 = arith.mulf %mul3A_925, %get3A_43 : vector<16xf32>
      %add3A_927 = arith.addf %mul3A_926, %get3A_51 : vector<16xf32>
      tpu.vector_store_idx %arg18[%add3A_36, %broadcast_in_dim3A_842], %add3A_927 : memref<64x128xf32, #tpu.memory_space<vmem>>[vector<16xi32>, vector<16xi32>], vector<16xf32>,
      %add3A_928 = arith.constant 4 : i32
      %add3A_929 = arith.addi %mul3A_245, %add3A_928 : i32
      %add3A_930 = arith.constant 2 : i32
      %add3A_931 = arith.addi %add3A_929, %add3A_930 : i32
      %slice3A_932 = vector.extract_strided_slice %get3A_247 {offsets = [6], sizes = [1], strides = [1]} : vector<16xi32> to vector<1xi32>
      %squeeze3A_933 = vector.extract %slice3A_932[0] : i32 from vector<1xi32>
      %rem3A_934 = arith.constant 128 : i32
      %rem3A_935 = arith.remsi %squeeze3A_933, %rem3A_934 : i32
      %broadcast_in_dim3A_936 = vector.broadcast %rem3A_935 : i32 to vector<16xi32>
      %rem3A_937 = arith.constant 128 : i32
      %rem3A_938 = arith.remsi %add3A_931, %rem3A_937 : i32
      %broadcast_in_dim3A_939 = vector.broadcast %rem3A_938 : i32 to vector<16xi32>
      %gather3A_940 = tpu.vector_load_idx %arg15[%add3A_24, %broadcast_in_dim3A_936] : memref<64x128xf32, #tpu.memory_space<vmem>>[vector<16xi32>, vector<16xi32>], vector<16xf32>,
      %gather3A_941 = tpu.vector_load_idx %arg20[%add3A_24, %broadcast_in_dim3A_939] : memref<64x128xf32, #tpu.memory_space<vmem>>[vector<16xi32>, vector<16xi32>], vector<16xf32>,
      %add3A_942 = arith.addf %gather3A_940, %gather3A_941 : vector<16xf32>
      %gather3A_943 = tpu.vector_load_idx %arg15[%add3A_28, %broadcast_in_dim3A_936] : memref<64x128xf32, #tpu.memory_space<vmem>>[vector<16xi32>, vector<16xi32>], vector<16xf32>,
      %gather3A_944 = tpu.vector_load_idx %arg20[%add3A_28, %broadcast_in_dim3A_939] : memref<64x128xf32, #tpu.memory_space<vmem>>[vector<16xi32>, vector<16xi32>], vector<16xf32>,
      %add3A_945 = arith.addf %gather3A_943, %gather3A_944 : vector<16xf32>
      %gather3A_946 = tpu.vector_load_idx %arg15[%add3A_32, %broadcast_in_dim3A_936] : memref<64x128xf32, #tpu.memory_space<vmem>>[vector<16xi32>, vector<16xi32>], vector<16xf32>,
      %gather3A_947 = tpu.vector_load_idx %arg20[%add3A_32, %broadcast_in_dim3A_939] : memref<64x128xf32, #tpu.memory_space<vmem>>[vector<16xi32>, vector<16xi32>], vector<16xf32>,
      %add3A_948 = arith.addf %gather3A_946, %gather3A_947 : vector<16xf32>
      %gather3A_949 = tpu.vector_load_idx %arg15[%add3A_36, %broadcast_in_dim3A_936] : memref<64x128xf32, #tpu.memory_space<vmem>>[vector<16xi32>, vector<16xi32>], vector<16xf32>,
      %gather3A_950 = tpu.vector_load_idx %arg20[%add3A_36, %broadcast_in_dim3A_939] : memref<64x128xf32, #tpu.memory_space<vmem>>[vector<16xi32>, vector<16xi32>], vector<16xf32>,
      %add3A_951 = arith.addf %gather3A_949, %gather3A_950 : vector<16xf32>
      %add3A_952 = arith.addf %add3A_942, %add3A_945 : vector<16xf32>
      %add3A_953 = arith.addf %add3A_952, %add3A_948 : vector<16xf32>
      %add3A_954 = arith.addf %add3A_953, %add3A_951 : vector<16xf32>
      %mul3A_955 = arith.mulf %add3A_942, %add3A_942 : vector<16xf32>
      %mul3A_956 = arith.mulf %add3A_945, %add3A_945 : vector<16xf32>
      %add3A_957 = arith.addf %mul3A_955, %mul3A_956 : vector<16xf32>
      %mul3A_958 = arith.mulf %add3A_948, %add3A_948 : vector<16xf32>
      %add3A_959 = arith.addf %add3A_957, %mul3A_958 : vector<16xf32>
      %mul3A_960 = arith.mulf %add3A_951, %add3A_951 : vector<16xf32>
      %add3A_961 = arith.addf %add3A_959, %mul3A_960 : vector<16xf32>
      %reduce_sum3A_962 = arith.constant true
      %reduce_sum3A_963 = vector.broadcast %reduce_sum3A_962 : i1 to vector<16xi1>
      %reduce_sum3A_964 = tpu.scan <sum>, %add3A_954 masked %reduce_sum3A_963 : vector<16xf32>, vector<16xi1> -> vector<16xf32>
      %reduce_sum3A_965 = vector.extract %reduce_sum3A_964[15] : f32 from vector<16xf32>
      %reduce_sum3A_966 = arith.constant true
      %reduce_sum3A_967 = vector.broadcast %reduce_sum3A_966 : i1 to vector<16xi1>
      %reduce_sum3A_968 = tpu.scan <sum>, %add3A_961 masked %reduce_sum3A_967 : vector<16xf32>, vector<16xi1> -> vector<16xf32>
      %reduce_sum3A_969 = vector.extract %reduce_sum3A_968[15] : f32 from vector<16xf32>
      %mul3A_970 = arith.constant 1.562500e-02 : f32
      %mul3A_971 = arith.mulf %reduce_sum3A_965, %mul3A_970 : f32
      %mul3A_972 = arith.constant 1.562500e-02 : f32
      %mul3A_973 = arith.mulf %reduce_sum3A_969, %mul3A_972 : f32
      %mul3A_974 = arith.mulf %mul3A_971, %mul3A_971 : f32
      %sub3A_975 = arith.subf %mul3A_973, %mul3A_974 : f32
      %broadcast_in_dim3A_976 = vector.broadcast %mul3A_971 : f32 to vector<16xf32>
      %add3A_977 = arith.constant 9.99999974E-6 : f32
      %add3A_978 = arith.addf %sub3A_975, %add3A_977 : f32
      %broadcast_in_dim3A_979 = vector.broadcast %add3A_978 : f32 to vector<16xf32>
      %bitcast3A_980 = vector.bitcast %broadcast_in_dim3A_979 : vector<16xf32> to vector<16xi32>
      %shift_right_logical3A_981 = arith.constant 1 : i32
      %shift_right_logical3A_982 = vector.broadcast %shift_right_logical3A_981 : i32 to vector<16xi32>
      %shift_right_logical3A_983 = arith.shrui %bitcast3A_980, %shift_right_logical3A_982 : vector<16xi32>
      %sub3A_984 = arith.constant 1597463007 : i32
      %sub3A_985 = vector.broadcast %sub3A_984 : i32 to vector<16xi32>
      %sub3A_986 = arith.subi %sub3A_985, %shift_right_logical3A_983 : vector<16xi32>
      %bitcast3A_987 = vector.bitcast %sub3A_986 : vector<16xi32> to vector<16xf32>
      %mul3A_988 = arith.constant 5.000000e-01 : f32
      %mul3A_989 = vector.broadcast %mul3A_988 : f32 to vector<16xf32>
      %mul3A_990 = arith.mulf %broadcast_in_dim3A_979, %mul3A_989 : vector<16xf32>
      %mul3A_991 = arith.mulf %mul3A_990, %bitcast3A_987 : vector<16xf32>
      %mul3A_992 = arith.mulf %mul3A_991, %bitcast3A_987 : vector<16xf32>
      %sub3A_993 = arith.constant 1.500000e+00 : f32
      %sub3A_994 = vector.broadcast %sub3A_993 : f32 to vector<16xf32>
      %sub3A_995 = arith.subf %sub3A_994, %mul3A_992 : vector<16xf32>
      %mul3A_996 = arith.mulf %bitcast3A_987, %sub3A_995 : vector<16xf32>
      %mul3A_997 = arith.mulf %mul3A_990, %mul3A_996 : vector<16xf32>
      %mul3A_998 = arith.mulf %mul3A_997, %mul3A_996 : vector<16xf32>
      %sub3A_999 = arith.constant 1.500000e+00 : f32
      %sub3A_1000 = vector.broadcast %sub3A_999 : f32 to vector<16xf32>
      %sub3A_1001 = arith.subf %sub3A_1000, %mul3A_998 : vector<16xf32>
      %mul3A_1002 = arith.mulf %mul3A_996, %sub3A_1001 : vector<16xf32>
      %mul3A_1003 = arith.mulf %mul3A_990, %mul3A_1002 : vector<16xf32>
      %mul3A_1004 = arith.mulf %mul3A_1003, %mul3A_1002 : vector<16xf32>
      %sub3A_1005 = arith.constant 1.500000e+00 : f32
      %sub3A_1006 = vector.broadcast %sub3A_1005 : f32 to vector<16xf32>
      %sub3A_1007 = arith.subf %sub3A_1006, %mul3A_1004 : vector<16xf32>
      %mul3A_1008 = arith.mulf %mul3A_1002, %sub3A_1007 : vector<16xf32>
      %sub3A_1009 = arith.subf %add3A_942, %broadcast_in_dim3A_976 : vector<16xf32>
      %mul3A_1010 = arith.mulf %sub3A_1009, %mul3A_1008 : vector<16xf32>
      %mul3A_1011 = arith.mulf %mul3A_1010, %get3A_37 : vector<16xf32>
      %add3A_1012 = arith.addf %mul3A_1011, %get3A_45 : vector<16xf32>
      tpu.vector_store_idx %arg18[%add3A_24, %broadcast_in_dim3A_939], %add3A_1012 : memref<64x128xf32, #tpu.memory_space<vmem>>[vector<16xi32>, vector<16xi32>], vector<16xf32>,
      %sub3A_1013 = arith.subf %add3A_945, %broadcast_in_dim3A_976 : vector<16xf32>
      %mul3A_1014 = arith.mulf %sub3A_1013, %mul3A_1008 : vector<16xf32>
      %mul3A_1015 = arith.mulf %mul3A_1014, %get3A_39 : vector<16xf32>
      %add3A_1016 = arith.addf %mul3A_1015, %get3A_47 : vector<16xf32>
      tpu.vector_store_idx %arg18[%add3A_28, %broadcast_in_dim3A_939], %add3A_1016 : memref<64x128xf32, #tpu.memory_space<vmem>>[vector<16xi32>, vector<16xi32>], vector<16xf32>,
      %sub3A_1017 = arith.subf %add3A_948, %broadcast_in_dim3A_976 : vector<16xf32>
      %mul3A_1018 = arith.mulf %sub3A_1017, %mul3A_1008 : vector<16xf32>
      %mul3A_1019 = arith.mulf %mul3A_1018, %get3A_41 : vector<16xf32>
      %add3A_1020 = arith.addf %mul3A_1019, %get3A_49 : vector<16xf32>
      tpu.vector_store_idx %arg18[%add3A_32, %broadcast_in_dim3A_939], %add3A_1020 : memref<64x128xf32, #tpu.memory_space<vmem>>[vector<16xi32>, vector<16xi32>], vector<16xf32>,
      %sub3A_1021 = arith.subf %add3A_951, %broadcast_in_dim3A_976 : vector<16xf32>
      %mul3A_1022 = arith.mulf %sub3A_1021, %mul3A_1008 : vector<16xf32>
      %mul3A_1023 = arith.mulf %mul3A_1022, %get3A_43 : vector<16xf32>
      %add3A_1024 = arith.addf %mul3A_1023, %get3A_51 : vector<16xf32>
      tpu.vector_store_idx %arg18[%add3A_36, %broadcast_in_dim3A_939], %add3A_1024 : memref<64x128xf32, #tpu.memory_space<vmem>>[vector<16xi32>, vector<16xi32>], vector<16xf32>,
      %add3A_1025 = arith.constant 4 : i32
      %add3A_1026 = arith.addi %mul3A_245, %add3A_1025 : i32
      %add3A_1027 = arith.constant 3 : i32
      %add3A_1028 = arith.addi %add3A_1026, %add3A_1027 : i32
      %slice3A_1029 = vector.extract_strided_slice %get3A_247 {offsets = [7], sizes = [1], strides = [1]} : vector<16xi32> to vector<1xi32>
      %squeeze3A_1030 = vector.extract %slice3A_1029[0] : i32 from vector<1xi32>
      %rem3A_1031 = arith.constant 128 : i32
      %rem3A_1032 = arith.remsi %squeeze3A_1030, %rem3A_1031 : i32
      %broadcast_in_dim3A_1033 = vector.broadcast %rem3A_1032 : i32 to vector<16xi32>
      %rem3A_1034 = arith.constant 128 : i32
      %rem3A_1035 = arith.remsi %add3A_1028, %rem3A_1034 : i32
      %broadcast_in_dim3A_1036 = vector.broadcast %rem3A_1035 : i32 to vector<16xi32>
      %gather3A_1037 = tpu.vector_load_idx %arg16[%add3A_24, %broadcast_in_dim3A_1033] : memref<64x128xf32, #tpu.memory_space<vmem>>[vector<16xi32>, vector<16xi32>], vector<16xf32>,
      %gather3A_1038 = tpu.vector_load_idx %arg20[%add3A_24, %broadcast_in_dim3A_1036] : memref<64x128xf32, #tpu.memory_space<vmem>>[vector<16xi32>, vector<16xi32>], vector<16xf32>,
      %add3A_1039 = arith.addf %gather3A_1037, %gather3A_1038 : vector<16xf32>
      %gather3A_1040 = tpu.vector_load_idx %arg16[%add3A_28, %broadcast_in_dim3A_1033] : memref<64x128xf32, #tpu.memory_space<vmem>>[vector<16xi32>, vector<16xi32>], vector<16xf32>,
      %gather3A_1041 = tpu.vector_load_idx %arg20[%add3A_28, %broadcast_in_dim3A_1036] : memref<64x128xf32, #tpu.memory_space<vmem>>[vector<16xi32>, vector<16xi32>], vector<16xf32>,
      %add3A_1042 = arith.addf %gather3A_1040, %gather3A_1041 : vector<16xf32>
      %gather3A_1043 = tpu.vector_load_idx %arg16[%add3A_32, %broadcast_in_dim3A_1033] : memref<64x128xf32, #tpu.memory_space<vmem>>[vector<16xi32>, vector<16xi32>], vector<16xf32>,
      %gather3A_1044 = tpu.vector_load_idx %arg20[%add3A_32, %broadcast_in_dim3A_1036] : memref<64x128xf32, #tpu.memory_space<vmem>>[vector<16xi32>, vector<16xi32>], vector<16xf32>,
      %add3A_1045 = arith.addf %gather3A_1043, %gather3A_1044 : vector<16xf32>
      %gather3A_1046 = tpu.vector_load_idx %arg16[%add3A_36, %broadcast_in_dim3A_1033] : memref<64x128xf32, #tpu.memory_space<vmem>>[vector<16xi32>, vector<16xi32>], vector<16xf32>,
      %gather3A_1047 = tpu.vector_load_idx %arg20[%add3A_36, %broadcast_in_dim3A_1036] : memref<64x128xf32, #tpu.memory_space<vmem>>[vector<16xi32>, vector<16xi32>], vector<16xf32>,
      %add3A_1048 = arith.addf %gather3A_1046, %gather3A_1047 : vector<16xf32>
      %add3A_1049 = arith.addf %add3A_1039, %add3A_1042 : vector<16xf32>
      %add3A_1050 = arith.addf %add3A_1049, %add3A_1045 : vector<16xf32>
      %add3A_1051 = arith.addf %add3A_1050, %add3A_1048 : vector<16xf32>
      %mul3A_1052 = arith.mulf %add3A_1039, %add3A_1039 : vector<16xf32>
      %mul3A_1053 = arith.mulf %add3A_1042, %add3A_1042 : vector<16xf32>
      %add3A_1054 = arith.addf %mul3A_1052, %mul3A_1053 : vector<16xf32>
      %mul3A_1055 = arith.mulf %add3A_1045, %add3A_1045 : vector<16xf32>
      %add3A_1056 = arith.addf %add3A_1054, %mul3A_1055 : vector<16xf32>
      %mul3A_1057 = arith.mulf %add3A_1048, %add3A_1048 : vector<16xf32>
      %add3A_1058 = arith.addf %add3A_1056, %mul3A_1057 : vector<16xf32>
      %reduce_sum3A_1059 = arith.constant true
      %reduce_sum3A_1060 = vector.broadcast %reduce_sum3A_1059 : i1 to vector<16xi1>
      %reduce_sum3A_1061 = tpu.scan <sum>, %add3A_1051 masked %reduce_sum3A_1060 : vector<16xf32>, vector<16xi1> -> vector<16xf32>
      %reduce_sum3A_1062 = vector.extract %reduce_sum3A_1061[15] : f32 from vector<16xf32>
      %reduce_sum3A_1063 = arith.constant true
      %reduce_sum3A_1064 = vector.broadcast %reduce_sum3A_1063 : i1 to vector<16xi1>
      %reduce_sum3A_1065 = tpu.scan <sum>, %add3A_1058 masked %reduce_sum3A_1064 : vector<16xf32>, vector<16xi1> -> vector<16xf32>
      %reduce_sum3A_1066 = vector.extract %reduce_sum3A_1065[15] : f32 from vector<16xf32>
      %mul3A_1067 = arith.constant 1.562500e-02 : f32
      %mul3A_1068 = arith.mulf %reduce_sum3A_1062, %mul3A_1067 : f32
      %mul3A_1069 = arith.constant 1.562500e-02 : f32
      %mul3A_1070 = arith.mulf %reduce_sum3A_1066, %mul3A_1069 : f32
      %mul3A_1071 = arith.mulf %mul3A_1068, %mul3A_1068 : f32
      %sub3A_1072 = arith.subf %mul3A_1070, %mul3A_1071 : f32
      %broadcast_in_dim3A_1073 = vector.broadcast %mul3A_1068 : f32 to vector<16xf32>
      %add3A_1074 = arith.constant 9.99999974E-6 : f32
      %add3A_1075 = arith.addf %sub3A_1072, %add3A_1074 : f32
      %broadcast_in_dim3A_1076 = vector.broadcast %add3A_1075 : f32 to vector<16xf32>
      %bitcast3A_1077 = vector.bitcast %broadcast_in_dim3A_1076 : vector<16xf32> to vector<16xi32>
      %shift_right_logical3A_1078 = arith.constant 1 : i32
      %shift_right_logical3A_1079 = vector.broadcast %shift_right_logical3A_1078 : i32 to vector<16xi32>
      %shift_right_logical3A_1080 = arith.shrui %bitcast3A_1077, %shift_right_logical3A_1079 : vector<16xi32>
      %sub3A_1081 = arith.constant 1597463007 : i32
      %sub3A_1082 = vector.broadcast %sub3A_1081 : i32 to vector<16xi32>
      %sub3A_1083 = arith.subi %sub3A_1082, %shift_right_logical3A_1080 : vector<16xi32>
      %bitcast3A_1084 = vector.bitcast %sub3A_1083 : vector<16xi32> to vector<16xf32>
      %mul3A_1085 = arith.constant 5.000000e-01 : f32
      %mul3A_1086 = vector.broadcast %mul3A_1085 : f32 to vector<16xf32>
      %mul3A_1087 = arith.mulf %broadcast_in_dim3A_1076, %mul3A_1086 : vector<16xf32>
      %mul3A_1088 = arith.mulf %mul3A_1087, %bitcast3A_1084 : vector<16xf32>
      %mul3A_1089 = arith.mulf %mul3A_1088, %bitcast3A_1084 : vector<16xf32>
      %sub3A_1090 = arith.constant 1.500000e+00 : f32
      %sub3A_1091 = vector.broadcast %sub3A_1090 : f32 to vector<16xf32>
      %sub3A_1092 = arith.subf %sub3A_1091, %mul3A_1089 : vector<16xf32>
      %mul3A_1093 = arith.mulf %bitcast3A_1084, %sub3A_1092 : vector<16xf32>
      %mul3A_1094 = arith.mulf %mul3A_1087, %mul3A_1093 : vector<16xf32>
      %mul3A_1095 = arith.mulf %mul3A_1094, %mul3A_1093 : vector<16xf32>
      %sub3A_1096 = arith.constant 1.500000e+00 : f32
      %sub3A_1097 = vector.broadcast %sub3A_1096 : f32 to vector<16xf32>
      %sub3A_1098 = arith.subf %sub3A_1097, %mul3A_1095 : vector<16xf32>
      %mul3A_1099 = arith.mulf %mul3A_1093, %sub3A_1098 : vector<16xf32>
      %mul3A_1100 = arith.mulf %mul3A_1087, %mul3A_1099 : vector<16xf32>
      %mul3A_1101 = arith.mulf %mul3A_1100, %mul3A_1099 : vector<16xf32>
      %sub3A_1102 = arith.constant 1.500000e+00 : f32
      %sub3A_1103 = vector.broadcast %sub3A_1102 : f32 to vector<16xf32>
      %sub3A_1104 = arith.subf %sub3A_1103, %mul3A_1101 : vector<16xf32>
      %mul3A_1105 = arith.mulf %mul3A_1099, %sub3A_1104 : vector<16xf32>
      %sub3A_1106 = arith.subf %add3A_1039, %broadcast_in_dim3A_1073 : vector<16xf32>
      %mul3A_1107 = arith.mulf %sub3A_1106, %mul3A_1105 : vector<16xf32>
      %mul3A_1108 = arith.mulf %mul3A_1107, %get3A_37 : vector<16xf32>
      %add3A_1109 = arith.addf %mul3A_1108, %get3A_45 : vector<16xf32>
      tpu.vector_store_idx %arg18[%add3A_24, %broadcast_in_dim3A_1036], %add3A_1109 : memref<64x128xf32, #tpu.memory_space<vmem>>[vector<16xi32>, vector<16xi32>], vector<16xf32>,
      %sub3A_1110 = arith.subf %add3A_1042, %broadcast_in_dim3A_1073 : vector<16xf32>
      %mul3A_1111 = arith.mulf %sub3A_1110, %mul3A_1105 : vector<16xf32>
      %mul3A_1112 = arith.mulf %mul3A_1111, %get3A_39 : vector<16xf32>
      %add3A_1113 = arith.addf %mul3A_1112, %get3A_47 : vector<16xf32>
      tpu.vector_store_idx %arg18[%add3A_28, %broadcast_in_dim3A_1036], %add3A_1113 : memref<64x128xf32, #tpu.memory_space<vmem>>[vector<16xi32>, vector<16xi32>], vector<16xf32>,
      %sub3A_1114 = arith.subf %add3A_1045, %broadcast_in_dim3A_1073 : vector<16xf32>
      %mul3A_1115 = arith.mulf %sub3A_1114, %mul3A_1105 : vector<16xf32>
      %mul3A_1116 = arith.mulf %mul3A_1115, %get3A_41 : vector<16xf32>
      %add3A_1117 = arith.addf %mul3A_1116, %get3A_49 : vector<16xf32>
      tpu.vector_store_idx %arg18[%add3A_32, %broadcast_in_dim3A_1036], %add3A_1117 : memref<64x128xf32, #tpu.memory_space<vmem>>[vector<16xi32>, vector<16xi32>], vector<16xf32>,
      %sub3A_1118 = arith.subf %add3A_1048, %broadcast_in_dim3A_1073 : vector<16xf32>
      %mul3A_1119 = arith.mulf %sub3A_1118, %mul3A_1105 : vector<16xf32>
      %mul3A_1120 = arith.mulf %mul3A_1119, %get3A_43 : vector<16xf32>
      %add3A_1121 = arith.addf %mul3A_1120, %get3A_51 : vector<16xf32>
      tpu.vector_store_idx %arg18[%add3A_36, %broadcast_in_dim3A_1036], %add3A_1121 : memref<64x128xf32, #tpu.memory_space<vmem>>[vector<16xi32>, vector<16xi32>], vector<16xf32>,
      %slice3A_1122 = vector.extract_strided_slice %get3A_251 {offsets = [4], sizes = [1], strides = [1]} : vector<16xi32> to vector<1xi32>
      %squeeze3A_1123 = vector.extract %slice3A_1122[0] : i32 from vector<1xi32>
      %div3A_1124 = arith.constant 128 : i32
      %div3A_1125 = arith.divsi %squeeze3A_1123, %div3A_1124 : i32
      %mul3A_1126 = arith.constant 128 : i32
      %mul3A_1127 = arith.muli %div3A_1125, %mul3A_1126 : i32
      %min3A_1128 = arith.constant 999936 : i32
      %min3A_1129 = arith.minsi %mul3A_1127, %min3A_1128 : i32
      %max3A_1130 = arith.constant 0 : i32
      %max3A_1131 = arith.maxsi %max3A_1130, %min3A_1129 : i32
      %multiple_of3A_1132 = tpu.assume_multiple %max3A_1131, 128 : i32
      %dma_start3A_1133 = arith.constant 0 : i32
      %dma_start3A_1134 = tpu.memref_slice %arg3[%dma_start3A_1133, %multiple_of3A_1132] : memref<64x1000000xf32, #tpu.memory_space<hbm>> -> memref<64x128xf32, #tpu.memory_space<hbm>>
      %dma_start3A_1135 = arith.constant 0 : i32
      %dma_start3A_1136 = tpu.memref_slice %arg3[%dma_start3A_1135, %multiple_of3A_1132] : memref<64x1000000xf32, #tpu.memory_space<hbm>> -> memref<64x128xf32, #tpu.memory_space<hbm>>
      tpu.enqueue_dma source(%dma_start3A_1136 : memref<64x128xf32, #tpu.memory_space<hbm>>) target(%arg13 : memref<64x128xf32, #tpu.memory_space<vmem>>) target_semaphore(%arg24 : memref<!tpu.dma_semaphore, #tpu.memory_space<semaphore_mem>>)
      %slice3A_1137 = vector.extract_strided_slice %get3A_251 {offsets = [5], sizes = [1], strides = [1]} : vector<16xi32> to vector<1xi32>
      %squeeze3A_1138 = vector.extract %slice3A_1137[0] : i32 from vector<1xi32>
      %div3A_1139 = arith.constant 128 : i32
      %div3A_1140 = arith.divsi %squeeze3A_1138, %div3A_1139 : i32
      %mul3A_1141 = arith.constant 128 : i32
      %mul3A_1142 = arith.muli %div3A_1140, %mul3A_1141 : i32
      %min3A_1143 = arith.constant 999936 : i32
      %min3A_1144 = arith.minsi %mul3A_1142, %min3A_1143 : i32
      %max3A_1145 = arith.constant 0 : i32
      %max3A_1146 = arith.maxsi %max3A_1145, %min3A_1144 : i32
      %multiple_of3A_1147 = tpu.assume_multiple %max3A_1146, 128 : i32
      %dma_start3A_1148 = arith.constant 0 : i32
      %dma_start3A_1149 = tpu.memref_slice %arg3[%dma_start3A_1148, %multiple_of3A_1147] : memref<64x1000000xf32, #tpu.memory_space<hbm>> -> memref<64x128xf32, #tpu.memory_space<hbm>>
      %dma_start3A_1150 = arith.constant 0 : i32
      %dma_start3A_1151 = tpu.memref_slice %arg3[%dma_start3A_1150, %multiple_of3A_1147] : memref<64x1000000xf32, #tpu.memory_space<hbm>> -> memref<64x128xf32, #tpu.memory_space<hbm>>
      tpu.enqueue_dma source(%dma_start3A_1151 : memref<64x128xf32, #tpu.memory_space<hbm>>) target(%arg14 : memref<64x128xf32, #tpu.memory_space<vmem>>) target_semaphore(%arg24 : memref<!tpu.dma_semaphore, #tpu.memory_space<semaphore_mem>>)
      %slice3A_1152 = vector.extract_strided_slice %get3A_251 {offsets = [6], sizes = [1], strides = [1]} : vector<16xi32> to vector<1xi32>
      %squeeze3A_1153 = vector.extract %slice3A_1152[0] : i32 from vector<1xi32>
      %div3A_1154 = arith.constant 128 : i32
      %div3A_1155 = arith.divsi %squeeze3A_1153, %div3A_1154 : i32
      %mul3A_1156 = arith.constant 128 : i32
      %mul3A_1157 = arith.muli %div3A_1155, %mul3A_1156 : i32
      %min3A_1158 = arith.constant 999936 : i32
      %min3A_1159 = arith.minsi %mul3A_1157, %min3A_1158 : i32
      %max3A_1160 = arith.constant 0 : i32
      %max3A_1161 = arith.maxsi %max3A_1160, %min3A_1159 : i32
      %multiple_of3A_1162 = tpu.assume_multiple %max3A_1161, 128 : i32
      %dma_start3A_1163 = arith.constant 0 : i32
      %dma_start3A_1164 = tpu.memref_slice %arg3[%dma_start3A_1163, %multiple_of3A_1162] : memref<64x1000000xf32, #tpu.memory_space<hbm>> -> memref<64x128xf32, #tpu.memory_space<hbm>>
      %dma_start3A_1165 = arith.constant 0 : i32
      %dma_start3A_1166 = tpu.memref_slice %arg3[%dma_start3A_1165, %multiple_of3A_1162] : memref<64x1000000xf32, #tpu.memory_space<hbm>> -> memref<64x128xf32, #tpu.memory_space<hbm>>
      tpu.enqueue_dma source(%dma_start3A_1166 : memref<64x128xf32, #tpu.memory_space<hbm>>) target(%arg15 : memref<64x128xf32, #tpu.memory_space<vmem>>) target_semaphore(%arg24 : memref<!tpu.dma_semaphore, #tpu.memory_space<semaphore_mem>>)
      %slice3A_1167 = vector.extract_strided_slice %get3A_251 {offsets = [7], sizes = [1], strides = [1]} : vector<16xi32> to vector<1xi32>
      %squeeze3A_1168 = vector.extract %slice3A_1167[0] : i32 from vector<1xi32>
      %div3A_1169 = arith.constant 128 : i32
      %div3A_1170 = arith.divsi %squeeze3A_1168, %div3A_1169 : i32
      %mul3A_1171 = arith.constant 128 : i32
      %mul3A_1172 = arith.muli %div3A_1170, %mul3A_1171 : i32
      %min3A_1173 = arith.constant 999936 : i32
      %min3A_1174 = arith.minsi %mul3A_1172, %min3A_1173 : i32
      %max3A_1175 = arith.constant 0 : i32
      %max3A_1176 = arith.maxsi %max3A_1175, %min3A_1174 : i32
      %multiple_of3A_1177 = tpu.assume_multiple %max3A_1176, 128 : i32
      %dma_start3A_1178 = arith.constant 0 : i32
      %dma_start3A_1179 = tpu.memref_slice %arg3[%dma_start3A_1178, %multiple_of3A_1177] : memref<64x1000000xf32, #tpu.memory_space<hbm>> -> memref<64x128xf32, #tpu.memory_space<hbm>>
      %dma_start3A_1180 = arith.constant 0 : i32
      %dma_start3A_1181 = tpu.memref_slice %arg3[%dma_start3A_1180, %multiple_of3A_1177] : memref<64x1000000xf32, #tpu.memory_space<hbm>> -> memref<64x128xf32, #tpu.memory_space<hbm>>
      tpu.enqueue_dma source(%dma_start3A_1181 : memref<64x128xf32, #tpu.memory_space<hbm>>) target(%arg16 : memref<64x128xf32, #tpu.memory_space<vmem>>) target_semaphore(%arg24 : memref<!tpu.dma_semaphore, #tpu.memory_space<semaphore_mem>>)
    }
    %scan3A_186 = arith.constant 16 : i32
    %dma_wait3A_187 = arith.constant 0 : i32
    %dma_wait3A_188 = arith.constant 0 : i32
    %dma_wait3A_189 = tpu.memref_slice %arg3[%dma_wait3A_187, %dma_wait3A_188] : memref<64x1000000xf32, #tpu.memory_space<hbm>> -> memref<64x128xf32, #tpu.memory_space<hbm>>
    %dma_wait3A_190 = arith.constant 0 : i32
    %dma_wait3A_191 = arith.constant 0 : i32
    %dma_wait3A_192 = tpu.memref_slice %arg3[%dma_wait3A_190, %dma_wait3A_191] : memref<64x1000000xf32, #tpu.memory_space<hbm>> -> memref<64x128xf32, #tpu.memory_space<hbm>>
    tpu.wait_dma2 semaphore(%arg23 : memref<!tpu.dma_semaphore, #tpu.memory_space<semaphore_mem>>) src(%dma_wait3A_192 : memref<64x128xf32, #tpu.memory_space<hbm>>) dst(%arg9 : memref<64x128xf32, #tpu.memory_space<vmem>>)
    %dma_wait3A_193 = arith.constant 0 : i32
    %dma_wait3A_194 = arith.constant 0 : i32
    %dma_wait3A_195 = tpu.memref_slice %arg3[%dma_wait3A_193, %dma_wait3A_194] : memref<64x1000000xf32, #tpu.memory_space<hbm>> -> memref<64x128xf32, #tpu.memory_space<hbm>>
    %dma_wait3A_196 = arith.constant 0 : i32
    %dma_wait3A_197 = arith.constant 0 : i32
    %dma_wait3A_198 = tpu.memref_slice %arg3[%dma_wait3A_196, %dma_wait3A_197] : memref<64x1000000xf32, #tpu.memory_space<hbm>> -> memref<64x128xf32, #tpu.memory_space<hbm>>
    tpu.wait_dma2 semaphore(%arg23 : memref<!tpu.dma_semaphore, #tpu.memory_space<semaphore_mem>>) src(%dma_wait3A_198 : memref<64x128xf32, #tpu.memory_space<hbm>>) dst(%arg10 : memref<64x128xf32, #tpu.memory_space<vmem>>)
    %dma_wait3A_199 = arith.constant 0 : i32
    %dma_wait3A_200 = arith.constant 0 : i32
    %dma_wait3A_201 = tpu.memref_slice %arg3[%dma_wait3A_199, %dma_wait3A_200] : memref<64x1000000xf32, #tpu.memory_space<hbm>> -> memref<64x128xf32, #tpu.memory_space<hbm>>
    %dma_wait3A_202 = arith.constant 0 : i32
    %dma_wait3A_203 = arith.constant 0 : i32
    %dma_wait3A_204 = tpu.memref_slice %arg3[%dma_wait3A_202, %dma_wait3A_203] : memref<64x1000000xf32, #tpu.memory_space<hbm>> -> memref<64x128xf32, #tpu.memory_space<hbm>>
    tpu.wait_dma2 semaphore(%arg23 : memref<!tpu.dma_semaphore, #tpu.memory_space<semaphore_mem>>) src(%dma_wait3A_204 : memref<64x128xf32, #tpu.memory_space<hbm>>) dst(%arg11 : memref<64x128xf32, #tpu.memory_space<vmem>>)
    %dma_wait3A_205 = arith.constant 0 : i32
    %dma_wait3A_206 = arith.constant 0 : i32
    %dma_wait3A_207 = tpu.memref_slice %arg3[%dma_wait3A_205, %dma_wait3A_206] : memref<64x1000000xf32, #tpu.memory_space<hbm>> -> memref<64x128xf32, #tpu.memory_space<hbm>>
    %dma_wait3A_208 = arith.constant 0 : i32
    %dma_wait3A_209 = arith.constant 0 : i32
    %dma_wait3A_210 = tpu.memref_slice %arg3[%dma_wait3A_208, %dma_wait3A_209] : memref<64x1000000xf32, #tpu.memory_space<hbm>> -> memref<64x128xf32, #tpu.memory_space<hbm>>
    tpu.wait_dma2 semaphore(%arg23 : memref<!tpu.dma_semaphore, #tpu.memory_space<semaphore_mem>>) src(%dma_wait3A_210 : memref<64x128xf32, #tpu.memory_space<hbm>>) dst(%arg12 : memref<64x128xf32, #tpu.memory_space<vmem>>)
    %dma_wait3A_211 = arith.constant 0 : i32
    %dma_wait3A_212 = arith.constant 0 : i32
    %dma_wait3A_213 = tpu.memref_slice %arg3[%dma_wait3A_211, %dma_wait3A_212] : memref<64x1000000xf32, #tpu.memory_space<hbm>> -> memref<64x128xf32, #tpu.memory_space<hbm>>
    %dma_wait3A_214 = arith.constant 0 : i32
    %dma_wait3A_215 = arith.constant 0 : i32
    %dma_wait3A_216 = tpu.memref_slice %arg3[%dma_wait3A_214, %dma_wait3A_215] : memref<64x1000000xf32, #tpu.memory_space<hbm>> -> memref<64x128xf32, #tpu.memory_space<hbm>>
    tpu.wait_dma2 semaphore(%arg24 : memref<!tpu.dma_semaphore, #tpu.memory_space<semaphore_mem>>) src(%dma_wait3A_216 : memref<64x128xf32, #tpu.memory_space<hbm>>) dst(%arg13 : memref<64x128xf32, #tpu.memory_space<vmem>>)
    %dma_wait3A_217 = arith.constant 0 : i32
    %dma_wait3A_218 = arith.constant 0 : i32
    %dma_wait3A_219 = tpu.memref_slice %arg3[%dma_wait3A_217, %dma_wait3A_218] : memref<64x1000000xf32, #tpu.memory_space<hbm>> -> memref<64x128xf32, #tpu.memory_space<hbm>>
    %dma_wait3A_220 = arith.constant 0 : i32
    %dma_wait3A_221 = arith.constant 0 : i32
    %dma_wait3A_222 = tpu.memref_slice %arg3[%dma_wait3A_220, %dma_wait3A_221] : memref<64x1000000xf32, #tpu.memory_space<hbm>> -> memref<64x128xf32, #tpu.memory_space<hbm>>
    tpu.wait_dma2 semaphore(%arg24 : memref<!tpu.dma_semaphore, #tpu.memory_space<semaphore_mem>>) src(%dma_wait3A_222 : memref<64x128xf32, #tpu.memory_space<hbm>>) dst(%arg14 : memref<64x128xf32, #tpu.memory_space<vmem>>)
    %dma_wait3A_223 = arith.constant 0 : i32
    %dma_wait3A_224 = arith.constant 0 : i32
    %dma_wait3A_225 = tpu.memref_slice %arg3[%dma_wait3A_223, %dma_wait3A_224] : memref<64x1000000xf32, #tpu.memory_space<hbm>> -> memref<64x128xf32, #tpu.memory_space<hbm>>
    %dma_wait3A_226 = arith.constant 0 : i32
    %dma_wait3A_227 = arith.constant 0 : i32
    %dma_wait3A_228 = tpu.memref_slice %arg3[%dma_wait3A_226, %dma_wait3A_227] : memref<64x1000000xf32, #tpu.memory_space<hbm>> -> memref<64x128xf32, #tpu.memory_space<hbm>>
    tpu.wait_dma2 semaphore(%arg24 : memref<!tpu.dma_semaphore, #tpu.memory_space<semaphore_mem>>) src(%dma_wait3A_228 : memref<64x128xf32, #tpu.memory_space<hbm>>) dst(%arg15 : memref<64x128xf32, #tpu.memory_space<vmem>>)
    %dma_wait3A_229 = arith.constant 0 : i32
    %dma_wait3A_230 = arith.constant 0 : i32
    %dma_wait3A_231 = tpu.memref_slice %arg3[%dma_wait3A_229, %dma_wait3A_230] : memref<64x1000000xf32, #tpu.memory_space<hbm>> -> memref<64x128xf32, #tpu.memory_space<hbm>>
    %dma_wait3A_232 = arith.constant 0 : i32
    %dma_wait3A_233 = arith.constant 0 : i32
    %dma_wait3A_234 = tpu.memref_slice %arg3[%dma_wait3A_232, %dma_wait3A_233] : memref<64x1000000xf32, #tpu.memory_space<hbm>> -> memref<64x128xf32, #tpu.memory_space<hbm>>
    tpu.wait_dma2 semaphore(%arg24 : memref<!tpu.dma_semaphore, #tpu.memory_space<semaphore_mem>>) src(%dma_wait3A_234 : memref<64x128xf32, #tpu.memory_space<hbm>>) dst(%arg16 : memref<64x128xf32, #tpu.memory_space<vmem>>)
    %dma_wait3A_235 = arith.constant 0 : i32
    %dma_wait3A_236 = tpu.memref_slice %arg7[%div3A_3, %dma_wait3A_235, %multiple_of3A_5] : memref<4x64x2048xf32, #tpu.memory_space<hbm>> -> memref<1x64x128xf32, #tpu.memory_space<hbm>>
    %dma_wait3A_237 = tpu.memref_squeeze %dma_wait3A_236 : memref<1x64x128xf32, #tpu.memory_space<hbm>> -> memref<64x128xf32, #tpu.memory_space<hbm>>
    %dma_wait3A_238 = arith.constant 0 : i32
    %dma_wait3A_239 = tpu.memref_slice %arg7[%div3A_3, %dma_wait3A_238, %multiple_of3A_5] : memref<4x64x2048xf32, #tpu.memory_space<hbm>> -> memref<1x64x128xf32, #tpu.memory_space<hbm>>
    %dma_wait3A_240 = tpu.memref_squeeze %dma_wait3A_239 : memref<1x64x128xf32, #tpu.memory_space<hbm>> -> memref<64x128xf32, #tpu.memory_space<hbm>>
    tpu.wait_dma2 semaphore(%arg25 : memref<!tpu.dma_semaphore, #tpu.memory_space<semaphore_mem>>) src(%arg17 : memref<64x128xf32, #tpu.memory_space<vmem>>) dst(%dma_wait3A_240 : memref<64x128xf32, #tpu.memory_space<hbm>>)
    %add3A_241 = arith.constant 128 : i32
    %add3A_242 = arith.addi %multiple_of3A_5, %add3A_241 : i32
    "tpu.region"() ({
      %run_scoped3A = tpu.sem_alloc : memref<!tpu.dma_semaphore, #tpu.memory_space<semaphore_mem>>
      %dma_start3A_243 = arith.constant 0 : i32
      %dma_start3A_244 = tpu.memref_slice %arg7[%div3A_3, %dma_start3A_243, %add3A_242] : memref<4x64x2048xf32, #tpu.memory_space<hbm>> -> memref<1x64x128xf32, #tpu.memory_space<hbm>>
      %dma_start3A_245 = tpu.memref_squeeze %dma_start3A_244 : memref<1x64x128xf32, #tpu.memory_space<hbm>> -> memref<64x128xf32, #tpu.memory_space<hbm>>
      %dma_start3A_246 = arith.constant 0 : i32
      %dma_start3A_247 = tpu.memref_slice %arg7[%div3A_3, %dma_start3A_246, %add3A_242] : memref<4x64x2048xf32, #tpu.memory_space<hbm>> -> memref<1x64x128xf32, #tpu.memory_space<hbm>>
      %dma_start3A_248 = tpu.memref_squeeze %dma_start3A_247 : memref<1x64x128xf32, #tpu.memory_space<hbm>> -> memref<64x128xf32, #tpu.memory_space<hbm>>
      tpu.enqueue_dma source(%arg18 : memref<64x128xf32, #tpu.memory_space<vmem>>) target(%dma_start3A_248 : memref<64x128xf32, #tpu.memory_space<hbm>>) target_semaphore(%run_scoped3A : memref<!tpu.dma_semaphore, #tpu.memory_space<semaphore_mem>>)
      %dma_wait3A_249 = arith.constant 0 : i32
      %dma_wait3A_250 = tpu.memref_slice %arg7[%div3A_3, %dma_wait3A_249, %add3A_242] : memref<4x64x2048xf32, #tpu.memory_space<hbm>> -> memref<1x64x128xf32, #tpu.memory_space<hbm>>
      %dma_wait3A_251 = tpu.memref_squeeze %dma_wait3A_250 : memref<1x64x128xf32, #tpu.memory_space<hbm>> -> memref<64x128xf32, #tpu.memory_space<hbm>>
      %dma_wait3A_252 = arith.constant 0 : i32
      %dma_wait3A_253 = tpu.memref_slice %arg7[%div3A_3, %dma_wait3A_252, %add3A_242] : memref<4x64x2048xf32, #tpu.memory_space<hbm>> -> memref<1x64x128xf32, #tpu.memory_space<hbm>>
      %dma_wait3A_254 = tpu.memref_squeeze %dma_wait3A_253 : memref<1x64x128xf32, #tpu.memory_space<hbm>> -> memref<64x128xf32, #tpu.memory_space<hbm>>
      tpu.wait_dma2 semaphore(%run_scoped3A : memref<!tpu.dma_semaphore, #tpu.memory_space<semaphore_mem>>) src(%arg18 : memref<64x128xf32, #tpu.memory_space<vmem>>) dst(%dma_wait3A_254 : memref<64x128xf32, #tpu.memory_space<hbm>>)
      tpu.yield
    }) : () -> ()
    return
  }
}

</mosaic_0001>

<sc_bundles>
// kernel: kernel.3.cloned.1.call-start
scs
__scs_entry_jumppad:
0x0: {  	(pc) =	sbr.rel $0x88, $3  }
0x1: {  	(tag) =	ssettag $0x0;
	lr =	simm.s32 $0x1  }
0x2: {  	[smem:$0x3F9C] =	sst lr;
	_ =	strace $0xD0000000  }
0x3: {  	_ = 	snop  }
0x4: {  	_ = 	snop  }
0x5: {  	_ = 	snop  }
0x6: {  	_ = 	snop  }
0x7: {  	_ = 	snop  }
__scs_overlays_trampoline_lowered:
0x8: {  	[smem:$0x3FAB] =	sst s0  }
0x9: {  	[smem:$0x3FAC] =	sst s1  }
0xa: {  	[smem:$0x3FAD] =	sst s2  }
0xb: {  	[smem:$0x3FAE] =	sst s3  }
0xc: {  	[smem:$0x3FAF] =	sst s4  }
0xd: {  	[smem:$0x3FB0] =	sst s5  }
0xe: {  	[smem:$0x3FB1] =	sst s6  }
0xf: {  	[smem:$0x3FB2] =	sst s7  }
0x10: {  	[smem:$0x3FB3] =	sst s8  }
0x11: {  	[smem:$0x3FB4] =	sst s9;
	s0 =	simm.s32 @!p0 $0x0  }
0x12: {  	s1 =	sld [smem:$0x3F9A];
	s0 =	simm.s32 @p0 $0x1  }
0x13: {  	[smem:$0x3FB5] =	sst s0;
	s0 =	simm.s32 @!p1 $0x0  }
0x14: {  	s2 =	sld [smem:$0x3F99];
	s0 =	simm.s32 @p1 $0x1  }
0x15: {  	[smem:$0x3FB6] =	sst s0;
	s0 =	simm.s32 @!p2 $0x0  }
0x16: {  	s3 =	sld [smem:$0x3FDB];
	s0 =	simm.s32 @p2 $0x1  }
0x17: {  	s4 =	simm.s32 $0x1BF5;
	[smem:$0x3FB8] =	sst s0  }
0x18: {  	s0 =	sld [smem:$0x3F9B];
	_ =	swait.ge [sflag:s4], $0x0  }
0x19: {  	s7 =	sld [smem:$0x3F9C]  }
0x1a: {  	s8 =	sadd.s32 $0xFFFFE003, lr  }
0x1b: {  	s9 =	sadd.s32 $0xFFFFFEF7, lr;
	s5 =	simm.s32 $0xFFFFFFFF;
	p2 =	slt.u32 s8, $0xFFFFF086  }
0x1c: {  	p1 =	slt.u32 s9, $0xF7A;
	s5 =	simm.s32 @!p2 $0x0  }
0x1d: {  	s5 =	simm.s32 @p1 $0x1;
	p0 =	seq.s32 s7, s2  }
0x1e: {  	s7 =	smul.u32 @!p0 $0xF7A, s2;
	p2 =	seq.s32 @!p0 s5, $0x0  }
0x1f: {  	s9 =	smul.u32 $0xF7A, s1;
	s8 =	simm.s32 @!p0 $0x1BF5;
	p2 =	por !p2, p0  }
0x20: {  	[sflag:s8] =	ssyncset.s32 @!p0 $0xFFFFF086;
	s6 =	sadd.s32 @!p0 s3, s7;
	s7 =	simm.s32 @!p0 $0x108  }
0x21: {  	s3 =	sadd.s32 s3, s9;
	s6 =	sadd.s32 @!p0 $0x88, s6;
	s7 =	simm.s32 @p2 $0x1082  }
0x22: {  	[simem:s7], [sflag:s8] =	dma.local @!p0 [hbm:s6], $0xF7A  }
0x23: {  	s9 =	sor.u32 $0xD0000000, s2;
	s6 =	simm.s32 $0x108;
	_ =	swait.ge @!p0 [sflag:s8], $0x0  }
0x24: {  	s3 =	sadd.s32 $0x88, s3;
	s6 =	simm.s32 @!p1 $0x1082;
	[sflag:s4] =	ssyncset.s32 $0xFFFFF086  }
0x25: {  	[simem:s6], [sflag:s4] =	dma.local [hbm:s3], $0xF7A  }
0x26: {  	[smem:$0x3F9C] =	sst s1;
	(tag) =	ssettag s2;
	_ =	strace s9  }
0x27: {  	s1 =	sld [smem:$0x3FAC]  }
0x28: {  	s2 =	sld [smem:$0x3FAD]  }
0x29: {  	s4 =	sld [smem:$0x3FAF]  }
0x2a: {  	p0 =	seq.s32 s5, $0x0;
	s5 =	sld [smem:$0x3FB0]  }
0x2b: {  	s6 =	sld [smem:$0x3FB1]  }
0x2c: {  	s7 =	sld [smem:$0x3FB2]  }
0x2d: {  	s3 =	simm.s32 $0x108;
	s8 =	sld [smem:$0x3FB3]  }
0x2e: {  	s3 =	simm.s32 @!p0 $0x1082;
	s9 =	sld [smem:$0x3FB4]  }
0x2f: {  	lr =	sadd.s32 s0, s3;
	s0 =	sld [smem:$0x3FAB]  }
0x30: {  	s3 =	sld [smem:$0x3FAE]  }
0x31: {  	[smem:$0x3FB7] =	sst s10  }
0x32: {  	s10 =	sld [smem:$0x3FB5];
	_ =	sdelay $0x3  }
0x33: {  	p0 =	seq.s32 s10, $0x1;
	s10 =	sld [smem:$0x3FB7];
	_ =	sdelay $0x3  }
0x34: {  	[smem:$0x3FB7] =	sst s10  }
0x35: {  	s10 =	sld [smem:$0x3FB6];
	_ =	sdelay $0x3  }
0x36: {  	p1 =	seq.s32 s10, $0x1;
	s10 =	sld [smem:$0x3FB7];
	_ =	sdelay $0x3  }
0x37: {  	[smem:$0x3FB7] =	sst s10  }
0x38: {  	s10 =	sld [smem:$0x3FB8]  }
0x39: {  	_ = 	snop;
	(pc) =	sbr.ind lr, $3  }
0x3a: {  	_ = 	snop  }
0x3b: {  	_ = 	snop  }
0x3c: {  	p2 =	seq.s32 s10, $0x1;
	s10 =	sld [smem:$0x3FB7]  }
0x3d: {  	_ =	shalt  }
0x3e: {  	_ =	shalt  }
0x3f: {  	_ =	shalt  }
0x40: {  	_ =	shalt  }
0x41: {  	_ =	shalt  }
0x42: {  	_ =	shalt  }
0x43: {  	_ =	shalt  }
0x44: {  	_ =	shalt  }
0x45: {  	_ =	shalt  }
0x46: {  	_ =	shalt  }
0x47: {  	_ =	shalt  }
0x48: {  	_ =	shalt  }
0x49: {  	_ =	shalt  }
0x4a: {  	_ =	shalt  }
0x4b: {  	_ =	shalt  }
0x4c: {  	_ =	shalt  }
0x4d: {  	_ =	shalt  }
0x4e: {  	_ =	shalt  }
0x4f: {  	_ =	shalt  }
0x50: {  	_ =	shalt  }
0x51: {  	_ =	shalt  }
0x52: {  	_ =	shalt  }
0x53: {  	_ =	shalt  }
0x54: {  	_ =	shalt  }
0x55: {  	_ =	shalt  }
0x56: {  	_ =	shalt  }
0x57: {  	_ =	shalt  }
0x58: {  	_ =	shalt  }
0x59: {  	_ =	shalt  }
0x5a: {  	_ =	shalt  }
0x5b: {  	_ =	shalt  }
0x5c: {  	_ =	shalt  }
0x5d: {  	_ =	shalt  }
0x5e: {  	_ =	shalt  }
0x5f: {  	_ =	shalt  }
0x60: {  	_ =	shalt  }
0x61: {  	_ =	shalt  }
0x62: {  	_ =	shalt  }
0x63: {  	_ =	shalt  }
0x64: {  	_ =	shalt  }
0x65: {  	_ =	shalt  }
0x66: {  	_ =	shalt  }
0x67: {  	_ =	shalt  }
0x68: {  	_ =	shalt  }
0x69: {  	_ =	shalt  }
0x6a: {  	_ =	shalt  }
0x6b: {  	_ =	shalt  }
0x6c: {  	_ =	shalt  }
0x6d: {  	_ =	shalt  }
0x6e: {  	_ =	shalt  }
0x6f: {  	_ =	shalt  }
0x70: {  	_ =	shalt  }
0x71: {  	_ =	shalt  }
0x72: {  	_ =	shalt  }
0x73: {  	_ =	shalt  }
0x74: {  	_ =	shalt  }
0x75: {  	_ =	shalt  }
0x76: {  	_ =	shalt  }
0x77: {  	_ =	shalt  }
0x78: {  	_ =	shalt  }
0x79: {  	_ =	shalt  }
0x7a: {  	_ =	shalt  }
0x7b: {  	_ =	shalt  }
0x7c: {  	_ =	shalt  }
0x7d: {  	_ =	shalt  }
0x7e: {  	_ =	shalt  }
0x7f: {  	_ =	shalt  }
0x80: {  	_ =	shalt  }
0x81: {  	_ =	shalt  }
0x82: {  	_ =	shalt  }
0x83: {  	_ =	shalt  }
0x84: {  	_ =	shalt  }
0x85: {  	_ =	shalt  }
0x86: {  	_ =	shalt  }
0x87: {  	_ =	shalt  }
.Lfunc_end0:
.L_simem_size_0:
called_computation_lowered:
.L_overlay_start_0:
0x88: {  	s2 =	sld [smem:$0x3FD9]  }
0x89: {  	s3 =	sld [smem:$0x3FFE];
	_ =	sdelay $0x1  }
0x8a: {  	s1 =	srdreg.scid  }
0x8b: {  	s0 =	sand.u32 $0x1, s1  }
0x8c: {  	s17 =	sshll.u32 s0, $0xA;
	s2 =	sadd.s32 s3, s2  }
0x8d: {  	s2 =	sadd.s32 s2, s17  }
0x8e: {  	[smem:$0x3FC3] =	sst s2  }
0x8f: {  	_ = 	snop  }
0x90: {  	s2 =	sld [smem:$0x3FC8]  }
0x91: {  	s18 =	sld [smem:$0x3FC7]  }
0x92: {  	s4 =	sld [smem:$0x3FC6]  }
0x93: {  	s5 =	sld [smem:$0x3FC5]  }
0x94: {  	s6 =	sld [smem:$0x3FD0];
	(tm) =	ssettm $0x1  }
0x95: {  	s7 =	sld [smem:$0x3FFB];
	_ =	sdelay $0x3  }
0x96: {  	_ =	strace s7  }
0x97: {  	s7 =	sld [smem:$0x3FFC];
	_ =	sdelay $0x3  }
0x98: {  	_ =	strace s7  }
0x99: {  	s7 =	sld [smem:$0x3FFD];
	_ =	sdelay $0x3  }
0x9a: {  	_ =	strace s7  }
0x9b: {  	_ =	strace $0x8FFFFFFF  }
0x9c: {  	s19 =	sld [smem:$0x3FDB];
	_ =	sdelay $0x1  }
0x9d: {  	s8 =	simm.s32 $_scs_section_size  }
0x9e: {  	s9 =	simm.s32 $_size__tile_overlayer_lowered;
	s10 =	simm.s32 $_tile_overlayer_lowered  }
0x9f: {  	s22 =	simm.s32 $0x1BFF;
	s21 =	sshll.u32 s10, $0x1;
	s7 =	sadd.s32 s8, s19  }
0xa0: {  	s11 =	simm.s32 $0x0;
	s20 =	sshll.u32 s9, $0x1;
	s9 =	sadd.s32 s21, s7  }
0xa1: {  	[timem:s11], [sflag:s22] =	dma.local [hbm:s9], s20  }
0xa2: {  	_ =	swait.ge [sflag:s22], s20  }
0xa3: {  	s8 =	ssub.s32 $0x0, s20;
	[sflag:s22] =	ssyncset.done $0x0  }
0xa4: {  	[sflag:s22] =	ssyncadd.s32 s8;
	_ =	sdelay $0x1  }
0xa5: {  	s23 =	simm.s32 $0x1B8B  }
0xa6: {  	_ =	swait.ge [sflag:s23], $0x1  }
0xa7: {  	[sflag:s23] =	ssyncset.done $0x0  }
0xa8: {  	s25 =	simm.s32 $0x1B8E;
	s24 =	sld [smem:$0x3FFE];
	[sflag:s23] =	ssyncadd.s32 $0xFFFFFFFF  }
0xa9: {  	s26 =	simm.s32 $execute0_lowered;
	[smem:$0x3FD2] =	sst s25  }
0xaa: {  	s9 =	sshll.u32 s26, $0x1;
	_ =	strace $0x80000046;
	[dreg:$0x1] =	wrdreg $0xFFFFFFFF  }
0xab: {  	s28 =	simm.s32 $_size_execute0_lowered;
	s7 =	sadd.s32 s7, s9;
	[dreg:$0x0] =	wrdreg $0x0  }
0xac: {  	s9 =	sshll.u32 s28, $0x1;
	[dreg:$0x2] =	wrdreg s7  }
0xad: {  	[dreg:$0x3] =	wrdreg s9  }
0xae: {  	[dreg:$0x4] =	wrdreg $0xC0  }
0xaf: {  	_ =	task [dreg:s11], $0x5FFFF  }
0xb0: {  	[dreg:$0x1] =	wrdreg $0xFFFFFFFF  }
0xb1: {  	[dreg:$0x0] =	wrdreg $0x60  }
0xb2: {  	[dreg:$0x2] =	wrdreg s24  }
0xb3: {  	[dreg:$0x3] =	wrdreg s2  }
0xb4: {  	[dreg:$0x4] =	wrdreg s18  }
0xb5: {  	[dreg:$0x5] =	wrdreg s4  }
0xb6: {  	[dreg:$0x6] =	wrdreg s5  }
0xb7: {  	[dreg:$0x7] =	wrdreg s6  }
0xb8: {  	[dreg:$0x8] =	wrdreg $0x9  }
0xb9: {  	_ =	task.clear_ibuf [dreg:s11], $0x9FFFF;
	_ =	strace $0x90000046  }
0xba: {  	s29 =	simm.s32 $0x9;
	_ =	strace $0x80000048  }
0xbb: {  	_ =	swait.ge [sflag:s29], $0x1  }
0xbc: {  	[sflag:s29] =	ssyncadd.s32 $0xFFFFFFFF  }
0xbd: {  	_ =	strace $0x90000048  }
0xbe: {  	_ =	sfence  }
0xbf: {  	s30 =	sld [smem:$0x0];
	_ =	sdelay $0x2  }
0xc0: {  	s31 =	sshll.u32 s1, $0xD;
	s1 =	sshrl.u32 s1, $0x2  }
0xc1: {  	s3 =	sand.u32 $0x4000, s31;
	s1 =	sadd.s32 s1, s30  }
0xc2: {  	s0 =	sor.u32 s3, s0;
	s1 =	sshll.u32 s1, $0x11  }
0xc3: {  	s0 =	sor.u32 s1, s0  }
0xc4: {  	s0 =	sadd.s32 $0x8F2B, s0  }
0xc5: {  	[sflag:s0] =	ssyncadd.remote.s32 $0x1  }
0xc6: {  	_ =	sfence.sel $0xFFFF  }
0xc7: {  	[dreg:$0x0] =	wrdreg $0xFFFFFFFF;
	(pc) =	sbr.abs _section_cstart, $3  }
0xc8: {  	[dreg:$0x1] =	wrdreg $0xFFFFFFFF  }
0xc9: {  	_ =	task.clear_ibuf [dreg:s11], $0x2FFFF;
	_ =	strace $0x9FFFFFFF  }
0xca: {  	(tm) =	ssettm $0x7FFFFFFF  }
0xcb: {  	_ =	shalt  }
tec
execute0_lowered:
.L_overlay_start_1:
0x0: {  	(tag) =	ssettag $0x1  }
0x1: {  	s0 =	rddreg [dreg:$0x0]  }
0x2: {  	s1 =	rddreg [dreg:$0x1]  }
0x3: {  	s2 =	rddreg [dreg:$0x2]  }
0x4: {  	s3 =	rddreg [dreg:$0x5];
	s4 =	srdreg.scid  }
0x5: {  	s5 =	simm.s32 $0x0;
	s10 =	stileid.u32;
	s12 =	simm.s32 $0x4  }
0x6: {  	s13 =	simm.s32 $0x400;
	s14 =	simm.s32 $0x4000;
	s15 =	simm.s32 $0x14180  }
0x7: {  	s16 =	simm.s32 $0x16180;
	s19 =	simm.s32 $0x3;
	s20 =	simm.s32 $0x7A1400  }
0x8: {  	s21 =	simm.s32 $0x180;
	s22 =	simm.s32 $0x2180;
	s28 =	simm.s32 $0xC180  }
0x9: {  	s29 =	simm.s32 $0xE180;
	s30 =	simm.s32 $0x1;
	s31 =	simm.s32 $0x10180  }
0xa: {  	s4 =	sand.u32 $0x1, s4;
	[smem:$0x7FF] =	sst s5;
	s6 =	sshll.u32 s10, $0x9  }
0xb: {  	s25 =	sshll.u32 s10, $0xF;
	s7 =	sshll.u32 s4, $0x8;
	s4 =	ssub.s32 $0x2, s4  }
0xc: {  	_ =	strace $0x80000047;
	s6 =	sor.u32 s7, s6;
	s8 =	sshrl.u32 s4, $0x1  }
0xd: {  	s7 =	sshrl.u32 s6, $0x3;
	s9 =	sand.u32 $0x700, s6;
	s4 =	ssub.s32 s4, s8  }
0xe: {  	s8 =	sand.u32 $0x60000, s25;
	s25 =	simm.s32 $0x8180;
	s0 =	sadd.s32 s7, s0  }
0xf: {  	s23 =	sshll.u32 s9, $0x3;
	s6 =	sadd.s32 s2, s9;
	s11 =	sshrl.u32 s8, $0x3  }
0x10: {  	s9 =	sadd.s32 s3, s9;
	s0 =	sadd.s32 $0x400, s0;
	s24 =	sor.u32 $0x400, s23  }
0x11: {  	[dreg:$0x8] =	wrdreg s6;
	s9 =	sadd.s32 s11, s9;
	s11 =	smax.u32 s4, $0x1  }
0x12: {  	v0 =	vlaneseq.u32;
	s23 =	simm.s32 $0x4180;
	s4 =	simm.s32 $0x12180;
	[dreg:$0x7] =	wrdreg s0  }
0x13: {  	v0 =	vmul.u32 $0x80, v0;
	s26 =	sshrl.u32 s24, $0x3;
	s0 =	sor.u32 s8, s24;
	s24 =	simm.s32 $0x6180  }
0x14: {  	s8 =	sadd.s32 s2, s26;
	s0 =	sshrl.u32 s0, $0x3;
	s26 =	simm.s32 $0xA180  }
0x15: {  	v1 =	vor.u32 $0x800, v0;
	v2 =	vor.u32 $0x1000, v0;
	v3 =	vor.u32 $0x1800, v0;
	s2 =	simm.s32 $0x0;
	s10 =	sadd.s32 s3, s0;
	s0 =	simm.s32 $0x2  }
.LBB2_1:
0x16: {  	s3 =	rddreg [dreg:$0x7]  }
0x17: {  	[tilespmem:s5], [sflag:$0x4] =	stream.linear.gather [hbm4b:s3+s5], $0x100, $0x38;
	[tilespmem:$0x18280] =	vst v63  }
0x18: {  	_ =	swait.ge [sflag:s12], $0x100  }
0x19: {  	[sflag:s12] =	ssyncset.done $0x0  }
0x1a: {  	s6 =	rddreg [dreg:$0x8];
	[sflag:s12] =	ssyncadd.s32 $0xFFFFFF00  }
0x1b: {  	[tilespmem:s15], [sflag:$0x3] =	stream.strided.gather [hbm4b:s6+s13], $0x2000, s14, s13, $0x38;
	[tilespmem:$0x18280] =	vst v63  }
0x1c: {  	_ = 	snop  }
0x1d: {  	[tilespmem:s16], [sflag:$0x3] =	stream.strided.gather [hbm4b:s8+s13], $0x2000, s14, s13, $0x38;
	[tilespmem:$0x18280] =	vst v63  }
0x1e: {  	s7 =	rddreg [dreg:$0x3];
	s6 =	simm.s32 $0x18180  }
0x1f: {  	[tilespmem:s6], [sflag:$0x4] =	stream.linear.gather [hbm4b:s7+s5], $0x80, $0x38;
	[tilespmem:$0x18280] =	vst v63  }
0x20: {  	_ =	swait.ge [sflag:s12], $0x80  }
0x21: {  	[sflag:s12] =	ssyncset.done $0x0  }
0x22: {  	[sflag:s12] =	ssyncadd.s32 $0xFFFFFF80  }
0x23: {  	s18 =	simm.s32 $0x18200;
	s17 =	rddreg [dreg:$0x4]  }
0x24: {  	[tilespmem:s18], [sflag:$0x4] =	stream.linear.gather [hbm4b:s17+s5], $0x80, $0x38;
	[tilespmem:$0x18280] =	vst v63  }
0x25: {  	_ =	swait.ge [sflag:s12], $0x80  }
0x26: {  	[sflag:s12] =	ssyncset.done $0x0  }
0x27: {  	[sflag:s12] =	ssyncadd.s32 $0xFFFFFF80  }
0x28: {  	_ =	swait.ge [sflag:s19], $0x2000  }
0x29: {  	[sflag:s19] =	ssyncset.done $0x0  }
0x2a: {  	[sflag:s19] =	ssyncadd.s32 $0xFFFFE000  }
0x2b: {  	_ =	swait.ge [sflag:s19], $0x2000  }
0x2c: {  	[sflag:s19] =	ssyncset.done $0x0  }
0x2d: {  	[sflag:s19] =	ssyncadd.s32 $0xFFFFE000  }
0x2e: {  	v12 =	vld [tilespmem:$0x0];
	_ =	sdelay $0x4  }
0x2f: {  	(v2sf) =	vpush v12, $0x0;
	_ =	sdelay $0x5  }
0x30: {  	(v2sf) =	vpush v12, $0x1;
	_ =	sdelay $0x8  }
0x31: {  	s6 =	spop (v2sf)  }
0x32: {  	s17 =	sshra.s32 s6, $0x1F  }
0x33: {  	v4 =	vld [tilespmem:$0x18180];
	(v2sf) =	vpush v12, $0x2;
	s17 =	sshrl.u32 s17, $0x19  }
0x34: {  	v5 =	vld [tilespmem:$0x18190];
	s3 =	sadd.s32 s17, s6  }
0x35: {  	v6 =	vld [tilespmem:$0x181A0];
	s3 =	sand.u32 $0xFFFFFF80, s3  }
0x36: {  	v7 =	vld [tilespmem:$0x181B0];
	p0 =	sgt.s32 s3, $0x0  }
0x37: {  	v8 =	vld [tilespmem:$0x18200];
	s7 =	spop (v2sf);
	s3 =	simm.s32 @!p0 $0x0  }
0x38: {  	v9 =	vld [tilespmem:$0x18210];
	s18 =	sshra.s32 s7, $0x1F;
	s3 =	smin.u32 s3, $0xF4200  }
0x39: {  	v10 =	vld [tilespmem:$0x18220];
	(v2sf) =	vpush v12, $0x3;
	s17 =	sshrl.u32 s18, $0x19;
	s3 =	sadd.s32 s1, s3  }
0x3a: {  	v11 =	vld [tilespmem:$0x18230];
	[tilespmem:s21], [sflag:$0x1] =	stream.strided.gather [hbm4b:s3+s13], $0x2000, s20, s13, $0x38  }
0x3b: {  	s3 =	sadd.s32 s17, s7  }
0x3c: {  	s3 =	sand.u32 $0xFFFFFF80, s3  }
0x3d: {  	p0 =	sgt.s32 s3, $0x0  }
0x3e: {  	s3 =	simm.s32 @!p0 $0x0  }
0x3f: {  	s3 =	smin.u32 s3, $0xF4200  }
0x40: {  	s3 =	sadd.s32 s1, s3  }
0x41: {  	[tilespmem:s22], [sflag:$0x1] =	stream.strided.gather [hbm4b:s3+s13], $0x2000, s20, s13, $0x38;
	[tilespmem:$0x18280] =	vst v63  }
0x42: {  	s6 =	spop (v2sf)  }
0x43: {  	s7 =	sshra.s32 s6, $0x1F  }
0x44: {  	(v2sf) =	vpush v12, $0x4;
	s17 =	sshrl.u32 s7, $0x19  }
0x45: {  	s3 =	sadd.s32 s17, s6  }
0x46: {  	s3 =	sand.u32 $0xFFFFFF80, s3  }
0x47: {  	p0 =	sgt.s32 s3, $0x0  }
0x48: {  	s18 =	spop (v2sf);
	s3 =	simm.s32 @!p0 $0x0  }
0x49: {  	s6 =	sshra.s32 s18, $0x1F;
	s3 =	smin.u32 s3, $0xF4200  }
0x4a: {  	(v2sf) =	vpush v12, $0x5;
	s17 =	sshrl.u32 s6, $0x19;
	s3 =	sadd.s32 s1, s3  }
0x4b: {  	[tilespmem:s23], [sflag:$0x1] =	stream.strided.gather [hbm4b:s3+s13], $0x2000, s20, s13, $0x38;
	[tilespmem:$0x18280] =	vst v63  }
0x4c: {  	s3 =	sadd.s32 s17, s18  }
0x4d: {  	s3 =	sand.u32 $0xFFFFFF80, s3  }
0x4e: {  	p0 =	sgt.s32 s3, $0x0  }
0x4f: {  	s3 =	simm.s32 @!p0 $0x0  }
0x50: {  	s3 =	smin.u32 s3, $0xF4200  }
0x51: {  	s3 =	sadd.s32 s1, s3  }
0x52: {  	[tilespmem:s24], [sflag:$0x1] =	stream.strided.gather [hbm4b:s3+s13], $0x2000, s20, s13, $0x38;
	[tilespmem:$0x18280] =	vst v63  }
0x53: {  	s7 =	spop (v2sf);
	(v2sf) =	vpush v12, $0x6  }
0x54: {  	s18 =	sshra.s32 s7, $0x1F  }
0x55: {  	s17 =	sshrl.u32 s18, $0x19  }
0x56: {  	s3 =	sadd.s32 s17, s7  }
0x57: {  	s3 =	sand.u32 $0xFFFFFF80, s3  }
0x58: {  	p0 =	sgt.s32 s3, $0x0  }
0x59: {  	s6 =	spop (v2sf);
	s3 =	simm.s32 @!p0 $0x0  }
0x5a: {  	(v2sf) =	vpush v12, $0x7;
	s7 =	sshra.s32 s6, $0x1F;
	s3 =	smin.u32 s3, $0xF4200  }
0x5b: {  	s17 =	sshrl.u32 s7, $0x19;
	s3 =	sadd.s32 s1, s3  }
0x5c: {  	[tilespmem:s25], [sflag:$0x2] =	stream.strided.gather [hbm4b:s3+s13], $0x2000, s20, s13, $0x38;
	[tilespmem:$0x18280] =	vst v63  }
0x5d: {  	s3 =	sadd.s32 s17, s6  }
0x5e: {  	s3 =	sand.u32 $0xFFFFFF80, s3  }
0x5f: {  	p0 =	sgt.s32 s3, $0x0  }
0x60: {  	s3 =	simm.s32 @!p0 $0x0  }
0x61: {  	s3 =	smin.u32 s3, $0xF4200  }
0x62: {  	s3 =	sadd.s32 s1, s3;
	s18 =	spop (v2sf)  }
0x63: {  	[tilespmem:s26], [sflag:$0x2] =	stream.strided.gather [hbm4b:s3+s13], $0x2000, s20, s13, $0x38;
	[tilespmem:$0x18280] =	vst v63  }
0x64: {  	s6 =	sshra.s32 s18, $0x1F  }
0x65: {  	s3 =	sshrl.u32 s6, $0x19  }
0x66: {  	s3 =	sadd.s32 s3, s18  }
0x67: {  	s3 =	sand.u32 $0xFFFFFF80, s3  }
0x68: {  	p0 =	sgt.s32 s3, $0x0  }
0x69: {  	s7 =	spop (v2sf);
	s3 =	simm.s32 @!p0 $0x0  }
0x6a: {  	s18 =	sshra.s32 s7, $0x1F;
	s3 =	smin.u32 s3, $0xF4200  }
0x6b: {  	s17 =	sshrl.u32 s18, $0x19;
	s3 =	sadd.s32 s1, s3  }
0x6c: {  	[tilespmem:s28], [sflag:$0x2] =	stream.strided.gather [hbm4b:s3+s13], $0x2000, s20, s13, $0x38;
	[tilespmem:$0x18280] =	vst v63  }
0x6d: {  	s3 =	sadd.s32 s17, s7  }
0x6e: {  	s3 =	sand.u32 $0xFFFFFF80, s3  }
0x6f: {  	p0 =	sgt.s32 s3, $0x0  }
0x70: {  	s3 =	simm.s32 @!p0 $0x0  }
0x71: {  	s3 =	smin.u32 s3, $0xF4200  }
0x72: {  	s3 =	sadd.s32 s1, s3  }
0x73: {  	[tilespmem:s29], [sflag:$0x2] =	stream.strided.gather [hbm4b:s3+s13], $0x2000, s20, s13, $0x38;
	[tilespmem:$0x18280] =	vst v63  }
0x74: {  	s17 =	simm.s32 $0x0;
	s3 =	simm.s32 $0x8  }
.LBB2_2:
0x75: {  	v13 =	vld [tilespmem:s3+$0xFFFFFFF8]  }
0x76: {  	v12 =	vld [tilespmem:s3+$0x0];
	_ =	swait.ge [sflag:s30], $0x2000  }
0x77: {  	[sflag:s30] =	ssyncset.done $0x0  }
0x78: {  	[sflag:s30] =	ssyncadd.s32 $0xFFFFE000  }
0x79: {  	_ =	swait.ge [sflag:s30], $0x2000  }
0x7a: {  	[sflag:s30] =	ssyncset.done $0x0  }
0x7b: {  	[sflag:s30] =	ssyncadd.s32 $0xFFFFE000  }
0x7c: {  	_ =	swait.ge [sflag:s30], $0x2000  }
0x7d: {  	[sflag:s30] =	ssyncset.done $0x0  }
0x7e: {  	[sflag:s30] =	ssyncadd.s32 $0xFFFFE000  }
0x7f: {  	_ =	swait.ge [sflag:s30], $0x2000  }
0x80: {  	(v2sf) =	vpush v13, $0x0;
	_ =	sdelay $0xe  }
0x81: {  	v14 =	vmov s17;
	s18 =	spop (v2sf)  }
0x82: {  	v14 =	vand.u32 $0x78, v14;
	s6 =	sshra.s32 s18, $0x1F  }
0x83: {  	v14 =	vbroadcast v14, $0x0;
	s6 =	sshrl.u32 s6, $0x19  }
0x84: {  	s6 =	sadd.s32 s6, s18  }
0x85: {  	v16 =	vor.u32 v0, v14;
	s6 =	sand.u32 $0xFFFFFF80, s6  }
0x86: {  	v18 =	vor.u32 v1, v14;
	s6 =	ssub.s32 s18, s6  }
0x87: {  	v15 =	vadd.s32 s6, v0  }
0x88: {  	[sflag:s30] =	ssyncset.done $0x0;
	v17 =	vadd.s32 s6, v1  }
0x89: {  	v20 =	vor.u32 v2, v14;
	[sflag:s30] =	ssyncadd.s32 $0xFFFFE000  }
0x8a: {  	v21 =	vld.idx.msk [tilespmem:v16+s15+$0x0], $0xffff;
	v19 =	vadd.s32 s6, v2  }
0x8b: {  	v14 =	vor.u32 v3, v14;
	v23 =	vld.idx.msk [tilespmem:v18+s15+$0x0], $0xffff  }
0x8c: {  	v22 =	vadd.s32 s6, v3;
	v15 =	vld.idx.msk [tilespmem:v15+s21+$0x0], $0xffff  }
0x8d: {  	v17 =	vld.idx.msk [tilespmem:v17+s21+$0x0], $0xffff  }
0x8e: {  	v24 =	vld.idx.msk [tilespmem:v20+s15+$0x0], $0xffff  }
0x8f: {  	v19 =	vld.idx.msk [tilespmem:v19+s21+$0x0], $0xffff  }
0x90: {  	v25 =	vld.idx.msk [tilespmem:v14+s15+$0x0], $0xffff  }
0x91: {  	v22 =	vld.idx.msk [tilespmem:v22+s21+$0x0], $0xffff  }
0x92: {  	v15 =	vadd.f32 v21, v15;
	v17 =	vadd.f32 v23, v17;
	_ =	sdelay $0x1  }
0x93: {  	v19 =	vadd.f32 v24, v19;
	v21 =	vmul.f32 v15, v15;
	v23 =	vmul.f32 v17, v17  }
0x94: {  	v45 =	vadd.f32 v17, v15  }
0x95: {  	v22 =	vadd.f32 v25, v22;
	v46 =	vmul.f32 v19, v19;
	v21 =	vadd.f32 v23, v21  }
0x96: {  	v24 =	vadd.f32 v19, v45  }
0x97: {  	v47 =	vmul.f32 v22, v22;
	v21 =	vadd.f32 v46, v21  }
0x98: {  	v24 =	vadd.f32 v22, v24  }
0x99: {  	v21 =	vadd.f32 v47, v21  }
0x9a: {  	(xrf2) =	vadd.scan.msk.f32 $0xffff, v24  }
0x9b: {  	(xrf2) =	vadd.scan.msk.f32 $0xffff, v21;
	_ =	sdelay $0x8  }
0x9c: {  	v48, _, _ =	vpop (xrf2)  }
0x9d: {  	(v2sf) =	vpush v48, $0xF;
	v49, _, _ =	vpop (xrf2)  }
0x9e: {  	(v2sf) =	vpush v49, $0xF;
	_ =	sdelay $0xd  }
0x9f: {  	s18 =	spop (v2sf)  }
0xa0: {  	s6 =	smul.f32 $1.562500000e-02, s18;
	s7 =	spop (v2sf)  }
0xa1: {  	s18 =	smul.f32 $1.562500000e-02, s7  }
0xa2: {  	s7 =	smul.f32 s6, s6;
	_ =	sdelay $0x1  }
0xa3: {  	s7 =	ssub.f32 s18, s7;
	_ =	sdelay $0x1  }
0xa4: {  	s7 =	sadd.f32 $9.999999740e-06, s7;
	_ =	sdelay $0x1  }
0xa5: {  	v50 =	vmov s7  }
0xa6: {  	v51 =	vshrl.u32 v50, $0x1;
	v21 =	vmul.f32 $5.000000000e-01, v50  }
0xa7: {  	v23 =	vsub.s32 $0x5F3759DF, v51  }
0xa8: {  	v52 =	vmul.f32 v23, v21;
	_ =	sdelay $0x1  }
0xa9: {  	v24 =	vmul.f32 v23, v52;
	_ =	sdelay $0x1  }
0xaa: {  	v24 =	vsub.f32 $1.500000000e+00, v24;
	_ =	sdelay $0x1  }
0xab: {  	v23 =	vmul.f32 v23, v24;
	_ =	sdelay $0x1  }
0xac: {  	(v2sf) =	vpush v13, $0x1;
	v24 =	vmul.f32 v23, v21;
	_ =	sdelay $0x1  }
0xad: {  	v24 =	vmul.f32 v24, v23;
	_ =	sdelay $0x1  }
0xae: {  	v24 =	vsub.f32 $1.500000000e+00, v24;
	_ =	sdelay $0x1  }
0xaf: {  	v23 =	vmul.f32 v24, v23;
	_ =	sdelay $0x1  }
0xb0: {  	v21 =	vmul.f32 v23, v21;
	_ =	sdelay $0x1  }
0xb1: {  	v21 =	vmul.f32 v21, v23;
	_ =	sdelay $0x1  }
0xb2: {  	v21 =	vsub.f32 $1.500000000e+00, v21  }
0xb3: {  	v53 =	vmov s6  }
0xb4: {  	v15 =	vsub.f32 v15, v53;
	v21 =	vmul.f32 v21, v23  }
0xb5: {  	v17 =	vsub.f32 v17, v53;
	s6 =	spop (v2sf)  }
0xb6: {  	v19 =	vsub.f32 v19, v53;
	s7 =	sshra.s32 s6, $0x1F;
	v15 =	vmul.f32 v21, v15  }
0xb7: {  	v22 =	vsub.f32 v22, v53;
	s18 =	sadd.s32 $0x1, s17;
	s7 =	sshrl.u32 s7, $0x19;
	v17 =	vmul.f32 v21, v17  }
0xb8: {  	v54 =	vmov s18;
	s7 =	sadd.s32 s7, s6;
	v19 =	vmul.f32 v21, v19;
	v15 =	vmul.f32 v15, v4  }
0xb9: {  	v55 =	vand.u32 $0x79, v54;
	s7 =	sand.u32 $0xFFFFFF80, s7;
	v21 =	vmul.f32 v21, v22;
	v17 =	vmul.f32 v17, v5  }
0xba: {  	s6 =	ssub.s32 s6, s7;
	v22 =	vbroadcast v55, $0x0;
	v19 =	vmul.f32 v19, v6;
	v15 =	vadd.f32 v15, v8  }
0xbb: {  	v56 =	vadd.s32 s6, v0;
	v21 =	vmul.f32 v21, v7;
	v17 =	vadd.f32 v17, v9  }
0xbc: {  	v58 =	vor.u32 v0, v22;
	v57 =	vadd.f32 v19, v10;
	[tilespmem:v16+s31+$0x0] =	vst.idx.msk $0xffff, v15  }
0xbd: {  	v60 =	vadd.s32 s6, v1;
	v59 =	vadd.f32 v21, v11;
	[tilespmem:v18+s31+$0x0] =	vst.idx.msk $0xffff, v17  }
0xbe: {  	v61 =	vor.u32 v1, v22;
	[tilespmem:v20+s31+$0x0] =	vst.idx.msk $0xffff, v57  }
0xbf: {  	v62 =	vadd.s32 s6, v2;
	[tilespmem:v14+s31+$0x0] =	vst.idx.msk $0xffff, v59  }
0xc0: {  	v63 =	vor.u32 v2, v22;
	v17 =	vld.idx.msk [tilespmem:v56+s22+$0x0], $0xffff  }
0xc1: {  	v28 =	vadd.s32 s6, v3;
	v20 =	vld.idx.msk [tilespmem:v58+s15+$0x0], $0xffff  }
0xc2: {  	v22 =	vor.u32 v3, v22;
	v18 =	vld.idx.msk [tilespmem:v60+s22+$0x0], $0xffff  }
0xc3: {  	v29 =	vld.idx.msk [tilespmem:v61+s15+$0x0], $0xffff  }
0xc4: {  	v14 =	vld.idx.msk [tilespmem:v62+s22+$0x0], $0xffff  }
0xc5: {  	v30 =	vld.idx.msk [tilespmem:v63+s15+$0x0], $0xffff  }
0xc6: {  	v21 =	vld.idx.msk [tilespmem:v28+s22+$0x0], $0xffff  }
0xc7: {  	v31 =	vld.idx.msk [tilespmem:v22+s15+$0x0], $0xffff  }
0xc8: {  	v17 =	vadd.f32 v20, v17;
	v18 =	vadd.f32 v29, v18;
	_ =	sdelay $0x1  }
0xc9: {  	v14 =	vadd.f32 v30, v14;
	v20 =	vmul.f32 v17, v17;
	v23 =	vmul.f32 v18, v18  }
0xca: {  	v32 =	vadd.f32 v18, v17  }
0xcb: {  	v21 =	vadd.f32 v31, v21;
	v33 =	vmul.f32 v14, v14;
	v20 =	vadd.f32 v23, v20  }
0xcc: {  	v24 =	vadd.f32 v14, v32  }
0xcd: {  	v34 =	vmul.f32 v21, v21;
	v20 =	vadd.f32 v33, v20  }
0xce: {  	v24 =	vadd.f32 v21, v24  }
0xcf: {  	v20 =	vadd.f32 v34, v20  }
0xd0: {  	(xrf2) =	vadd.scan.msk.f32 $0xffff, v24  }
0xd1: {  	(xrf2) =	vadd.scan.msk.f32 $0xffff, v20;
	_ =	sdelay $0x8  }
0xd2: {  	v35, _, _ =	vpop (xrf2)  }
0xd3: {  	(v2sf) =	vpush v35, $0xF;
	v36, _, _ =	vpop (xrf2)  }
0xd4: {  	(v2sf) =	vpush v36, $0xF;
	_ =	sdelay $0xd  }
0xd5: {  	s7 =	spop (v2sf)  }
0xd6: {  	s6 =	smul.f32 $1.562500000e-02, s7;
	s18 =	spop (v2sf)  }
0xd7: {  	s7 =	smul.f32 $1.562500000e-02, s18  }
0xd8: {  	s18 =	smul.f32 s6, s6;
	_ =	sdelay $0x1  }
0xd9: {  	s7 =	ssub.f32 s7, s18;
	_ =	sdelay $0x1  }
0xda: {  	s7 =	sadd.f32 $9.999999740e-06, s7;
	_ =	sdelay $0x1  }
0xdb: {  	v37 =	vmov s7  }
0xdc: {  	v38 =	vshrl.u32 v37, $0x1;
	v20 =	vmul.f32 $5.000000000e-01, v37  }
0xdd: {  	v23 =	vsub.s32 $0x5F3759DF, v38  }
0xde: {  	v39 =	vmul.f32 v23, v20;
	_ =	sdelay $0x1  }
0xdf: {  	v24 =	vmul.f32 v23, v39;
	_ =	sdelay $0x1  }
0xe0: {  	v24 =	vsub.f32 $1.500000000e+00, v24;
	_ =	sdelay $0x1  }
0xe1: {  	v23 =	vmul.f32 v23, v24;
	_ =	sdelay $0x1  }
0xe2: {  	(v2sf) =	vpush v13, $0x2;
	v24 =	vmul.f32 v23, v20;
	_ =	sdelay $0x1  }
0xe3: {  	v24 =	vmul.f32 v24, v23;
	_ =	sdelay $0x1  }
0xe4: {  	v24 =	vsub.f32 $1.500000000e+00, v24;
	_ =	sdelay $0x1  }
0xe5: {  	v23 =	vmul.f32 v24, v23;
	_ =	sdelay $0x1  }
0xe6: {  	v20 =	vmul.f32 v23, v20;
	_ =	sdelay $0x1  }
0xe7: {  	v20 =	vmul.f32 v20, v23;
	_ =	sdelay $0x1  }
0xe8: {  	v20 =	vsub.f32 $1.500000000e+00, v20  }
0xe9: {  	v40 =	vmov s6  }
0xea: {  	v17 =	vsub.f32 v17, v40;
	v20 =	vmul.f32 v20, v23  }
0xeb: {  	v18 =	vsub.f32 v18, v40;
	s6 =	spop (v2sf)  }
0xec: {  	v14 =	vsub.f32 v14, v40;
	s7 =	sshra.s32 s6, $0x1F;
	v17 =	vmul.f32 v20, v17  }
0xed: {  	v21 =	vsub.f32 v21, v40;
	s18 =	sadd.s32 $0x2, s17;
	s7 =	sshrl.u32 s7, $0x19;
	v18 =	vmul.f32 v20, v18  }
0xee: {  	v41 =	vmov s18;
	s7 =	sadd.s32 s7, s6;
	v14 =	vmul.f32 v20, v14;
	v17 =	vmul.f32 v17, v4  }
0xef: {  	v42 =	vand.u32 $0x7A, v41;
	s7 =	sand.u32 $0xFFFFFF80, s7;
	v20 =	vmul.f32 v20, v21;
	v18 =	vmul.f32 v18, v5  }
0xf0: {  	s6 =	ssub.s32 s6, s7;
	v21 =	vbroadcast v42, $0x0;
	v14 =	vmul.f32 v14, v6;
	v17 =	vadd.f32 v17, v8  }
0xf1: {  	v43 =	vadd.s32 s6, v0;
	v20 =	vmul.f32 v20, v7;
	v18 =	vadd.f32 v18, v9  }
0xf2: {  	v44 =	vor.u32 v0, v21;
	v14 =	vadd.f32 v14, v10;
	[tilespmem:v58+s31+$0x0] =	vst.idx.msk $0xffff, v17  }
0xf3: {  	v46 =	vadd.s32 s6, v1;
	v45 =	vadd.f32 v20, v11;
	[tilespmem:v61+s31+$0x0] =	vst.idx.msk $0xffff, v18  }
0xf4: {  	v47 =	vor.u32 v1, v21;
	[tilespmem:v63+s31+$0x0] =	vst.idx.msk $0xffff, v14  }
0xf5: {  	v48 =	vadd.s32 s6, v2;
	[tilespmem:v22+s31+$0x0] =	vst.idx.msk $0xffff, v45  }
0xf6: {  	v49 =	vor.u32 v2, v21;
	v18 =	vld.idx.msk [tilespmem:v43+s23+$0x0], $0xffff  }
0xf7: {  	v51 =	vadd.s32 s6, v3;
	v50 =	vld.idx.msk [tilespmem:v44+s15+$0x0], $0xffff  }
0xf8: {  	v21 =	vor.u32 v3, v21;
	v17 =	vld.idx.msk [tilespmem:v46+s23+$0x0], $0xffff  }
0xf9: {  	v52 =	vld.idx.msk [tilespmem:v47+s15+$0x0], $0xffff  }
0xfa: {  	v15 =	vld.idx.msk [tilespmem:v48+s23+$0x0], $0xffff  }
0xfb: {  	v53 =	vld.idx.msk [tilespmem:v49+s15+$0x0], $0xffff  }
0xfc: {  	v22 =	vld.idx.msk [tilespmem:v51+s23+$0x0], $0xffff  }
0xfd: {  	v54 =	vld.idx.msk [tilespmem:v21+s15+$0x0], $0xffff  }
0xfe: {  	v18 =	vadd.f32 v50, v18;
	v17 =	vadd.f32 v52, v17;
	_ =	sdelay $0x1  }
0xff: {  	v15 =	vadd.f32 v53, v15;
	v20 =	vmul.f32 v18, v18;
	v23 =	vmul.f32 v17, v17  }
0x100: {  	v55 =	vadd.f32 v17, v18  }
0x101: {  	v22 =	vadd.f32 v54, v22;
	v56 =	vmul.f32 v15, v15;
	v20 =	vadd.f32 v23, v20  }
0x102: {  	v24 =	vadd.f32 v15, v55  }
0x103: {  	v57 =	vmul.f32 v22, v22;
	v20 =	vadd.f32 v56, v20  }
0x104: {  	v24 =	vadd.f32 v22, v24  }
0x105: {  	v20 =	vadd.f32 v57, v20  }
0x106: {  	(xrf2) =	vadd.scan.msk.f32 $0xffff, v24  }
0x107: {  	(xrf2) =	vadd.scan.msk.f32 $0xffff, v20;
	_ =	sdelay $0x8  }
0x108: {  	v58, _, _ =	vpop (xrf2)  }
0x109: {  	(v2sf) =	vpush v58, $0xF;
	v59, _, _ =	vpop (xrf2)  }
0x10a: {  	(v2sf) =	vpush v59, $0xF;
	_ =	sdelay $0xd  }
0x10b: {  	s7 =	spop (v2sf)  }
0x10c: {  	s6 =	smul.f32 $1.562500000e-02, s7;
	s18 =	spop (v2sf)  }
0x10d: {  	s7 =	smul.f32 $1.562500000e-02, s18  }
0x10e: {  	s18 =	smul.f32 s6, s6;
	_ =	sdelay $0x1  }
0x10f: {  	s7 =	ssub.f32 s7, s18;
	_ =	sdelay $0x1  }
0x110: {  	s7 =	sadd.f32 $9.999999740e-06, s7;
	_ =	sdelay $0x1  }
0x111: {  	v60 =	vmov s7  }
0x112: {  	v61 =	vshrl.u32 v60, $0x1;
	v20 =	vmul.f32 $5.000000000e-01, v60  }
0x113: {  	v23 =	vsub.s32 $0x5F3759DF, v61  }
0x114: {  	v62 =	vmul.f32 v23, v20;
	_ =	sdelay $0x1  }
0x115: {  	v24 =	vmul.f32 v23, v62;
	_ =	sdelay $0x1  }
0x116: {  	v24 =	vsub.f32 $1.500000000e+00, v24;
	_ =	sdelay $0x1  }
0x117: {  	v23 =	vmul.f32 v23, v24;
	_ =	sdelay $0x1  }
0x118: {  	(v2sf) =	vpush v13, $0x3;
	v24 =	vmul.f32 v23, v20;
	_ =	sdelay $0x1  }
0x119: {  	v24 =	vmul.f32 v24, v23;
	_ =	sdelay $0x1  }
0x11a: {  	v24 =	vsub.f32 $1.500000000e+00, v24;
	_ =	sdelay $0x1  }
0x11b: {  	v23 =	vmul.f32 v24, v23;
	_ =	sdelay $0x1  }
0x11c: {  	v20 =	vmul.f32 v23, v20;
	_ =	sdelay $0x1  }
0x11d: {  	v20 =	vmul.f32 v20, v23;
	_ =	sdelay $0x1  }
0x11e: {  	v20 =	vsub.f32 $1.500000000e+00, v20  }
0x11f: {  	v63 =	vmov s6  }
0x120: {  	v18 =	vsub.f32 v18, v63;
	v20 =	vmul.f32 v20, v23  }
0x121: {  	v17 =	vsub.f32 v17, v63;
	s6 =	spop (v2sf)  }
0x122: {  	v15 =	vsub.f32 v15, v63;
	s7 =	sshra.s32 s6, $0x1F;
	v18 =	vmul.f32 v20, v18  }
0x123: {  	v22 =	vsub.f32 v22, v63;
	s18 =	sadd.s32 $0x3, s17;
	s7 =	sshrl.u32 s7, $0x19;
	v17 =	vmul.f32 v20, v17  }
0x124: {  	v25 =	vmov s18;
	s7 =	sadd.s32 s7, s6;
	v15 =	vmul.f32 v20, v15;
	v18 =	vmul.f32 v18, v4  }
0x125: {  	v26 =	vand.u32 $0x7B, v25;
	s7 =	sand.u32 $0xFFFFFF80, s7;
	v20 =	vmul.f32 v20, v22;
	v17 =	vmul.f32 v17, v5  }
0x126: {  	s6 =	ssub.s32 s6, s7;
	v22 =	vbroadcast v26, $0x0;
	v15 =	vmul.f32 v15, v6;
	v18 =	vadd.f32 v18, v8  }
0x127: {  	v27 =	vadd.s32 s6, v0;
	v20 =	vmul.f32 v20, v7;
	v17 =	vadd.f32 v17, v9  }
0x128: {  	v28 =	vor.u32 v0, v22;
	v15 =	vadd.f32 v15, v10;
	[tilespmem:v44+s31+$0x0] =	vst.idx.msk $0xffff, v18  }
0x129: {  	v30 =	vadd.s32 s6, v1;
	v29 =	vadd.f32 v20, v11;
	[tilespmem:v47+s31+$0x0] =	vst.idx.msk $0xffff, v17  }
0x12a: {  	v31 =	vor.u32 v1, v22;
	[tilespmem:v49+s31+$0x0] =	vst.idx.msk $0xffff, v15  }
0x12b: {  	v32 =	vadd.s32 s6, v2;
	[tilespmem:v21+s31+$0x0] =	vst.idx.msk $0xffff, v29  }
0x12c: {  	v33 =	vor.u32 v2, v22;
	v18 =	vld.idx.msk [tilespmem:v27+s24+$0x0], $0xffff  }
0x12d: {  	v35 =	vadd.s32 s6, v3;
	v34 =	vld.idx.msk [tilespmem:v28+s15+$0x0], $0xffff  }
0x12e: {  	v22 =	vor.u32 v3, v22;
	v17 =	vld.idx.msk [tilespmem:v30+s24+$0x0], $0xffff  }
0x12f: {  	v36 =	vld.idx.msk [tilespmem:v31+s15+$0x0], $0xffff  }
0x130: {  	v14 =	vld.idx.msk [tilespmem:v32+s24+$0x0], $0xffff  }
0x131: {  	v37 =	vld.idx.msk [tilespmem:v33+s15+$0x0], $0xffff  }
0x132: {  	v21 =	vld.idx.msk [tilespmem:v35+s24+$0x0], $0xffff  }
0x133: {  	v38 =	vld.idx.msk [tilespmem:v22+s15+$0x0], $0xffff  }
0x134: {  	v18 =	vadd.f32 v34, v18;
	v17 =	vadd.f32 v36, v17;
	_ =	sdelay $0x1  }
0x135: {  	v14 =	vadd.f32 v37, v14;
	v20 =	vmul.f32 v18, v18;
	v23 =	vmul.f32 v17, v17  }
0x136: {  	v39 =	vadd.f32 v17, v18  }
0x137: {  	v21 =	vadd.f32 v38, v21;
	v40 =	vmul.f32 v14, v14;
	v20 =	vadd.f32 v23, v20  }
0x138: {  	v24 =	vadd.f32 v14, v39  }
0x139: {  	v41 =	vmul.f32 v21, v21;
	v20 =	vadd.f32 v40, v20  }
0x13a: {  	v24 =	vadd.f32 v21, v24  }
0x13b: {  	v20 =	vadd.f32 v41, v20  }
0x13c: {  	(xrf2) =	vadd.scan.msk.f32 $0xffff, v24  }
0x13d: {  	(xrf2) =	vadd.scan.msk.f32 $0xffff, v20;
	_ =	sdelay $0x8  }
0x13e: {  	v42, _, _ =	vpop (xrf2)  }
0x13f: {  	(v2sf) =	vpush v42, $0xF;
	v43, _, _ =	vpop (xrf2)  }
0x140: {  	(v2sf) =	vpush v43, $0xF;
	_ =	sdelay $0xd  }
0x141: {  	s7 =	spop (v2sf)  }
0x142: {  	s6 =	smul.f32 $1.562500000e-02, s7;
	s18 =	spop (v2sf)  }
0x143: {  	s7 =	smul.f32 $1.562500000e-02, s18  }
0x144: {  	s18 =	smul.f32 s6, s6;
	_ =	sdelay $0x1  }
0x145: {  	s7 =	ssub.f32 s7, s18;
	_ =	sdelay $0x1  }
0x146: {  	s7 =	sadd.f32 $9.999999740e-06, s7;
	_ =	sdelay $0x1  }
0x147: {  	v44 =	vmov s7  }
0x148: {  	v45 =	vshrl.u32 v44, $0x1;
	v20 =	vmul.f32 $5.000000000e-01, v44  }
0x149: {  	v23 =	vsub.s32 $0x5F3759DF, v45  }
0x14a: {  	v46 =	vmul.f32 v23, v20;
	_ =	sdelay $0x1  }
0x14b: {  	v24 =	vmul.f32 v23, v46;
	_ =	sdelay $0x1  }
0x14c: {  	v24 =	vsub.f32 $1.500000000e+00, v24;
	_ =	sdelay $0x1  }
0x14d: {  	v23 =	vmul.f32 v23, v24;
	_ =	sdelay $0x1  }
0x14e: {  	v24 =	vmul.f32 v23, v20;
	_ =	sdelay $0x1  }
0x14f: {  	(v2sf) =	vpush v12, $0x0;
	v24 =	vmul.f32 v24, v23;
	_ =	sdelay $0x1  }
0x150: {  	v24 =	vsub.f32 $1.500000000e+00, v24;
	_ =	sdelay $0x1  }
0x151: {  	v23 =	vmul.f32 v24, v23;
	_ =	sdelay $0x1  }
0x152: {  	v20 =	vmul.f32 v23, v20;
	_ =	sdelay $0x1  }
0x153: {  	v20 =	vmul.f32 v20, v23;
	_ =	sdelay $0x1  }
0x154: {  	(v2sf) =	vpush v12, $0x1;
	v20 =	vsub.f32 $1.500000000e+00, v20  }
0x155: {  	v47 =	vmov s6  }
0x156: {  	v18 =	vsub.f32 v18, v47;
	v20 =	vmul.f32 v20, v23  }
0x157: {  	v17 =	vsub.f32 v17, v47  }
0x158: {  	v14 =	vsub.f32 v14, v47;
	v18 =	vmul.f32 v20, v18  }
0x159: {  	v21 =	vsub.f32 v21, v47;
	s6 =	spop (v2sf);
	v17 =	vmul.f32 v20, v17  }
0x15a: {  	s18 =	sshra.s32 s6, $0x1F;
	v14 =	vmul.f32 v20, v14;
	v18 =	vmul.f32 v18, v4  }
0x15b: {  	s7 =	sshrl.u32 s18, $0x19;
	v20 =	vmul.f32 v20, v21;
	v17 =	vmul.f32 v17, v5  }
0x15c: {  	s6 =	sadd.s32 s7, s6;
	v14 =	vmul.f32 v14, v6;
	v18 =	vadd.f32 v18, v8  }
0x15d: {  	s6 =	sand.u32 $0xFFFFFF80, s6;
	v20 =	vmul.f32 v20, v7;
	v17 =	vadd.f32 v17, v9  }
0x15e: {  	(v2sf) =	vpush v12, $0x2;
	p0 =	sgt.s32 s6, $0x0;
	v14 =	vadd.f32 v14, v10;
	[tilespmem:v28+s31+$0x0] =	vst.idx.msk $0xffff, v18  }
0x15f: {  	s6 =	simm.s32 @!p0 $0x0;
	v48 =	vadd.f32 v20, v11;
	[tilespmem:v31+s31+$0x0] =	vst.idx.msk $0xffff, v17  }
0x160: {  	s6 =	smin.u32 s6, $0xF4200;
	[tilespmem:v33+s31+$0x0] =	vst.idx.msk $0xffff, v14  }
0x161: {  	s6 =	sadd.s32 s1, s6;
	[tilespmem:v22+s31+$0x0] =	vst.idx.msk $0xffff, v48  }
0x162: {  	[tilespmem:s21], [sflag:$0x1] =	stream.strided.gather [hbm4b:s6+s13], $0x2000, s20, s13, $0x38;
	[tilespmem:$0x18280] =	vst v63  }
0x163: {  	s6 =	spop (v2sf)  }
0x164: {  	s18 =	sshra.s32 s6, $0x1F  }
0x165: {  	s7 =	sshrl.u32 s18, $0x19  }
0x166: {  	s6 =	sadd.s32 s7, s6  }
0x167: {  	s6 =	sand.u32 $0xFFFFFF80, s6  }
0x168: {  	(v2sf) =	vpush v12, $0x3;
	p0 =	sgt.s32 s6, $0x0  }
0x169: {  	s6 =	simm.s32 @!p0 $0x0  }
0x16a: {  	s6 =	smin.u32 s6, $0xF4200  }
0x16b: {  	s6 =	sadd.s32 s1, s6  }
0x16c: {  	[tilespmem:s22], [sflag:$0x1] =	stream.strided.gather [hbm4b:s6+s13], $0x2000, s20, s13, $0x38;
	[tilespmem:$0x18280] =	vst v63  }
0x16d: {  	s6 =	spop (v2sf)  }
0x16e: {  	s18 =	sshra.s32 s6, $0x1F  }
0x16f: {  	s7 =	sshrl.u32 s18, $0x19  }
0x170: {  	s6 =	sadd.s32 s7, s6  }
0x171: {  	s6 =	sand.u32 $0xFFFFFF80, s6  }
0x172: {  	p0 =	sgt.s32 s6, $0x0  }
0x173: {  	s6 =	simm.s32 @!p0 $0x0  }
0x174: {  	s6 =	smin.u32 s6, $0xF4200  }
0x175: {  	s6 =	sadd.s32 s1, s6  }
0x176: {  	[tilespmem:s23], [sflag:$0x1] =	stream.strided.gather [hbm4b:s6+s13], $0x2000, s20, s13, $0x38;
	[tilespmem:$0x18280] =	vst v63  }
0x177: {  	s6 =	spop (v2sf)  }
0x178: {  	s18 =	sshra.s32 s6, $0x1F  }
0x179: {  	s7 =	sshrl.u32 s18, $0x19  }
0x17a: {  	s6 =	sadd.s32 s7, s6  }
0x17b: {  	s6 =	sand.u32 $0xFFFFFF80, s6  }
0x17c: {  	p0 =	sgt.s32 s6, $0x0  }
0x17d: {  	s6 =	simm.s32 @!p0 $0x0  }
0x17e: {  	s6 =	smin.u32 s6, $0xF4200  }
0x17f: {  	s6 =	sadd.s32 s1, s6  }
0x180: {  	[tilespmem:s24], [sflag:$0x1] =	stream.strided.gather [hbm4b:s6+s13], $0x2000, s20, s13, $0x38;
	[tilespmem:$0x18280] =	vst v63  }
0x181: {  	_ =	swait.ge [sflag:s0], $0x2000  }
0x182: {  	[sflag:s0] =	ssyncset.done $0x0  }
0x183: {  	[sflag:s0] =	ssyncadd.s32 $0xFFFFE000  }
0x184: {  	_ =	swait.ge [sflag:s0], $0x2000  }
0x185: {  	[sflag:s0] =	ssyncset.done $0x0  }
0x186: {  	[sflag:s0] =	ssyncadd.s32 $0xFFFFE000  }
0x187: {  	_ =	swait.ge [sflag:s0], $0x2000  }
0x188: {  	[sflag:s0] =	ssyncset.done $0x0  }
0x189: {  	[sflag:s0] =	ssyncadd.s32 $0xFFFFE000  }
0x18a: {  	_ =	swait.ge [sflag:s0], $0x2000  }
0x18b: {  	(v2sf) =	vpush v13, $0x4;
	_ =	sdelay $0xd  }
0x18c: {  	s18 =	sadd.s32 $0x4, s17  }
0x18d: {  	v49 =	vmov s18;
	s6 =	spop (v2sf)  }
0x18e: {  	v14 =	vand.u32 $0x7C, v49;
	s7 =	sshra.s32 s6, $0x1F  }
0x18f: {  	v14 =	vbroadcast v14, $0x0;
	s7 =	sshrl.u32 s7, $0x19  }
0x190: {  	s7 =	sadd.s32 s7, s6  }
0x191: {  	v51 =	vor.u32 v0, v14;
	s7 =	sand.u32 $0xFFFFFF80, s7  }
0x192: {  	v53 =	vor.u32 v1, v14;
	s6 =	ssub.s32 s6, s7  }
0x193: {  	v50 =	vadd.s32 s6, v0  }
0x194: {  	[sflag:s0] =	ssyncset.done $0x0;
	v52 =	vadd.s32 s6, v1  }
0x195: {  	v55 =	vor.u32 v2, v14;
	[sflag:s0] =	ssyncadd.s32 $0xFFFFE000  }
0x196: {  	v56 =	vld.idx.msk [tilespmem:v51+s15+$0x0], $0xffff;
	v54 =	vadd.s32 s6, v2  }
0x197: {  	v14 =	vor.u32 v3, v14;
	v58 =	vld.idx.msk [tilespmem:v53+s15+$0x0], $0xffff  }
0x198: {  	v57 =	vadd.s32 s6, v3;
	v15 =	vld.idx.msk [tilespmem:v50+s25+$0x0], $0xffff  }
0x199: {  	v17 =	vld.idx.msk [tilespmem:v52+s25+$0x0], $0xffff  }
0x19a: {  	v59 =	vld.idx.msk [tilespmem:v55+s15+$0x0], $0xffff  }
0x19b: {  	v19 =	vld.idx.msk [tilespmem:v54+s25+$0x0], $0xffff  }
0x19c: {  	v60 =	vld.idx.msk [tilespmem:v14+s15+$0x0], $0xffff  }
0x19d: {  	v22 =	vld.idx.msk [tilespmem:v57+s25+$0x0], $0xffff  }
0x19e: {  	v15 =	vadd.f32 v56, v15;
	v17 =	vadd.f32 v58, v17;
	_ =	sdelay $0x1  }
0x19f: {  	v19 =	vadd.f32 v59, v19;
	v21 =	vmul.f32 v15, v15;
	v23 =	vmul.f32 v17, v17  }
0x1a0: {  	v61 =	vadd.f32 v17, v15  }
0x1a1: {  	v22 =	vadd.f32 v60, v22;
	v62 =	vmul.f32 v19, v19;
	v21 =	vadd.f32 v23, v21  }
0x1a2: {  	v24 =	vadd.f32 v19, v61  }
0x1a3: {  	v63 =	vmul.f32 v22, v22;
	v21 =	vadd.f32 v62, v21  }
0x1a4: {  	v24 =	vadd.f32 v22, v24  }
0x1a5: {  	v21 =	vadd.f32 v63, v21  }
0x1a6: {  	(xrf2) =	vadd.scan.msk.f32 $0xffff, v24  }
0x1a7: {  	(xrf2) =	vadd.scan.msk.f32 $0xffff, v21;
	_ =	sdelay $0x8  }
0x1a8: {  	v24, _, _ =	vpop (xrf2)  }
0x1a9: {  	(v2sf) =	vpush v24, $0xF;
	v25, _, _ =	vpop (xrf2)  }
0x1aa: {  	(v2sf) =	vpush v25, $0xF;
	_ =	sdelay $0xd  }
0x1ab: {  	s7 =	spop (v2sf)  }
0x1ac: {  	s6 =	smul.f32 $1.562500000e-02, s7;
	s18 =	spop (v2sf)  }
0x1ad: {  	s7 =	smul.f32 $1.562500000e-02, s18  }
0x1ae: {  	s18 =	smul.f32 s6, s6;
	_ =	sdelay $0x1  }
0x1af: {  	s7 =	ssub.f32 s7, s18;
	_ =	sdelay $0x1  }
0x1b0: {  	s7 =	sadd.f32 $9.999999740e-06, s7;
	_ =	sdelay $0x1  }
0x1b1: {  	v26 =	vmov s7  }
0x1b2: {  	v27 =	vshrl.u32 v26, $0x1;
	v21 =	vmul.f32 $5.000000000e-01, v26  }
0x1b3: {  	v23 =	vsub.s32 $0x5F3759DF, v27  }
0x1b4: {  	v28 =	vmul.f32 v23, v21;
	_ =	sdelay $0x1  }
0x1b5: {  	v24 =	vmul.f32 v23, v28;
	_ =	sdelay $0x1  }
0x1b6: {  	v24 =	vsub.f32 $1.500000000e+00, v24;
	_ =	sdelay $0x1  }
0x1b7: {  	v23 =	vmul.f32 v23, v24;
	_ =	sdelay $0x1  }
0x1b8: {  	(v2sf) =	vpush v13, $0x5;
	v24 =	vmul.f32 v23, v21;
	_ =	sdelay $0x1  }
0x1b9: {  	v24 =	vmul.f32 v24, v23;
	_ =	sdelay $0x1  }
0x1ba: {  	v24 =	vsub.f32 $1.500000000e+00, v24;
	_ =	sdelay $0x1  }
0x1bb: {  	v23 =	vmul.f32 v24, v23;
	_ =	sdelay $0x1  }
0x1bc: {  	v21 =	vmul.f32 v23, v21;
	_ =	sdelay $0x1  }
0x1bd: {  	v21 =	vmul.f32 v21, v23;
	_ =	sdelay $0x1  }
0x1be: {  	v21 =	vsub.f32 $1.500000000e+00, v21  }
0x1bf: {  	v29 =	vmov s6  }
0x1c0: {  	v15 =	vsub.f32 v15, v29;
	v21 =	vmul.f32 v21, v23  }
0x1c1: {  	v17 =	vsub.f32 v17, v29;
	s6 =	spop (v2sf)  }
0x1c2: {  	v19 =	vsub.f32 v19, v29;
	s7 =	sshra.s32 s6, $0x1F;
	v15 =	vmul.f32 v21, v15  }
0x1c3: {  	v22 =	vsub.f32 v22, v29;
	s18 =	sadd.s32 $0x5, s17;
	s7 =	sshrl.u32 s7, $0x19;
	v17 =	vmul.f32 v21, v17  }
0x1c4: {  	v30 =	vmov s18;
	s7 =	sadd.s32 s7, s6;
	v19 =	vmul.f32 v21, v19;
	v15 =	vmul.f32 v15, v4  }
0x1c5: {  	v31 =	vand.u32 $0x7D, v30;
	s7 =	sand.u32 $0xFFFFFF80, s7;
	v21 =	vmul.f32 v21, v22;
	v17 =	vmul.f32 v17, v5  }
0x1c6: {  	s6 =	ssub.s32 s6, s7;
	v22 =	vbroadcast v31, $0x0;
	v19 =	vmul.f32 v19, v6;
	v15 =	vadd.f32 v15, v8  }
0x1c7: {  	v32 =	vadd.s32 s6, v0;
	v21 =	vmul.f32 v21, v7;
	v17 =	vadd.f32 v17, v9  }
0x1c8: {  	v34 =	vor.u32 v0, v22;
	v33 =	vadd.f32 v19, v10;
	[tilespmem:v51+s31+$0x0] =	vst.idx.msk $0xffff, v15  }
0x1c9: {  	v36 =	vadd.s32 s6, v1;
	v35 =	vadd.f32 v21, v11;
	[tilespmem:v53+s31+$0x0] =	vst.idx.msk $0xffff, v17  }
0x1ca: {  	v37 =	vor.u32 v1, v22;
	[tilespmem:v55+s31+$0x0] =	vst.idx.msk $0xffff, v33  }
0x1cb: {  	v38 =	vadd.s32 s6, v2;
	[tilespmem:v14+s31+$0x0] =	vst.idx.msk $0xffff, v35  }
0x1cc: {  	v39 =	vor.u32 v2, v22;
	v17 =	vld.idx.msk [tilespmem:v32+s26+$0x0], $0xffff  }
0x1cd: {  	v40 =	vadd.s32 s6, v3;
	v20 =	vld.idx.msk [tilespmem:v34+s15+$0x0], $0xffff  }
0x1ce: {  	v22 =	vor.u32 v3, v22;
	v18 =	vld.idx.msk [tilespmem:v36+s26+$0x0], $0xffff  }
0x1cf: {  	v41 =	vld.idx.msk [tilespmem:v37+s15+$0x0], $0xffff  }
0x1d0: {  	v14 =	vld.idx.msk [tilespmem:v38+s26+$0x0], $0xffff  }
0x1d1: {  	v42 =	vld.idx.msk [tilespmem:v39+s15+$0x0], $0xffff  }
0x1d2: {  	v21 =	vld.idx.msk [tilespmem:v40+s26+$0x0], $0xffff  }
0x1d3: {  	v43 =	vld.idx.msk [tilespmem:v22+s15+$0x0], $0xffff  }
0x1d4: {  	v17 =	vadd.f32 v20, v17;
	v18 =	vadd.f32 v41, v18;
	_ =	sdelay $0x1  }
0x1d5: {  	v14 =	vadd.f32 v42, v14;
	v20 =	vmul.f32 v17, v17;
	v23 =	vmul.f32 v18, v18  }
0x1d6: {  	v44 =	vadd.f32 v18, v17  }
0x1d7: {  	v21 =	vadd.f32 v43, v21;
	v45 =	vmul.f32 v14, v14;
	v20 =	vadd.f32 v23, v20  }
0x1d8: {  	v24 =	vadd.f32 v14, v44  }
0x1d9: {  	v46 =	vmul.f32 v21, v21;
	v20 =	vadd.f32 v45, v20  }
0x1da: {  	v24 =	vadd.f32 v21, v24  }
0x1db: {  	v20 =	vadd.f32 v46, v20  }
0x1dc: {  	(xrf2) =	vadd.scan.msk.f32 $0xffff, v24  }
0x1dd: {  	(xrf2) =	vadd.scan.msk.f32 $0xffff, v20;
	_ =	sdelay $0x8  }
0x1de: {  	v47, _, _ =	vpop (xrf2)  }
0x1df: {  	(v2sf) =	vpush v47, $0xF;
	v48, _, _ =	vpop (xrf2)  }
0x1e0: {  	(v2sf) =	vpush v48, $0xF;
	_ =	sdelay $0xd  }
0x1e1: {  	s7 =	spop (v2sf)  }
0x1e2: {  	s6 =	smul.f32 $1.562500000e-02, s7;
	s18 =	spop (v2sf)  }
0x1e3: {  	s7 =	smul.f32 $1.562500000e-02, s18  }
0x1e4: {  	s18 =	smul.f32 s6, s6;
	_ =	sdelay $0x1  }
0x1e5: {  	s7 =	ssub.f32 s7, s18;
	_ =	sdelay $0x1  }
0x1e6: {  	s7 =	sadd.f32 $9.999999740e-06, s7;
	_ =	sdelay $0x1  }
0x1e7: {  	v49 =	vmov s7  }
0x1e8: {  	v50 =	vshrl.u32 v49, $0x1;
	v20 =	vmul.f32 $5.000000000e-01, v49  }
0x1e9: {  	v23 =	vsub.s32 $0x5F3759DF, v50  }
0x1ea: {  	v51 =	vmul.f32 v23, v20;
	_ =	sdelay $0x1  }
0x1eb: {  	v24 =	vmul.f32 v23, v51;
	_ =	sdelay $0x1  }
0x1ec: {  	v24 =	vsub.f32 $1.500000000e+00, v24;
	_ =	sdelay $0x1  }
0x1ed: {  	v23 =	vmul.f32 v23, v24;
	_ =	sdelay $0x1  }
0x1ee: {  	(v2sf) =	vpush v13, $0x6;
	v24 =	vmul.f32 v23, v20;
	_ =	sdelay $0x1  }
0x1ef: {  	v24 =	vmul.f32 v24, v23;
	_ =	sdelay $0x1  }
0x1f0: {  	v24 =	vsub.f32 $1.500000000e+00, v24;
	_ =	sdelay $0x1  }
0x1f1: {  	v23 =	vmul.f32 v24, v23;
	_ =	sdelay $0x1  }
0x1f2: {  	v20 =	vmul.f32 v23, v20;
	_ =	sdelay $0x1  }
0x1f3: {  	v20 =	vmul.f32 v20, v23;
	_ =	sdelay $0x1  }
0x1f4: {  	v20 =	vsub.f32 $1.500000000e+00, v20  }
0x1f5: {  	v52 =	vmov s6  }
0x1f6: {  	v17 =	vsub.f32 v17, v52;
	v20 =	vmul.f32 v20, v23  }
0x1f7: {  	v18 =	vsub.f32 v18, v52;
	s6 =	spop (v2sf)  }
0x1f8: {  	v14 =	vsub.f32 v14, v52;
	s7 =	sshra.s32 s6, $0x1F;
	v17 =	vmul.f32 v20, v17  }
0x1f9: {  	v21 =	vsub.f32 v21, v52;
	s18 =	sadd.s32 $0x6, s17;
	s7 =	sshrl.u32 s7, $0x19;
	v18 =	vmul.f32 v20, v18  }
0x1fa: {  	v53 =	vmov s18;
	s7 =	sadd.s32 s7, s6;
	v14 =	vmul.f32 v20, v14;
	v17 =	vmul.f32 v17, v4  }
0x1fb: {  	v54 =	vand.u32 $0x7E, v53;
	s7 =	sand.u32 $0xFFFFFF80, s7;
	v20 =	vmul.f32 v20, v21;
	v18 =	vmul.f32 v18, v5  }
0x1fc: {  	s6 =	ssub.s32 s6, s7;
	v21 =	vbroadcast v54, $0x0;
	v14 =	vmul.f32 v14, v6;
	v17 =	vadd.f32 v17, v8  }
0x1fd: {  	v55 =	vadd.s32 s6, v0;
	v20 =	vmul.f32 v20, v7;
	v18 =	vadd.f32 v18, v9  }
0x1fe: {  	v56 =	vor.u32 v0, v21;
	v14 =	vadd.f32 v14, v10;
	[tilespmem:v34+s31+$0x0] =	vst.idx.msk $0xffff, v17  }
0x1ff: {  	v58 =	vadd.s32 s6, v1;
	v57 =	vadd.f32 v20, v11;
	[tilespmem:v37+s31+$0x0] =	vst.idx.msk $0xffff, v18  }
0x200: {  	v59 =	vor.u32 v1, v21;
	[tilespmem:v39+s31+$0x0] =	vst.idx.msk $0xffff, v14  }
0x201: {  	v60 =	vadd.s32 s6, v2;
	[tilespmem:v22+s31+$0x0] =	vst.idx.msk $0xffff, v57  }
0x202: {  	v61 =	vor.u32 v2, v21;
	v18 =	vld.idx.msk [tilespmem:v55+s28+$0x0], $0xffff  }
0x203: {  	v63 =	vadd.s32 s6, v3;
	v62 =	vld.idx.msk [tilespmem:v56+s15+$0x0], $0xffff  }
0x204: {  	v21 =	vor.u32 v3, v21;
	v17 =	vld.idx.msk [tilespmem:v58+s28+$0x0], $0xffff  }
0x205: {  	v28 =	vld.idx.msk [tilespmem:v59+s15+$0x0], $0xffff  }
0x206: {  	v15 =	vld.idx.msk [tilespmem:v60+s28+$0x0], $0xffff  }
0x207: {  	v29 =	vld.idx.msk [tilespmem:v61+s15+$0x0], $0xffff  }
0x208: {  	v22 =	vld.idx.msk [tilespmem:v63+s28+$0x0], $0xffff  }
0x209: {  	v30 =	vld.idx.msk [tilespmem:v21+s15+$0x0], $0xffff  }
0x20a: {  	v18 =	vadd.f32 v62, v18;
	v17 =	vadd.f32 v28, v17;
	_ =	sdelay $0x1  }
0x20b: {  	v15 =	vadd.f32 v29, v15;
	v20 =	vmul.f32 v18, v18;
	v23 =	vmul.f32 v17, v17  }
0x20c: {  	v31 =	vadd.f32 v17, v18  }
0x20d: {  	v22 =	vadd.f32 v30, v22;
	v32 =	vmul.f32 v15, v15;
	v20 =	vadd.f32 v23, v20  }
0x20e: {  	v24 =	vadd.f32 v15, v31  }
0x20f: {  	v33 =	vmul.f32 v22, v22;
	v20 =	vadd.f32 v32, v20  }
0x210: {  	v24 =	vadd.f32 v22, v24  }
0x211: {  	v20 =	vadd.f32 v33, v20  }
0x212: {  	(xrf2) =	vadd.scan.msk.f32 $0xffff, v24  }
0x213: {  	(xrf2) =	vadd.scan.msk.f32 $0xffff, v20;
	_ =	sdelay $0x8  }
0x214: {  	v34, _, _ =	vpop (xrf2)  }
0x215: {  	(v2sf) =	vpush v34, $0xF;
	v35, _, _ =	vpop (xrf2)  }
0x216: {  	(v2sf) =	vpush v35, $0xF;
	_ =	sdelay $0xd  }
0x217: {  	s7 =	spop (v2sf)  }
0x218: {  	s6 =	smul.f32 $1.562500000e-02, s7;
	s18 =	spop (v2sf)  }
0x219: {  	s7 =	smul.f32 $1.562500000e-02, s18  }
0x21a: {  	s18 =	smul.f32 s6, s6;
	_ =	sdelay $0x1  }
0x21b: {  	s7 =	ssub.f32 s7, s18;
	_ =	sdelay $0x1  }
0x21c: {  	s7 =	sadd.f32 $9.999999740e-06, s7;
	_ =	sdelay $0x1  }
0x21d: {  	v36 =	vmov s7  }
0x21e: {  	v37 =	vshrl.u32 v36, $0x1;
	v20 =	vmul.f32 $5.000000000e-01, v36  }
0x21f: {  	v23 =	vsub.s32 $0x5F3759DF, v37  }
0x220: {  	v38 =	vmul.f32 v23, v20;
	_ =	sdelay $0x1  }
0x221: {  	v24 =	vmul.f32 v23, v38;
	_ =	sdelay $0x1  }
0x222: {  	v24 =	vsub.f32 $1.500000000e+00, v24;
	_ =	sdelay $0x1  }
0x223: {  	v23 =	vmul.f32 v23, v24;
	_ =	sdelay $0x1  }
0x224: {  	(v2sf) =	vpush v13, $0x7;
	v24 =	vmul.f32 v23, v20;
	_ =	sdelay $0x1  }
0x225: {  	v39 =	vmul.f32 v24, v23;
	_ =	sdelay $0x1  }
0x226: {  	v13 =	vsub.f32 $1.500000000e+00, v39;
	_ =	sdelay $0x1  }
0x227: {  	v13 =	vmul.f32 v13, v23;
	_ =	sdelay $0x1  }
0x228: {  	v20 =	vmul.f32 v13, v20;
	_ =	sdelay $0x1  }
0x229: {  	v20 =	vmul.f32 v20, v13;
	_ =	sdelay $0x1  }
0x22a: {  	v20 =	vsub.f32 $1.500000000e+00, v20  }
0x22b: {  	v40 =	vmov s6  }
0x22c: {  	v18 =	vsub.f32 v18, v40;
	v13 =	vmul.f32 v20, v13  }
0x22d: {  	v17 =	vsub.f32 v17, v40;
	s6 =	spop (v2sf)  }
0x22e: {  	v15 =	vsub.f32 v15, v40;
	s7 =	sshra.s32 s6, $0x1F;
	v18 =	vmul.f32 v13, v18  }
0x22f: {  	v41 =	vsub.f32 v22, v40;
	s18 =	sadd.s32 $0x7, s17;
	s7 =	sshrl.u32 s7, $0x19;
	v17 =	vmul.f32 v13, v17  }
0x230: {  	v42 =	vmov s18;
	s7 =	sadd.s32 s7, s6;
	v15 =	vmul.f32 v13, v15;
	v18 =	vmul.f32 v18, v4  }
0x231: {  	v43 =	vand.u32 $0x7F, v42;
	s7 =	sand.u32 $0xFFFFFF80, s7;
	v13 =	vmul.f32 v13, v41;
	v17 =	vmul.f32 v17, v5  }
0x232: {  	s6 =	ssub.s32 s6, s7;
	v20 =	vbroadcast v43, $0x0;
	v15 =	vmul.f32 v15, v6;
	v18 =	vadd.f32 v18, v8  }
0x233: {  	v44 =	vadd.s32 s6, v0;
	v13 =	vmul.f32 v13, v7;
	v17 =	vadd.f32 v17, v9  }
0x234: {  	v45 =	vor.u32 v0, v20;
	v15 =	vadd.f32 v15, v10;
	[tilespmem:v56+s31+$0x0] =	vst.idx.msk $0xffff, v18  }
0x235: {  	v46 =	vadd.s32 s6, v1;
	v13 =	vadd.f32 v13, v11;
	[tilespmem:v59+s31+$0x0] =	vst.idx.msk $0xffff, v17  }
0x236: {  	v47 =	vor.u32 v1, v20;
	[tilespmem:v61+s31+$0x0] =	vst.idx.msk $0xffff, v15  }
0x237: {  	v48 =	vadd.s32 s6, v2;
	[tilespmem:v21+s31+$0x0] =	vst.idx.msk $0xffff, v13  }
0x238: {  	v49 =	vor.u32 v2, v20;
	v17 =	vld.idx.msk [tilespmem:v44+s29+$0x0], $0xffff  }
0x239: {  	v50 =	vadd.s32 s6, v3;
	v19 =	vld.idx.msk [tilespmem:v45+s15+$0x0], $0xffff  }
0x23a: {  	v20 =	vor.u32 v3, v20;
	v14 =	vld.idx.msk [tilespmem:v46+s29+$0x0], $0xffff  }
0x23b: {  	v51 =	vld.idx.msk [tilespmem:v47+s15+$0x0], $0xffff  }
0x23c: {  	v13 =	vld.idx.msk [tilespmem:v48+s29+$0x0], $0xffff  }
0x23d: {  	v52 =	vld.idx.msk [tilespmem:v49+s15+$0x0], $0xffff  }
0x23e: {  	v21 =	vld.idx.msk [tilespmem:v50+s29+$0x0], $0xffff  }
0x23f: {  	v53 =	vld.idx.msk [tilespmem:v20+s15+$0x0], $0xffff  }
0x240: {  	v17 =	vadd.f32 v19, v17;
	v14 =	vadd.f32 v51, v14;
	_ =	sdelay $0x1  }
0x241: {  	v13 =	vadd.f32 v52, v13;
	v19 =	vmul.f32 v17, v17;
	v22 =	vmul.f32 v14, v14  }
0x242: {  	v54 =	vadd.f32 v14, v17  }
0x243: {  	v21 =	vadd.f32 v53, v21;
	v55 =	vmul.f32 v13, v13;
	v19 =	vadd.f32 v22, v19  }
0x244: {  	v23 =	vadd.f32 v13, v54  }
0x245: {  	v56 =	vmul.f32 v21, v21;
	v19 =	vadd.f32 v55, v19  }
0x246: {  	v23 =	vadd.f32 v21, v23  }
0x247: {  	v19 =	vadd.f32 v56, v19  }
0x248: {  	(xrf2) =	vadd.scan.msk.f32 $0xffff, v23  }
0x249: {  	(xrf2) =	vadd.scan.msk.f32 $0xffff, v19;
	_ =	sdelay $0x8  }
0x24a: {  	v57, _, _ =	vpop (xrf2)  }
0x24b: {  	(v2sf) =	vpush v57, $0xF;
	v58, _, _ =	vpop (xrf2)  }
0x24c: {  	(v2sf) =	vpush v58, $0xF;
	_ =	sdelay $0xd  }
0x24d: {  	s7 =	spop (v2sf)  }
0x24e: {  	s6 =	smul.f32 $1.562500000e-02, s7;
	s18 =	spop (v2sf)  }
0x24f: {  	s7 =	smul.f32 $1.562500000e-02, s18  }
0x250: {  	s18 =	smul.f32 s6, s6;
	_ =	sdelay $0x1  }
0x251: {  	s7 =	ssub.f32 s7, s18;
	_ =	sdelay $0x1  }
0x252: {  	s7 =	sadd.f32 $9.999999740e-06, s7;
	_ =	sdelay $0x1  }
0x253: {  	v59 =	vmov s7  }
0x254: {  	v60 =	vshrl.u32 v59, $0x1;
	v19 =	vmul.f32 $5.000000000e-01, v59  }
0x255: {  	v22 =	vsub.s32 $0x5F3759DF, v60  }
0x256: {  	v61 =	vmul.f32 v22, v19;
	_ =	sdelay $0x1  }
0x257: {  	v23 =	vmul.f32 v22, v61;
	_ =	sdelay $0x1  }
0x258: {  	v23 =	vsub.f32 $1.500000000e+00, v23;
	_ =	sdelay $0x1  }
0x259: {  	v22 =	vmul.f32 v22, v23;
	_ =	sdelay $0x1  }
0x25a: {  	v23 =	vmul.f32 v22, v19;
	_ =	sdelay $0x1  }
0x25b: {  	(v2sf) =	vpush v12, $0x4;
	v23 =	vmul.f32 v23, v22;
	_ =	sdelay $0x1  }
0x25c: {  	v23 =	vsub.f32 $1.500000000e+00, v23;
	_ =	sdelay $0x1  }
0x25d: {  	v22 =	vmul.f32 v23, v22;
	_ =	sdelay $0x1  }
0x25e: {  	v19 =	vmul.f32 v22, v19;
	_ =	sdelay $0x1  }
0x25f: {  	v19 =	vmul.f32 v19, v22;
	_ =	sdelay $0x1  }
0x260: {  	(v2sf) =	vpush v12, $0x5;
	v19 =	vsub.f32 $1.500000000e+00, v19  }
0x261: {  	v62 =	vmov s6  }
0x262: {  	v17 =	vsub.f32 v17, v62;
	v19 =	vmul.f32 v19, v22  }
0x263: {  	v14 =	vsub.f32 v14, v62  }
0x264: {  	v13 =	vsub.f32 v13, v62;
	v17 =	vmul.f32 v19, v17  }
0x265: {  	v21 =	vsub.f32 v21, v62;
	s6 =	spop (v2sf);
	v14 =	vmul.f32 v19, v14  }
0x266: {  	s18 =	sshra.s32 s6, $0x1F;
	v13 =	vmul.f32 v19, v13;
	v17 =	vmul.f32 v17, v4  }
0x267: {  	(v2sf) =	vpush v12, $0x6;
	s7 =	sshrl.u32 s18, $0x19;
	v19 =	vmul.f32 v19, v21;
	v14 =	vmul.f32 v14, v5  }
0x268: {  	s6 =	sadd.s32 s7, s6;
	v13 =	vmul.f32 v13, v6;
	v17 =	vadd.f32 v17, v8  }
0x269: {  	s6 =	sand.u32 $0xFFFFFF80, s6;
	v19 =	vmul.f32 v19, v7;
	v14 =	vadd.f32 v14, v9  }
0x26a: {  	p0 =	sgt.s32 s6, $0x0;
	v13 =	vadd.f32 v13, v10;
	[tilespmem:v45+s31+$0x0] =	vst.idx.msk $0xffff, v17  }
0x26b: {  	s6 =	simm.s32 @!p0 $0x0;
	v63 =	vadd.f32 v19, v11;
	[tilespmem:v47+s31+$0x0] =	vst.idx.msk $0xffff, v14  }
0x26c: {  	s6 =	smin.u32 s6, $0xF4200;
	[tilespmem:v49+s31+$0x0] =	vst.idx.msk $0xffff, v13  }
0x26d: {  	s6 =	sadd.s32 s1, s6;
	[tilespmem:v20+s31+$0x0] =	vst.idx.msk $0xffff, v63  }
0x26e: {  	[tilespmem:s25], [sflag:$0x2] =	stream.strided.gather [hbm4b:s6+s13], $0x2000, s20, s13, $0x38;
	[tilespmem:$0x18280] =	vst v63  }
0x26f: {  	s6 =	spop (v2sf)  }
0x270: {  	s18 =	sshra.s32 s6, $0x1F  }
0x271: {  	s7 =	sshrl.u32 s18, $0x19  }
0x272: {  	(v2sf) =	vpush v12, $0x7;
	s6 =	sadd.s32 s7, s6  }
0x273: {  	s6 =	sand.u32 $0xFFFFFF80, s6  }
0x274: {  	p0 =	sgt.s32 s6, $0x0  }
0x275: {  	s6 =	simm.s32 @!p0 $0x0  }
0x276: {  	s7 =	spop (v2sf);
	s6 =	smin.u32 s6, $0xF4200  }
0x277: {  	s18 =	sshra.s32 s7, $0x1F;
	s6 =	sadd.s32 s1, s6  }
0x278: {  	[tilespmem:s26], [sflag:$0x2] =	stream.strided.gather [hbm4b:s6+s13], $0x2000, s20, s13, $0x38;
	[tilespmem:$0x18280] =	vst v63  }
0x279: {  	s6 =	sshrl.u32 s18, $0x19  }
0x27a: {  	s6 =	sadd.s32 s6, s7  }
0x27b: {  	s6 =	sand.u32 $0xFFFFFF80, s6  }
0x27c: {  	p0 =	sgt.s32 s6, $0x0  }
0x27d: {  	s6 =	simm.s32 @!p0 $0x0  }
0x27e: {  	s6 =	smin.u32 s6, $0xF4200  }
0x27f: {  	s6 =	sadd.s32 s1, s6  }
0x280: {  	[tilespmem:s28], [sflag:$0x2] =	stream.strided.gather [hbm4b:s6+s13], $0x2000, s20, s13, $0x38;
	[tilespmem:$0x18280] =	vst v63  }
0x281: {  	s6 =	spop (v2sf)  }
0x282: {  	s18 =	sshra.s32 s6, $0x1F  }
0x283: {  	s7 =	sshrl.u32 s18, $0x19  }
0x284: {  	s6 =	sadd.s32 s7, s6  }
0x285: {  	s6 =	sand.u32 $0xFFFFFF80, s6  }
0x286: {  	p0 =	sgt.s32 s6, $0x0  }
0x287: {  	s6 =	simm.s32 @!p0 $0x0;
	p0 =	sne.s32 s17, $0x78  }
.Ltmp0:
0x288: {  	_ = 	snop;
	(pc) =	sbr.rel @p0 .LBB2_2-.Ltmp0, $4  }
0x289: {  	_ = 	snop  }
0x28a: {  	s6 =	smin.u32 s6, $0xF4200  }
0x28b: {  	s3 =	sadd.s32 $0x8, s3;
	s17 =	sadd.s32 $0x8, s17;
	s6 =	sadd.s32 s1, s6  }
0x28c: {  	[tilespmem:s29], [sflag:$0x2] =	stream.strided.gather [hbm4b:s6+s13], $0x2000, s20, s13, $0x38;
	[tilespmem:$0x18280] =	vst v63  }
0x28d: {  	[hbm4b:s9+s13] =	stream.strided.scatter [tilespmem:s31], [sflag:$0x3], $0x2000, s14, s13, $0x38;
	[tilespmem:$0x18280] =	vst v63  }
0x28e: {  	s3 =	simm.s32 $0x80;
	s17 =	simm.s32 $0x88  }
.LBB2_4:
0x28f: {  	v13 =	vld [tilespmem:s17+$0xFFFFFFF8]  }
0x290: {  	v12 =	vld [tilespmem:s17+$0x0];
	_ =	swait.ge [sflag:s30], $0x2000  }
0x291: {  	[sflag:s30] =	ssyncset.done $0x0  }
0x292: {  	[sflag:s30] =	ssyncadd.s32 $0xFFFFE000  }
0x293: {  	_ =	swait.ge [sflag:s30], $0x2000  }
0x294: {  	[sflag:s30] =	ssyncset.done $0x0  }
0x295: {  	[sflag:s30] =	ssyncadd.s32 $0xFFFFE000  }
0x296: {  	_ =	swait.ge [sflag:s30], $0x2000  }
0x297: {  	[sflag:s30] =	ssyncset.done $0x0  }
0x298: {  	[sflag:s30] =	ssyncadd.s32 $0xFFFFE000  }
0x299: {  	_ =	swait.ge [sflag:s30], $0x2000  }
0x29a: {  	(v2sf) =	vpush v13, $0x0;
	_ =	sdelay $0xe  }
0x29b: {  	v14 =	vmov s3;
	s6 =	spop (v2sf)  }
0x29c: {  	v14 =	vand.u32 $0x78, v14;
	s7 =	sshra.s32 s6, $0x1F  }
0x29d: {  	v14 =	vbroadcast v14, $0x0;
	s7 =	sshrl.u32 s7, $0x19  }
0x29e: {  	s7 =	sadd.s32 s7, s6  }
0x29f: {  	v16 =	vor.u32 v0, v14;
	s7 =	sand.u32 $0xFFFFFF80, s7  }
0x2a0: {  	v18 =	vor.u32 v1, v14;
	s6 =	ssub.s32 s6, s7  }
0x2a1: {  	v15 =	vadd.s32 s6, v0  }
0x2a2: {  	[sflag:s30] =	ssyncset.done $0x0;
	v17 =	vadd.s32 s6, v1  }
0x2a3: {  	v20 =	vor.u32 v2, v14;
	[sflag:s30] =	ssyncadd.s32 $0xFFFFE000  }
0x2a4: {  	v21 =	vld.idx.msk [tilespmem:v16+s16+$0x0], $0xffff;
	v19 =	vadd.s32 s6, v2  }
0x2a5: {  	v14 =	vor.u32 v3, v14;
	v23 =	vld.idx.msk [tilespmem:v18+s16+$0x0], $0xffff  }
0x2a6: {  	v22 =	vadd.s32 s6, v3;
	v15 =	vld.idx.msk [tilespmem:v15+s21+$0x0], $0xffff  }
0x2a7: {  	v17 =	vld.idx.msk [tilespmem:v17+s21+$0x0], $0xffff  }
0x2a8: {  	v24 =	vld.idx.msk [tilespmem:v20+s16+$0x0], $0xffff  }
0x2a9: {  	v19 =	vld.idx.msk [tilespmem:v19+s21+$0x0], $0xffff  }
0x2aa: {  	v25 =	vld.idx.msk [tilespmem:v14+s16+$0x0], $0xffff  }
0x2ab: {  	v22 =	vld.idx.msk [tilespmem:v22+s21+$0x0], $0xffff  }
0x2ac: {  	v15 =	vadd.f32 v21, v15;
	v17 =	vadd.f32 v23, v17;
	_ =	sdelay $0x1  }
0x2ad: {  	v19 =	vadd.f32 v24, v19;
	v21 =	vmul.f32 v15, v15;
	v23 =	vmul.f32 v17, v17  }
0x2ae: {  	v45 =	vadd.f32 v17, v15  }
0x2af: {  	v22 =	vadd.f32 v25, v22;
	v46 =	vmul.f32 v19, v19;
	v21 =	vadd.f32 v23, v21  }
0x2b0: {  	v24 =	vadd.f32 v19, v45  }
0x2b1: {  	v47 =	vmul.f32 v22, v22;
	v21 =	vadd.f32 v46, v21  }
0x2b2: {  	v24 =	vadd.f32 v22, v24  }
0x2b3: {  	v21 =	vadd.f32 v47, v21  }
0x2b4: {  	(xrf2) =	vadd.scan.msk.f32 $0xffff, v24  }
0x2b5: {  	(xrf2) =	vadd.scan.msk.f32 $0xffff, v21;
	_ =	sdelay $0x8  }
0x2b6: {  	v48, _, _ =	vpop (xrf2)  }
0x2b7: {  	(v2sf) =	vpush v48, $0xF;
	v49, _, _ =	vpop (xrf2)  }
0x2b8: {  	(v2sf) =	vpush v49, $0xF;
	_ =	sdelay $0xd  }
0x2b9: {  	s7 =	spop (v2sf)  }
0x2ba: {  	s6 =	smul.f32 $1.562500000e-02, s7;
	s18 =	spop (v2sf)  }
0x2bb: {  	s7 =	smul.f32 $1.562500000e-02, s18  }
0x2bc: {  	s18 =	smul.f32 s6, s6;
	_ =	sdelay $0x1  }
0x2bd: {  	s7 =	ssub.f32 s7, s18;
	_ =	sdelay $0x1  }
0x2be: {  	s7 =	sadd.f32 $9.999999740e-06, s7;
	_ =	sdelay $0x1  }
0x2bf: {  	v50 =	vmov s7  }
0x2c0: {  	v51 =	vshrl.u32 v50, $0x1;
	v21 =	vmul.f32 $5.000000000e-01, v50  }
0x2c1: {  	v23 =	vsub.s32 $0x5F3759DF, v51  }
0x2c2: {  	v52 =	vmul.f32 v23, v21;
	_ =	sdelay $0x1  }
0x2c3: {  	v24 =	vmul.f32 v23, v52;
	_ =	sdelay $0x1  }
0x2c4: {  	v24 =	vsub.f32 $1.500000000e+00, v24;
	_ =	sdelay $0x1  }
0x2c5: {  	v23 =	vmul.f32 v23, v24;
	_ =	sdelay $0x1  }
0x2c6: {  	(v2sf) =	vpush v13, $0x1;
	v24 =	vmul.f32 v23, v21;
	_ =	sdelay $0x1  }
0x2c7: {  	v24 =	vmul.f32 v24, v23;
	_ =	sdelay $0x1  }
0x2c8: {  	v24 =	vsub.f32 $1.500000000e+00, v24;
	_ =	sdelay $0x1  }
0x2c9: {  	v23 =	vmul.f32 v24, v23;
	_ =	sdelay $0x1  }
0x2ca: {  	v21 =	vmul.f32 v23, v21;
	_ =	sdelay $0x1  }
0x2cb: {  	v21 =	vmul.f32 v21, v23;
	_ =	sdelay $0x1  }
0x2cc: {  	v21 =	vsub.f32 $1.500000000e+00, v21  }
0x2cd: {  	v53 =	vmov s6  }
0x2ce: {  	v15 =	vsub.f32 v15, v53;
	v21 =	vmul.f32 v21, v23  }
0x2cf: {  	v17 =	vsub.f32 v17, v53;
	s6 =	spop (v2sf)  }
0x2d0: {  	v19 =	vsub.f32 v19, v53;
	s18 =	sshra.s32 s6, $0x1F;
	v15 =	vmul.f32 v21, v15  }
0x2d1: {  	v22 =	vsub.f32 v22, v53;
	s7 =	sshrl.u32 s18, $0x19;
	s18 =	sadd.s32 $0x1, s3;
	v17 =	vmul.f32 v21, v17  }
0x2d2: {  	s7 =	sadd.s32 s7, s6;
	v54 =	vmov s18;
	v19 =	vmul.f32 v21, v19;
	v15 =	vmul.f32 v15, v4  }
0x2d3: {  	s7 =	sand.u32 $0xFFFFFF80, s7;
	v55 =	vand.u32 $0x79, v54;
	v21 =	vmul.f32 v21, v22;
	v17 =	vmul.f32 v17, v5  }
0x2d4: {  	s6 =	ssub.s32 s6, s7;
	v22 =	vbroadcast v55, $0x0;
	v19 =	vmul.f32 v19, v6;
	v15 =	vadd.f32 v15, v8  }
0x2d5: {  	v56 =	vadd.s32 s6, v0;
	v21 =	vmul.f32 v21, v7;
	v17 =	vadd.f32 v17, v9  }
0x2d6: {  	v58 =	vor.u32 v0, v22;
	v57 =	vadd.f32 v19, v10;
	[tilespmem:v16+s4+$0x0] =	vst.idx.msk $0xffff, v15  }
0x2d7: {  	v60 =	vadd.s32 s6, v1;
	v59 =	vadd.f32 v21, v11;
	[tilespmem:v18+s4+$0x0] =	vst.idx.msk $0xffff, v17  }
0x2d8: {  	v61 =	vor.u32 v1, v22;
	[tilespmem:v20+s4+$0x0] =	vst.idx.msk $0xffff, v57  }
0x2d9: {  	v62 =	vadd.s32 s6, v2;
	[tilespmem:v14+s4+$0x0] =	vst.idx.msk $0xffff, v59  }
0x2da: {  	v63 =	vor.u32 v2, v22;
	v17 =	vld.idx.msk [tilespmem:v56+s22+$0x0], $0xffff  }
0x2db: {  	v28 =	vadd.s32 s6, v3;
	v20 =	vld.idx.msk [tilespmem:v58+s16+$0x0], $0xffff  }
0x2dc: {  	v22 =	vor.u32 v3, v22;
	v18 =	vld.idx.msk [tilespmem:v60+s22+$0x0], $0xffff  }
0x2dd: {  	v29 =	vld.idx.msk [tilespmem:v61+s16+$0x0], $0xffff  }
0x2de: {  	v14 =	vld.idx.msk [tilespmem:v62+s22+$0x0], $0xffff  }
0x2df: {  	v30 =	vld.idx.msk [tilespmem:v63+s16+$0x0], $0xffff  }
0x2e0: {  	v21 =	vld.idx.msk [tilespmem:v28+s22+$0x0], $0xffff  }
0x2e1: {  	v31 =	vld.idx.msk [tilespmem:v22+s16+$0x0], $0xffff  }
0x2e2: {  	v17 =	vadd.f32 v20, v17;
	v18 =	vadd.f32 v29, v18;
	_ =	sdelay $0x1  }
0x2e3: {  	v14 =	vadd.f32 v30, v14;
	v20 =	vmul.f32 v17, v17;
	v23 =	vmul.f32 v18, v18  }
0x2e4: {  	v32 =	vadd.f32 v18, v17  }
0x2e5: {  	v21 =	vadd.f32 v31, v21;
	v33 =	vmul.f32 v14, v14;
	v20 =	vadd.f32 v23, v20  }
0x2e6: {  	v24 =	vadd.f32 v14, v32  }
0x2e7: {  	v34 =	vmul.f32 v21, v21;
	v20 =	vadd.f32 v33, v20  }
0x2e8: {  	v24 =	vadd.f32 v21, v24  }
0x2e9: {  	v20 =	vadd.f32 v34, v20  }
0x2ea: {  	(xrf2) =	vadd.scan.msk.f32 $0xffff, v24  }
0x2eb: {  	(xrf2) =	vadd.scan.msk.f32 $0xffff, v20;
	_ =	sdelay $0x8  }
0x2ec: {  	v35, _, _ =	vpop (xrf2)  }
0x2ed: {  	(v2sf) =	vpush v35, $0xF;
	v36, _, _ =	vpop (xrf2)  }
0x2ee: {  	(v2sf) =	vpush v36, $0xF;
	_ =	sdelay $0xd  }
0x2ef: {  	s7 =	spop (v2sf)  }
0x2f0: {  	s6 =	smul.f32 $1.562500000e-02, s7;
	s18 =	spop (v2sf)  }
0x2f1: {  	s7 =	smul.f32 $1.562500000e-02, s18  }
0x2f2: {  	s18 =	smul.f32 s6, s6;
	_ =	sdelay $0x1  }
0x2f3: {  	s7 =	ssub.f32 s7, s18;
	_ =	sdelay $0x1  }
0x2f4: {  	s7 =	sadd.f32 $9.999999740e-06, s7;
	_ =	sdelay $0x1  }
0x2f5: {  	v37 =	vmov s7  }
0x2f6: {  	v38 =	vshrl.u32 v37, $0x1;
	v20 =	vmul.f32 $5.000000000e-01, v37  }
0x2f7: {  	v23 =	vsub.s32 $0x5F3759DF, v38  }
0x2f8: {  	v39 =	vmul.f32 v23, v20;
	_ =	sdelay $0x1  }
0x2f9: {  	v24 =	vmul.f32 v23, v39;
	_ =	sdelay $0x1  }
0x2fa: {  	v24 =	vsub.f32 $1.500000000e+00, v24;
	_ =	sdelay $0x1  }
0x2fb: {  	v23 =	vmul.f32 v23, v24;
	_ =	sdelay $0x1  }
0x2fc: {  	(v2sf) =	vpush v13, $0x2;
	v24 =	vmul.f32 v23, v20;
	_ =	sdelay $0x1  }
0x2fd: {  	v24 =	vmul.f32 v24, v23;
	_ =	sdelay $0x1  }
0x2fe: {  	v24 =	vsub.f32 $1.500000000e+00, v24;
	_ =	sdelay $0x1  }
0x2ff: {  	v23 =	vmul.f32 v24, v23;
	_ =	sdelay $0x1  }
0x300: {  	v20 =	vmul.f32 v23, v20;
	_ =	sdelay $0x1  }
0x301: {  	v20 =	vmul.f32 v20, v23;
	_ =	sdelay $0x1  }
0x302: {  	v20 =	vsub.f32 $1.500000000e+00, v20  }
0x303: {  	v40 =	vmov s6  }
0x304: {  	v17 =	vsub.f32 v17, v40;
	v20 =	vmul.f32 v20, v23  }
0x305: {  	v18 =	vsub.f32 v18, v40;
	s6 =	spop (v2sf)  }
0x306: {  	v14 =	vsub.f32 v14, v40;
	s18 =	sshra.s32 s6, $0x1F;
	v17 =	vmul.f32 v20, v17  }
0x307: {  	v21 =	vsub.f32 v21, v40;
	s7 =	sshrl.u32 s18, $0x19;
	s18 =	sadd.s32 $0x2, s3;
	v18 =	vmul.f32 v20, v18  }
0x308: {  	s7 =	sadd.s32 s7, s6;
	v41 =	vmov s18;
	v14 =	vmul.f32 v20, v14;
	v17 =	vmul.f32 v17, v4  }
0x309: {  	s7 =	sand.u32 $0xFFFFFF80, s7;
	v42 =	vand.u32 $0x7A, v41;
	v20 =	vmul.f32 v20, v21;
	v18 =	vmul.f32 v18, v5  }
0x30a: {  	s6 =	ssub.s32 s6, s7;
	v21 =	vbroadcast v42, $0x0;
	v14 =	vmul.f32 v14, v6;
	v17 =	vadd.f32 v17, v8  }
0x30b: {  	v43 =	vadd.s32 s6, v0;
	v20 =	vmul.f32 v20, v7;
	v18 =	vadd.f32 v18, v9  }
0x30c: {  	v44 =	vor.u32 v0, v21;
	v14 =	vadd.f32 v14, v10;
	[tilespmem:v58+s4+$0x0] =	vst.idx.msk $0xffff, v17  }
0x30d: {  	v46 =	vadd.s32 s6, v1;
	v45 =	vadd.f32 v20, v11;
	[tilespmem:v61+s4+$0x0] =	vst.idx.msk $0xffff, v18  }
0x30e: {  	v47 =	vor.u32 v1, v21;
	[tilespmem:v63+s4+$0x0] =	vst.idx.msk $0xffff, v14  }
0x30f: {  	v48 =	vadd.s32 s6, v2;
	[tilespmem:v22+s4+$0x0] =	vst.idx.msk $0xffff, v45  }
0x310: {  	v49 =	vor.u32 v2, v21;
	v18 =	vld.idx.msk [tilespmem:v43+s23+$0x0], $0xffff  }
0x311: {  	v51 =	vadd.s32 s6, v3;
	v50 =	vld.idx.msk [tilespmem:v44+s16+$0x0], $0xffff  }
0x312: {  	v21 =	vor.u32 v3, v21;
	v17 =	vld.idx.msk [tilespmem:v46+s23+$0x0], $0xffff  }
0x313: {  	v52 =	vld.idx.msk [tilespmem:v47+s16+$0x0], $0xffff  }
0x314: {  	v15 =	vld.idx.msk [tilespmem:v48+s23+$0x0], $0xffff  }
0x315: {  	v53 =	vld.idx.msk [tilespmem:v49+s16+$0x0], $0xffff  }
0x316: {  	v22 =	vld.idx.msk [tilespmem:v51+s23+$0x0], $0xffff  }
0x317: {  	v54 =	vld.idx.msk [tilespmem:v21+s16+$0x0], $0xffff  }
0x318: {  	v18 =	vadd.f32 v50, v18;
	v17 =	vadd.f32 v52, v17;
	_ =	sdelay $0x1  }
0x319: {  	v15 =	vadd.f32 v53, v15;
	v20 =	vmul.f32 v18, v18;
	v23 =	vmul.f32 v17, v17  }
0x31a: {  	v55 =	vadd.f32 v17, v18  }
0x31b: {  	v22 =	vadd.f32 v54, v22;
	v56 =	vmul.f32 v15, v15;
	v20 =	vadd.f32 v23, v20  }
0x31c: {  	v24 =	vadd.f32 v15, v55  }
0x31d: {  	v57 =	vmul.f32 v22, v22;
	v20 =	vadd.f32 v56, v20  }
0x31e: {  	v24 =	vadd.f32 v22, v24  }
0x31f: {  	v20 =	vadd.f32 v57, v20  }
0x320: {  	(xrf2) =	vadd.scan.msk.f32 $0xffff, v24  }
0x321: {  	(xrf2) =	vadd.scan.msk.f32 $0xffff, v20;
	_ =	sdelay $0x8  }
0x322: {  	v58, _, _ =	vpop (xrf2)  }
0x323: {  	(v2sf) =	vpush v58, $0xF;
	v59, _, _ =	vpop (xrf2)  }
0x324: {  	(v2sf) =	vpush v59, $0xF;
	_ =	sdelay $0xd  }
0x325: {  	s7 =	spop (v2sf)  }
0x326: {  	s6 =	smul.f32 $1.562500000e-02, s7;
	s18 =	spop (v2sf)  }
0x327: {  	s7 =	smul.f32 $1.562500000e-02, s18  }
0x328: {  	s18 =	smul.f32 s6, s6;
	_ =	sdelay $0x1  }
0x329: {  	s7 =	ssub.f32 s7, s18;
	_ =	sdelay $0x1  }
0x32a: {  	s7 =	sadd.f32 $9.999999740e-06, s7;
	_ =	sdelay $0x1  }
0x32b: {  	v60 =	vmov s7  }
0x32c: {  	v61 =	vshrl.u32 v60, $0x1;
	v20 =	vmul.f32 $5.000000000e-01, v60  }
0x32d: {  	v23 =	vsub.s32 $0x5F3759DF, v61  }
0x32e: {  	v62 =	vmul.f32 v23, v20;
	_ =	sdelay $0x1  }
0x32f: {  	v24 =	vmul.f32 v23, v62;
	_ =	sdelay $0x1  }
0x330: {  	v24 =	vsub.f32 $1.500000000e+00, v24;
	_ =	sdelay $0x1  }
0x331: {  	v23 =	vmul.f32 v23, v24;
	_ =	sdelay $0x1  }
0x332: {  	(v2sf) =	vpush v13, $0x3;
	v24 =	vmul.f32 v23, v20;
	_ =	sdelay $0x1  }
0x333: {  	v24 =	vmul.f32 v24, v23;
	_ =	sdelay $0x1  }
0x334: {  	v24 =	vsub.f32 $1.500000000e+00, v24;
	_ =	sdelay $0x1  }
0x335: {  	v23 =	vmul.f32 v24, v23;
	_ =	sdelay $0x1  }
0x336: {  	v20 =	vmul.f32 v23, v20;
	_ =	sdelay $0x1  }
0x337: {  	v20 =	vmul.f32 v20, v23;
	_ =	sdelay $0x1  }
0x338: {  	v20 =	vsub.f32 $1.500000000e+00, v20  }
0x339: {  	v63 =	vmov s6  }
0x33a: {  	v18 =	vsub.f32 v18, v63;
	v20 =	vmul.f32 v20, v23  }
0x33b: {  	v17 =	vsub.f32 v17, v63;
	s6 =	spop (v2sf)  }
0x33c: {  	v15 =	vsub.f32 v15, v63;
	s18 =	sshra.s32 s6, $0x1F;
	v18 =	vmul.f32 v20, v18  }
0x33d: {  	v22 =	vsub.f32 v22, v63;
	s7 =	sshrl.u32 s18, $0x19;
	s18 =	sadd.s32 $0x3, s3;
	v17 =	vmul.f32 v20, v17  }
0x33e: {  	s7 =	sadd.s32 s7, s6;
	v25 =	vmov s18;
	v15 =	vmul.f32 v20, v15;
	v18 =	vmul.f32 v18, v4  }
0x33f: {  	s7 =	sand.u32 $0xFFFFFF80, s7;
	v26 =	vand.u32 $0x7B, v25;
	v20 =	vmul.f32 v20, v22;
	v17 =	vmul.f32 v17, v5  }
0x340: {  	s6 =	ssub.s32 s6, s7;
	v22 =	vbroadcast v26, $0x0;
	v15 =	vmul.f32 v15, v6;
	v18 =	vadd.f32 v18, v8  }
0x341: {  	v27 =	vadd.s32 s6, v0;
	v20 =	vmul.f32 v20, v7;
	v17 =	vadd.f32 v17, v9  }
0x342: {  	v28 =	vor.u32 v0, v22;
	v15 =	vadd.f32 v15, v10;
	[tilespmem:v44+s4+$0x0] =	vst.idx.msk $0xffff, v18  }
0x343: {  	v30 =	vadd.s32 s6, v1;
	v29 =	vadd.f32 v20, v11;
	[tilespmem:v47+s4+$0x0] =	vst.idx.msk $0xffff, v17  }
0x344: {  	v31 =	vor.u32 v1, v22;
	[tilespmem:v49+s4+$0x0] =	vst.idx.msk $0xffff, v15  }
0x345: {  	v32 =	vadd.s32 s6, v2;
	[tilespmem:v21+s4+$0x0] =	vst.idx.msk $0xffff, v29  }
0x346: {  	v33 =	vor.u32 v2, v22;
	v18 =	vld.idx.msk [tilespmem:v27+s24+$0x0], $0xffff  }
0x347: {  	v35 =	vadd.s32 s6, v3;
	v34 =	vld.idx.msk [tilespmem:v28+s16+$0x0], $0xffff  }
0x348: {  	v22 =	vor.u32 v3, v22;
	v17 =	vld.idx.msk [tilespmem:v30+s24+$0x0], $0xffff  }
0x349: {  	v36 =	vld.idx.msk [tilespmem:v31+s16+$0x0], $0xffff  }
0x34a: {  	v14 =	vld.idx.msk [tilespmem:v32+s24+$0x0], $0xffff  }
0x34b: {  	v37 =	vld.idx.msk [tilespmem:v33+s16+$0x0], $0xffff  }
0x34c: {  	v21 =	vld.idx.msk [tilespmem:v35+s24+$0x0], $0xffff  }
0x34d: {  	v38 =	vld.idx.msk [tilespmem:v22+s16+$0x0], $0xffff  }
0x34e: {  	v18 =	vadd.f32 v34, v18;
	v17 =	vadd.f32 v36, v17;
	_ =	sdelay $0x1  }
0x34f: {  	v14 =	vadd.f32 v37, v14;
	v20 =	vmul.f32 v18, v18;
	v23 =	vmul.f32 v17, v17  }
0x350: {  	v39 =	vadd.f32 v17, v18  }
0x351: {  	v21 =	vadd.f32 v38, v21;
	v40 =	vmul.f32 v14, v14;
	v20 =	vadd.f32 v23, v20  }
0x352: {  	v24 =	vadd.f32 v14, v39  }
0x353: {  	v41 =	vmul.f32 v21, v21;
	v20 =	vadd.f32 v40, v20  }
0x354: {  	v24 =	vadd.f32 v21, v24  }
0x355: {  	v20 =	vadd.f32 v41, v20  }
0x356: {  	(xrf2) =	vadd.scan.msk.f32 $0xffff, v24  }
0x357: {  	(xrf2) =	vadd.scan.msk.f32 $0xffff, v20;
	_ =	sdelay $0x8  }
0x358: {  	v42, _, _ =	vpop (xrf2)  }
0x359: {  	(v2sf) =	vpush v42, $0xF;
	v43, _, _ =	vpop (xrf2)  }
0x35a: {  	(v2sf) =	vpush v43, $0xF;
	_ =	sdelay $0xd  }
0x35b: {  	s7 =	spop (v2sf)  }
0x35c: {  	s6 =	smul.f32 $1.562500000e-02, s7;
	s18 =	spop (v2sf)  }
0x35d: {  	s7 =	smul.f32 $1.562500000e-02, s18  }
0x35e: {  	s18 =	smul.f32 s6, s6;
	_ =	sdelay $0x1  }
0x35f: {  	s7 =	ssub.f32 s7, s18;
	_ =	sdelay $0x1  }
0x360: {  	s7 =	sadd.f32 $9.999999740e-06, s7;
	_ =	sdelay $0x1  }
0x361: {  	v44 =	vmov s7  }
0x362: {  	v45 =	vshrl.u32 v44, $0x1;
	v20 =	vmul.f32 $5.000000000e-01, v44  }
0x363: {  	v23 =	vsub.s32 $0x5F3759DF, v45  }
0x364: {  	v46 =	vmul.f32 v23, v20;
	_ =	sdelay $0x1  }
0x365: {  	v24 =	vmul.f32 v23, v46;
	_ =	sdelay $0x1  }
0x366: {  	v24 =	vsub.f32 $1.500000000e+00, v24;
	_ =	sdelay $0x1  }
0x367: {  	v23 =	vmul.f32 v23, v24;
	_ =	sdelay $0x1  }
0x368: {  	v24 =	vmul.f32 v23, v20;
	_ =	sdelay $0x1  }
0x369: {  	(v2sf) =	vpush v12, $0x0;
	v24 =	vmul.f32 v24, v23;
	_ =	sdelay $0x1  }
0x36a: {  	v24 =	vsub.f32 $1.500000000e+00, v24;
	_ =	sdelay $0x1  }
0x36b: {  	v23 =	vmul.f32 v24, v23;
	_ =	sdelay $0x1  }
0x36c: {  	v20 =	vmul.f32 v23, v20;
	_ =	sdelay $0x1  }
0x36d: {  	v20 =	vmul.f32 v20, v23;
	_ =	sdelay $0x1  }
0x36e: {  	(v2sf) =	vpush v12, $0x1;
	v20 =	vsub.f32 $1.500000000e+00, v20  }
0x36f: {  	v47 =	vmov s6  }
0x370: {  	v18 =	vsub.f32 v18, v47;
	v20 =	vmul.f32 v20, v23  }
0x371: {  	v17 =	vsub.f32 v17, v47  }
0x372: {  	v14 =	vsub.f32 v14, v47;
	v18 =	vmul.f32 v20, v18  }
0x373: {  	v21 =	vsub.f32 v21, v47;
	s6 =	spop (v2sf);
	v17 =	vmul.f32 v20, v17  }
0x374: {  	s18 =	sshra.s32 s6, $0x1F;
	v14 =	vmul.f32 v20, v14;
	v18 =	vmul.f32 v18, v4  }
0x375: {  	s7 =	sshrl.u32 s18, $0x19;
	v20 =	vmul.f32 v20, v21;
	v17 =	vmul.f32 v17, v5  }
0x376: {  	s6 =	sadd.s32 s7, s6;
	v14 =	vmul.f32 v14, v6;
	v18 =	vadd.f32 v18, v8  }
0x377: {  	s6 =	sand.u32 $0xFFFFFF80, s6;
	v20 =	vmul.f32 v20, v7;
	v17 =	vadd.f32 v17, v9  }
0x378: {  	(v2sf) =	vpush v12, $0x2;
	p0 =	sgt.s32 s6, $0x0;
	v14 =	vadd.f32 v14, v10;
	[tilespmem:v28+s4+$0x0] =	vst.idx.msk $0xffff, v18  }
0x379: {  	s6 =	simm.s32 @!p0 $0x0;
	v48 =	vadd.f32 v20, v11;
	[tilespmem:v31+s4+$0x0] =	vst.idx.msk $0xffff, v17  }
0x37a: {  	s6 =	smin.u32 s6, $0xF4200;
	[tilespmem:v33+s4+$0x0] =	vst.idx.msk $0xffff, v14  }
0x37b: {  	s6 =	sadd.s32 s1, s6;
	[tilespmem:v22+s4+$0x0] =	vst.idx.msk $0xffff, v48  }
0x37c: {  	[tilespmem:s21], [sflag:$0x1] =	stream.strided.gather [hbm4b:s6+s13], $0x2000, s20, s13, $0x38;
	[tilespmem:$0x18280] =	vst v63  }
0x37d: {  	s6 =	spop (v2sf)  }
0x37e: {  	s18 =	sshra.s32 s6, $0x1F  }
0x37f: {  	s7 =	sshrl.u32 s18, $0x19  }
0x380: {  	s6 =	sadd.s32 s7, s6  }
0x381: {  	s6 =	sand.u32 $0xFFFFFF80, s6  }
0x382: {  	(v2sf) =	vpush v12, $0x3;
	p0 =	sgt.s32 s6, $0x0  }
0x383: {  	s6 =	simm.s32 @!p0 $0x0  }
0x384: {  	s6 =	smin.u32 s6, $0xF4200  }
0x385: {  	s6 =	sadd.s32 s1, s6  }
0x386: {  	[tilespmem:s22], [sflag:$0x1] =	stream.strided.gather [hbm4b:s6+s13], $0x2000, s20, s13, $0x38;
	[tilespmem:$0x18280] =	vst v63  }
0x387: {  	s6 =	spop (v2sf)  }
0x388: {  	s18 =	sshra.s32 s6, $0x1F  }
0x389: {  	s7 =	sshrl.u32 s18, $0x19  }
0x38a: {  	s6 =	sadd.s32 s7, s6  }
0x38b: {  	s6 =	sand.u32 $0xFFFFFF80, s6  }
0x38c: {  	p0 =	sgt.s32 s6, $0x0  }
0x38d: {  	s6 =	simm.s32 @!p0 $0x0  }
0x38e: {  	s6 =	smin.u32 s6, $0xF4200  }
0x38f: {  	s6 =	sadd.s32 s1, s6  }
0x390: {  	[tilespmem:s23], [sflag:$0x1] =	stream.strided.gather [hbm4b:s6+s13], $0x2000, s20, s13, $0x38;
	[tilespmem:$0x18280] =	vst v63  }
0x391: {  	s6 =	spop (v2sf)  }
0x392: {  	s18 =	sshra.s32 s6, $0x1F  }
0x393: {  	s7 =	sshrl.u32 s18, $0x19  }
0x394: {  	s6 =	sadd.s32 s7, s6  }
0x395: {  	s6 =	sand.u32 $0xFFFFFF80, s6  }
0x396: {  	p0 =	sgt.s32 s6, $0x0  }
0x397: {  	s6 =	simm.s32 @!p0 $0x0  }
0x398: {  	s6 =	smin.u32 s6, $0xF4200  }
0x399: {  	s6 =	sadd.s32 s1, s6  }
0x39a: {  	[tilespmem:s24], [sflag:$0x1] =	stream.strided.gather [hbm4b:s6+s13], $0x2000, s20, s13, $0x38;
	[tilespmem:$0x18280] =	vst v63  }
0x39b: {  	_ =	swait.ge [sflag:s0], $0x2000  }
0x39c: {  	[sflag:s0] =	ssyncset.done $0x0  }
0x39d: {  	[sflag:s0] =	ssyncadd.s32 $0xFFFFE000  }
0x39e: {  	_ =	swait.ge [sflag:s0], $0x2000  }
0x39f: {  	[sflag:s0] =	ssyncset.done $0x0  }
0x3a0: {  	[sflag:s0] =	ssyncadd.s32 $0xFFFFE000  }
0x3a1: {  	_ =	swait.ge [sflag:s0], $0x2000  }
0x3a2: {  	[sflag:s0] =	ssyncset.done $0x0  }
0x3a3: {  	[sflag:s0] =	ssyncadd.s32 $0xFFFFE000  }
0x3a4: {  	_ =	swait.ge [sflag:s0], $0x2000  }
0x3a5: {  	(v2sf) =	vpush v13, $0x4;
	_ =	sdelay $0xe  }
0x3a6: {  	s6 =	spop (v2sf)  }
0x3a7: {  	s18 =	sshra.s32 s6, $0x1F  }
0x3a8: {  	s7 =	sshrl.u32 s18, $0x19  }
0x3a9: {  	s18 =	sadd.s32 $0x4, s3;
	s7 =	sadd.s32 s7, s6  }
0x3aa: {  	v49 =	vmov s18;
	s7 =	sand.u32 $0xFFFFFF80, s7  }
0x3ab: {  	v14 =	vand.u32 $0x7C, v49;
	s6 =	ssub.s32 s6, s7  }
0x3ac: {  	v14 =	vbroadcast v14, $0x0;
	v50 =	vadd.s32 s6, v0  }
0x3ad: {  	v52 =	vadd.s32 s6, v1  }
0x3ae: {  	v51 =	vor.u32 v0, v14  }
0x3af: {  	[sflag:s0] =	ssyncset.done $0x0;
	v53 =	vor.u32 v1, v14  }
0x3b0: {  	[sflag:s0] =	ssyncadd.s32 $0xFFFFE000;
	v54 =	vadd.s32 s6, v2  }
0x3b1: {  	v55 =	vor.u32 v2, v14;
	v15 =	vld.idx.msk [tilespmem:v50+s25+$0x0], $0xffff  }
0x3b2: {  	v57 =	vadd.s32 s6, v3;
	v17 =	vld.idx.msk [tilespmem:v52+s25+$0x0], $0xffff  }
0x3b3: {  	v14 =	vor.u32 v3, v14;
	v56 =	vld.idx.msk [tilespmem:v51+s16+$0x0], $0xffff  }
0x3b4: {  	v58 =	vld.idx.msk [tilespmem:v53+s16+$0x0], $0xffff  }
0x3b5: {  	v19 =	vld.idx.msk [tilespmem:v54+s25+$0x0], $0xffff  }
0x3b6: {  	v59 =	vld.idx.msk [tilespmem:v55+s16+$0x0], $0xffff  }
0x3b7: {  	v22 =	vld.idx.msk [tilespmem:v57+s25+$0x0], $0xffff  }
0x3b8: {  	v60 =	vld.idx.msk [tilespmem:v14+s16+$0x0], $0xffff  }
0x3b9: {  	v15 =	vadd.f32 v56, v15;
	v17 =	vadd.f32 v58, v17;
	_ =	sdelay $0x1  }
0x3ba: {  	v19 =	vadd.f32 v59, v19;
	v21 =	vmul.f32 v15, v15;
	v23 =	vmul.f32 v17, v17  }
0x3bb: {  	v61 =	vadd.f32 v17, v15  }
0x3bc: {  	v22 =	vadd.f32 v60, v22;
	v62 =	vmul.f32 v19, v19;
	v21 =	vadd.f32 v23, v21  }
0x3bd: {  	v24 =	vadd.f32 v19, v61  }
0x3be: {  	v63 =	vmul.f32 v22, v22;
	v21 =	vadd.f32 v62, v21  }
0x3bf: {  	v24 =	vadd.f32 v22, v24  }
0x3c0: {  	v21 =	vadd.f32 v63, v21  }
0x3c1: {  	(xrf2) =	vadd.scan.msk.f32 $0xffff, v24  }
0x3c2: {  	(xrf2) =	vadd.scan.msk.f32 $0xffff, v21;
	_ =	sdelay $0x8  }
0x3c3: {  	v24, _, _ =	vpop (xrf2)  }
0x3c4: {  	(v2sf) =	vpush v24, $0xF;
	v25, _, _ =	vpop (xrf2)  }
0x3c5: {  	(v2sf) =	vpush v25, $0xF;
	_ =	sdelay $0xd  }
0x3c6: {  	s7 =	spop (v2sf)  }
0x3c7: {  	s6 =	smul.f32 $1.562500000e-02, s7;
	s18 =	spop (v2sf)  }
0x3c8: {  	s7 =	smul.f32 $1.562500000e-02, s18  }
0x3c9: {  	s18 =	smul.f32 s6, s6;
	_ =	sdelay $0x1  }
0x3ca: {  	s7 =	ssub.f32 s7, s18;
	_ =	sdelay $0x1  }
0x3cb: {  	s7 =	sadd.f32 $9.999999740e-06, s7;
	_ =	sdelay $0x1  }
0x3cc: {  	v26 =	vmov s7  }
0x3cd: {  	v27 =	vshrl.u32 v26, $0x1;
	v21 =	vmul.f32 $5.000000000e-01, v26  }
0x3ce: {  	v23 =	vsub.s32 $0x5F3759DF, v27  }
0x3cf: {  	v28 =	vmul.f32 v23, v21;
	_ =	sdelay $0x1  }
0x3d0: {  	v24 =	vmul.f32 v23, v28;
	_ =	sdelay $0x1  }
0x3d1: {  	v24 =	vsub.f32 $1.500000000e+00, v24;
	_ =	sdelay $0x1  }
0x3d2: {  	v23 =	vmul.f32 v23, v24;
	_ =	sdelay $0x1  }
0x3d3: {  	(v2sf) =	vpush v13, $0x5;
	v24 =	vmul.f32 v23, v21;
	_ =	sdelay $0x1  }
0x3d4: {  	v24 =	vmul.f32 v24, v23;
	_ =	sdelay $0x1  }
0x3d5: {  	v24 =	vsub.f32 $1.500000000e+00, v24;
	_ =	sdelay $0x1  }
0x3d6: {  	v23 =	vmul.f32 v24, v23;
	_ =	sdelay $0x1  }
0x3d7: {  	v21 =	vmul.f32 v23, v21;
	_ =	sdelay $0x1  }
0x3d8: {  	v21 =	vmul.f32 v21, v23;
	_ =	sdelay $0x1  }
0x3d9: {  	v21 =	vsub.f32 $1.500000000e+00, v21  }
0x3da: {  	v29 =	vmov s6  }
0x3db: {  	v15 =	vsub.f32 v15, v29;
	v21 =	vmul.f32 v21, v23  }
0x3dc: {  	v17 =	vsub.f32 v17, v29;
	s6 =	spop (v2sf)  }
0x3dd: {  	v19 =	vsub.f32 v19, v29;
	s18 =	sshra.s32 s6, $0x1F;
	v15 =	vmul.f32 v21, v15  }
0x3de: {  	v22 =	vsub.f32 v22, v29;
	s7 =	sshrl.u32 s18, $0x19;
	s18 =	sadd.s32 $0x5, s3;
	v17 =	vmul.f32 v21, v17  }
0x3df: {  	s7 =	sadd.s32 s7, s6;
	v30 =	vmov s18;
	v19 =	vmul.f32 v21, v19;
	v15 =	vmul.f32 v15, v4  }
0x3e0: {  	s7 =	sand.u32 $0xFFFFFF80, s7;
	v31 =	vand.u32 $0x7D, v30;
	v21 =	vmul.f32 v21, v22;
	v17 =	vmul.f32 v17, v5  }
0x3e1: {  	s6 =	ssub.s32 s6, s7;
	v22 =	vbroadcast v31, $0x0;
	v19 =	vmul.f32 v19, v6;
	v15 =	vadd.f32 v15, v8  }
0x3e2: {  	v32 =	vadd.s32 s6, v0;
	v21 =	vmul.f32 v21, v7;
	v17 =	vadd.f32 v17, v9  }
0x3e3: {  	v34 =	vor.u32 v0, v22;
	v33 =	vadd.f32 v19, v10;
	[tilespmem:v51+s4+$0x0] =	vst.idx.msk $0xffff, v15  }
0x3e4: {  	v36 =	vadd.s32 s6, v1;
	v35 =	vadd.f32 v21, v11;
	[tilespmem:v53+s4+$0x0] =	vst.idx.msk $0xffff, v17  }
0x3e5: {  	v37 =	vor.u32 v1, v22;
	[tilespmem:v55+s4+$0x0] =	vst.idx.msk $0xffff, v33  }
0x3e6: {  	v38 =	vadd.s32 s6, v2;
	[tilespmem:v14+s4+$0x0] =	vst.idx.msk $0xffff, v35  }
0x3e7: {  	v39 =	vor.u32 v2, v22;
	v17 =	vld.idx.msk [tilespmem:v32+s26+$0x0], $0xffff  }
0x3e8: {  	v40 =	vadd.s32 s6, v3;
	v20 =	vld.idx.msk [tilespmem:v34+s16+$0x0], $0xffff  }
0x3e9: {  	v22 =	vor.u32 v3, v22;
	v18 =	vld.idx.msk [tilespmem:v36+s26+$0x0], $0xffff  }
0x3ea: {  	v41 =	vld.idx.msk [tilespmem:v37+s16+$0x0], $0xffff  }
0x3eb: {  	v14 =	vld.idx.msk [tilespmem:v38+s26+$0x0], $0xffff  }
0x3ec: {  	v42 =	vld.idx.msk [tilespmem:v39+s16+$0x0], $0xffff  }
0x3ed: {  	v21 =	vld.idx.msk [tilespmem:v40+s26+$0x0], $0xffff  }
0x3ee: {  	v43 =	vld.idx.msk [tilespmem:v22+s16+$0x0], $0xffff  }
0x3ef: {  	v17 =	vadd.f32 v20, v17;
	v18 =	vadd.f32 v41, v18;
	_ =	sdelay $0x1  }
0x3f0: {  	v14 =	vadd.f32 v42, v14;
	v20 =	vmul.f32 v17, v17;
	v23 =	vmul.f32 v18, v18  }
0x3f1: {  	v44 =	vadd.f32 v18, v17  }
0x3f2: {  	v21 =	vadd.f32 v43, v21;
	v45 =	vmul.f32 v14, v14;
	v20 =	vadd.f32 v23, v20  }
0x3f3: {  	v24 =	vadd.f32 v14, v44  }
0x3f4: {  	v46 =	vmul.f32 v21, v21;
	v20 =	vadd.f32 v45, v20  }
0x3f5: {  	v24 =	vadd.f32 v21, v24  }
0x3f6: {  	v20 =	vadd.f32 v46, v20  }
0x3f7: {  	(xrf2) =	vadd.scan.msk.f32 $0xffff, v24  }
0x3f8: {  	(xrf2) =	vadd.scan.msk.f32 $0xffff, v20;
	_ =	sdelay $0x8  }
0x3f9: {  	v47, _, _ =	vpop (xrf2)  }
0x3fa: {  	(v2sf) =	vpush v47, $0xF;
	v48, _, _ =	vpop (xrf2)  }
0x3fb: {  	(v2sf) =	vpush v48, $0xF;
	_ =	sdelay $0xd  }
0x3fc: {  	s7 =	spop (v2sf)  }
0x3fd: {  	s6 =	smul.f32 $1.562500000e-02, s7;
	s18 =	spop (v2sf)  }
0x3fe: {  	s7 =	smul.f32 $1.562500000e-02, s18  }
0x3ff: {  	s18 =	smul.f32 s6, s6;
	_ =	sdelay $0x1  }
0x400: {  	s7 =	ssub.f32 s7, s18;
	_ =	sdelay $0x1  }
0x401: {  	s7 =	sadd.f32 $9.999999740e-06, s7;
	_ =	sdelay $0x1  }
0x402: {  	v49 =	vmov s7  }
0x403: {  	v50 =	vshrl.u32 v49, $0x1;
	v20 =	vmul.f32 $5.000000000e-01, v49  }
0x404: {  	v23 =	vsub.s32 $0x5F3759DF, v50  }
0x405: {  	v51 =	vmul.f32 v23, v20;
	_ =	sdelay $0x1  }
0x406: {  	v24 =	vmul.f32 v23, v51;
	_ =	sdelay $0x1  }
0x407: {  	v24 =	vsub.f32 $1.500000000e+00, v24;
	_ =	sdelay $0x1  }
0x408: {  	v23 =	vmul.f32 v23, v24;
	_ =	sdelay $0x1  }
0x409: {  	(v2sf) =	vpush v13, $0x6;
	v24 =	vmul.f32 v23, v20;
	_ =	sdelay $0x1  }
0x40a: {  	v24 =	vmul.f32 v24, v23;
	_ =	sdelay $0x1  }
0x40b: {  	v24 =	vsub.f32 $1.500000000e+00, v24;
	_ =	sdelay $0x1  }
0x40c: {  	v23 =	vmul.f32 v24, v23;
	_ =	sdelay $0x1  }
0x40d: {  	v20 =	vmul.f32 v23, v20;
	_ =	sdelay $0x1  }
0x40e: {  	v20 =	vmul.f32 v20, v23;
	_ =	sdelay $0x1  }
0x40f: {  	v20 =	vsub.f32 $1.500000000e+00, v20  }
0x410: {  	v52 =	vmov s6  }
0x411: {  	v17 =	vsub.f32 v17, v52;
	v20 =	vmul.f32 v20, v23  }
0x412: {  	v18 =	vsub.f32 v18, v52;
	s6 =	spop (v2sf)  }
0x413: {  	v14 =	vsub.f32 v14, v52;
	s18 =	sshra.s32 s6, $0x1F;
	v17 =	vmul.f32 v20, v17  }
0x414: {  	v21 =	vsub.f32 v21, v52;
	s7 =	sshrl.u32 s18, $0x19;
	s18 =	sadd.s32 $0x6, s3;
	v18 =	vmul.f32 v20, v18  }
0x415: {  	s7 =	sadd.s32 s7, s6;
	v53 =	vmov s18;
	v14 =	vmul.f32 v20, v14;
	v17 =	vmul.f32 v17, v4  }
0x416: {  	s7 =	sand.u32 $0xFFFFFF80, s7;
	v54 =	vand.u32 $0x7E, v53;
	v20 =	vmul.f32 v20, v21;
	v18 =	vmul.f32 v18, v5  }
0x417: {  	s6 =	ssub.s32 s6, s7;
	v21 =	vbroadcast v54, $0x0;
	v14 =	vmul.f32 v14, v6;
	v17 =	vadd.f32 v17, v8  }
0x418: {  	v55 =	vadd.s32 s6, v0;
	v20 =	vmul.f32 v20, v7;
	v18 =	vadd.f32 v18, v9  }
0x419: {  	v56 =	vor.u32 v0, v21;
	v14 =	vadd.f32 v14, v10;
	[tilespmem:v34+s4+$0x0] =	vst.idx.msk $0xffff, v17  }
0x41a: {  	v58 =	vadd.s32 s6, v1;
	v57 =	vadd.f32 v20, v11;
	[tilespmem:v37+s4+$0x0] =	vst.idx.msk $0xffff, v18  }
0x41b: {  	v59 =	vor.u32 v1, v21;
	[tilespmem:v39+s4+$0x0] =	vst.idx.msk $0xffff, v14  }
0x41c: {  	v60 =	vadd.s32 s6, v2;
	[tilespmem:v22+s4+$0x0] =	vst.idx.msk $0xffff, v57  }
0x41d: {  	v61 =	vor.u32 v2, v21;
	v18 =	vld.idx.msk [tilespmem:v55+s28+$0x0], $0xffff  }
0x41e: {  	v63 =	vadd.s32 s6, v3;
	v62 =	vld.idx.msk [tilespmem:v56+s16+$0x0], $0xffff  }
0x41f: {  	v21 =	vor.u32 v3, v21;
	v17 =	vld.idx.msk [tilespmem:v58+s28+$0x0], $0xffff  }
0x420: {  	v28 =	vld.idx.msk [tilespmem:v59+s16+$0x0], $0xffff  }
0x421: {  	v15 =	vld.idx.msk [tilespmem:v60+s28+$0x0], $0xffff  }
0x422: {  	v29 =	vld.idx.msk [tilespmem:v61+s16+$0x0], $0xffff  }
0x423: {  	v22 =	vld.idx.msk [tilespmem:v63+s28+$0x0], $0xffff  }
0x424: {  	v30 =	vld.idx.msk [tilespmem:v21+s16+$0x0], $0xffff  }
0x425: {  	v18 =	vadd.f32 v62, v18;
	v17 =	vadd.f32 v28, v17;
	_ =	sdelay $0x1  }
0x426: {  	v15 =	vadd.f32 v29, v15;
	v20 =	vmul.f32 v18, v18;
	v23 =	vmul.f32 v17, v17  }
0x427: {  	v31 =	vadd.f32 v17, v18  }
0x428: {  	v22 =	vadd.f32 v30, v22;
	v32 =	vmul.f32 v15, v15;
	v20 =	vadd.f32 v23, v20  }
0x429: {  	v24 =	vadd.f32 v15, v31  }
0x42a: {  	v33 =	vmul.f32 v22, v22;
	v20 =	vadd.f32 v32, v20  }
0x42b: {  	v24 =	vadd.f32 v22, v24  }
0x42c: {  	v20 =	vadd.f32 v33, v20  }
0x42d: {  	(xrf2) =	vadd.scan.msk.f32 $0xffff, v24  }
0x42e: {  	(xrf2) =	vadd.scan.msk.f32 $0xffff, v20;
	_ =	sdelay $0x8  }
0x42f: {  	v34, _, _ =	vpop (xrf2)  }
0x430: {  	(v2sf) =	vpush v34, $0xF;
	v35, _, _ =	vpop (xrf2)  }
0x431: {  	(v2sf) =	vpush v35, $0xF;
	_ =	sdelay $0xd  }
0x432: {  	s7 =	spop (v2sf)  }
0x433: {  	s6 =	smul.f32 $1.562500000e-02, s7;
	s18 =	spop (v2sf)  }
0x434: {  	s7 =	smul.f32 $1.562500000e-02, s18  }
0x435: {  	s18 =	smul.f32 s6, s6;
	_ =	sdelay $0x1  }
0x436: {  	s7 =	ssub.f32 s7, s18;
	_ =	sdelay $0x1  }
0x437: {  	s7 =	sadd.f32 $9.999999740e-06, s7;
	_ =	sdelay $0x1  }
0x438: {  	v36 =	vmov s7  }
0x439: {  	v37 =	vshrl.u32 v36, $0x1;
	v20 =	vmul.f32 $5.000000000e-01, v36  }
0x43a: {  	v23 =	vsub.s32 $0x5F3759DF, v37  }
0x43b: {  	v38 =	vmul.f32 v23, v20;
	_ =	sdelay $0x1  }
0x43c: {  	v24 =	vmul.f32 v23, v38;
	_ =	sdelay $0x1  }
0x43d: {  	v24 =	vsub.f32 $1.500000000e+00, v24;
	_ =	sdelay $0x1  }
0x43e: {  	v23 =	vmul.f32 v23, v24;
	_ =	sdelay $0x1  }
0x43f: {  	(v2sf) =	vpush v13, $0x7;
	v24 =	vmul.f32 v23, v20;
	_ =	sdelay $0x1  }
0x440: {  	v39 =	vmul.f32 v24, v23;
	_ =	sdelay $0x1  }
0x441: {  	v13 =	vsub.f32 $1.500000000e+00, v39;
	_ =	sdelay $0x1  }
0x442: {  	v13 =	vmul.f32 v13, v23;
	_ =	sdelay $0x1  }
0x443: {  	v20 =	vmul.f32 v13, v20;
	_ =	sdelay $0x1  }
0x444: {  	v20 =	vmul.f32 v20, v13;
	_ =	sdelay $0x1  }
0x445: {  	v20 =	vsub.f32 $1.500000000e+00, v20  }
0x446: {  	v40 =	vmov s6  }
0x447: {  	v18 =	vsub.f32 v18, v40;
	v13 =	vmul.f32 v20, v13  }
0x448: {  	v17 =	vsub.f32 v17, v40;
	s6 =	spop (v2sf)  }
0x449: {  	v15 =	vsub.f32 v15, v40;
	s18 =	sshra.s32 s6, $0x1F;
	v18 =	vmul.f32 v13, v18  }
0x44a: {  	v41 =	vsub.f32 v22, v40;
	s7 =	sshrl.u32 s18, $0x19;
	s18 =	sadd.s32 $0x7, s3;
	v17 =	vmul.f32 v13, v17  }
0x44b: {  	s7 =	sadd.s32 s7, s6;
	v42 =	vmov s18;
	v15 =	vmul.f32 v13, v15;
	v18 =	vmul.f32 v18, v4  }
0x44c: {  	s7 =	sand.u32 $0xFFFFFF80, s7;
	v43 =	vand.u32 $0x7F, v42;
	v13 =	vmul.f32 v13, v41;
	v17 =	vmul.f32 v17, v5  }
0x44d: {  	s6 =	ssub.s32 s6, s7;
	v20 =	vbroadcast v43, $0x0;
	v15 =	vmul.f32 v15, v6;
	v18 =	vadd.f32 v18, v8  }
0x44e: {  	v44 =	vadd.s32 s6, v0;
	v13 =	vmul.f32 v13, v7;
	v17 =	vadd.f32 v17, v9  }
0x44f: {  	v45 =	vor.u32 v0, v20;
	v15 =	vadd.f32 v15, v10;
	[tilespmem:v56+s4+$0x0] =	vst.idx.msk $0xffff, v18  }
0x450: {  	v46 =	vadd.s32 s6, v1;
	v13 =	vadd.f32 v13, v11;
	[tilespmem:v59+s4+$0x0] =	vst.idx.msk $0xffff, v17  }
0x451: {  	v47 =	vor.u32 v1, v20;
	[tilespmem:v61+s4+$0x0] =	vst.idx.msk $0xffff, v15  }
0x452: {  	v48 =	vadd.s32 s6, v2;
	[tilespmem:v21+s4+$0x0] =	vst.idx.msk $0xffff, v13  }
0x453: {  	v49 =	vor.u32 v2, v20;
	v17 =	vld.idx.msk [tilespmem:v44+s29+$0x0], $0xffff  }
0x454: {  	v50 =	vadd.s32 s6, v3;
	v19 =	vld.idx.msk [tilespmem:v45+s16+$0x0], $0xffff  }
0x455: {  	v20 =	vor.u32 v3, v20;
	v14 =	vld.idx.msk [tilespmem:v46+s29+$0x0], $0xffff  }
0x456: {  	v51 =	vld.idx.msk [tilespmem:v47+s16+$0x0], $0xffff  }
0x457: {  	v13 =	vld.idx.msk [tilespmem:v48+s29+$0x0], $0xffff  }
0x458: {  	v52 =	vld.idx.msk [tilespmem:v49+s16+$0x0], $0xffff  }
0x459: {  	v21 =	vld.idx.msk [tilespmem:v50+s29+$0x0], $0xffff  }
0x45a: {  	v53 =	vld.idx.msk [tilespmem:v20+s16+$0x0], $0xffff  }
0x45b: {  	v17 =	vadd.f32 v19, v17;
	v14 =	vadd.f32 v51, v14;
	_ =	sdelay $0x1  }
0x45c: {  	v13 =	vadd.f32 v52, v13;
	v19 =	vmul.f32 v17, v17;
	v22 =	vmul.f32 v14, v14  }
0x45d: {  	v54 =	vadd.f32 v14, v17  }
0x45e: {  	v21 =	vadd.f32 v53, v21;
	v55 =	vmul.f32 v13, v13;
	v19 =	vadd.f32 v22, v19  }
0x45f: {  	v23 =	vadd.f32 v13, v54  }
0x460: {  	v56 =	vmul.f32 v21, v21;
	v19 =	vadd.f32 v55, v19  }
0x461: {  	v23 =	vadd.f32 v21, v23  }
0x462: {  	v19 =	vadd.f32 v56, v19  }
0x463: {  	(xrf2) =	vadd.scan.msk.f32 $0xffff, v23  }
0x464: {  	(xrf2) =	vadd.scan.msk.f32 $0xffff, v19;
	_ =	sdelay $0x8  }
0x465: {  	v57, _, _ =	vpop (xrf2)  }
0x466: {  	(v2sf) =	vpush v57, $0xF;
	v58, _, _ =	vpop (xrf2)  }
0x467: {  	(v2sf) =	vpush v58, $0xF;
	_ =	sdelay $0xd  }
0x468: {  	s7 =	spop (v2sf)  }
0x469: {  	s6 =	smul.f32 $1.562500000e-02, s7;
	s18 =	spop (v2sf)  }
0x46a: {  	s7 =	smul.f32 $1.562500000e-02, s18  }
0x46b: {  	s18 =	smul.f32 s6, s6;
	_ =	sdelay $0x1  }
0x46c: {  	s7 =	ssub.f32 s7, s18;
	_ =	sdelay $0x1  }
0x46d: {  	s7 =	sadd.f32 $9.999999740e-06, s7;
	_ =	sdelay $0x1  }
0x46e: {  	v59 =	vmov s7  }
0x46f: {  	v60 =	vshrl.u32 v59, $0x1;
	v19 =	vmul.f32 $5.000000000e-01, v59  }
0x470: {  	v22 =	vsub.s32 $0x5F3759DF, v60  }
0x471: {  	v61 =	vmul.f32 v22, v19;
	_ =	sdelay $0x1  }
0x472: {  	v23 =	vmul.f32 v22, v61;
	_ =	sdelay $0x1  }
0x473: {  	v23 =	vsub.f32 $1.500000000e+00, v23;
	_ =	sdelay $0x1  }
0x474: {  	v22 =	vmul.f32 v22, v23;
	_ =	sdelay $0x1  }
0x475: {  	v23 =	vmul.f32 v22, v19;
	_ =	sdelay $0x1  }
0x476: {  	(v2sf) =	vpush v12, $0x4;
	v23 =	vmul.f32 v23, v22;
	_ =	sdelay $0x1  }
0x477: {  	v23 =	vsub.f32 $1.500000000e+00, v23;
	_ =	sdelay $0x1  }
0x478: {  	v22 =	vmul.f32 v23, v22;
	_ =	sdelay $0x1  }
0x479: {  	v19 =	vmul.f32 v22, v19;
	_ =	sdelay $0x1  }
0x47a: {  	v19 =	vmul.f32 v19, v22;
	_ =	sdelay $0x1  }
0x47b: {  	(v2sf) =	vpush v12, $0x5;
	v19 =	vsub.f32 $1.500000000e+00, v19  }
0x47c: {  	v62 =	vmov s6  }
0x47d: {  	v17 =	vsub.f32 v17, v62;
	v19 =	vmul.f32 v19, v22  }
0x47e: {  	v14 =	vsub.f32 v14, v62  }
0x47f: {  	v13 =	vsub.f32 v13, v62;
	v17 =	vmul.f32 v19, v17  }
0x480: {  	v21 =	vsub.f32 v21, v62;
	s6 =	spop (v2sf);
	v14 =	vmul.f32 v19, v14  }
0x481: {  	s18 =	sshra.s32 s6, $0x1F;
	v13 =	vmul.f32 v19, v13;
	v17 =	vmul.f32 v17, v4  }
0x482: {  	(v2sf) =	vpush v12, $0x6;
	s7 =	sshrl.u32 s18, $0x19;
	v19 =	vmul.f32 v19, v21;
	v14 =	vmul.f32 v14, v5  }
0x483: {  	s6 =	sadd.s32 s7, s6;
	v13 =	vmul.f32 v13, v6;
	v17 =	vadd.f32 v17, v8  }
0x484: {  	s6 =	sand.u32 $0xFFFFFF80, s6;
	v19 =	vmul.f32 v19, v7;
	v14 =	vadd.f32 v14, v9  }
0x485: {  	p0 =	sgt.s32 s6, $0x0;
	v13 =	vadd.f32 v13, v10;
	[tilespmem:v45+s4+$0x0] =	vst.idx.msk $0xffff, v17  }
0x486: {  	s6 =	simm.s32 @!p0 $0x0;
	v63 =	vadd.f32 v19, v11;
	[tilespmem:v47+s4+$0x0] =	vst.idx.msk $0xffff, v14  }
0x487: {  	s6 =	smin.u32 s6, $0xF4200;
	[tilespmem:v49+s4+$0x0] =	vst.idx.msk $0xffff, v13  }
0x488: {  	s6 =	sadd.s32 s1, s6;
	[tilespmem:v20+s4+$0x0] =	vst.idx.msk $0xffff, v63  }
0x489: {  	[tilespmem:s25], [sflag:$0x2] =	stream.strided.gather [hbm4b:s6+s13], $0x2000, s20, s13, $0x38;
	[tilespmem:$0x18280] =	vst v63  }
0x48a: {  	s6 =	spop (v2sf)  }
0x48b: {  	s18 =	sshra.s32 s6, $0x1F  }
0x48c: {  	s7 =	sshrl.u32 s18, $0x19  }
0x48d: {  	(v2sf) =	vpush v12, $0x7;
	s6 =	sadd.s32 s7, s6  }
0x48e: {  	s6 =	sand.u32 $0xFFFFFF80, s6  }
0x48f: {  	p0 =	sgt.s32 s6, $0x0  }
0x490: {  	s6 =	simm.s32 @!p0 $0x0  }
0x491: {  	s7 =	spop (v2sf);
	s6 =	smin.u32 s6, $0xF4200  }
0x492: {  	s18 =	sshra.s32 s7, $0x1F;
	s6 =	sadd.s32 s1, s6  }
0x493: {  	[tilespmem:s26], [sflag:$0x2] =	stream.strided.gather [hbm4b:s6+s13], $0x2000, s20, s13, $0x38;
	[tilespmem:$0x18280] =	vst v63  }
0x494: {  	s6 =	sshrl.u32 s18, $0x19  }
0x495: {  	s6 =	sadd.s32 s6, s7  }
0x496: {  	s6 =	sand.u32 $0xFFFFFF80, s6  }
0x497: {  	p0 =	sgt.s32 s6, $0x0  }
0x498: {  	s6 =	simm.s32 @!p0 $0x0  }
0x499: {  	s6 =	smin.u32 s6, $0xF4200  }
0x49a: {  	s6 =	sadd.s32 s1, s6  }
0x49b: {  	[tilespmem:s28], [sflag:$0x2] =	stream.strided.gather [hbm4b:s6+s13], $0x2000, s20, s13, $0x38;
	[tilespmem:$0x18280] =	vst v63  }
0x49c: {  	s6 =	spop (v2sf)  }
0x49d: {  	s18 =	sshra.s32 s6, $0x1F  }
0x49e: {  	s7 =	sshrl.u32 s18, $0x19  }
0x49f: {  	s6 =	sadd.s32 s7, s6  }
0x4a0: {  	s6 =	sand.u32 $0xFFFFFF80, s6  }
0x4a1: {  	p0 =	sgt.s32 s6, $0x0  }
0x4a2: {  	s6 =	simm.s32 @!p0 $0x0;
	p0 =	sne.s32 s3, $0xF8  }
.Ltmp1:
0x4a3: {  	_ = 	snop;
	(pc) =	sbr.rel @p0 .LBB2_4-.Ltmp1, $4  }
0x4a4: {  	_ = 	snop  }
0x4a5: {  	s6 =	smin.u32 s6, $0xF4200  }
0x4a6: {  	s17 =	sadd.s32 $0x8, s17;
	s3 =	sadd.s32 $0x8, s3;
	s6 =	sadd.s32 s1, s6  }
0x4a7: {  	[tilespmem:s29], [sflag:$0x2] =	stream.strided.gather [hbm4b:s6+s13], $0x2000, s20, s13, $0x38;
	[tilespmem:$0x18280] =	vst v63  }
0x4a8: {  	_ =	swait.ge [sflag:s30], $0x2000  }
0x4a9: {  	[sflag:s30] =	ssyncset.done $0x0  }
0x4aa: {  	[sflag:s30] =	ssyncadd.s32 $0xFFFFE000  }
0x4ab: {  	_ =	swait.ge [sflag:s30], $0x2000  }
0x4ac: {  	[sflag:s30] =	ssyncset.done $0x0  }
0x4ad: {  	[sflag:s30] =	ssyncadd.s32 $0xFFFFE000  }
0x4ae: {  	_ =	swait.ge [sflag:s30], $0x2000  }
0x4af: {  	[sflag:s30] =	ssyncset.done $0x0  }
0x4b0: {  	[sflag:s30] =	ssyncadd.s32 $0xFFFFE000  }
0x4b1: {  	_ =	swait.ge [sflag:s30], $0x2000  }
0x4b2: {  	[sflag:s30] =	ssyncset.done $0x0  }
0x4b3: {  	[sflag:s30] =	ssyncadd.s32 $0xFFFFE000  }
0x4b4: {  	_ =	swait.ge [sflag:s0], $0x2000  }
0x4b5: {  	[sflag:s0] =	ssyncset.done $0x0  }
0x4b6: {  	[sflag:s0] =	ssyncadd.s32 $0xFFFFE000  }
0x4b7: {  	_ =	swait.ge [sflag:s0], $0x2000  }
0x4b8: {  	[sflag:s0] =	ssyncset.done $0x0  }
0x4b9: {  	[sflag:s0] =	ssyncadd.s32 $0xFFFFE000  }
0x4ba: {  	_ =	swait.ge [sflag:s0], $0x2000  }
0x4bb: {  	[sflag:s0] =	ssyncset.done $0x0  }
0x4bc: {  	[sflag:s0] =	ssyncadd.s32 $0xFFFFE000  }
0x4bd: {  	_ =	swait.ge [sflag:s0], $0x2000  }
0x4be: {  	[sflag:s0] =	ssyncset.done $0x0  }
0x4bf: {  	[sflag:s0] =	ssyncadd.s32 $0xFFFFE000  }
0x4c0: {  	s2 =	sadd.s32 $0x1, s2;
	_ =	swait.ge [sflag:s19], $0x2000  }
0x4c1: {  	p0 =	sne.s32 s2, s11;
	[sflag:s19] =	ssyncset.done $0x0  }
.Ltmp2:
0x4c2: {  	[sflag:s19] =	ssyncadd.s32 $0xFFFFE000;
	(pc) =	sbr.rel @p0 .LBB2_1-.Ltmp2, $4  }
0x4c3: {  	[hbm4b:s10+s13] =	stream.strided.scatter [tilespmem:s4], [sflag:$0x4], $0x2000, s14, s13, $0x38;
	[tilespmem:$0x18280] =	vst v63  }
0x4c4: {  	_ =	swait.ge [sflag:s12], $0x2000  }
0x4c5: {  	[sflag:s12] =	ssyncset.done $0x0  }
0x4c6: {  	[sflag:s12] =	ssyncadd.s32 $0xFFFFE000  }
0x4c7: {  	_ =	sfence.sel $0x180000  }
0x4c8: {  	[bflag:$0x0] =	sbarrier.arrive $0xFFFF  }
0x4c9: {  	_ =	strace $0x90000047  }
0x4ca: {  	s0 =	stileid.u32;
	[bflag:$0x2] =	sbarrier.arrive $0xFFFF  }
0x4cb: {  	p0 =	sne.s32 s0, $0x0;
	s0 =	rddreg [dreg:$0x6]  }
0x4cc: {  	s0 =	sadd.s32 @!p0 $0x100000, s0  }
0x4cd: {  	[sflag:s0] =	ssyncadd.tile.s32 @!p0 $0x1;
	_ =	shalt  }
.Lfunc_end2:
_tile_overlayer_lowered:
.L_overlay_start_2:
0x4ce: {  	(tag) =	ssettag $0x2  }
0x4cf: {  	s0 =	rddreg [dreg:$0x0];
	s2 =	stileid.u32  }
0x4d0: {  	s1 =	rddreg [dreg:$0x1];
	p0 =	sne.s32 s2, $0x0  }
0x4d1: {  	s3 =	rddreg [dreg:$0x2];
	[bflag:$0x3] =	sbarrier.arrive $0xFFFF;
	s2 =	simm.s32 @!p0 $0x1C04  }
0x4d2: {  	[timem:s3], [sflag:s2] =	dma.local @!p0 [hbm:s0], s1  }
0x4d3: {  	s0 =	simm.s32 @!p0 $0x4  }
0x4d4: {  	_ =	swait.ge @!p0 [sflag:s0], s1  }
0x4d5: {  	s1 =	ssub.s32 @!p0 $0x0, s1;
	[sflag:s0] =	ssyncset.done @!p0 $0x0  }
0x4d6: {  	[sflag:s0] =	ssyncadd.s32 @!p0 s1  }
0x4d7: {  	[bflag:$0x3] =	sbarrier.arrive $0xFFFF  }
0x4d8: {  	_ =	shalt  }

</sc_bundles>
